<compile_context>
chip_gen: v7x
topology: tpu7x:2x2x1
jax: 0.10.2.dev20260603
libtpu: 0.0.44.dev20260713+nightly
codegen_flags: <defaults>
</compile_context>

<pallas_src>
import functools
import math

import jax
import jax.numpy as jnp
import numpy as np
from jax import lax
from jax.experimental import pallas as pl
from jax.experimental.pallas import tpu as pltpu
from jax.experimental.pallas import tpu_sc as plsc

B = 2
L_IN = 2048
INPUT_DIM = 256
D_MODEL = 768
NHEAD = 12
D_K = 64
N_LAYERS = 2
DFF = 3072
DEC_H = 768
PRED_H = 100
FACTOR = 3
BH = B * NHEAD
LT = 512
UPAD = 32
DP = 128



def _np_rotl(x, d):
    return ((x << np.uint32(d)) | (x >> np.uint32(32 - d))).astype(np.uint32)


def _np_threefry2x32(keypair, count):
    odd = count.size % 2
    arr = count.ravel()
    if odd:
        arr = np.concatenate([arr, np.zeros(1, np.uint32)])
    x = [arr[:arr.size // 2].copy(), arr[arr.size // 2:].copy()]
    ks0 = np.uint32(keypair[0])
    ks1 = np.uint32(keypair[1])
    ks2 = np.uint32(ks0 ^ ks1 ^ np.uint32(0x1BD11BDA))
    rot = [(13, 15, 26, 6), (17, 29, 16, 24)]

    def rounds(x, rs):
        for r in rs:
            x[0] = (x[0] + x[1]).astype(np.uint32)
            x[1] = _np_rotl(x[1], r)
            x[1] = (x[1] ^ x[0]).astype(np.uint32)
        return x

    x[0] = (x[0] + ks0).astype(np.uint32)
    x[1] = (x[1] + ks1).astype(np.uint32)
    for i, (inj0, inj1) in enumerate([(ks1, ks2), (ks2, ks0), (ks0, ks1),
                                      (ks1, ks2), (ks2, ks0)]):
        x = rounds(x, rot[i % 2])
        x[0] = (x[0] + inj0).astype(np.uint32)
        x[1] = (x[1] + inj1 + np.uint32(i + 1)).astype(np.uint32)
    out = np.concatenate(x)
    return out[:count.size] if odd else out


def _np_tf_pair(keypair, c1, c2):
    n = c1.size
    out = _np_threefry2x32(keypair, np.concatenate([c1, c2]).astype(np.uint32))
    return out[:n], out[n:]


def _np_seed(s):
    return np.array([(s >> 32) & 0xFFFFFFFF, s & 0xFFFFFFFF], np.uint32)


def _np_randint(keypair, shape, lc):
    i2 = np.arange(2, dtype=np.uint64)
    b1, b2 = _np_tf_pair(keypair, (i2 >> np.uint64(32)).astype(np.uint32),
                         i2.astype(np.uint32))
    keys = np.stack([b1, b2], axis=1)

    def bits(kp):
        i = np.arange(int(np.prod(shape)), dtype=np.uint64)
        h, l2 = _np_tf_pair(kp, (i >> np.uint64(32)).astype(np.uint32),
                            i.astype(np.uint32))
        return (h ^ l2).reshape(shape)

    higher, lower = bits(keys[0]), bits(keys[1])
    span = np.uint32(lc)
    mult = np.uint32((((2 ** 16) % lc) ** 2) % lc)
    off = ((higher % span) * mult + (lower % span)) % span
    return off.astype(np.int64)


@functools.lru_cache(maxsize=None)
def _sample_tables(layer, lc, u):
    key = _np_threefry2x32(_np_seed(1234), _np_seed(layer))
    idx = _np_randint(key, (lc, u), lc)
    cnt = np.zeros((lc, lc), np.float32)
    np.add.at(cnt, (np.arange(lc)[:, None], idx), 1.0)
    msk = np.where(cnt > 0, 0.0, -np.inf).astype(np.float32)
    return jnp.asarray(cnt), jnp.asarray(msk)


def _pe_table(max_len, d_model):
    position = np.arange(max_len, dtype=np.float32)[:, None]
    div_term = np.exp(np.arange(0, d_model, 2, dtype=np.float32) * (-math.log(10000.0) / d_model))
    pe = np.zeros((max_len, d_model), dtype=np.float32)
    pe[:, 0::2] = np.sin(position * div_term)
    pe[:, 1::2] = np.cos(position * div_term)
    return jnp.asarray(pe)


def _ln(x, g, b):
    m = jnp.mean(x, axis=1, keepdims=True)
    c = x - m
    v = jnp.mean(c * c, axis=1, keepdims=True)
    return c / jnp.sqrt(v + 1e-5) * g + b



def _embed_body(x_ref, w_ref, b_ref, pe_ref, o_ref):
    o_ref[...] = (jnp.dot(x_ref[...], w_ref[...], preferred_element_type=jnp.float32)
                  + b_ref[...] + pe_ref[...])


def _embed(x2, w, b, pe):
    n = x2.shape[0]
    nt = n // LT
    pt = pe.shape[0] // LT
    return pl.pallas_call(
        _embed_body,
        grid=(nt,),
        in_specs=[pl.BlockSpec((LT, INPUT_DIM), lambda i: (i, 0)),
                  pl.BlockSpec((INPUT_DIM, D_MODEL), lambda i: (0, 0)),
                  pl.BlockSpec((1, D_MODEL), lambda i: (0, 0)),
                  pl.BlockSpec((LT, D_MODEL), lambda i: (i % pt, 0))],
        out_specs=pl.BlockSpec((LT, D_MODEL), lambda i: (i, 0)),
        out_shape=jax.ShapeDtypeStruct((n, D_MODEL), jnp.float32),
    )(x2, w, b.reshape(1, -1), pe)



def _qkv_body(e_ref, wq_ref, wk_ref, wv_ref, bq_ref, bk_ref, bv_ref,
              q_ref, k_ref, v_ref):
    x = e_ref[...]
    yq = jnp.dot(x, wq_ref[...], preferred_element_type=jnp.float32) + bq_ref[...]
    yk = jnp.dot(x, wk_ref[...], preferred_element_type=jnp.float32) + bk_ref[...]
    yv = jnp.dot(x, wv_ref[...], preferred_element_type=jnp.float32) + bv_ref[...]
    for h in range(NHEAD):
        q_ref[h, :, :D_K] = yq[:, h * D_K:(h + 1) * D_K]
        k_ref[h, :, :D_K] = yk[:, h * D_K:(h + 1) * D_K]
        v_ref[h, :, :D_K] = yv[:, h * D_K:(h + 1) * D_K]


def _qkv(e, wq, wk, wv, bq, bk, bv, lc):
    nt = lc // LT
    espec = pl.BlockSpec((LT, D_MODEL), lambda i: (i, 0))
    wspec = pl.BlockSpec((D_MODEL, D_MODEL), lambda i: (0, 0))
    bspec = pl.BlockSpec((1, D_MODEL), lambda i: (0, 0))
    ospec = pl.BlockSpec((NHEAD, LT, DP), lambda i: (i // nt, i % nt, 0))
    out = jax.ShapeDtypeStruct((BH, lc, DP), jnp.float32)
    return pl.pallas_call(
        _qkv_body,
        grid=(B * nt,),
        in_specs=[espec, wspec, wspec, wspec, bspec, bspec, bspec],
        out_specs=[ospec, ospec, ospec],
        out_shape=[out, out, out],
    )(e, wq, wk, wv, bq, bk, bv)



def _m_scores(q, k, cnt, msk, lc):
    nt = lc // LT

    def body(q_ref, k_ref, c_ref, s_ref, m_ref):
        q64 = q_ref[0][:, :D_K]
        k64 = k_ref[0][:, :D_K]
        s = lax.dot_general(q64, k64, (((1,), (1,)), ((), ())),
                            preferred_element_type=jnp.float32)
        mmax = jnp.max(s + s_ref[...], axis=1, keepdims=True)
        msum = jnp.sum(s * c_ref[...], axis=1, keepdims=True)
        m_ref[0, 0] = (mmax - msum * (1.0 / lc)).reshape(1, LT)

    m4 = pl.pallas_call(
        body,
        grid=(nt, BH),
        in_specs=[pl.BlockSpec((1, LT, DP), lambda t, bh: (bh, t, 0)),
                  pl.BlockSpec((1, lc, DP), lambda t, bh: (bh, 0, 0)),
                  pl.BlockSpec((LT, lc), lambda t, bh: (t, 0)),
                  pl.BlockSpec((LT, lc), lambda t, bh: (t, 0))],
        out_specs=pl.BlockSpec((1, 1, 1, LT), lambda t, bh: (bh, t, 0, 0)),
        out_shape=jax.ShapeDtypeStruct((BH, nt, 1, LT), jnp.float32),
    )(q, k, cnt, msk)
    return m4.reshape(BH, lc)



def _topk(m, lc, u):
    def body(m_ref, o_ref):
        mw = m_ref[...]
        iota = lax.broadcasted_iota(jnp.int32, (BH, lc), 1)
        cols = []
        for _ in range(u):
            mx = jnp.max(mw, axis=1, keepdims=True)
            am = jnp.min(jnp.where(mw == mx, iota, lc), axis=1, keepdims=True)
            cols.append(am)
            mw = jnp.where(iota == am, -jnp.inf, mw)
        cols.extend([cols[0]] * (UPAD - u))
        o_ref[...] = jnp.concatenate(cols, axis=1)

    return pl.pallas_call(
        body,
        in_specs=[pl.BlockSpec((BH, lc), lambda: (0, 0))],
        out_specs=pl.BlockSpec((BH, UPAD), lambda: (0, 0)),
        out_shape=jax.ShapeDtypeStruct((BH, UPAD), jnp.int32),
    )(m)



def _sc_gather(q, mtop_flat, lc):
    mesh = plsc.VectorSubcoreMesh(core_axis_name="c", subcore_axis_name="s")

    @functools.partial(
        pl.kernel,
        out_type=jax.ShapeDtypeStruct((BH, UPAD, DP), jnp.float32),
        mesh=mesh,
        scratch_types=[pltpu.VMEM((UPAD,), jnp.int32),
                       pltpu.VMEM((UPAD, DP), jnp.float32),
                       pltpu.SemaphoreType.DMA],
    )
    def k(q_hbm, mtop_hbm, out_hbm, idx_v, rows_v, sem):
        wid = lax.axis_index("s") * 2 + lax.axis_index("c")

        @pl.when(wid < BH)
        def _():
            pltpu.sync_copy(mtop_hbm.at[pl.ds(wid * UPAD, UPAD)], idx_v)
            pltpu.async_copy(q_hbm.at[wid].at[idx_v], rows_v, sem).wait()
            pltpu.sync_copy(rows_v, out_hbm.at[wid])

    return k(q, mtop_flat)



def _attn_red(qred, k, v, lc):
    def body(q_ref, k_ref, v_ref, c_ref, vm_ref):
        s = lax.dot_general(q_ref[0][:, :D_K], k_ref[0][:, :D_K],
                            (((1,), (1,)), ((), ())),
                            preferred_element_type=jnp.float32) * (1.0 / math.sqrt(D_K))
        mx = jnp.max(s, axis=1, keepdims=True)
        e = jnp.exp(s - mx)
        attn = e / jnp.sum(e, axis=1, keepdims=True)
        c_ref[0] = jnp.dot(attn, v_ref[0], preferred_element_type=jnp.float32)
        vm_ref[0] = jnp.broadcast_to(jnp.mean(v_ref[0], axis=0, keepdims=True), (128, DP))

    return pl.pallas_call(
        body,
        grid=(BH,),
        in_specs=[pl.BlockSpec((1, UPAD, DP), lambda i: (i, 0, 0)),
                  pl.BlockSpec((1, lc, DP), lambda i: (i, 0, 0)),
                  pl.BlockSpec((1, lc, DP), lambda i: (i, 0, 0))],
        out_specs=[pl.BlockSpec((1, UPAD, DP), lambda i: (i, 0, 0)),
                   pl.BlockSpec((1, 128, DP), lambda i: (i, 0, 0))],
        out_shape=[jax.ShapeDtypeStruct((BH, UPAD, DP), jnp.float32),
                   jax.ShapeDtypeStruct((BH, 128, DP), jnp.float32)],
    )(qred, k, v)



def _sc_context(ctx, mtop_flat, vmrep, lc):
    mesh = plsc.VectorSubcoreMesh(core_axis_name="c", subcore_axis_name="s")
    nrep = 128

    @functools.partial(
        pl.kernel,
        out_type=jax.ShapeDtypeStruct((BH, lc, DP), jnp.float32),
        mesh=mesh,
        scratch_types=[pltpu.VMEM((UPAD,), jnp.int32),
                       pltpu.VMEM((UPAD, DP), jnp.float32),
                       pltpu.VMEM((nrep, DP), jnp.float32),
                       pltpu.SemaphoreType.DMA],
    )
    def k(ctx_hbm, mtop_hbm, vm_hbm, out_hbm, idx_v, rows_v, rep_v, sem):
        wid = lax.axis_index("s") * 2 + lax.axis_index("c")

        @pl.when(wid < BH)
        def _():
            pltpu.sync_copy(vm_hbm.at[wid], rep_v)
            for c0 in range(lc // nrep):
                pltpu.sync_copy(rep_v, out_hbm.at[wid, pl.ds(c0 * nrep, nrep)])
            pltpu.sync_copy(mtop_hbm.at[pl.ds(wid * UPAD, UPAD)], idx_v)
            pltpu.sync_copy(ctx_hbm.at[wid], rows_v)
            pltpu.async_copy(rows_v, out_hbm.at[wid].at[idx_v], sem).wait()

    return k(ctx, mtop_flat, vmrep)



def _wo_ln1(ctx, src, wo_r, bo, g, bln, lc):
    nt = lc // LT

    def body(c_ref, s_ref, w_ref, bo_ref, g_ref, b_ref, o_ref):
        acc = jnp.zeros((LT, D_MODEL), jnp.float32)
        for j in range(NHEAD // 4):
            z = jnp.concatenate([c_ref[4 * j + i][:, :D_K] for i in range(4)],
                                axis=1)
            acc = acc + jnp.dot(z, w_ref[j], preferred_element_type=jnp.float32)
        x = acc + bo_ref[...] + s_ref[...]
        o_ref[...] = _ln(x, g_ref[...], b_ref[...])

    return pl.pallas_call(
        body,
        grid=(B, nt),
        in_specs=[pl.BlockSpec((NHEAD, LT, DP), lambda b, t: (b, t, 0)),
                  pl.BlockSpec((LT, D_MODEL), lambda b, t: (b * nt + t, 0)),
                  pl.BlockSpec((NHEAD // 4, 4 * D_K, D_MODEL), lambda b, t: (0, 0, 0)),
                  pl.BlockSpec((1, D_MODEL), lambda b, t: (0, 0)),
                  pl.BlockSpec((1, D_MODEL), lambda b, t: (0, 0)),
                  pl.BlockSpec((1, D_MODEL), lambda b, t: (0, 0))],
        out_specs=pl.BlockSpec((LT, D_MODEL), lambda b, t: (b * nt + t, 0)),
        out_shape=jax.ShapeDtypeStruct((B * lc, D_MODEL), jnp.float32),
    )(ctx, src, wo_r, bo.reshape(1, -1), g.reshape(1, -1), bln.reshape(1, -1))



def _ffn_ln2(src, w1, b1, w2, b2, g, bln):
    n = src.shape[0]
    nt = n // LT

    def body(s_ref, w1_ref, b1_ref, w2_ref, b2_ref, g_ref, b_ref, o_ref):
        x = s_ref[...]
        t = jnp.dot(x, w1_ref[...], preferred_element_type=jnp.float32) + b1_ref[...]
        ge = 0.5 * t * (1.0 + lax.erf(t * (1.0 / math.sqrt(2.0))))
        y = jnp.dot(ge, w2_ref[...], preferred_element_type=jnp.float32) + b2_ref[...] + x
        o_ref[...] = _ln(y, g_ref[...], b_ref[...])

    return pl.pallas_call(
        body,
        grid=(nt,),
        in_specs=[pl.BlockSpec((LT, D_MODEL), lambda i: (i, 0)),
                  pl.BlockSpec((D_MODEL, DFF), lambda i: (0, 0)),
                  pl.BlockSpec((1, DFF), lambda i: (0, 0)),
                  pl.BlockSpec((DFF, D_MODEL), lambda i: (0, 0)),
                  pl.BlockSpec((1, D_MODEL), lambda i: (0, 0)),
                  pl.BlockSpec((1, D_MODEL), lambda i: (0, 0)),
                  pl.BlockSpec((1, D_MODEL), lambda i: (0, 0))],
        out_specs=pl.BlockSpec((LT, D_MODEL), lambda i: (i, 0)),
        out_shape=jax.ShapeDtypeStruct((n, D_MODEL), jnp.float32),
    )(src, w1, b1.reshape(1, -1), w2, b2.reshape(1, -1),
      g.reshape(1, -1), bln.reshape(1, -1))



def _conv_pool(src, w0, w1, w2, bc, scale, bnb, lc):
    def body(s_ref, w0_ref, w1_ref, w2_ref, bc_ref, sc_ref, bb_ref, o_ref):
        x = s_ref[...]
        xm = jnp.concatenate([x[lc - 1:], x[:lc - 1]], axis=0)
        xp = jnp.concatenate([x[1:], x[:1]], axis=0)
        y = (jnp.dot(xm, w0_ref[...], preferred_element_type=jnp.float32)
             + jnp.dot(x, w1_ref[...], preferred_element_type=jnp.float32)
             + jnp.dot(xp, w2_ref[...], preferred_element_type=jnp.float32)
             + bc_ref[...])
        y = y * sc_ref[...] + bb_ref[...]
        y = jnp.where(y > 0, y, jnp.exp(y) - 1.0)
        yr = y.reshape(lc // 2, 2, D_MODEL)
        a = yr[:, 0, :]
        bcol = yr[:, 1, :]
        bm = jnp.concatenate(
            [jnp.full((1, D_MODEL), -jnp.inf, jnp.float32), bcol[:-1]], axis=0)
        o_ref[...] = jnp.maximum(jnp.maximum(a, bcol), bm)

    return pl.pallas_call(
        body,
        grid=(B,),
        in_specs=[pl.BlockSpec((lc, D_MODEL), lambda b: (b, 0)),
                  pl.BlockSpec((D_MODEL, D_MODEL), lambda b: (0, 0)),
                  pl.BlockSpec((D_MODEL, D_MODEL), lambda b: (0, 0)),
                  pl.BlockSpec((D_MODEL, D_MODEL), lambda b: (0, 0)),
                  pl.BlockSpec((1, D_MODEL), lambda b: (0, 0)),
                  pl.BlockSpec((1, D_MODEL), lambda b: (0, 0)),
                  pl.BlockSpec((1, D_MODEL), lambda b: (0, 0))],
        out_specs=pl.BlockSpec((lc // 2, D_MODEL), lambda b: (b, 0)),
        out_shape=jax.ShapeDtypeStruct((B * (lc // 2), D_MODEL), jnp.float32),
    )(src, w0, w1, w2, bc.reshape(1, -1), scale.reshape(1, -1), bnb.reshape(1, -1))



def _gru(dec8, wi, wh, bi, bhb):
    def body(d_ref, wi_ref, wh_ref, bi_ref, bh_ref, hs_ref):
        gi = jnp.dot(d_ref[...], wi_ref[...], preferred_element_type=jnp.float32) + bi_ref[...]

        def step(t, h):
            gh = jnp.dot(h, wh_ref[...], preferred_element_type=jnp.float32) + bh_ref[...]
            r = jax.nn.sigmoid(gi[:, :DEC_H] + gh[:, :DEC_H])
            z = jax.nn.sigmoid(gi[:, DEC_H:2 * DEC_H] + gh[:, DEC_H:2 * DEC_H])
            nn = jnp.tanh(gi[:, 2 * DEC_H:] + r * gh[:, 2 * DEC_H:])
            hn = (1.0 - z) * nn + z * h
            hs_ref[pl.ds(t, 1)] = hn[None]
            return hn

        lax.fori_loop(0, PRED_H, step, jnp.zeros((8, DEC_H), jnp.float32))

    return pl.pallas_call(
        body,
        in_specs=[pl.BlockSpec((8, D_MODEL), lambda: (0, 0)),
                  pl.BlockSpec((D_MODEL, 3 * DEC_H), lambda: (0, 0)),
                  pl.BlockSpec((DEC_H, 3 * DEC_H), lambda: (0, 0)),
                  pl.BlockSpec((1, 3 * DEC_H), lambda: (0, 0)),
                  pl.BlockSpec((1, 3 * DEC_H), lambda: (0, 0))],
        out_specs=pl.BlockSpec((PRED_H, 8, DEC_H), lambda: (0, 0, 0)),
        out_shape=jax.ShapeDtypeStruct((PRED_H, 8, DEC_H), jnp.float32),
    )(dec8, wi, wh, bi.reshape(1, -1), bhb.reshape(1, -1))


def _outproj(hs_flat, w, b):
    n = hs_flat.shape[0]

    def body(h_ref, w_ref, b_ref, o_ref):
        o_ref[...] = jax.nn.sigmoid(
            jnp.dot(h_ref[...], w_ref[...], preferred_element_type=jnp.float32) + b_ref[...])

    return pl.pallas_call(
        body,
        in_specs=[pl.BlockSpec((n, DEC_H), lambda: (0, 0)),
                  pl.BlockSpec((DEC_H, 1), lambda: (0, 0)),
                  pl.BlockSpec((1, 1), lambda: (0, 0))],
        out_specs=pl.BlockSpec((n, 1), lambda: (0, 0)),
        out_shape=jax.ShapeDtypeStruct((n, 1), jnp.float32),
    )(hs_flat, w, b.reshape(1, 1))



def kernel(x, params):
    p = params
    x2 = x.reshape(B * L_IN, INPUT_DIM)
    pe = _pe_table(L_IN, D_MODEL)
    h = _embed(x2, p['emb_W'], p['emb_b'], pe)

    lc = L_IN
    for l in range(N_LAYERS):
        lp = p['layers'][l]
        u = min(FACTOR * int(np.ceil(np.log(lc + 1))), lc)
        cnt, msk = _sample_tables(l, lc, u)
        q, k, v = _qkv(h, lp['Wq'], lp['Wk'], lp['Wv'],
                       lp['bq'].reshape(1, -1), lp['bk'].reshape(1, -1),
                       lp['bv'].reshape(1, -1), lc)
        m = _m_scores(q, k, cnt, msk, lc)
        mtop = _topk(m, lc, u).reshape(BH * UPAD)
        qred = _sc_gather(q, mtop, lc)
        ctx, vmrep = _attn_red(qred, k, v, lc)
        ctxfull = _sc_context(ctx, mtop, vmrep, lc)
        wo_r = lp['Wo'].reshape(NHEAD // 4, 4 * D_K, D_MODEL)
        h = _wo_ln1(ctxfull, h, wo_r, lp['bo'], lp['ln1_g'], lp['ln1_b'], lc)
        h = _ffn_ln2(h, lp['W1'], lp['b1'], lp['W2'], lp['b2'],
                     lp['ln2_g'], lp['ln2_b'])
        if l < N_LAYERS - 1:
            cp = p['convs'][l]
            w0 = cp['w'][:, :, 0].T
            w1 = cp['w'][:, :, 1].T
            w2 = cp['w'][:, :, 2].T
            scale = cp['bn_g'] / jnp.sqrt(jnp.float32(1.0) + 1e-5)
            h = _conv_pool(h, w0, w1, w2, cp['b'], scale, cp['bn_b'], lc)
            lc = lc // 2

    dec_rows = jnp.stack([h[lc - 1], h[2 * lc - 1]], axis=0)
    dec8 = jnp.zeros((8, D_MODEL), jnp.float32).at[:B].set(dec_rows)
    hs = _gru(dec8, p['gru_Wi'], p['gru_Wh'], p['gru_bi'], p['gru_bh'])
    o = _outproj(hs.reshape(PRED_H * 8, DEC_H), p['out_W'], p['out_b'])
    return o.reshape(PRED_H, 8)[:, :B].T

# --- scband reference (transcript-rebuilt; emitter-appended) ---
"""Pipeline reference for scband-ddrsa-prob-sparse-17600775979573 (READ-ONLY COPY).

The authoritative reference and input builder live on the scoring server;
editing this copy changes nothing except your own understanding.
"""

import jax, jax.numpy as jnp
import numpy as np
import math

B = 2
L = 2048
INPUT_DIM = 256
D_MODEL = 768
NHEAD = 12
D_K = D_MODEL // NHEAD
N_LAYERS = 2
DFF = 3072
DEC_H = 768
PRED_H = 100
FACTOR = 3


def _make_pe(max_len, d_model):
    position = np.arange(max_len, dtype=np.float32)[:, None]
    div_term = np.exp(np.arange(0, d_model, 2, dtype=np.float32) * (-math.log(10000.0) / d_model))
    pe = np.zeros((max_len, d_model), dtype=np.float32)
    pe[:, 0::2] = np.sin(position * div_term)
    pe[:, 1::2] = np.cos(position * div_term)
    return jnp.asarray(pe)


def setup_inputs(seed: int = 0):
    key = jax.random.key(seed)
    keys = iter(jax.random.split(key, 40))

    def nrm(shape, s=0.02):
        return jax.random.normal(next(keys), shape, dtype=jnp.float32) * s

    def z(*s):
        return jnp.zeros(s, jnp.float32)

    def o(*s):
        return jnp.ones(s, jnp.float32)

    layers = []
    for _ in range(N_LAYERS):
        layers.append({'Wq': nrm((D_MODEL, D_MODEL)), 'bq': z(D_MODEL), 'Wk': nrm((D_MODEL, D_MODEL)), 'bk': z(D_MODEL), 'Wv': nrm((D_MODEL, D_MODEL)), 'bv': z(D_MODEL), 'Wo': nrm((D_MODEL, D_MODEL)), 'bo': z(D_MODEL), 'W1': nrm((D_MODEL, DFF)), 'b1': z(DFF), 'W2': nrm((DFF, D_MODEL)), 'b2': z(D_MODEL), 'ln1_g': o(D_MODEL), 'ln1_b': z(D_MODEL), 'ln2_g': o(D_MODEL), 'ln2_b': z(D_MODEL)})
    convs = [{'w': nrm((D_MODEL, D_MODEL, 3)), 'b': z(D_MODEL), 'bn_g': o(D_MODEL), 'bn_b': z(D_MODEL)} for _ in range(N_LAYERS - 1)]
    params = {'emb_W': nrm((INPUT_DIM, D_MODEL)), 'emb_b': z(D_MODEL), 'layers': layers, 'convs': convs, 'gru_Wi': nrm((D_MODEL, 3 * DEC_H)), 'gru_Wh': nrm((DEC_H, 3 * DEC_H)), 'gru_bi': z(3 * DEC_H), 'gru_bh': z(3 * DEC_H), 'out_W': nrm((DEC_H, 1)), 'out_b': z(1)}
    x = jax.random.normal(next(keys), (B, L, INPUT_DIM), dtype=jnp.float32)
    return {'x': x, 'params': params}


def _layer_norm(x, g, b):
    m = x.mean(-1, keepdims=True)
    v = x.var(-1, keepdims=True)
    return (x - m) / jnp.sqrt(v + 1e-5) * g + b


def _prob_attn(x, p, key):
    Bc, Lc, _ = x.shape
    Q = (x @ p['Wq'] + p['bq']).reshape(Bc, Lc, NHEAD, D_K).transpose(0, 2, 1, 3)
    K = (x @ p['Wk'] + p['bk']).reshape(Bc, Lc, NHEAD, D_K).transpose(0, 2, 1, 3)
    V = (x @ p['Wv'] + p['bv']).reshape(Bc, Lc, NHEAD, D_K).transpose(0, 2, 1, 3)
    u = min(FACTOR * int(np.ceil(np.log(Lc + 1))), Lc)
    U = u
    context = jnp.broadcast_to(V.mean(axis=2, keepdims=True), (Bc, NHEAD, Lc, D_K))
    if Lc > u:
        idx = jax.random.randint(key, (Lc, U), 0, Lc)
        # math identical to torch: per-query sampled Q.K^T (indices-only path, no grad)
        qk_full = jax.lax.stop_gradient(jnp.einsum('bhqd,bhkd->bhqk', Q, K))
        qk_s = jnp.take_along_axis(qk_full, jnp.broadcast_to(idx[None, None], (Bc, NHEAD, Lc, U)), axis=-1)
        M = qk_s.max(-1) - qk_s.sum(-1) / Lc
        M_top = jax.lax.top_k(M, u)[1]
        Q_red = jnp.take_along_axis(Q, M_top[..., None], axis=2)
        scores = jnp.einsum('bhud,bhkd->bhuk', Q_red, K) / math.sqrt(D_K)
        attn = jax.nn.softmax(scores, axis=-1)
        ctx = jnp.einsum('bhuk,bhkd->bhud', attn, V)
        bb = jnp.arange(Bc)[:, None, None]
        hh = jnp.arange(NHEAD)[None, :, None]
        context = context.at[bb, hh, M_top].set(ctx)
    else:
        scores = jnp.einsum('bhqd,bhkd->bhqk', Q, K) / math.sqrt(D_K)
        context = jnp.einsum('bhqk,bhkd->bhqd', jax.nn.softmax(scores, -1), V)
    out = context.transpose(0, 2, 1, 3).reshape(Bc, Lc, D_MODEL)
    return out @ p['Wo'] + p['bo']


def _enc_layer(src, p, key):
    a = _prob_attn(src, p, key)
    src = _layer_norm(src + a, p['ln1_g'], p['ln1_b'])
    f = jax.nn.gelu(src @ p['W1'] + p['b1'], approximate=False) @ p['W2'] + p['b2']
    return _layer_norm(src + f, p['ln2_g'], p['ln2_b'])


def _conv_layer(x, p):
    xt = jnp.transpose(x, (0, 2, 1))
    xp = jnp.concatenate([xt[:, :, -1:], xt, xt[:, :, :1]], axis=-1)  # circular pad 1
    y = jax.lax.conv_general_dilated(xp, p['w'], (1,), 'VALID', dimension_numbers=('NCH', 'OIH', 'NCH')) + p['b'][None, :, None]
    # BatchNorm1d in eval mode with running mean=0, var=1
    y = (y / jnp.sqrt(1.0 + 1e-5)) * p['bn_g'][None, :, None] + p['bn_b'][None, :, None]
    y = jax.nn.elu(y)
    yp = jnp.pad(y, ((0, 0), (0, 0), (1, 1)), constant_values=-jnp.inf)
    y = jax.lax.reduce_window(yp, -jnp.inf, jax.lax.max, (1, 1, 3), (1, 1, 2), 'VALID')
    return jnp.transpose(y, (0, 2, 1))


def _decode(enc, params):
    dec_in = enc[:, -1, :]
    gi = dec_in @ params['gru_Wi'] + params['gru_bi']
    h0 = jnp.zeros((enc.shape[0], DEC_H), jnp.float32)

    def step(h, _):
        gh = h @ params['gru_Wh'] + params['gru_bh']
        r = jax.nn.sigmoid(gi[:, :DEC_H] + gh[:, :DEC_H])
        zt = jax.nn.sigmoid(gi[:, DEC_H:2 * DEC_H] + gh[:, DEC_H:2 * DEC_H])
        n = jnp.tanh(gi[:, 2 * DEC_H:] + r * gh[:, 2 * DEC_H:])
        hn = (1.0 - zt) * n + zt * h
        return hn, hn

    _, hs = jax.lax.scan(step, h0, None, length=PRED_H)
    hs = jnp.transpose(hs, (1, 0, 2))
    return jax.nn.sigmoid(hs @ params['out_W'] + params['out_b'])[..., 0]


def _forward(x, params):
    pe = _make_pe(5000, D_MODEL)
    h = x @ params['emb_W'] + params['emb_b']
    h = h + pe[None, :h.shape[1], :]
    rk = jax.random.key(1234)
    for l in range(N_LAYERS):
        h = _enc_layer(h, params['layers'][l], jax.random.fold_in(rk, l))
        if l < N_LAYERS - 1:
            h = _conv_layer(h, params['convs'][l])
    return _decode(h, params)


def reference(x, params):
    return _forward(x, params)

if __name__ == "__main__":
    import jax
    _d = setup_inputs()
    print(jax.jit(kernel)(*tuple(_d.values())))

</pallas_src>

<mosaic_0001>
#map = affine_map<(d0, d1) -> (0, 0, 0)>
#map1 = affine_map<(d0, d1) -> (0)>
module attributes {stable_mosaic.version = 14 : i64} {
  func.func @k(%arg0: i32, %arg1: i32, %arg2: memref<24x32x128xf32, #tpu.memory_space<hbm>>, %arg3: memref<768xi32, #tpu.memory_space<hbm>>, %arg4: memref<24x128x128xf32, #tpu.memory_space<hbm>>, %arg5: memref<24x1024x128xf32, #tpu.memory_space<hbm>>, %arg6: memref<32xi32, #tpu.memory_space<vmem>>, %arg7: memref<32x128xf32, #tpu.memory_space<vmem>>, %arg8: memref<128x128xf32, #tpu.memory_space<vmem>>, %arg9: memref<!tpu.dma_semaphore, #tpu.memory_space<semaphore_mem>>) attributes {dimension_semantics = [#tpu.dimension_semantics<core_parallel>, #tpu.dimension_semantics<subcore_parallel>], iteration_bounds = array<i64: 2, 16>, scalar_prefetch = 0 : i64, scratch_operands = 4 : i64, tpu.core_type = #tpu.core_type<sc_vector_subcore>, window_params = [{transform_indices = #map}, {transform_indices = #map1}, {transform_indices = #map}, {transform_indices = #map}]} {
    %mul3A = arith.constant 2 : i32
    %mul3A_0 = arith.muli %arg1, %mul3A : i32
    %add3A = arith.addi %mul3A_0, %arg0 : i32
    %lt3A = arith.constant 24 : i32
    %lt3A_1 = arith.cmpi slt, %add3A, %lt3A : i32
    %convert_element_type3A = arith.extui %lt3A_1 : i1 to i32
    %cond3A = arith.constant 0 : i32
    %cond3A_2 = arith.cmpi ne, %convert_element_type3A, %cond3A : i32
    scf.if %cond3A_2 {
      "tpu.region"() ({
        %run_scoped3A = tpu.sem_alloc : memref<!tpu.dma_semaphore, #tpu.memory_space<semaphore_mem>>
        %dma_start3A_17 = arith.constant 0 : i32
        %dma_start3A_18 = arith.constant 0 : i32
        %dma_start3A_19 = tpu.memref_slice %arg4[%add3A, %dma_start3A_17, %dma_start3A_18] : memref<24x128x128xf32, #tpu.memory_space<hbm>> -> memref<1x128x128xf32, #tpu.memory_space<hbm>>
        %dma_start3A_20 = tpu.memref_squeeze %dma_start3A_19 : memref<1x128x128xf32, #tpu.memory_space<hbm>> -> memref<128x128xf32, #tpu.memory_space<hbm>>
        %dma_start3A_21 = arith.constant 0 : i32
        %dma_start3A_22 = arith.constant 0 : i32
        %dma_start3A_23 = tpu.memref_slice %arg4[%add3A, %dma_start3A_21, %dma_start3A_22] : memref<24x128x128xf32, #tpu.memory_space<hbm>> -> memref<1x128x128xf32, #tpu.memory_space<hbm>>
        %dma_start3A_24 = tpu.memref_squeeze %dma_start3A_23 : memref<1x128x128xf32, #tpu.memory_space<hbm>> -> memref<128x128xf32, #tpu.memory_space<hbm>>
        tpu.enqueue_dma source(%dma_start3A_24 : memref<128x128xf32, #tpu.memory_space<hbm>>) target(%arg8 : memref<128x128xf32, #tpu.memory_space<vmem>>) target_semaphore(%run_scoped3A : memref<!tpu.dma_semaphore, #tpu.memory_space<semaphore_mem>>)
        %dma_wait3A_25 = arith.constant 0 : i32
        %dma_wait3A_26 = arith.constant 0 : i32
        %dma_wait3A_27 = tpu.memref_slice %arg4[%add3A, %dma_wait3A_25, %dma_wait3A_26] : memref<24x128x128xf32, #tpu.memory_space<hbm>> -> memref<1x128x128xf32, #tpu.memory_space<hbm>>
        %dma_wait3A_28 = tpu.memref_squeeze %dma_wait3A_27 : memref<1x128x128xf32, #tpu.memory_space<hbm>> -> memref<128x128xf32, #tpu.memory_space<hbm>>
        %dma_wait3A_29 = arith.constant 0 : i32
        %dma_wait3A_30 = arith.constant 0 : i32
        %dma_wait3A_31 = tpu.memref_slice %arg4[%add3A, %dma_wait3A_29, %dma_wait3A_30] : memref<24x128x128xf32, #tpu.memory_space<hbm>> -> memref<1x128x128xf32, #tpu.memory_space<hbm>>
        %dma_wait3A_32 = tpu.memref_squeeze %dma_wait3A_31 : memref<1x128x128xf32, #tpu.memory_space<hbm>> -> memref<128x128xf32, #tpu.memory_space<hbm>>
        tpu.wait_dma2 semaphore(%run_scoped3A : memref<!tpu.dma_semaphore, #tpu.memory_space<semaphore_mem>>) src(%dma_wait3A_32 : memref<128x128xf32, #tpu.memory_space<hbm>>) dst(%arg8 : memref<128x128xf32, #tpu.memory_space<vmem>>)
        tpu.yield
      }) : () -> ()
      "tpu.region"() ({
        %run_scoped3A = tpu.sem_alloc : memref<!tpu.dma_semaphore, #tpu.memory_space<semaphore_mem>>
        %dma_start3A_17 = arith.constant 0 : i32
        %dma_start3A_18 = arith.constant 0 : i32
        %dma_start3A_19 = tpu.memref_slice %arg5[%add3A, %dma_start3A_17, %dma_start3A_18] : memref<24x1024x128xf32, #tpu.memory_space<hbm>> -> memref<1x128x128xf32, #tpu.memory_space<hbm>>
        %dma_start3A_20 = tpu.memref_squeeze %dma_start3A_19 : memref<1x128x128xf32, #tpu.memory_space<hbm>> -> memref<128x128xf32, #tpu.memory_space<hbm>>
        %dma_start3A_21 = arith.constant 0 : i32
        %dma_start3A_22 = arith.constant 0 : i32
        %dma_start3A_23 = tpu.memref_slice %arg5[%add3A, %dma_start3A_21, %dma_start3A_22] : memref<24x1024x128xf32, #tpu.memory_space<hbm>> -> memref<1x128x128xf32, #tpu.memory_space<hbm>>
        %dma_start3A_24 = tpu.memref_squeeze %dma_start3A_23 : memref<1x128x128xf32, #tpu.memory_space<hbm>> -> memref<128x128xf32, #tpu.memory_space<hbm>>
        tpu.enqueue_dma source(%arg8 : memref<128x128xf32, #tpu.memory_space<vmem>>) target(%dma_start3A_24 : memref<128x128xf32, #tpu.memory_space<hbm>>) target_semaphore(%run_scoped3A : memref<!tpu.dma_semaphore, #tpu.memory_space<semaphore_mem>>)
        %dma_wait3A_25 = arith.constant 0 : i32
        %dma_wait3A_26 = arith.constant 0 : i32
        %dma_wait3A_27 = tpu.memref_slice %arg5[%add3A, %dma_wait3A_25, %dma_wait3A_26] : memref<24x1024x128xf32, #tpu.memory_space<hbm>> -> memref<1x128x128xf32, #tpu.memory_space<hbm>>
        %dma_wait3A_28 = tpu.memref_squeeze %dma_wait3A_27 : memref<1x128x128xf32, #tpu.memory_space<hbm>> -> memref<128x128xf32, #tpu.memory_space<hbm>>
        %dma_wait3A_29 = arith.constant 0 : i32
        %dma_wait3A_30 = arith.constant 0 : i32
        %dma_wait3A_31 = tpu.memref_slice %arg5[%add3A, %dma_wait3A_29, %dma_wait3A_30] : memref<24x1024x128xf32, #tpu.memory_space<hbm>> -> memref<1x128x128xf32, #tpu.memory_space<hbm>>
        %dma_wait3A_32 = tpu.memref_squeeze %dma_wait3A_31 : memref<1x128x128xf32, #tpu.memory_space<hbm>> -> memref<128x128xf32, #tpu.memory_space<hbm>>
        tpu.wait_dma2 semaphore(%run_scoped3A : memref<!tpu.dma_semaphore, #tpu.memory_space<semaphore_mem>>) src(%arg8 : memref<128x128xf32, #tpu.memory_space<vmem>>) dst(%dma_wait3A_32 : memref<128x128xf32, #tpu.memory_space<hbm>>)
        tpu.yield
      }) : () -> ()
      "tpu.region"() ({
        %run_scoped3A = tpu.sem_alloc : memref<!tpu.dma_semaphore, #tpu.memory_space<semaphore_mem>>
        %dma_start3A_17 = arith.constant 128 : i32
        %dma_start3A_18 = arith.constant 0 : i32
        %dma_start3A_19 = tpu.memref_slice %arg5[%add3A, %dma_start3A_17, %dma_start3A_18] : memref<24x1024x128xf32, #tpu.memory_space<hbm>> -> memref<1x128x128xf32, #tpu.memory_space<hbm>>
        %dma_start3A_20 = tpu.memref_squeeze %dma_start3A_19 : memref<1x128x128xf32, #tpu.memory_space<hbm>> -> memref<128x128xf32, #tpu.memory_space<hbm>>
        %dma_start3A_21 = arith.constant 128 : i32
        %dma_start3A_22 = arith.constant 0 : i32
        %dma_start3A_23 = tpu.memref_slice %arg5[%add3A, %dma_start3A_21, %dma_start3A_22] : memref<24x1024x128xf32, #tpu.memory_space<hbm>> -> memref<1x128x128xf32, #tpu.memory_space<hbm>>
        %dma_start3A_24 = tpu.memref_squeeze %dma_start3A_23 : memref<1x128x128xf32, #tpu.memory_space<hbm>> -> memref<128x128xf32, #tpu.memory_space<hbm>>
        tpu.enqueue_dma source(%arg8 : memref<128x128xf32, #tpu.memory_space<vmem>>) target(%dma_start3A_24 : memref<128x128xf32, #tpu.memory_space<hbm>>) target_semaphore(%run_scoped3A : memref<!tpu.dma_semaphore, #tpu.memory_space<semaphore_mem>>)
        %dma_wait3A_25 = arith.constant 128 : i32
        %dma_wait3A_26 = arith.constant 0 : i32
        %dma_wait3A_27 = tpu.memref_slice %arg5[%add3A, %dma_wait3A_25, %dma_wait3A_26] : memref<24x1024x128xf32, #tpu.memory_space<hbm>> -> memref<1x128x128xf32, #tpu.memory_space<hbm>>
        %dma_wait3A_28 = tpu.memref_squeeze %dma_wait3A_27 : memref<1x128x128xf32, #tpu.memory_space<hbm>> -> memref<128x128xf32, #tpu.memory_space<hbm>>
        %dma_wait3A_29 = arith.constant 128 : i32
        %dma_wait3A_30 = arith.constant 0 : i32
        %dma_wait3A_31 = tpu.memref_slice %arg5[%add3A, %dma_wait3A_29, %dma_wait3A_30] : memref<24x1024x128xf32, #tpu.memory_space<hbm>> -> memref<1x128x128xf32, #tpu.memory_space<hbm>>
        %dma_wait3A_32 = tpu.memref_squeeze %dma_wait3A_31 : memref<1x128x128xf32, #tpu.memory_space<hbm>> -> memref<128x128xf32, #tpu.memory_space<hbm>>
        tpu.wait_dma2 semaphore(%run_scoped3A : memref<!tpu.dma_semaphore, #tpu.memory_space<semaphore_mem>>) src(%arg8 : memref<128x128xf32, #tpu.memory_space<vmem>>) dst(%dma_wait3A_32 : memref<128x128xf32, #tpu.memory_space<hbm>>)
        tpu.yield
      }) : () -> ()
      "tpu.region"() ({
        %run_scoped3A = tpu.sem_alloc : memref<!tpu.dma_semaphore, #tpu.memory_space<semaphore_mem>>
        %dma_start3A_17 = arith.constant 256 : i32
        %dma_start3A_18 = arith.constant 0 : i32
        %dma_start3A_19 = tpu.memref_slice %arg5[%add3A, %dma_start3A_17, %dma_start3A_18] : memref<24x1024x128xf32, #tpu.memory_space<hbm>> -> memref<1x128x128xf32, #tpu.memory_space<hbm>>
        %dma_start3A_20 = tpu.memref_squeeze %dma_start3A_19 : memref<1x128x128xf32, #tpu.memory_space<hbm>> -> memref<128x128xf32, #tpu.memory_space<hbm>>
        %dma_start3A_21 = arith.constant 256 : i32
        %dma_start3A_22 = arith.constant 0 : i32
        %dma_start3A_23 = tpu.memref_slice %arg5[%add3A, %dma_start3A_21, %dma_start3A_22] : memref<24x1024x128xf32, #tpu.memory_space<hbm>> -> memref<1x128x128xf32, #tpu.memory_space<hbm>>
        %dma_start3A_24 = tpu.memref_squeeze %dma_start3A_23 : memref<1x128x128xf32, #tpu.memory_space<hbm>> -> memref<128x128xf32, #tpu.memory_space<hbm>>
        tpu.enqueue_dma source(%arg8 : memref<128x128xf32, #tpu.memory_space<vmem>>) target(%dma_start3A_24 : memref<128x128xf32, #tpu.memory_space<hbm>>) target_semaphore(%run_scoped3A : memref<!tpu.dma_semaphore, #tpu.memory_space<semaphore_mem>>)
        %dma_wait3A_25 = arith.constant 256 : i32
        %dma_wait3A_26 = arith.constant 0 : i32
        %dma_wait3A_27 = tpu.memref_slice %arg5[%add3A, %dma_wait3A_25, %dma_wait3A_26] : memref<24x1024x128xf32, #tpu.memory_space<hbm>> -> memref<1x128x128xf32, #tpu.memory_space<hbm>>
        %dma_wait3A_28 = tpu.memref_squeeze %dma_wait3A_27 : memref<1x128x128xf32, #tpu.memory_space<hbm>> -> memref<128x128xf32, #tpu.memory_space<hbm>>
        %dma_wait3A_29 = arith.constant 256 : i32
        %dma_wait3A_30 = arith.constant 0 : i32
        %dma_wait3A_31 = tpu.memref_slice %arg5[%add3A, %dma_wait3A_29, %dma_wait3A_30] : memref<24x1024x128xf32, #tpu.memory_space<hbm>> -> memref<1x128x128xf32, #tpu.memory_space<hbm>>
        %dma_wait3A_32 = tpu.memref_squeeze %dma_wait3A_31 : memref<1x128x128xf32, #tpu.memory_space<hbm>> -> memref<128x128xf32, #tpu.memory_space<hbm>>
        tpu.wait_dma2 semaphore(%run_scoped3A : memref<!tpu.dma_semaphore, #tpu.memory_space<semaphore_mem>>) src(%arg8 : memref<128x128xf32, #tpu.memory_space<vmem>>) dst(%dma_wait3A_32 : memref<128x128xf32, #tpu.memory_space<hbm>>)
        tpu.yield
      }) : () -> ()
      "tpu.region"() ({
        %run_scoped3A = tpu.sem_alloc : memref<!tpu.dma_semaphore, #tpu.memory_space<semaphore_mem>>
        %dma_start3A_17 = arith.constant 384 : i32
        %dma_start3A_18 = arith.constant 0 : i32
        %dma_start3A_19 = tpu.memref_slice %arg5[%add3A, %dma_start3A_17, %dma_start3A_18] : memref<24x1024x128xf32, #tpu.memory_space<hbm>> -> memref<1x128x128xf32, #tpu.memory_space<hbm>>
        %dma_start3A_20 = tpu.memref_squeeze %dma_start3A_19 : memref<1x128x128xf32, #tpu.memory_space<hbm>> -> memref<128x128xf32, #tpu.memory_space<hbm>>
        %dma_start3A_21 = arith.constant 384 : i32
        %dma_start3A_22 = arith.constant 0 : i32
        %dma_start3A_23 = tpu.memref_slice %arg5[%add3A, %dma_start3A_21, %dma_start3A_22] : memref<24x1024x128xf32, #tpu.memory_space<hbm>> -> memref<1x128x128xf32, #tpu.memory_space<hbm>>
        %dma_start3A_24 = tpu.memref_squeeze %dma_start3A_23 : memref<1x128x128xf32, #tpu.memory_space<hbm>> -> memref<128x128xf32, #tpu.memory_space<hbm>>
        tpu.enqueue_dma source(%arg8 : memref<128x128xf32, #tpu.memory_space<vmem>>) target(%dma_start3A_24 : memref<128x128xf32, #tpu.memory_space<hbm>>) target_semaphore(%run_scoped3A : memref<!tpu.dma_semaphore, #tpu.memory_space<semaphore_mem>>)
        %dma_wait3A_25 = arith.constant 384 : i32
        %dma_wait3A_26 = arith.constant 0 : i32
        %dma_wait3A_27 = tpu.memref_slice %arg5[%add3A, %dma_wait3A_25, %dma_wait3A_26] : memref<24x1024x128xf32, #tpu.memory_space<hbm>> -> memref<1x128x128xf32, #tpu.memory_space<hbm>>
        %dma_wait3A_28 = tpu.memref_squeeze %dma_wait3A_27 : memref<1x128x128xf32, #tpu.memory_space<hbm>> -> memref<128x128xf32, #tpu.memory_space<hbm>>
        %dma_wait3A_29 = arith.constant 384 : i32
        %dma_wait3A_30 = arith.constant 0 : i32
        %dma_wait3A_31 = tpu.memref_slice %arg5[%add3A, %dma_wait3A_29, %dma_wait3A_30] : memref<24x1024x128xf32, #tpu.memory_space<hbm>> -> memref<1x128x128xf32, #tpu.memory_space<hbm>>
        %dma_wait3A_32 = tpu.memref_squeeze %dma_wait3A_31 : memref<1x128x128xf32, #tpu.memory_space<hbm>> -> memref<128x128xf32, #tpu.memory_space<hbm>>
        tpu.wait_dma2 semaphore(%run_scoped3A : memref<!tpu.dma_semaphore, #tpu.memory_space<semaphore_mem>>) src(%arg8 : memref<128x128xf32, #tpu.memory_space<vmem>>) dst(%dma_wait3A_32 : memref<128x128xf32, #tpu.memory_space<hbm>>)
        tpu.yield
      }) : () -> ()
      "tpu.region"() ({
        %run_scoped3A = tpu.sem_alloc : memref<!tpu.dma_semaphore, #tpu.memory_space<semaphore_mem>>
        %dma_start3A_17 = arith.constant 512 : i32
        %dma_start3A_18 = arith.constant 0 : i32
        %dma_start3A_19 = tpu.memref_slice %arg5[%add3A, %dma_start3A_17, %dma_start3A_18] : memref<24x1024x128xf32, #tpu.memory_space<hbm>> -> memref<1x128x128xf32, #tpu.memory_space<hbm>>
        %dma_start3A_20 = tpu.memref_squeeze %dma_start3A_19 : memref<1x128x128xf32, #tpu.memory_space<hbm>> -> memref<128x128xf32, #tpu.memory_space<hbm>>
        %dma_start3A_21 = arith.constant 512 : i32
        %dma_start3A_22 = arith.constant 0 : i32
        %dma_start3A_23 = tpu.memref_slice %arg5[%add3A, %dma_start3A_21, %dma_start3A_22] : memref<24x1024x128xf32, #tpu.memory_space<hbm>> -> memref<1x128x128xf32, #tpu.memory_space<hbm>>
        %dma_start3A_24 = tpu.memref_squeeze %dma_start3A_23 : memref<1x128x128xf32, #tpu.memory_space<hbm>> -> memref<128x128xf32, #tpu.memory_space<hbm>>
        tpu.enqueue_dma source(%arg8 : memref<128x128xf32, #tpu.memory_space<vmem>>) target(%dma_start3A_24 : memref<128x128xf32, #tpu.memory_space<hbm>>) target_semaphore(%run_scoped3A : memref<!tpu.dma_semaphore, #tpu.memory_space<semaphore_mem>>)
        %dma_wait3A_25 = arith.constant 512 : i32
        %dma_wait3A_26 = arith.constant 0 : i32
        %dma_wait3A_27 = tpu.memref_slice %arg5[%add3A, %dma_wait3A_25, %dma_wait3A_26] : memref<24x1024x128xf32, #tpu.memory_space<hbm>> -> memref<1x128x128xf32, #tpu.memory_space<hbm>>
        %dma_wait3A_28 = tpu.memref_squeeze %dma_wait3A_27 : memref<1x128x128xf32, #tpu.memory_space<hbm>> -> memref<128x128xf32, #tpu.memory_space<hbm>>
        %dma_wait3A_29 = arith.constant 512 : i32
        %dma_wait3A_30 = arith.constant 0 : i32
        %dma_wait3A_31 = tpu.memref_slice %arg5[%add3A, %dma_wait3A_29, %dma_wait3A_30] : memref<24x1024x128xf32, #tpu.memory_space<hbm>> -> memref<1x128x128xf32, #tpu.memory_space<hbm>>
        %dma_wait3A_32 = tpu.memref_squeeze %dma_wait3A_31 : memref<1x128x128xf32, #tpu.memory_space<hbm>> -> memref<128x128xf32, #tpu.memory_space<hbm>>
        tpu.wait_dma2 semaphore(%run_scoped3A : memref<!tpu.dma_semaphore, #tpu.memory_space<semaphore_mem>>) src(%arg8 : memref<128x128xf32, #tpu.memory_space<vmem>>) dst(%dma_wait3A_32 : memref<128x128xf32, #tpu.memory_space<hbm>>)
        tpu.yield
      }) : () -> ()
      "tpu.region"() ({
        %run_scoped3A = tpu.sem_alloc : memref<!tpu.dma_semaphore, #tpu.memory_space<semaphore_mem>>
        %dma_start3A_17 = arith.constant 640 : i32
        %dma_start3A_18 = arith.constant 0 : i32
        %dma_start3A_19 = tpu.memref_slice %arg5[%add3A, %dma_start3A_17, %dma_start3A_18] : memref<24x1024x128xf32, #tpu.memory_space<hbm>> -> memref<1x128x128xf32, #tpu.memory_space<hbm>>
        %dma_start3A_20 = tpu.memref_squeeze %dma_start3A_19 : memref<1x128x128xf32, #tpu.memory_space<hbm>> -> memref<128x128xf32, #tpu.memory_space<hbm>>
        %dma_start3A_21 = arith.constant 640 : i32
        %dma_start3A_22 = arith.constant 0 : i32
        %dma_start3A_23 = tpu.memref_slice %arg5[%add3A, %dma_start3A_21, %dma_start3A_22] : memref<24x1024x128xf32, #tpu.memory_space<hbm>> -> memref<1x128x128xf32, #tpu.memory_space<hbm>>
        %dma_start3A_24 = tpu.memref_squeeze %dma_start3A_23 : memref<1x128x128xf32, #tpu.memory_space<hbm>> -> memref<128x128xf32, #tpu.memory_space<hbm>>
        tpu.enqueue_dma source(%arg8 : memref<128x128xf32, #tpu.memory_space<vmem>>) target(%dma_start3A_24 : memref<128x128xf32, #tpu.memory_space<hbm>>) target_semaphore(%run_scoped3A : memref<!tpu.dma_semaphore, #tpu.memory_space<semaphore_mem>>)
        %dma_wait3A_25 = arith.constant 640 : i32
        %dma_wait3A_26 = arith.constant 0 : i32
        %dma_wait3A_27 = tpu.memref_slice %arg5[%add3A, %dma_wait3A_25, %dma_wait3A_26] : memref<24x1024x128xf32, #tpu.memory_space<hbm>> -> memref<1x128x128xf32, #tpu.memory_space<hbm>>
        %dma_wait3A_28 = tpu.memref_squeeze %dma_wait3A_27 : memref<1x128x128xf32, #tpu.memory_space<hbm>> -> memref<128x128xf32, #tpu.memory_space<hbm>>
        %dma_wait3A_29 = arith.constant 640 : i32
        %dma_wait3A_30 = arith.constant 0 : i32
        %dma_wait3A_31 = tpu.memref_slice %arg5[%add3A, %dma_wait3A_29, %dma_wait3A_30] : memref<24x1024x128xf32, #tpu.memory_space<hbm>> -> memref<1x128x128xf32, #tpu.memory_space<hbm>>
        %dma_wait3A_32 = tpu.memref_squeeze %dma_wait3A_31 : memref<1x128x128xf32, #tpu.memory_space<hbm>> -> memref<128x128xf32, #tpu.memory_space<hbm>>
        tpu.wait_dma2 semaphore(%run_scoped3A : memref<!tpu.dma_semaphore, #tpu.memory_space<semaphore_mem>>) src(%arg8 : memref<128x128xf32, #tpu.memory_space<vmem>>) dst(%dma_wait3A_32 : memref<128x128xf32, #tpu.memory_space<hbm>>)
        tpu.yield
      }) : () -> ()
      "tpu.region"() ({
        %run_scoped3A = tpu.sem_alloc : memref<!tpu.dma_semaphore, #tpu.memory_space<semaphore_mem>>
        %dma_start3A_17 = arith.constant 768 : i32
        %dma_start3A_18 = arith.constant 0 : i32
        %dma_start3A_19 = tpu.memref_slice %arg5[%add3A, %dma_start3A_17, %dma_start3A_18] : memref<24x1024x128xf32, #tpu.memory_space<hbm>> -> memref<1x128x128xf32, #tpu.memory_space<hbm>>
        %dma_start3A_20 = tpu.memref_squeeze %dma_start3A_19 : memref<1x128x128xf32, #tpu.memory_space<hbm>> -> memref<128x128xf32, #tpu.memory_space<hbm>>
        %dma_start3A_21 = arith.constant 768 : i32
        %dma_start3A_22 = arith.constant 0 : i32
        %dma_start3A_23 = tpu.memref_slice %arg5[%add3A, %dma_start3A_21, %dma_start3A_22] : memref<24x1024x128xf32, #tpu.memory_space<hbm>> -> memref<1x128x128xf32, #tpu.memory_space<hbm>>
        %dma_start3A_24 = tpu.memref_squeeze %dma_start3A_23 : memref<1x128x128xf32, #tpu.memory_space<hbm>> -> memref<128x128xf32, #tpu.memory_space<hbm>>
        tpu.enqueue_dma source(%arg8 : memref<128x128xf32, #tpu.memory_space<vmem>>) target(%dma_start3A_24 : memref<128x128xf32, #tpu.memory_space<hbm>>) target_semaphore(%run_scoped3A : memref<!tpu.dma_semaphore, #tpu.memory_space<semaphore_mem>>)
        %dma_wait3A_25 = arith.constant 768 : i32
        %dma_wait3A_26 = arith.constant 0 : i32
        %dma_wait3A_27 = tpu.memref_slice %arg5[%add3A, %dma_wait3A_25, %dma_wait3A_26] : memref<24x1024x128xf32, #tpu.memory_space<hbm>> -> memref<1x128x128xf32, #tpu.memory_space<hbm>>
        %dma_wait3A_28 = tpu.memref_squeeze %dma_wait3A_27 : memref<1x128x128xf32, #tpu.memory_space<hbm>> -> memref<128x128xf32, #tpu.memory_space<hbm>>
        %dma_wait3A_29 = arith.constant 768 : i32
        %dma_wait3A_30 = arith.constant 0 : i32
        %dma_wait3A_31 = tpu.memref_slice %arg5[%add3A, %dma_wait3A_29, %dma_wait3A_30] : memref<24x1024x128xf32, #tpu.memory_space<hbm>> -> memref<1x128x128xf32, #tpu.memory_space<hbm>>
        %dma_wait3A_32 = tpu.memref_squeeze %dma_wait3A_31 : memref<1x128x128xf32, #tpu.memory_space<hbm>> -> memref<128x128xf32, #tpu.memory_space<hbm>>
        tpu.wait_dma2 semaphore(%run_scoped3A : memref<!tpu.dma_semaphore, #tpu.memory_space<semaphore_mem>>) src(%arg8 : memref<128x128xf32, #tpu.memory_space<vmem>>) dst(%dma_wait3A_32 : memref<128x128xf32, #tpu.memory_space<hbm>>)
        tpu.yield
      }) : () -> ()
      "tpu.region"() ({
        %run_scoped3A = tpu.sem_alloc : memref<!tpu.dma_semaphore, #tpu.memory_space<semaphore_mem>>
        %dma_start3A_17 = arith.constant 896 : i32
        %dma_start3A_18 = arith.constant 0 : i32
        %dma_start3A_19 = tpu.memref_slice %arg5[%add3A, %dma_start3A_17, %dma_start3A_18] : memref<24x1024x128xf32, #tpu.memory_space<hbm>> -> memref<1x128x128xf32, #tpu.memory_space<hbm>>
        %dma_start3A_20 = tpu.memref_squeeze %dma_start3A_19 : memref<1x128x128xf32, #tpu.memory_space<hbm>> -> memref<128x128xf32, #tpu.memory_space<hbm>>
        %dma_start3A_21 = arith.constant 896 : i32
        %dma_start3A_22 = arith.constant 0 : i32
        %dma_start3A_23 = tpu.memref_slice %arg5[%add3A, %dma_start3A_21, %dma_start3A_22] : memref<24x1024x128xf32, #tpu.memory_space<hbm>> -> memref<1x128x128xf32, #tpu.memory_space<hbm>>
        %dma_start3A_24 = tpu.memref_squeeze %dma_start3A_23 : memref<1x128x128xf32, #tpu.memory_space<hbm>> -> memref<128x128xf32, #tpu.memory_space<hbm>>
        tpu.enqueue_dma source(%arg8 : memref<128x128xf32, #tpu.memory_space<vmem>>) target(%dma_start3A_24 : memref<128x128xf32, #tpu.memory_space<hbm>>) target_semaphore(%run_scoped3A : memref<!tpu.dma_semaphore, #tpu.memory_space<semaphore_mem>>)
        %dma_wait3A_25 = arith.constant 896 : i32
        %dma_wait3A_26 = arith.constant 0 : i32
        %dma_wait3A_27 = tpu.memref_slice %arg5[%add3A, %dma_wait3A_25, %dma_wait3A_26] : memref<24x1024x128xf32, #tpu.memory_space<hbm>> -> memref<1x128x128xf32, #tpu.memory_space<hbm>>
        %dma_wait3A_28 = tpu.memref_squeeze %dma_wait3A_27 : memref<1x128x128xf32, #tpu.memory_space<hbm>> -> memref<128x128xf32, #tpu.memory_space<hbm>>
        %dma_wait3A_29 = arith.constant 896 : i32
        %dma_wait3A_30 = arith.constant 0 : i32
        %dma_wait3A_31 = tpu.memref_slice %arg5[%add3A, %dma_wait3A_29, %dma_wait3A_30] : memref<24x1024x128xf32, #tpu.memory_space<hbm>> -> memref<1x128x128xf32, #tpu.memory_space<hbm>>
        %dma_wait3A_32 = tpu.memref_squeeze %dma_wait3A_31 : memref<1x128x128xf32, #tpu.memory_space<hbm>> -> memref<128x128xf32, #tpu.memory_space<hbm>>
        tpu.wait_dma2 semaphore(%run_scoped3A : memref<!tpu.dma_semaphore, #tpu.memory_space<semaphore_mem>>) src(%arg8 : memref<128x128xf32, #tpu.memory_space<vmem>>) dst(%dma_wait3A_32 : memref<128x128xf32, #tpu.memory_space<hbm>>)
        tpu.yield
      }) : () -> ()
      %mul3A_3 = arith.constant 32 : i32
      %mul3A_4 = arith.muli %add3A, %mul3A_3 : i32
      "tpu.region"() ({
        %run_scoped3A = tpu.sem_alloc : memref<!tpu.dma_semaphore, #tpu.memory_space<semaphore_mem>>
        %dma_start3A_17 = tpu.memref_slice %arg3[%mul3A_4] : memref<768xi32, #tpu.memory_space<hbm>> -> memref<32xi32, #tpu.memory_space<hbm>>
        %dma_start3A_18 = tpu.memref_slice %arg3[%mul3A_4] : memref<768xi32, #tpu.memory_space<hbm>> -> memref<32xi32, #tpu.memory_space<hbm>>
        tpu.enqueue_dma source(%dma_start3A_18 : memref<32xi32, #tpu.memory_space<hbm>>) target(%arg6 : memref<32xi32, #tpu.memory_space<vmem>>) target_semaphore(%run_scoped3A : memref<!tpu.dma_semaphore, #tpu.memory_space<semaphore_mem>>)
        %dma_wait3A_19 = tpu.memref_slice %arg3[%mul3A_4] : memref<768xi32, #tpu.memory_space<hbm>> -> memref<32xi32, #tpu.memory_space<hbm>>
        %dma_wait3A_20 = tpu.memref_slice %arg3[%mul3A_4] : memref<768xi32, #tpu.memory_space<hbm>> -> memref<32xi32, #tpu.memory_space<hbm>>
        tpu.wait_dma2 semaphore(%run_scoped3A : memref<!tpu.dma_semaphore, #tpu.memory_space<semaphore_mem>>) src(%dma_wait3A_20 : memref<32xi32, #tpu.memory_space<hbm>>) dst(%arg6 : memref<32xi32, #tpu.memory_space<vmem>>)
        tpu.yield
      }) : () -> ()
      "tpu.region"() ({
        %run_scoped3A = tpu.sem_alloc : memref<!tpu.dma_semaphore, #tpu.memory_space<semaphore_mem>>
        %dma_start3A_17 = arith.constant 0 : i32
        %dma_start3A_18 = arith.constant 0 : i32
        %dma_start3A_19 = tpu.memref_slice %arg2[%add3A, %dma_start3A_17, %dma_start3A_18] : memref<24x32x128xf32, #tpu.memory_space<hbm>> -> memref<1x32x128xf32, #tpu.memory_space<hbm>>
        %dma_start3A_20 = tpu.memref_squeeze %dma_start3A_19 : memref<1x32x128xf32, #tpu.memory_space<hbm>> -> memref<32x128xf32, #tpu.memory_space<hbm>>
        %dma_start3A_21 = arith.constant 0 : i32
        %dma_start3A_22 = arith.constant 0 : i32
        %dma_start3A_23 = tpu.memref_slice %arg2[%add3A, %dma_start3A_21, %dma_start3A_22] : memref<24x32x128xf32, #tpu.memory_space<hbm>> -> memref<1x32x128xf32, #tpu.memory_space<hbm>>
        %dma_start3A_24 = tpu.memref_squeeze %dma_start3A_23 : memref<1x32x128xf32, #tpu.memory_space<hbm>> -> memref<32x128xf32, #tpu.memory_space<hbm>>
        tpu.enqueue_dma source(%dma_start3A_24 : memref<32x128xf32, #tpu.memory_space<hbm>>) target(%arg7 : memref<32x128xf32, #tpu.memory_space<vmem>>) target_semaphore(%run_scoped3A : memref<!tpu.dma_semaphore, #tpu.memory_space<semaphore_mem>>)
        %dma_wait3A_25 = arith.constant 0 : i32
        %dma_wait3A_26 = arith.constant 0 : i32
        %dma_wait3A_27 = tpu.memref_slice %arg2[%add3A, %dma_wait3A_25, %dma_wait3A_26] : memref<24x32x128xf32, #tpu.memory_space<hbm>> -> memref<1x32x128xf32, #tpu.memory_space<hbm>>
        %dma_wait3A_28 = tpu.memref_squeeze %dma_wait3A_27 : memref<1x32x128xf32, #tpu.memory_space<hbm>> -> memref<32x128xf32, #tpu.memory_space<hbm>>
        %dma_wait3A_29 = arith.constant 0 : i32
        %dma_wait3A_30 = arith.constant 0 : i32
        %dma_wait3A_31 = tpu.memref_slice %arg2[%add3A, %dma_wait3A_29, %dma_wait3A_30] : memref<24x32x128xf32, #tpu.memory_space<hbm>> -> memref<1x32x128xf32, #tpu.memory_space<hbm>>
        %dma_wait3A_32 = tpu.memref_squeeze %dma_wait3A_31 : memref<1x32x128xf32, #tpu.memory_space<hbm>> -> memref<32x128xf32, #tpu.memory_space<hbm>>
        tpu.wait_dma2 semaphore(%run_scoped3A : memref<!tpu.dma_semaphore, #tpu.memory_space<semaphore_mem>>) src(%dma_wait3A_32 : memref<32x128xf32, #tpu.memory_space<hbm>>) dst(%arg7 : memref<32x128xf32, #tpu.memory_space<vmem>>)
        tpu.yield
      }) : () -> ()
      %dma_start3A = arith.constant 0 : i32
      %dma_start3A_5 = arith.constant 0 : i32
      %dma_start3A_6 = tpu.memref_slice %arg5[%add3A, %dma_start3A, %dma_start3A_5] : memref<24x1024x128xf32, #tpu.memory_space<hbm>> -> memref<1x1024x128xf32, #tpu.memory_space<hbm>>
      %dma_start3A_7 = tpu.memref_squeeze %dma_start3A_6 : memref<1x1024x128xf32, #tpu.memory_space<hbm>> -> memref<1024x128xf32, #tpu.memory_space<hbm>>
      %dma_start3A_8 = arith.constant 0 : i32
      %dma_start3A_9 = arith.constant 0 : i32
      %dma_start3A_10 = tpu.memref_slice %dma_start3A_7[%dma_start3A_8, %dma_start3A_9] : memref<1024x128xf32, #tpu.memory_space<hbm>> -> memref<1024x128xf32, #tpu.memory_space<hbm>>
      tpu.enqueue_indirect_dma source(%arg7 : memref<32x128xf32, #tpu.memory_space<vmem>>) target(%dma_start3A_10 : memref<1024x128xf32, #tpu.memory_space<hbm>>) offsets(%arg6 : memref<32xi32, #tpu.memory_space<vmem>>) semaphore(%arg9 : memref<!tpu.dma_semaphore, #tpu.memory_space<semaphore_mem>>)
      %dma_wait3A = arith.constant 0 : i32
      %dma_wait3A_11 = arith.constant 0 : i32
      %dma_wait3A_12 = tpu.memref_slice %arg5[%add3A, %dma_wait3A, %dma_wait3A_11] : memref<24x1024x128xf32, #tpu.memory_space<hbm>> -> memref<1x1024x128xf32, #tpu.memory_space<hbm>>
      %dma_wait3A_13 = tpu.memref_squeeze %dma_wait3A_12 : memref<1x1024x128xf32, #tpu.memory_space<hbm>> -> memref<1024x128xf32, #tpu.memory_space<hbm>>
      %dma_wait3A_14 = arith.constant 0 : i32
      %dma_wait3A_15 = arith.constant 0 : i32
      %dma_wait3A_16 = tpu.memref_slice %dma_wait3A_13[%dma_wait3A_14, %dma_wait3A_15] : memref<1024x128xf32, #tpu.memory_space<hbm>> -> memref<1024x128xf32, #tpu.memory_space<hbm>>
      tpu.wait_indirect_dma semaphore(%arg9 : memref<!tpu.dma_semaphore, #tpu.memory_space<semaphore_mem>>) src(%arg7 : memref<32x128xf32, #tpu.memory_space<vmem>>) dst(%dma_wait3A_16 : memref<1024x128xf32, #tpu.memory_space<hbm>>)
    } else {
    }
    return
  }
}

#map = affine_map<(d0, d1) -> (0, 0, 0)>
#map1 = affine_map<(d0, d1) -> (0)>
module attributes {stable_mosaic.version = 14 : i64} {
  func.func @k(%arg0: i32, %arg1: i32, %arg2: memref<24x2048x128xf32, #tpu.memory_space<hbm>>, %arg3: memref<768xi32, #tpu.memory_space<hbm>>, %arg4: memref<24x32x128xf32, #tpu.memory_space<hbm>>, %arg5: memref<32xi32, #tpu.memory_space<vmem>>, %arg6: memref<32x128xf32, #tpu.memory_space<vmem>>, %arg7: memref<!tpu.dma_semaphore, #tpu.memory_space<semaphore_mem>>) attributes {dimension_semantics = [#tpu.dimension_semantics<core_parallel>, #tpu.dimension_semantics<subcore_parallel>], iteration_bounds = array<i64: 2, 16>, scalar_prefetch = 0 : i64, scratch_operands = 3 : i64, tpu.core_type = #tpu.core_type<sc_vector_subcore>, window_params = [{transform_indices = #map}, {transform_indices = #map1}, {transform_indices = #map}]} {
    %mul3A = arith.constant 2 : i32
    %mul3A_0 = arith.muli %arg1, %mul3A : i32
    %add3A = arith.addi %mul3A_0, %arg0 : i32
    %lt3A = arith.constant 24 : i32
    %lt3A_1 = arith.cmpi slt, %add3A, %lt3A : i32
    %convert_element_type3A = arith.extui %lt3A_1 : i1 to i32
    %cond3A = arith.constant 0 : i32
    %cond3A_2 = arith.cmpi ne, %convert_element_type3A, %cond3A : i32
    scf.if %cond3A_2 {
      %mul3A_3 = arith.constant 32 : i32
      %mul3A_4 = arith.muli %add3A, %mul3A_3 : i32
      "tpu.region"() ({
        %run_scoped3A = tpu.sem_alloc : memref<!tpu.dma_semaphore, #tpu.memory_space<semaphore_mem>>
        %dma_start3A_17 = tpu.memref_slice %arg3[%mul3A_4] : memref<768xi32, #tpu.memory_space<hbm>> -> memref<32xi32, #tpu.memory_space<hbm>>
        %dma_start3A_18 = tpu.memref_slice %arg3[%mul3A_4] : memref<768xi32, #tpu.memory_space<hbm>> -> memref<32xi32, #tpu.memory_space<hbm>>
        tpu.enqueue_dma source(%dma_start3A_18 : memref<32xi32, #tpu.memory_space<hbm>>) target(%arg5 : memref<32xi32, #tpu.memory_space<vmem>>) target_semaphore(%run_scoped3A : memref<!tpu.dma_semaphore, #tpu.memory_space<semaphore_mem>>)
        %dma_wait3A_19 = tpu.memref_slice %arg3[%mul3A_4] : memref<768xi32, #tpu.memory_space<hbm>> -> memref<32xi32, #tpu.memory_space<hbm>>
        %dma_wait3A_20 = tpu.memref_slice %arg3[%mul3A_4] : memref<768xi32, #tpu.memory_space<hbm>> -> memref<32xi32, #tpu.memory_space<hbm>>
        tpu.wait_dma2 semaphore(%run_scoped3A : memref<!tpu.dma_semaphore, #tpu.memory_space<semaphore_mem>>) src(%dma_wait3A_20 : memref<32xi32, #tpu.memory_space<hbm>>) dst(%arg5 : memref<32xi32, #tpu.memory_space<vmem>>)
        tpu.yield
      }) : () -> ()
      %dma_start3A = arith.constant 0 : i32
      %dma_start3A_5 = arith.constant 0 : i32
      %dma_start3A_6 = tpu.memref_slice %arg2[%add3A, %dma_start3A, %dma_start3A_5] : memref<24x2048x128xf32, #tpu.memory_space<hbm>> -> memref<1x2048x128xf32, #tpu.memory_space<hbm>>
      %dma_start3A_7 = tpu.memref_squeeze %dma_start3A_6 : memref<1x2048x128xf32, #tpu.memory_space<hbm>> -> memref<2048x128xf32, #tpu.memory_space<hbm>>
      %dma_start3A_8 = arith.constant 0 : i32
      %dma_start3A_9 = arith.constant 0 : i32
      %dma_start3A_10 = tpu.memref_slice %dma_start3A_7[%dma_start3A_8, %dma_start3A_9] : memref<2048x128xf32, #tpu.memory_space<hbm>> -> memref<2048x128xf32, #tpu.memory_space<hbm>>
      tpu.enqueue_indirect_dma source(%dma_start3A_10 : memref<2048x128xf32, #tpu.memory_space<hbm>>) target(%arg6 : memref<32x128xf32, #tpu.memory_space<vmem>>) offsets(%arg5 : memref<32xi32, #tpu.memory_space<vmem>>) semaphore(%arg7 : memref<!tpu.dma_semaphore, #tpu.memory_space<semaphore_mem>>)
      %dma_wait3A = arith.constant 0 : i32
      %dma_wait3A_11 = arith.constant 0 : i32
      %dma_wait3A_12 = tpu.memref_slice %arg2[%add3A, %dma_wait3A, %dma_wait3A_11] : memref<24x2048x128xf32, #tpu.memory_space<hbm>> -> memref<1x2048x128xf32, #tpu.memory_space<hbm>>
      %dma_wait3A_13 = tpu.memref_squeeze %dma_wait3A_12 : memref<1x2048x128xf32, #tpu.memory_space<hbm>> -> memref<2048x128xf32, #tpu.memory_space<hbm>>
      %dma_wait3A_14 = arith.constant 0 : i32
      %dma_wait3A_15 = arith.constant 0 : i32
      %dma_wait3A_16 = tpu.memref_slice %dma_wait3A_13[%dma_wait3A_14, %dma_wait3A_15] : memref<2048x128xf32, #tpu.memory_space<hbm>> -> memref<2048x128xf32, #tpu.memory_space<hbm>>
      tpu.wait_indirect_dma semaphore(%arg7 : memref<!tpu.dma_semaphore, #tpu.memory_space<semaphore_mem>>) src(%dma_wait3A_16 : memref<2048x128xf32, #tpu.memory_space<hbm>>) dst(%arg6 : memref<32x128xf32, #tpu.memory_space<vmem>>)
      "tpu.region"() ({
        %run_scoped3A = tpu.sem_alloc : memref<!tpu.dma_semaphore, #tpu.memory_space<semaphore_mem>>
        %dma_start3A_17 = arith.constant 0 : i32
        %dma_start3A_18 = arith.constant 0 : i32
        %dma_start3A_19 = tpu.memref_slice %arg4[%add3A, %dma_start3A_17, %dma_start3A_18] : memref<24x32x128xf32, #tpu.memory_space<hbm>> -> memref<1x32x128xf32, #tpu.memory_space<hbm>>
        %dma_start3A_20 = tpu.memref_squeeze %dma_start3A_19 : memref<1x32x128xf32, #tpu.memory_space<hbm>> -> memref<32x128xf32, #tpu.memory_space<hbm>>
        %dma_start3A_21 = arith.constant 0 : i32
        %dma_start3A_22 = arith.constant 0 : i32
        %dma_start3A_23 = tpu.memref_slice %arg4[%add3A, %dma_start3A_21, %dma_start3A_22] : memref<24x32x128xf32, #tpu.memory_space<hbm>> -> memref<1x32x128xf32, #tpu.memory_space<hbm>>
        %dma_start3A_24 = tpu.memref_squeeze %dma_start3A_23 : memref<1x32x128xf32, #tpu.memory_space<hbm>> -> memref<32x128xf32, #tpu.memory_space<hbm>>
        tpu.enqueue_dma source(%arg6 : memref<32x128xf32, #tpu.memory_space<vmem>>) target(%dma_start3A_24 : memref<32x128xf32, #tpu.memory_space<hbm>>) target_semaphore(%run_scoped3A : memref<!tpu.dma_semaphore, #tpu.memory_space<semaphore_mem>>)
        %dma_wait3A_25 = arith.constant 0 : i32
        %dma_wait3A_26 = arith.constant 0 : i32
        %dma_wait3A_27 = tpu.memref_slice %arg4[%add3A, %dma_wait3A_25, %dma_wait3A_26] : memref<24x32x128xf32, #tpu.memory_space<hbm>> -> memref<1x32x128xf32, #tpu.memory_space<hbm>>
        %dma_wait3A_28 = tpu.memref_squeeze %dma_wait3A_27 : memref<1x32x128xf32, #tpu.memory_space<hbm>> -> memref<32x128xf32, #tpu.memory_space<hbm>>
        %dma_wait3A_29 = arith.constant 0 : i32
        %dma_wait3A_30 = arith.constant 0 : i32
        %dma_wait3A_31 = tpu.memref_slice %arg4[%add3A, %dma_wait3A_29, %dma_wait3A_30] : memref<24x32x128xf32, #tpu.memory_space<hbm>> -> memref<1x32x128xf32, #tpu.memory_space<hbm>>
        %dma_wait3A_32 = tpu.memref_squeeze %dma_wait3A_31 : memref<1x32x128xf32, #tpu.memory_space<hbm>> -> memref<32x128xf32, #tpu.memory_space<hbm>>
        tpu.wait_dma2 semaphore(%run_scoped3A : memref<!tpu.dma_semaphore, #tpu.memory_space<semaphore_mem>>) src(%arg6 : memref<32x128xf32, #tpu.memory_space<vmem>>) dst(%dma_wait3A_32 : memref<32x128xf32, #tpu.memory_space<hbm>>)
        tpu.yield
      }) : () -> ()
    } else {
    }
    return
  }
}

#map = affine_map<(d0, d1) -> (0, 0, 0)>
#map1 = affine_map<(d0, d1) -> (0)>
module attributes {stable_mosaic.version = 14 : i64} {
  func.func @k(%arg0: i32, %arg1: i32, %arg2: memref<24x32x128xf32, #tpu.memory_space<hbm>>, %arg3: memref<768xi32, #tpu.memory_space<hbm>>, %arg4: memref<24x128x128xf32, #tpu.memory_space<hbm>>, %arg5: memref<24x2048x128xf32, #tpu.memory_space<hbm>>, %arg6: memref<32xi32, #tpu.memory_space<vmem>>, %arg7: memref<32x128xf32, #tpu.memory_space<vmem>>, %arg8: memref<128x128xf32, #tpu.memory_space<vmem>>, %arg9: memref<!tpu.dma_semaphore, #tpu.memory_space<semaphore_mem>>) attributes {dimension_semantics = [#tpu.dimension_semantics<core_parallel>, #tpu.dimension_semantics<subcore_parallel>], iteration_bounds = array<i64: 2, 16>, scalar_prefetch = 0 : i64, scratch_operands = 4 : i64, tpu.core_type = #tpu.core_type<sc_vector_subcore>, window_params = [{transform_indices = #map}, {transform_indices = #map1}, {transform_indices = #map}, {transform_indices = #map}]} {
    %mul3A = arith.constant 2 : i32
    %mul3A_0 = arith.muli %arg1, %mul3A : i32
    %add3A = arith.addi %mul3A_0, %arg0 : i32
    %lt3A = arith.constant 24 : i32
    %lt3A_1 = arith.cmpi slt, %add3A, %lt3A : i32
    %convert_element_type3A = arith.extui %lt3A_1 : i1 to i32
    %cond3A = arith.constant 0 : i32
    %cond3A_2 = arith.cmpi ne, %convert_element_type3A, %cond3A : i32
    scf.if %cond3A_2 {
      "tpu.region"() ({
        %run_scoped3A = tpu.sem_alloc : memref<!tpu.dma_semaphore, #tpu.memory_space<semaphore_mem>>
        %dma_start3A_17 = arith.constant 0 : i32
        %dma_start3A_18 = arith.constant 0 : i32
        %dma_start3A_19 = tpu.memref_slice %arg4[%add3A, %dma_start3A_17, %dma_start3A_18] : memref<24x128x128xf32, #tpu.memory_space<hbm>> -> memref<1x128x128xf32, #tpu.memory_space<hbm>>
        %dma_start3A_20 = tpu.memref_squeeze %dma_start3A_19 : memref<1x128x128xf32, #tpu.memory_space<hbm>> -> memref<128x128xf32, #tpu.memory_space<hbm>>
        %dma_start3A_21 = arith.constant 0 : i32
        %dma_start3A_22 = arith.constant 0 : i32
        %dma_start3A_23 = tpu.memref_slice %arg4[%add3A, %dma_start3A_21, %dma_start3A_22] : memref<24x128x128xf32, #tpu.memory_space<hbm>> -> memref<1x128x128xf32, #tpu.memory_space<hbm>>
        %dma_start3A_24 = tpu.memref_squeeze %dma_start3A_23 : memref<1x128x128xf32, #tpu.memory_space<hbm>> -> memref<128x128xf32, #tpu.memory_space<hbm>>
        tpu.enqueue_dma source(%dma_start3A_24 : memref<128x128xf32, #tpu.memory_space<hbm>>) target(%arg8 : memref<128x128xf32, #tpu.memory_space<vmem>>) target_semaphore(%run_scoped3A : memref<!tpu.dma_semaphore, #tpu.memory_space<semaphore_mem>>)
        %dma_wait3A_25 = arith.constant 0 : i32
        %dma_wait3A_26 = arith.constant 0 : i32
        %dma_wait3A_27 = tpu.memref_slice %arg4[%add3A, %dma_wait3A_25, %dma_wait3A_26] : memref<24x128x128xf32, #tpu.memory_space<hbm>> -> memref<1x128x128xf32, #tpu.memory_space<hbm>>
        %dma_wait3A_28 = tpu.memref_squeeze %dma_wait3A_27 : memref<1x128x128xf32, #tpu.memory_space<hbm>> -> memref<128x128xf32, #tpu.memory_space<hbm>>
        %dma_wait3A_29 = arith.constant 0 : i32
        %dma_wait3A_30 = arith.constant 0 : i32
        %dma_wait3A_31 = tpu.memref_slice %arg4[%add3A, %dma_wait3A_29, %dma_wait3A_30] : memref<24x128x128xf32, #tpu.memory_space<hbm>> -> memref<1x128x128xf32, #tpu.memory_space<hbm>>
        %dma_wait3A_32 = tpu.memref_squeeze %dma_wait3A_31 : memref<1x128x128xf32, #tpu.memory_space<hbm>> -> memref<128x128xf32, #tpu.memory_space<hbm>>
        tpu.wait_dma2 semaphore(%run_scoped3A : memref<!tpu.dma_semaphore, #tpu.memory_space<semaphore_mem>>) src(%dma_wait3A_32 : memref<128x128xf32, #tpu.memory_space<hbm>>) dst(%arg8 : memref<128x128xf32, #tpu.memory_space<vmem>>)
        tpu.yield
      }) : () -> ()
      "tpu.region"() ({
        %run_scoped3A = tpu.sem_alloc : memref<!tpu.dma_semaphore, #tpu.memory_space<semaphore_mem>>
        %dma_start3A_17 = arith.constant 0 : i32
        %dma_start3A_18 = arith.constant 0 : i32
        %dma_start3A_19 = tpu.memref_slice %arg5[%add3A, %dma_start3A_17, %dma_start3A_18] : memref<24x2048x128xf32, #tpu.memory_space<hbm>> -> memref<1x128x128xf32, #tpu.memory_space<hbm>>
        %dma_start3A_20 = tpu.memref_squeeze %dma_start3A_19 : memref<1x128x128xf32, #tpu.memory_space<hbm>> -> memref<128x128xf32, #tpu.memory_space<hbm>>
        %dma_start3A_21 = arith.constant 0 : i32
        %dma_start3A_22 = arith.constant 0 : i32
        %dma_start3A_23 = tpu.memref_slice %arg5[%add3A, %dma_start3A_21, %dma_start3A_22] : memref<24x2048x128xf32, #tpu.memory_space<hbm>> -> memref<1x128x128xf32, #tpu.memory_space<hbm>>
        %dma_start3A_24 = tpu.memref_squeeze %dma_start3A_23 : memref<1x128x128xf32, #tpu.memory_space<hbm>> -> memref<128x128xf32, #tpu.memory_space<hbm>>
        tpu.enqueue_dma source(%arg8 : memref<128x128xf32, #tpu.memory_space<vmem>>) target(%dma_start3A_24 : memref<128x128xf32, #tpu.memory_space<hbm>>) target_semaphore(%run_scoped3A : memref<!tpu.dma_semaphore, #tpu.memory_space<semaphore_mem>>)
        %dma_wait3A_25 = arith.constant 0 : i32
        %dma_wait3A_26 = arith.constant 0 : i32
        %dma_wait3A_27 = tpu.memref_slice %arg5[%add3A, %dma_wait3A_25, %dma_wait3A_26] : memref<24x2048x128xf32, #tpu.memory_space<hbm>> -> memref<1x128x128xf32, #tpu.memory_space<hbm>>
        %dma_wait3A_28 = tpu.memref_squeeze %dma_wait3A_27 : memref<1x128x128xf32, #tpu.memory_space<hbm>> -> memref<128x128xf32, #tpu.memory_space<hbm>>
        %dma_wait3A_29 = arith.constant 0 : i32
        %dma_wait3A_30 = arith.constant 0 : i32
        %dma_wait3A_31 = tpu.memref_slice %arg5[%add3A, %dma_wait3A_29, %dma_wait3A_30] : memref<24x2048x128xf32, #tpu.memory_space<hbm>> -> memref<1x128x128xf32, #tpu.memory_space<hbm>>
        %dma_wait3A_32 = tpu.memref_squeeze %dma_wait3A_31 : memref<1x128x128xf32, #tpu.memory_space<hbm>> -> memref<128x128xf32, #tpu.memory_space<hbm>>
        tpu.wait_dma2 semaphore(%run_scoped3A : memref<!tpu.dma_semaphore, #tpu.memory_space<semaphore_mem>>) src(%arg8 : memref<128x128xf32, #tpu.memory_space<vmem>>) dst(%dma_wait3A_32 : memref<128x128xf32, #tpu.memory_space<hbm>>)
        tpu.yield
      }) : () -> ()
      "tpu.region"() ({
        %run_scoped3A = tpu.sem_alloc : memref<!tpu.dma_semaphore, #tpu.memory_space<semaphore_mem>>
        %dma_start3A_17 = arith.constant 128 : i32
        %dma_start3A_18 = arith.constant 0 : i32
        %dma_start3A_19 = tpu.memref_slice %arg5[%add3A, %dma_start3A_17, %dma_start3A_18] : memref<24x2048x128xf32, #tpu.memory_space<hbm>> -> memref<1x128x128xf32, #tpu.memory_space<hbm>>
        %dma_start3A_20 = tpu.memref_squeeze %dma_start3A_19 : memref<1x128x128xf32, #tpu.memory_space<hbm>> -> memref<128x128xf32, #tpu.memory_space<hbm>>
        %dma_start3A_21 = arith.constant 128 : i32
        %dma_start3A_22 = arith.constant 0 : i32
        %dma_start3A_23 = tpu.memref_slice %arg5[%add3A, %dma_start3A_21, %dma_start3A_22] : memref<24x2048x128xf32, #tpu.memory_space<hbm>> -> memref<1x128x128xf32, #tpu.memory_space<hbm>>
        %dma_start3A_24 = tpu.memref_squeeze %dma_start3A_23 : memref<1x128x128xf32, #tpu.memory_space<hbm>> -> memref<128x128xf32, #tpu.memory_space<hbm>>
        tpu.enqueue_dma source(%arg8 : memref<128x128xf32, #tpu.memory_space<vmem>>) target(%dma_start3A_24 : memref<128x128xf32, #tpu.memory_space<hbm>>) target_semaphore(%run_scoped3A : memref<!tpu.dma_semaphore, #tpu.memory_space<semaphore_mem>>)
        %dma_wait3A_25 = arith.constant 128 : i32
        %dma_wait3A_26 = arith.constant 0 : i32
        %dma_wait3A_27 = tpu.memref_slice %arg5[%add3A, %dma_wait3A_25, %dma_wait3A_26] : memref<24x2048x128xf32, #tpu.memory_space<hbm>> -> memref<1x128x128xf32, #tpu.memory_space<hbm>>
        %dma_wait3A_28 = tpu.memref_squeeze %dma_wait3A_27 : memref<1x128x128xf32, #tpu.memory_space<hbm>> -> memref<128x128xf32, #tpu.memory_space<hbm>>
        %dma_wait3A_29 = arith.constant 128 : i32
        %dma_wait3A_30 = arith.constant 0 : i32
        %dma_wait3A_31 = tpu.memref_slice %arg5[%add3A, %dma_wait3A_29, %dma_wait3A_30] : memref<24x2048x128xf32, #tpu.memory_space<hbm>> -> memref<1x128x128xf32, #tpu.memory_space<hbm>>
        %dma_wait3A_32 = tpu.memref_squeeze %dma_wait3A_31 : memref<1x128x128xf32, #tpu.memory_space<hbm>> -> memref<128x128xf32, #tpu.memory_space<hbm>>
        tpu.wait_dma2 semaphore(%run_scoped3A : memref<!tpu.dma_semaphore, #tpu.memory_space<semaphore_mem>>) src(%arg8 : memref<128x128xf32, #tpu.memory_space<vmem>>) dst(%dma_wait3A_32 : memref<128x128xf32, #tpu.memory_space<hbm>>)
        tpu.yield
      }) : () -> ()
      "tpu.region"() ({
        %run_scoped3A = tpu.sem_alloc : memref<!tpu.dma_semaphore, #tpu.memory_space<semaphore_mem>>
        %dma_start3A_17 = arith.constant 256 : i32
        %dma_start3A_18 = arith.constant 0 : i32
        %dma_start3A_19 = tpu.memref_slice %arg5[%add3A, %dma_start3A_17, %dma_start3A_18] : memref<24x2048x128xf32, #tpu.memory_space<hbm>> -> memref<1x128x128xf32, #tpu.memory_space<hbm>>
        %dma_start3A_20 = tpu.memref_squeeze %dma_start3A_19 : memref<1x128x128xf32, #tpu.memory_space<hbm>> -> memref<128x128xf32, #tpu.memory_space<hbm>>
        %dma_start3A_21 = arith.constant 256 : i32
        %dma_start3A_22 = arith.constant 0 : i32
        %dma_start3A_23 = tpu.memref_slice %arg5[%add3A, %dma_start3A_21, %dma_start3A_22] : memref<24x2048x128xf32, #tpu.memory_space<hbm>> -> memref<1x128x128xf32, #tpu.memory_space<hbm>>
        %dma_start3A_24 = tpu.memref_squeeze %dma_start3A_23 : memref<1x128x128xf32, #tpu.memory_space<hbm>> -> memref<128x128xf32, #tpu.memory_space<hbm>>
        tpu.enqueue_dma source(%arg8 : memref<128x128xf32, #tpu.memory_space<vmem>>) target(%dma_start3A_24 : memref<128x128xf32, #tpu.memory_space<hbm>>) target_semaphore(%run_scoped3A : memref<!tpu.dma_semaphore, #tpu.memory_space<semaphore_mem>>)
        %dma_wait3A_25 = arith.constant 256 : i32
        %dma_wait3A_26 = arith.constant 0 : i32
        %dma_wait3A_27 = tpu.memref_slice %arg5[%add3A, %dma_wait3A_25, %dma_wait3A_26] : memref<24x2048x128xf32, #tpu.memory_space<hbm>> -> memref<1x128x128xf32, #tpu.memory_space<hbm>>
        %dma_wait3A_28 = tpu.memref_squeeze %dma_wait3A_27 : memref<1x128x128xf32, #tpu.memory_space<hbm>> -> memref<128x128xf32, #tpu.memory_space<hbm>>
        %dma_wait3A_29 = arith.constant 256 : i32
        %dma_wait3A_30 = arith.constant 0 : i32
        %dma_wait3A_31 = tpu.memref_slice %arg5[%add3A, %dma_wait3A_29, %dma_wait3A_30] : memref<24x2048x128xf32, #tpu.memory_space<hbm>> -> memref<1x128x128xf32, #tpu.memory_space<hbm>>
        %dma_wait3A_32 = tpu.memref_squeeze %dma_wait3A_31 : memref<1x128x128xf32, #tpu.memory_space<hbm>> -> memref<128x128xf32, #tpu.memory_space<hbm>>
        tpu.wait_dma2 semaphore(%run_scoped3A : memref<!tpu.dma_semaphore, #tpu.memory_space<semaphore_mem>>) src(%arg8 : memref<128x128xf32, #tpu.memory_space<vmem>>) dst(%dma_wait3A_32 : memref<128x128xf32, #tpu.memory_space<hbm>>)
        tpu.yield
      }) : () -> ()
      "tpu.region"() ({
        %run_scoped3A = tpu.sem_alloc : memref<!tpu.dma_semaphore, #tpu.memory_space<semaphore_mem>>
        %dma_start3A_17 = arith.constant 384 : i32
        %dma_start3A_18 = arith.constant 0 : i32
        %dma_start3A_19 = tpu.memref_slice %arg5[%add3A, %dma_start3A_17, %dma_start3A_18] : memref<24x2048x128xf32, #tpu.memory_space<hbm>> -> memref<1x128x128xf32, #tpu.memory_space<hbm>>
        %dma_start3A_20 = tpu.memref_squeeze %dma_start3A_19 : memref<1x128x128xf32, #tpu.memory_space<hbm>> -> memref<128x128xf32, #tpu.memory_space<hbm>>
        %dma_start3A_21 = arith.constant 384 : i32
        %dma_start3A_22 = arith.constant 0 : i32
        %dma_start3A_23 = tpu.memref_slice %arg5[%add3A, %dma_start3A_21, %dma_start3A_22] : memref<24x2048x128xf32, #tpu.memory_space<hbm>> -> memref<1x128x128xf32, #tpu.memory_space<hbm>>
        %dma_start3A_24 = tpu.memref_squeeze %dma_start3A_23 : memref<1x128x128xf32, #tpu.memory_space<hbm>> -> memref<128x128xf32, #tpu.memory_space<hbm>>
        tpu.enqueue_dma source(%arg8 : memref<128x128xf32, #tpu.memory_space<vmem>>) target(%dma_start3A_24 : memref<128x128xf32, #tpu.memory_space<hbm>>) target_semaphore(%run_scoped3A : memref<!tpu.dma_semaphore, #tpu.memory_space<semaphore_mem>>)
        %dma_wait3A_25 = arith.constant 384 : i32
        %dma_wait3A_26 = arith.constant 0 : i32
        %dma_wait3A_27 = tpu.memref_slice %arg5[%add3A, %dma_wait3A_25, %dma_wait3A_26] : memref<24x2048x128xf32, #tpu.memory_space<hbm>> -> memref<1x128x128xf32, #tpu.memory_space<hbm>>
        %dma_wait3A_28 = tpu.memref_squeeze %dma_wait3A_27 : memref<1x128x128xf32, #tpu.memory_space<hbm>> -> memref<128x128xf32, #tpu.memory_space<hbm>>
        %dma_wait3A_29 = arith.constant 384 : i32
        %dma_wait3A_30 = arith.constant 0 : i32
        %dma_wait3A_31 = tpu.memref_slice %arg5[%add3A, %dma_wait3A_29, %dma_wait3A_30] : memref<24x2048x128xf32, #tpu.memory_space<hbm>> -> memref<1x128x128xf32, #tpu.memory_space<hbm>>
        %dma_wait3A_32 = tpu.memref_squeeze %dma_wait3A_31 : memref<1x128x128xf32, #tpu.memory_space<hbm>> -> memref<128x128xf32, #tpu.memory_space<hbm>>
        tpu.wait_dma2 semaphore(%run_scoped3A : memref<!tpu.dma_semaphore, #tpu.memory_space<semaphore_mem>>) src(%arg8 : memref<128x128xf32, #tpu.memory_space<vmem>>) dst(%dma_wait3A_32 : memref<128x128xf32, #tpu.memory_space<hbm>>)
        tpu.yield
      }) : () -> ()
      "tpu.region"() ({
        %run_scoped3A = tpu.sem_alloc : memref<!tpu.dma_semaphore, #tpu.memory_space<semaphore_mem>>
        %dma_start3A_17 = arith.constant 512 : i32
        %dma_start3A_18 = arith.constant 0 : i32
        %dma_start3A_19 = tpu.memref_slice %arg5[%add3A, %dma_start3A_17, %dma_start3A_18] : memref<24x2048x128xf32, #tpu.memory_space<hbm>> -> memref<1x128x128xf32, #tpu.memory_space<hbm>>
        %dma_start3A_20 = tpu.memref_squeeze %dma_start3A_19 : memref<1x128x128xf32, #tpu.memory_space<hbm>> -> memref<128x128xf32, #tpu.memory_space<hbm>>
        %dma_start3A_21 = arith.constant 512 : i32
        %dma_start3A_22 = arith.constant 0 : i32
        %dma_start3A_23 = tpu.memref_slice %arg5[%add3A, %dma_start3A_21, %dma_start3A_22] : memref<24x2048x128xf32, #tpu.memory_space<hbm>> -> memref<1x128x128xf32, #tpu.memory_space<hbm>>
        %dma_start3A_24 = tpu.memref_squeeze %dma_start3A_23 : memref<1x128x128xf32, #tpu.memory_space<hbm>> -> memref<128x128xf32, #tpu.memory_space<hbm>>
        tpu.enqueue_dma source(%arg8 : memref<128x128xf32, #tpu.memory_space<vmem>>) target(%dma_start3A_24 : memref<128x128xf32, #tpu.memory_space<hbm>>) target_semaphore(%run_scoped3A : memref<!tpu.dma_semaphore, #tpu.memory_space<semaphore_mem>>)
        %dma_wait3A_25 = arith.constant 512 : i32
        %dma_wait3A_26 = arith.constant 0 : i32
        %dma_wait3A_27 = tpu.memref_slice %arg5[%add3A, %dma_wait3A_25, %dma_wait3A_26] : memref<24x2048x128xf32, #tpu.memory_space<hbm>> -> memref<1x128x128xf32, #tpu.memory_space<hbm>>
        %dma_wait3A_28 = tpu.memref_squeeze %dma_wait3A_27 : memref<1x128x128xf32, #tpu.memory_space<hbm>> -> memref<128x128xf32, #tpu.memory_space<hbm>>
        %dma_wait3A_29 = arith.constant 512 : i32
        %dma_wait3A_30 = arith.constant 0 : i32
        %dma_wait3A_31 = tpu.memref_slice %arg5[%add3A, %dma_wait3A_29, %dma_wait3A_30] : memref<24x2048x128xf32, #tpu.memory_space<hbm>> -> memref<1x128x128xf32, #tpu.memory_space<hbm>>
        %dma_wait3A_32 = tpu.memref_squeeze %dma_wait3A_31 : memref<1x128x128xf32, #tpu.memory_space<hbm>> -> memref<128x128xf32, #tpu.memory_space<hbm>>
        tpu.wait_dma2 semaphore(%run_scoped3A : memref<!tpu.dma_semaphore, #tpu.memory_space<semaphore_mem>>) src(%arg8 : memref<128x128xf32, #tpu.memory_space<vmem>>) dst(%dma_wait3A_32 : memref<128x128xf32, #tpu.memory_space<hbm>>)
        tpu.yield
      }) : () -> ()
      "tpu.region"() ({
        %run_scoped3A = tpu.sem_alloc : memref<!tpu.dma_semaphore, #tpu.memory_space<semaphore_mem>>
        %dma_start3A_17 = arith.constant 640 : i32
        %dma_start3A_18 = arith.constant 0 : i32
        %dma_start3A_19 = tpu.memref_slice %arg5[%add3A, %dma_start3A_17, %dma_start3A_18] : memref<24x2048x128xf32, #tpu.memory_space<hbm>> -> memref<1x128x128xf32, #tpu.memory_space<hbm>>
        %dma_start3A_20 = tpu.memref_squeeze %dma_start3A_19 : memref<1x128x128xf32, #tpu.memory_space<hbm>> -> memref<128x128xf32, #tpu.memory_space<hbm>>
        %dma_start3A_21 = arith.constant 640 : i32
        %dma_start3A_22 = arith.constant 0 : i32
        %dma_start3A_23 = tpu.memref_slice %arg5[%add3A, %dma_start3A_21, %dma_start3A_22] : memref<24x2048x128xf32, #tpu.memory_space<hbm>> -> memref<1x128x128xf32, #tpu.memory_space<hbm>>
        %dma_start3A_24 = tpu.memref_squeeze %dma_start3A_23 : memref<1x128x128xf32, #tpu.memory_space<hbm>> -> memref<128x128xf32, #tpu.memory_space<hbm>>
        tpu.enqueue_dma source(%arg8 : memref<128x128xf32, #tpu.memory_space<vmem>>) target(%dma_start3A_24 : memref<128x128xf32, #tpu.memory_space<hbm>>) target_semaphore(%run_scoped3A : memref<!tpu.dma_semaphore, #tpu.memory_space<semaphore_mem>>)
        %dma_wait3A_25 = arith.constant 640 : i32
        %dma_wait3A_26 = arith.constant 0 : i32
        %dma_wait3A_27 = tpu.memref_slice %arg5[%add3A, %dma_wait3A_25, %dma_wait3A_26] : memref<24x2048x128xf32, #tpu.memory_space<hbm>> -> memref<1x128x128xf32, #tpu.memory_space<hbm>>
        %dma_wait3A_28 = tpu.memref_squeeze %dma_wait3A_27 : memref<1x128x128xf32, #tpu.memory_space<hbm>> -> memref<128x128xf32, #tpu.memory_space<hbm>>
        %dma_wait3A_29 = arith.constant 640 : i32
        %dma_wait3A_30 = arith.constant 0 : i32
        %dma_wait3A_31 = tpu.memref_slice %arg5[%add3A, %dma_wait3A_29, %dma_wait3A_30] : memref<24x2048x128xf32, #tpu.memory_space<hbm>> -> memref<1x128x128xf32, #tpu.memory_space<hbm>>
        %dma_wait3A_32 = tpu.memref_squeeze %dma_wait3A_31 : memref<1x128x128xf32, #tpu.memory_space<hbm>> -> memref<128x128xf32, #tpu.memory_space<hbm>>
        tpu.wait_dma2 semaphore(%run_scoped3A : memref<!tpu.dma_semaphore, #tpu.memory_space<semaphore_mem>>) src(%arg8 : memref<128x128xf32, #tpu.memory_space<vmem>>) dst(%dma_wait3A_32 : memref<128x128xf32, #tpu.memory_space<hbm>>)
        tpu.yield
      }) : () -> ()
      "tpu.region"() ({
        %run_scoped3A = tpu.sem_alloc : memref<!tpu.dma_semaphore, #tpu.memory_space<semaphore_mem>>
        %dma_start3A_17 = arith.constant 768 : i32
        %dma_start3A_18 = arith.constant 0 : i32
        %dma_start3A_19 = tpu.memref_slice %arg5[%add3A, %dma_start3A_17, %dma_start3A_18] : memref<24x2048x128xf32, #tpu.memory_space<hbm>> -> memref<1x128x128xf32, #tpu.memory_space<hbm>>
        %dma_start3A_20 = tpu.memref_squeeze %dma_start3A_19 : memref<1x128x128xf32, #tpu.memory_space<hbm>> -> memref<128x128xf32, #tpu.memory_space<hbm>>
        %dma_start3A_21 = arith.constant 768 : i32
        %dma_start3A_22 = arith.constant 0 : i32
        %dma_start3A_23 = tpu.memref_slice %arg5[%add3A, %dma_start3A_21, %dma_start3A_22] : memref<24x2048x128xf32, #tpu.memory_space<hbm>> -> memref<1x128x128xf32, #tpu.memory_space<hbm>>
        %dma_start3A_24 = tpu.memref_squeeze %dma_start3A_23 : memref<1x128x128xf32, #tpu.memory_space<hbm>> -> memref<128x128xf32, #tpu.memory_space<hbm>>
        tpu.enqueue_dma source(%arg8 : memref<128x128xf32, #tpu.memory_space<vmem>>) target(%dma_start3A_24 : memref<128x128xf32, #tpu.memory_space<hbm>>) target_semaphore(%run_scoped3A : memref<!tpu.dma_semaphore, #tpu.memory_space<semaphore_mem>>)
        %dma_wait3A_25 = arith.constant 768 : i32
        %dma_wait3A_26 = arith.constant 0 : i32
        %dma_wait3A_27 = tpu.memref_slice %arg5[%add3A, %dma_wait3A_25, %dma_wait3A_26] : memref<24x2048x128xf32, #tpu.memory_space<hbm>> -> memref<1x128x128xf32, #tpu.memory_space<hbm>>
        %dma_wait3A_28 = tpu.memref_squeeze %dma_wait3A_27 : memref<1x128x128xf32, #tpu.memory_space<hbm>> -> memref<128x128xf32, #tpu.memory_space<hbm>>
        %dma_wait3A_29 = arith.constant 768 : i32
        %dma_wait3A_30 = arith.constant 0 : i32
        %dma_wait3A_31 = tpu.memref_slice %arg5[%add3A, %dma_wait3A_29, %dma_wait3A_30] : memref<24x2048x128xf32, #tpu.memory_space<hbm>> -> memref<1x128x128xf32, #tpu.memory_space<hbm>>
        %dma_wait3A_32 = tpu.memref_squeeze %dma_wait3A_31 : memref<1x128x128xf32, #tpu.memory_space<hbm>> -> memref<128x128xf32, #tpu.memory_space<hbm>>
        tpu.wait_dma2 semaphore(%run_scoped3A : memref<!tpu.dma_semaphore, #tpu.memory_space<semaphore_mem>>) src(%arg8 : memref<128x128xf32, #tpu.memory_space<vmem>>) dst(%dma_wait3A_32 : memref<128x128xf32, #tpu.memory_space<hbm>>)
        tpu.yield
      }) : () -> ()
      "tpu.region"() ({
        %run_scoped3A = tpu.sem_alloc : memref<!tpu.dma_semaphore, #tpu.memory_space<semaphore_mem>>
        %dma_start3A_17 = arith.constant 896 : i32
        %dma_start3A_18 = arith.constant 0 : i32
        %dma_start3A_19 = tpu.memref_slice %arg5[%add3A, %dma_start3A_17, %dma_start3A_18] : memref<24x2048x128xf32, #tpu.memory_space<hbm>> -> memref<1x128x128xf32, #tpu.memory_space<hbm>>
        %dma_start3A_20 = tpu.memref_squeeze %dma_start3A_19 : memref<1x128x128xf32, #tpu.memory_space<hbm>> -> memref<128x128xf32, #tpu.memory_space<hbm>>
        %dma_start3A_21 = arith.constant 896 : i32
        %dma_start3A_22 = arith.constant 0 : i32
        %dma_start3A_23 = tpu.memref_slice %arg5[%add3A, %dma_start3A_21, %dma_start3A_22] : memref<24x2048x128xf32, #tpu.memory_space<hbm>> -> memref<1x128x128xf32, #tpu.memory_space<hbm>>
        %dma_start3A_24 = tpu.memref_squeeze %dma_start3A_23 : memref<1x128x128xf32, #tpu.memory_space<hbm>> -> memref<128x128xf32, #tpu.memory_space<hbm>>
        tpu.enqueue_dma source(%arg8 : memref<128x128xf32, #tpu.memory_space<vmem>>) target(%dma_start3A_24 : memref<128x128xf32, #tpu.memory_space<hbm>>) target_semaphore(%run_scoped3A : memref<!tpu.dma_semaphore, #tpu.memory_space<semaphore_mem>>)
        %dma_wait3A_25 = arith.constant 896 : i32
        %dma_wait3A_26 = arith.constant 0 : i32
        %dma_wait3A_27 = tpu.memref_slice %arg5[%add3A, %dma_wait3A_25, %dma_wait3A_26] : memref<24x2048x128xf32, #tpu.memory_space<hbm>> -> memref<1x128x128xf32, #tpu.memory_space<hbm>>
        %dma_wait3A_28 = tpu.memref_squeeze %dma_wait3A_27 : memref<1x128x128xf32, #tpu.memory_space<hbm>> -> memref<128x128xf32, #tpu.memory_space<hbm>>
        %dma_wait3A_29 = arith.constant 896 : i32
        %dma_wait3A_30 = arith.constant 0 : i32
        %dma_wait3A_31 = tpu.memref_slice %arg5[%add3A, %dma_wait3A_29, %dma_wait3A_30] : memref<24x2048x128xf32, #tpu.memory_space<hbm>> -> memref<1x128x128xf32, #tpu.memory_space<hbm>>
        %dma_wait3A_32 = tpu.memref_squeeze %dma_wait3A_31 : memref<1x128x128xf32, #tpu.memory_space<hbm>> -> memref<128x128xf32, #tpu.memory_space<hbm>>
        tpu.wait_dma2 semaphore(%run_scoped3A : memref<!tpu.dma_semaphore, #tpu.memory_space<semaphore_mem>>) src(%arg8 : memref<128x128xf32, #tpu.memory_space<vmem>>) dst(%dma_wait3A_32 : memref<128x128xf32, #tpu.memory_space<hbm>>)
        tpu.yield
      }) : () -> ()
      "tpu.region"() ({
        %run_scoped3A = tpu.sem_alloc : memref<!tpu.dma_semaphore, #tpu.memory_space<semaphore_mem>>
        %dma_start3A_17 = arith.constant 1024 : i32
        %dma_start3A_18 = arith.constant 0 : i32
        %dma_start3A_19 = tpu.memref_slice %arg5[%add3A, %dma_start3A_17, %dma_start3A_18] : memref<24x2048x128xf32, #tpu.memory_space<hbm>> -> memref<1x128x128xf32, #tpu.memory_space<hbm>>
        %dma_start3A_20 = tpu.memref_squeeze %dma_start3A_19 : memref<1x128x128xf32, #tpu.memory_space<hbm>> -> memref<128x128xf32, #tpu.memory_space<hbm>>
        %dma_start3A_21 = arith.constant 1024 : i32
        %dma_start3A_22 = arith.constant 0 : i32
        %dma_start3A_23 = tpu.memref_slice %arg5[%add3A, %dma_start3A_21, %dma_start3A_22] : memref<24x2048x128xf32, #tpu.memory_space<hbm>> -> memref<1x128x128xf32, #tpu.memory_space<hbm>>
        %dma_start3A_24 = tpu.memref_squeeze %dma_start3A_23 : memref<1x128x128xf32, #tpu.memory_space<hbm>> -> memref<128x128xf32, #tpu.memory_space<hbm>>
        tpu.enqueue_dma source(%arg8 : memref<128x128xf32, #tpu.memory_space<vmem>>) target(%dma_start3A_24 : memref<128x128xf32, #tpu.memory_space<hbm>>) target_semaphore(%run_scoped3A : memref<!tpu.dma_semaphore, #tpu.memory_space<semaphore_mem>>)
        %dma_wait3A_25 = arith.constant 1024 : i32
        %dma_wait3A_26 = arith.constant 0 : i32
        %dma_wait3A_27 = tpu.memref_slice %arg5[%add3A, %dma_wait3A_25, %dma_wait3A_26] : memref<24x2048x128xf32, #tpu.memory_space<hbm>> -> memref<1x128x128xf32, #tpu.memory_space<hbm>>
        %dma_wait3A_28 = tpu.memref_squeeze %dma_wait3A_27 : memref<1x128x128xf32, #tpu.memory_space<hbm>> -> memref<128x128xf32, #tpu.memory_space<hbm>>
        %dma_wait3A_29 = arith.constant 1024 : i32
        %dma_wait3A_30 = arith.constant 0 : i32
        %dma_wait3A_31 = tpu.memref_slice %arg5[%add3A, %dma_wait3A_29, %dma_wait3A_30] : memref<24x2048x128xf32, #tpu.memory_space<hbm>> -> memref<1x128x128xf32, #tpu.memory_space<hbm>>
        %dma_wait3A_32 = tpu.memref_squeeze %dma_wait3A_31 : memref<1x128x128xf32, #tpu.memory_space<hbm>> -> memref<128x128xf32, #tpu.memory_space<hbm>>
        tpu.wait_dma2 semaphore(%run_scoped3A : memref<!tpu.dma_semaphore, #tpu.memory_space<semaphore_mem>>) src(%arg8 : memref<128x128xf32, #tpu.memory_space<vmem>>) dst(%dma_wait3A_32 : memref<128x128xf32, #tpu.memory_space<hbm>>)
        tpu.yield
      }) : () -> ()
      "tpu.region"() ({
        %run_scoped3A = tpu.sem_alloc : memref<!tpu.dma_semaphore, #tpu.memory_space<semaphore_mem>>
        %dma_start3A_17 = arith.constant 1152 : i32
        %dma_start3A_18 = arith.constant 0 : i32
        %dma_start3A_19 = tpu.memref_slice %arg5[%add3A, %dma_start3A_17, %dma_start3A_18] : memref<24x2048x128xf32, #tpu.memory_space<hbm>> -> memref<1x128x128xf32, #tpu.memory_space<hbm>>
        %dma_start3A_20 = tpu.memref_squeeze %dma_start3A_19 : memref<1x128x128xf32, #tpu.memory_space<hbm>> -> memref<128x128xf32, #tpu.memory_space<hbm>>
        %dma_start3A_21 = arith.constant 1152 : i32
        %dma_start3A_22 = arith.constant 0 : i32
        %dma_start3A_23 = tpu.memref_slice %arg5[%add3A, %dma_start3A_21, %dma_start3A_22] : memref<24x2048x128xf32, #tpu.memory_space<hbm>> -> memref<1x128x128xf32, #tpu.memory_space<hbm>>
        %dma_start3A_24 = tpu.memref_squeeze %dma_start3A_23 : memref<1x128x128xf32, #tpu.memory_space<hbm>> -> memref<128x128xf32, #tpu.memory_space<hbm>>
        tpu.enqueue_dma source(%arg8 : memref<128x128xf32, #tpu.memory_space<vmem>>) target(%dma_start3A_24 : memref<128x128xf32, #tpu.memory_space<hbm>>) target_semaphore(%run_scoped3A : memref<!tpu.dma_semaphore, #tpu.memory_space<semaphore_mem>>)
        %dma_wait3A_25 = arith.constant 1152 : i32
        %dma_wait3A_26 = arith.constant 0 : i32
        %dma_wait3A_27 = tpu.memref_slice %arg5[%add3A, %dma_wait3A_25, %dma_wait3A_26] : memref<24x2048x128xf32, #tpu.memory_space<hbm>> -> memref<1x128x128xf32, #tpu.memory_space<hbm>>
        %dma_wait3A_28 = tpu.memref_squeeze %dma_wait3A_27 : memref<1x128x128xf32, #tpu.memory_space<hbm>> -> memref<128x128xf32, #tpu.memory_space<hbm>>
        %dma_wait3A_29 = arith.constant 1152 : i32
        %dma_wait3A_30 = arith.constant 0 : i32
        %dma_wait3A_31 = tpu.memref_slice %arg5[%add3A, %dma_wait3A_29, %dma_wait3A_30] : memref<24x2048x128xf32, #tpu.memory_space<hbm>> -> memref<1x128x128xf32, #tpu.memory_space<hbm>>
        %dma_wait3A_32 = tpu.memref_squeeze %dma_wait3A_31 : memref<1x128x128xf32, #tpu.memory_space<hbm>> -> memref<128x128xf32, #tpu.memory_space<hbm>>
        tpu.wait_dma2 semaphore(%run_scoped3A : memref<!tpu.dma_semaphore, #tpu.memory_space<semaphore_mem>>) src(%arg8 : memref<128x128xf32, #tpu.memory_space<vmem>>) dst(%dma_wait3A_32 : memref<128x128xf32, #tpu.memory_space<hbm>>)
        tpu.yield
      }) : () -> ()
      "tpu.region"() ({
        %run_scoped3A = tpu.sem_alloc : memref<!tpu.dma_semaphore, #tpu.memory_space<semaphore_mem>>
        %dma_start3A_17 = arith.constant 1280 : i32
        %dma_start3A_18 = arith.constant 0 : i32
        %dma_start3A_19 = tpu.memref_slice %arg5[%add3A, %dma_start3A_17, %dma_start3A_18] : memref<24x2048x128xf32, #tpu.memory_space<hbm>> -> memref<1x128x128xf32, #tpu.memory_space<hbm>>
        %dma_start3A_20 = tpu.memref_squeeze %dma_start3A_19 : memref<1x128x128xf32, #tpu.memory_space<hbm>> -> memref<128x128xf32, #tpu.memory_space<hbm>>
        %dma_start3A_21 = arith.constant 1280 : i32
        %dma_start3A_22 = arith.constant 0 : i32
        %dma_start3A_23 = tpu.memref_slice %arg5[%add3A, %dma_start3A_21, %dma_start3A_22] : memref<24x2048x128xf32, #tpu.memory_space<hbm>> -> memref<1x128x128xf32, #tpu.memory_space<hbm>>
        %dma_start3A_24 = tpu.memref_squeeze %dma_start3A_23 : memref<1x128x128xf32, #tpu.memory_space<hbm>> -> memref<128x128xf32, #tpu.memory_space<hbm>>
        tpu.enqueue_dma source(%arg8 : memref<128x128xf32, #tpu.memory_space<vmem>>) target(%dma_start3A_24 : memref<128x128xf32, #tpu.memory_space<hbm>>) target_semaphore(%run_scoped3A : memref<!tpu.dma_semaphore, #tpu.memory_space<semaphore_mem>>)
        %dma_wait3A_25 = arith.constant 1280 : i32
        %dma_wait3A_26 = arith.constant 0 : i32
        %dma_wait3A_27 = tpu.memref_slice %arg5[%add3A, %dma_wait3A_25, %dma_wait3A_26] : memref<24x2048x128xf32, #tpu.memory_space<hbm>> -> memref<1x128x128xf32, #tpu.memory_space<hbm>>
        %dma_wait3A_28 = tpu.memref_squeeze %dma_wait3A_27 : memref<1x128x128xf32, #tpu.memory_space<hbm>> -> memref<128x128xf32, #tpu.memory_space<hbm>>
        %dma_wait3A_29 = arith.constant 1280 : i32
        %dma_wait3A_30 = arith.constant 0 : i32
        %dma_wait3A_31 = tpu.memref_slice %arg5[%add3A, %dma_wait3A_29, %dma_wait3A_30] : memref<24x2048x128xf32, #tpu.memory_space<hbm>> -> memref<1x128x128xf32, #tpu.memory_space<hbm>>
        %dma_wait3A_32 = tpu.memref_squeeze %dma_wait3A_31 : memref<1x128x128xf32, #tpu.memory_space<hbm>> -> memref<128x128xf32, #tpu.memory_space<hbm>>
        tpu.wait_dma2 semaphore(%run_scoped3A : memref<!tpu.dma_semaphore, #tpu.memory_space<semaphore_mem>>) src(%arg8 : memref<128x128xf32, #tpu.memory_space<vmem>>) dst(%dma_wait3A_32 : memref<128x128xf32, #tpu.memory_space<hbm>>)
        tpu.yield
      }) : () -> ()
      "tpu.region"() ({
        %run_scoped3A = tpu.sem_alloc : memref<!tpu.dma_semaphore, #tpu.memory_space<semaphore_mem>>
        %dma_start3A_17 = arith.constant 1408 : i32
        %dma_start3A_18 = arith.constant 0 : i32
        %dma_start3A_19 = tpu.memref_slice %arg5[%add3A, %dma_start3A_17, %dma_start3A_18] : memref<24x2048x128xf32, #tpu.memory_space<hbm>> -> memref<1x128x128xf32, #tpu.memory_space<hbm>>
        %dma_start3A_20 = tpu.memref_squeeze %dma_start3A_19 : memref<1x128x128xf32, #tpu.memory_space<hbm>> -> memref<128x128xf32, #tpu.memory_space<hbm>>
        %dma_start3A_21 = arith.constant 1408 : i32
        %dma_start3A_22 = arith.constant 0 : i32
        %dma_start3A_23 = tpu.memref_slice %arg5[%add3A, %dma_start3A_21, %dma_start3A_22] : memref<24x2048x128xf32, #tpu.memory_space<hbm>> -> memref<1x128x128xf32, #tpu.memory_space<hbm>>
        %dma_start3A_24 = tpu.memref_squeeze %dma_start3A_23 : memref<1x128x128xf32, #tpu.memory_space<hbm>> -> memref<128x128xf32, #tpu.memory_space<hbm>>
        tpu.enqueue_dma source(%arg8 : memref<128x128xf32, #tpu.memory_space<vmem>>) target(%dma_start3A_24 : memref<128x128xf32, #tpu.memory_space<hbm>>) target_semaphore(%run_scoped3A : memref<!tpu.dma_semaphore, #tpu.memory_space<semaphore_mem>>)
        %dma_wait3A_25 = arith.constant 1408 : i32
        %dma_wait3A_26 = arith.constant 0 : i32
        %dma_wait3A_27 = tpu.memref_slice %arg5[%add3A, %dma_wait3A_25, %dma_wait3A_26] : memref<24x2048x128xf32, #tpu.memory_space<hbm>> -> memref<1x128x128xf32, #tpu.memory_space<hbm>>
        %dma_wait3A_28 = tpu.memref_squeeze %dma_wait3A_27 : memref<1x128x128xf32, #tpu.memory_space<hbm>> -> memref<128x128xf32, #tpu.memory_space<hbm>>
        %dma_wait3A_29 = arith.constant 1408 : i32
        %dma_wait3A_30 = arith.constant 0 : i32
        %dma_wait3A_31 = tpu.memref_slice %arg5[%add3A, %dma_wait3A_29, %dma_wait3A_30] : memref<24x2048x128xf32, #tpu.memory_space<hbm>> -> memref<1x128x128xf32, #tpu.memory_space<hbm>>
        %dma_wait3A_32 = tpu.memref_squeeze %dma_wait3A_31 : memref<1x128x128xf32, #tpu.memory_space<hbm>> -> memref<128x128xf32, #tpu.memory_space<hbm>>
        tpu.wait_dma2 semaphore(%run_scoped3A : memref<!tpu.dma_semaphore, #tpu.memory_space<semaphore_mem>>) src(%arg8 : memref<128x128xf32, #tpu.memory_space<vmem>>) dst(%dma_wait3A_32 : memref<128x128xf32, #tpu.memory_space<hbm>>)
        tpu.yield
      }) : () -> ()
      "tpu.region"() ({
        %run_scoped3A = tpu.sem_alloc : memref<!tpu.dma_semaphore, #tpu.memory_space<semaphore_mem>>
        %dma_start3A_17 = arith.constant 1536 : i32
        %dma_start3A_18 = arith.constant 0 : i32
        %dma_start3A_19 = tpu.memref_slice %arg5[%add3A, %dma_start3A_17, %dma_start3A_18] : memref<24x2048x128xf32, #tpu.memory_space<hbm>> -> memref<1x128x128xf32, #tpu.memory_space<hbm>>
        %dma_start3A_20 = tpu.memref_squeeze %dma_start3A_19 : memref<1x128x128xf32, #tpu.memory_space<hbm>> -> memref<128x128xf32, #tpu.memory_space<hbm>>
        %dma_start3A_21 = arith.constant 1536 : i32
        %dma_start3A_22 = arith.constant 0 : i32
        %dma_start3A_23 = tpu.memref_slice %arg5[%add3A, %dma_start3A_21, %dma_start3A_22] : memref<24x2048x128xf32, #tpu.memory_space<hbm>> -> memref<1x128x128xf32, #tpu.memory_space<hbm>>
        %dma_start3A_24 = tpu.memref_squeeze %dma_start3A_23 : memref<1x128x128xf32, #tpu.memory_space<hbm>> -> memref<128x128xf32, #tpu.memory_space<hbm>>
        tpu.enqueue_dma source(%arg8 : memref<128x128xf32, #tpu.memory_space<vmem>>) target(%dma_start3A_24 : memref<128x128xf32, #tpu.memory_space<hbm>>) target_semaphore(%run_scoped3A : memref<!tpu.dma_semaphore, #tpu.memory_space<semaphore_mem>>)
        %dma_wait3A_25 = arith.constant 1536 : i32
        %dma_wait3A_26 = arith.constant 0 : i32
        %dma_wait3A_27 = tpu.memref_slice %arg5[%add3A, %dma_wait3A_25, %dma_wait3A_26] : memref<24x2048x128xf32, #tpu.memory_space<hbm>> -> memref<1x128x128xf32, #tpu.memory_space<hbm>>
        %dma_wait3A_28 = tpu.memref_squeeze %dma_wait3A_27 : memref<1x128x128xf32, #tpu.memory_space<hbm>> -> memref<128x128xf32, #tpu.memory_space<hbm>>
        %dma_wait3A_29 = arith.constant 1536 : i32
        %dma_wait3A_30 = arith.constant 0 : i32
        %dma_wait3A_31 = tpu.memref_slice %arg5[%add3A, %dma_wait3A_29, %dma_wait3A_30] : memref<24x2048x128xf32, #tpu.memory_space<hbm>> -> memref<1x128x128xf32, #tpu.memory_space<hbm>>
        %dma_wait3A_32 = tpu.memref_squeeze %dma_wait3A_31 : memref<1x128x128xf32, #tpu.memory_space<hbm>> -> memref<128x128xf32, #tpu.memory_space<hbm>>
        tpu.wait_dma2 semaphore(%run_scoped3A : memref<!tpu.dma_semaphore, #tpu.memory_space<semaphore_mem>>) src(%arg8 : memref<128x128xf32, #tpu.memory_space<vmem>>) dst(%dma_wait3A_32 : memref<128x128xf32, #tpu.memory_space<hbm>>)
        tpu.yield
      }) : () -> ()
      "tpu.region"() ({
        %run_scoped3A = tpu.sem_alloc : memref<!tpu.dma_semaphore, #tpu.memory_space<semaphore_mem>>
        %dma_start3A_17 = arith.constant 1664 : i32
        %dma_start3A_18 = arith.constant 0 : i32
        %dma_start3A_19 = tpu.memref_slice %arg5[%add3A, %dma_start3A_17, %dma_start3A_18] : memref<24x2048x128xf32, #tpu.memory_space<hbm>> -> memref<1x128x128xf32, #tpu.memory_space<hbm>>
        %dma_start3A_20 = tpu.memref_squeeze %dma_start3A_19 : memref<1x128x128xf32, #tpu.memory_space<hbm>> -> memref<128x128xf32, #tpu.memory_space<hbm>>
        %dma_start3A_21 = arith.constant 1664 : i32
        %dma_start3A_22 = arith.constant 0 : i32
        %dma_start3A_23 = tpu.memref_slice %arg5[%add3A, %dma_start3A_21, %dma_start3A_22] : memref<24x2048x128xf32, #tpu.memory_space<hbm>> -> memref<1x128x128xf32, #tpu.memory_space<hbm>>
        %dma_start3A_24 = tpu.memref_squeeze %dma_start3A_23 : memref<1x128x128xf32, #tpu.memory_space<hbm>> -> memref<128x128xf32, #tpu.memory_space<hbm>>
        tpu.enqueue_dma source(%arg8 : memref<128x128xf32, #tpu.memory_space<vmem>>) target(%dma_start3A_24 : memref<128x128xf32, #tpu.memory_space<hbm>>) target_semaphore(%run_scoped3A : memref<!tpu.dma_semaphore, #tpu.memory_space<semaphore_mem>>)
        %dma_wait3A_25 = arith.constant 1664 : i32
        %dma_wait3A_26 = arith.constant 0 : i32
        %dma_wait3A_27 = tpu.memref_slice %arg5[%add3A, %dma_wait3A_25, %dma_wait3A_26] : memref<24x2048x128xf32, #tpu.memory_space<hbm>> -> memref<1x128x128xf32, #tpu.memory_space<hbm>>
        %dma_wait3A_28 = tpu.memref_squeeze %dma_wait3A_27 : memref<1x128x128xf32, #tpu.memory_space<hbm>> -> memref<128x128xf32, #tpu.memory_space<hbm>>
        %dma_wait3A_29 = arith.constant 1664 : i32
        %dma_wait3A_30 = arith.constant 0 : i32
        %dma_wait3A_31 = tpu.memref_slice %arg5[%add3A, %dma_wait3A_29, %dma_wait3A_30] : memref<24x2048x128xf32, #tpu.memory_space<hbm>> -> memref<1x128x128xf32, #tpu.memory_space<hbm>>
        %dma_wait3A_32 = tpu.memref_squeeze %dma_wait3A_31 : memref<1x128x128xf32, #tpu.memory_space<hbm>> -> memref<128x128xf32, #tpu.memory_space<hbm>>
        tpu.wait_dma2 semaphore(%run_scoped3A : memref<!tpu.dma_semaphore, #tpu.memory_space<semaphore_mem>>) src(%arg8 : memref<128x128xf32, #tpu.memory_space<vmem>>) dst(%dma_wait3A_32 : memref<128x128xf32, #tpu.memory_space<hbm>>)
        tpu.yield
      }) : () -> ()
      "tpu.region"() ({
        %run_scoped3A = tpu.sem_alloc : memref<!tpu.dma_semaphore, #tpu.memory_space<semaphore_mem>>
        %dma_start3A_17 = arith.constant 1792 : i32
        %dma_start3A_18 = arith.constant 0 : i32
        %dma_start3A_19 = tpu.memref_slice %arg5[%add3A, %dma_start3A_17, %dma_start3A_18] : memref<24x2048x128xf32, #tpu.memory_space<hbm>> -> memref<1x128x128xf32, #tpu.memory_space<hbm>>
        %dma_start3A_20 = tpu.memref_squeeze %dma_start3A_19 : memref<1x128x128xf32, #tpu.memory_space<hbm>> -> memref<128x128xf32, #tpu.memory_space<hbm>>
        %dma_start3A_21 = arith.constant 1792 : i32
        %dma_start3A_22 = arith.constant 0 : i32
        %dma_start3A_23 = tpu.memref_slice %arg5[%add3A, %dma_start3A_21, %dma_start3A_22] : memref<24x2048x128xf32, #tpu.memory_space<hbm>> -> memref<1x128x128xf32, #tpu.memory_space<hbm>>
        %dma_start3A_24 = tpu.memref_squeeze %dma_start3A_23 : memref<1x128x128xf32, #tpu.memory_space<hbm>> -> memref<128x128xf32, #tpu.memory_space<hbm>>
        tpu.enqueue_dma source(%arg8 : memref<128x128xf32, #tpu.memory_space<vmem>>) target(%dma_start3A_24 : memref<128x128xf32, #tpu.memory_space<hbm>>) target_semaphore(%run_scoped3A : memref<!tpu.dma_semaphore, #tpu.memory_space<semaphore_mem>>)
        %dma_wait3A_25 = arith.constant 1792 : i32
        %dma_wait3A_26 = arith.constant 0 : i32
        %dma_wait3A_27 = tpu.memref_slice %arg5[%add3A, %dma_wait3A_25, %dma_wait3A_26] : memref<24x2048x128xf32, #tpu.memory_space<hbm>> -> memref<1x128x128xf32, #tpu.memory_space<hbm>>
        %dma_wait3A_28 = tpu.memref_squeeze %dma_wait3A_27 : memref<1x128x128xf32, #tpu.memory_space<hbm>> -> memref<128x128xf32, #tpu.memory_space<hbm>>
        %dma_wait3A_29 = arith.constant 1792 : i32
        %dma_wait3A_30 = arith.constant 0 : i32
        %dma_wait3A_31 = tpu.memref_slice %arg5[%add3A, %dma_wait3A_29, %dma_wait3A_30] : memref<24x2048x128xf32, #tpu.memory_space<hbm>> -> memref<1x128x128xf32, #tpu.memory_space<hbm>>
        %dma_wait3A_32 = tpu.memref_squeeze %dma_wait3A_31 : memref<1x128x128xf32, #tpu.memory_space<hbm>> -> memref<128x128xf32, #tpu.memory_space<hbm>>
        tpu.wait_dma2 semaphore(%run_scoped3A : memref<!tpu.dma_semaphore, #tpu.memory_space<semaphore_mem>>) src(%arg8 : memref<128x128xf32, #tpu.memory_space<vmem>>) dst(%dma_wait3A_32 : memref<128x128xf32, #tpu.memory_space<hbm>>)
        tpu.yield
      }) : () -> ()
      "tpu.region"() ({
        %run_scoped3A = tpu.sem_alloc : memref<!tpu.dma_semaphore, #tpu.memory_space<semaphore_mem>>
        %dma_start3A_17 = arith.constant 1920 : i32
        %dma_start3A_18 = arith.constant 0 : i32
        %dma_start3A_19 = tpu.memref_slice %arg5[%add3A, %dma_start3A_17, %dma_start3A_18] : memref<24x2048x128xf32, #tpu.memory_space<hbm>> -> memref<1x128x128xf32, #tpu.memory_space<hbm>>
        %dma_start3A_20 = tpu.memref_squeeze %dma_start3A_19 : memref<1x128x128xf32, #tpu.memory_space<hbm>> -> memref<128x128xf32, #tpu.memory_space<hbm>>
        %dma_start3A_21 = arith.constant 1920 : i32
        %dma_start3A_22 = arith.constant 0 : i32
        %dma_start3A_23 = tpu.memref_slice %arg5[%add3A, %dma_start3A_21, %dma_start3A_22] : memref<24x2048x128xf32, #tpu.memory_space<hbm>> -> memref<1x128x128xf32, #tpu.memory_space<hbm>>
        %dma_start3A_24 = tpu.memref_squeeze %dma_start3A_23 : memref<1x128x128xf32, #tpu.memory_space<hbm>> -> memref<128x128xf32, #tpu.memory_space<hbm>>
        tpu.enqueue_dma source(%arg8 : memref<128x128xf32, #tpu.memory_space<vmem>>) target(%dma_start3A_24 : memref<128x128xf32, #tpu.memory_space<hbm>>) target_semaphore(%run_scoped3A : memref<!tpu.dma_semaphore, #tpu.memory_space<semaphore_mem>>)
        %dma_wait3A_25 = arith.constant 1920 : i32
        %dma_wait3A_26 = arith.constant 0 : i32
        %dma_wait3A_27 = tpu.memref_slice %arg5[%add3A, %dma_wait3A_25, %dma_wait3A_26] : memref<24x2048x128xf32, #tpu.memory_space<hbm>> -> memref<1x128x128xf32, #tpu.memory_space<hbm>>
        %dma_wait3A_28 = tpu.memref_squeeze %dma_wait3A_27 : memref<1x128x128xf32, #tpu.memory_space<hbm>> -> memref<128x128xf32, #tpu.memory_space<hbm>>
        %dma_wait3A_29 = arith.constant 1920 : i32
        %dma_wait3A_30 = arith.constant 0 : i32
        %dma_wait3A_31 = tpu.memref_slice %arg5[%add3A, %dma_wait3A_29, %dma_wait3A_30] : memref<24x2048x128xf32, #tpu.memory_space<hbm>> -> memref<1x128x128xf32, #tpu.memory_space<hbm>>
        %dma_wait3A_32 = tpu.memref_squeeze %dma_wait3A_31 : memref<1x128x128xf32, #tpu.memory_space<hbm>> -> memref<128x128xf32, #tpu.memory_space<hbm>>
        tpu.wait_dma2 semaphore(%run_scoped3A : memref<!tpu.dma_semaphore, #tpu.memory_space<semaphore_mem>>) src(%arg8 : memref<128x128xf32, #tpu.memory_space<vmem>>) dst(%dma_wait3A_32 : memref<128x128xf32, #tpu.memory_space<hbm>>)
        tpu.yield
      }) : () -> ()
      %mul3A_3 = arith.constant 32 : i32
      %mul3A_4 = arith.muli %add3A, %mul3A_3 : i32
      "tpu.region"() ({
        %run_scoped3A = tpu.sem_alloc : memref<!tpu.dma_semaphore, #tpu.memory_space<semaphore_mem>>
        %dma_start3A_17 = tpu.memref_slice %arg3[%mul3A_4] : memref<768xi32, #tpu.memory_space<hbm>> -> memref<32xi32, #tpu.memory_space<hbm>>
        %dma_start3A_18 = tpu.memref_slice %arg3[%mul3A_4] : memref<768xi32, #tpu.memory_space<hbm>> -> memref<32xi32, #tpu.memory_space<hbm>>
        tpu.enqueue_dma source(%dma_start3A_18 : memref<32xi32, #tpu.memory_space<hbm>>) target(%arg6 : memref<32xi32, #tpu.memory_space<vmem>>) target_semaphore(%run_scoped3A : memref<!tpu.dma_semaphore, #tpu.memory_space<semaphore_mem>>)
        %dma_wait3A_19 = tpu.memref_slice %arg3[%mul3A_4] : memref<768xi32, #tpu.memory_space<hbm>> -> memref<32xi32, #tpu.memory_space<hbm>>
        %dma_wait3A_20 = tpu.memref_slice %arg3[%mul3A_4] : memref<768xi32, #tpu.memory_space<hbm>> -> memref<32xi32, #tpu.memory_space<hbm>>
        tpu.wait_dma2 semaphore(%run_scoped3A : memref<!tpu.dma_semaphore, #tpu.memory_space<semaphore_mem>>) src(%dma_wait3A_20 : memref<32xi32, #tpu.memory_space<hbm>>) dst(%arg6 : memref<32xi32, #tpu.memory_space<vmem>>)
        tpu.yield
      }) : () -> ()
      "tpu.region"() ({
        %run_scoped3A = tpu.sem_alloc : memref<!tpu.dma_semaphore, #tpu.memory_space<semaphore_mem>>
        %dma_start3A_17 = arith.constant 0 : i32
        %dma_start3A_18 = arith.constant 0 : i32
        %dma_start3A_19 = tpu.memref_slice %arg2[%add3A, %dma_start3A_17, %dma_start3A_18] : memref<24x32x128xf32, #tpu.memory_space<hbm>> -> memref<1x32x128xf32, #tpu.memory_space<hbm>>
        %dma_start3A_20 = tpu.memref_squeeze %dma_start3A_19 : memref<1x32x128xf32, #tpu.memory_space<hbm>> -> memref<32x128xf32, #tpu.memory_space<hbm>>
        %dma_start3A_21 = arith.constant 0 : i32
        %dma_start3A_22 = arith.constant 0 : i32
        %dma_start3A_23 = tpu.memref_slice %arg2[%add3A, %dma_start3A_21, %dma_start3A_22] : memref<24x32x128xf32, #tpu.memory_space<hbm>> -> memref<1x32x128xf32, #tpu.memory_space<hbm>>
        %dma_start3A_24 = tpu.memref_squeeze %dma_start3A_23 : memref<1x32x128xf32, #tpu.memory_space<hbm>> -> memref<32x128xf32, #tpu.memory_space<hbm>>
        tpu.enqueue_dma source(%dma_start3A_24 : memref<32x128xf32, #tpu.memory_space<hbm>>) target(%arg7 : memref<32x128xf32, #tpu.memory_space<vmem>>) target_semaphore(%run_scoped3A : memref<!tpu.dma_semaphore, #tpu.memory_space<semaphore_mem>>)
        %dma_wait3A_25 = arith.constant 0 : i32
        %dma_wait3A_26 = arith.constant 0 : i32
        %dma_wait3A_27 = tpu.memref_slice %arg2[%add3A, %dma_wait3A_25, %dma_wait3A_26] : memref<24x32x128xf32, #tpu.memory_space<hbm>> -> memref<1x32x128xf32, #tpu.memory_space<hbm>>
        %dma_wait3A_28 = tpu.memref_squeeze %dma_wait3A_27 : memref<1x32x128xf32, #tpu.memory_space<hbm>> -> memref<32x128xf32, #tpu.memory_space<hbm>>
        %dma_wait3A_29 = arith.constant 0 : i32
        %dma_wait3A_30 = arith.constant 0 : i32
        %dma_wait3A_31 = tpu.memref_slice %arg2[%add3A, %dma_wait3A_29, %dma_wait3A_30] : memref<24x32x128xf32, #tpu.memory_space<hbm>> -> memref<1x32x128xf32, #tpu.memory_space<hbm>>
        %dma_wait3A_32 = tpu.memref_squeeze %dma_wait3A_31 : memref<1x32x128xf32, #tpu.memory_space<hbm>> -> memref<32x128xf32, #tpu.memory_space<hbm>>
        tpu.wait_dma2 semaphore(%run_scoped3A : memref<!tpu.dma_semaphore, #tpu.memory_space<semaphore_mem>>) src(%dma_wait3A_32 : memref<32x128xf32, #tpu.memory_space<hbm>>) dst(%arg7 : memref<32x128xf32, #tpu.memory_space<vmem>>)
        tpu.yield
      }) : () -> ()
      %dma_start3A = arith.constant 0 : i32
      %dma_start3A_5 = arith.constant 0 : i32
      %dma_start3A_6 = tpu.memref_slice %arg5[%add3A, %dma_start3A, %dma_start3A_5] : memref<24x2048x128xf32, #tpu.memory_space<hbm>> -> memref<1x2048x128xf32, #tpu.memory_space<hbm>>
      %dma_start3A_7 = tpu.memref_squeeze %dma_start3A_6 : memref<1x2048x128xf32, #tpu.memory_space<hbm>> -> memref<2048x128xf32, #tpu.memory_space<hbm>>
      %dma_start3A_8 = arith.constant 0 : i32
      %dma_start3A_9 = arith.constant 0 : i32
      %dma_start3A_10 = tpu.memref_slice %dma_start3A_7[%dma_start3A_8, %dma_start3A_9] : memref<2048x128xf32, #tpu.memory_space<hbm>> -> memref<2048x128xf32, #tpu.memory_space<hbm>>
      tpu.enqueue_indirect_dma source(%arg7 : memref<32x128xf32, #tpu.memory_space<vmem>>) target(%dma_start3A_10 : memref<2048x128xf32, #tpu.memory_space<hbm>>) offsets(%arg6 : memref<32xi32, #tpu.memory_space<vmem>>) semaphore(%arg9 : memref<!tpu.dma_semaphore, #tpu.memory_space<semaphore_mem>>)
      %dma_wait3A = arith.constant 0 : i32
      %dma_wait3A_11 = arith.constant 0 : i32
      %dma_wait3A_12 = tpu.memref_slice %arg5[%add3A, %dma_wait3A, %dma_wait3A_11] : memref<24x2048x128xf32, #tpu.memory_space<hbm>> -> memref<1x2048x128xf32, #tpu.memory_space<hbm>>
      %dma_wait3A_13 = tpu.memref_squeeze %dma_wait3A_12 : memref<1x2048x128xf32, #tpu.memory_space<hbm>> -> memref<2048x128xf32, #tpu.memory_space<hbm>>
      %dma_wait3A_14 = arith.constant 0 : i32
      %dma_wait3A_15 = arith.constant 0 : i32
      %dma_wait3A_16 = tpu.memref_slice %dma_wait3A_13[%dma_wait3A_14, %dma_wait3A_15] : memref<2048x128xf32, #tpu.memory_space<hbm>> -> memref<2048x128xf32, #tpu.memory_space<hbm>>
      tpu.wait_indirect_dma semaphore(%arg9 : memref<!tpu.dma_semaphore, #tpu.memory_space<semaphore_mem>>) src(%arg7 : memref<32x128xf32, #tpu.memory_space<vmem>>) dst(%dma_wait3A_16 : memref<2048x128xf32, #tpu.memory_space<hbm>>)
    } else {
    }
    return
  }
}

#map = affine_map<(d0, d1) -> (0, 0, 0)>
#map1 = affine_map<(d0, d1) -> (0)>
module attributes {stable_mosaic.version = 14 : i64} {
  func.func @k(%arg0: i32, %arg1: i32, %arg2: memref<24x1024x128xf32, #tpu.memory_space<hbm>>, %arg3: memref<768xi32, #tpu.memory_space<hbm>>, %arg4: memref<24x32x128xf32, #tpu.memory_space<hbm>>, %arg5: memref<32xi32, #tpu.memory_space<vmem>>, %arg6: memref<32x128xf32, #tpu.memory_space<vmem>>, %arg7: memref<!tpu.dma_semaphore, #tpu.memory_space<semaphore_mem>>) attributes {dimension_semantics = [#tpu.dimension_semantics<core_parallel>, #tpu.dimension_semantics<subcore_parallel>], iteration_bounds = array<i64: 2, 16>, scalar_prefetch = 0 : i64, scratch_operands = 3 : i64, tpu.core_type = #tpu.core_type<sc_vector_subcore>, window_params = [{transform_indices = #map}, {transform_indices = #map1}, {transform_indices = #map}]} {
    %mul3A = arith.constant 2 : i32
    %mul3A_0 = arith.muli %arg1, %mul3A : i32
    %add3A = arith.addi %mul3A_0, %arg0 : i32
    %lt3A = arith.constant 24 : i32
    %lt3A_1 = arith.cmpi slt, %add3A, %lt3A : i32
    %convert_element_type3A = arith.extui %lt3A_1 : i1 to i32
    %cond3A = arith.constant 0 : i32
    %cond3A_2 = arith.cmpi ne, %convert_element_type3A, %cond3A : i32
    scf.if %cond3A_2 {
      %mul3A_3 = arith.constant 32 : i32
      %mul3A_4 = arith.muli %add3A, %mul3A_3 : i32
      "tpu.region"() ({
        %run_scoped3A = tpu.sem_alloc : memref<!tpu.dma_semaphore, #tpu.memory_space<semaphore_mem>>
        %dma_start3A_17 = tpu.memref_slice %arg3[%mul3A_4] : memref<768xi32, #tpu.memory_space<hbm>> -> memref<32xi32, #tpu.memory_space<hbm>>
        %dma_start3A_18 = tpu.memref_slice %arg3[%mul3A_4] : memref<768xi32, #tpu.memory_space<hbm>> -> memref<32xi32, #tpu.memory_space<hbm>>
        tpu.enqueue_dma source(%dma_start3A_18 : memref<32xi32, #tpu.memory_space<hbm>>) target(%arg5 : memref<32xi32, #tpu.memory_space<vmem>>) target_semaphore(%run_scoped3A : memref<!tpu.dma_semaphore, #tpu.memory_space<semaphore_mem>>)
        %dma_wait3A_19 = tpu.memref_slice %arg3[%mul3A_4] : memref<768xi32, #tpu.memory_space<hbm>> -> memref<32xi32, #tpu.memory_space<hbm>>
        %dma_wait3A_20 = tpu.memref_slice %arg3[%mul3A_4] : memref<768xi32, #tpu.memory_space<hbm>> -> memref<32xi32, #tpu.memory_space<hbm>>
        tpu.wait_dma2 semaphore(%run_scoped3A : memref<!tpu.dma_semaphore, #tpu.memory_space<semaphore_mem>>) src(%dma_wait3A_20 : memref<32xi32, #tpu.memory_space<hbm>>) dst(%arg5 : memref<32xi32, #tpu.memory_space<vmem>>)
        tpu.yield
      }) : () -> ()
      %dma_start3A = arith.constant 0 : i32
      %dma_start3A_5 = arith.constant 0 : i32
      %dma_start3A_6 = tpu.memref_slice %arg2[%add3A, %dma_start3A, %dma_start3A_5] : memref<24x1024x128xf32, #tpu.memory_space<hbm>> -> memref<1x1024x128xf32, #tpu.memory_space<hbm>>
      %dma_start3A_7 = tpu.memref_squeeze %dma_start3A_6 : memref<1x1024x128xf32, #tpu.memory_space<hbm>> -> memref<1024x128xf32, #tpu.memory_space<hbm>>
      %dma_start3A_8 = arith.constant 0 : i32
      %dma_start3A_9 = arith.constant 0 : i32
      %dma_start3A_10 = tpu.memref_slice %dma_start3A_7[%dma_start3A_8, %dma_start3A_9] : memref<1024x128xf32, #tpu.memory_space<hbm>> -> memref<1024x128xf32, #tpu.memory_space<hbm>>
      tpu.enqueue_indirect_dma source(%dma_start3A_10 : memref<1024x128xf32, #tpu.memory_space<hbm>>) target(%arg6 : memref<32x128xf32, #tpu.memory_space<vmem>>) offsets(%arg5 : memref<32xi32, #tpu.memory_space<vmem>>) semaphore(%arg7 : memref<!tpu.dma_semaphore, #tpu.memory_space<semaphore_mem>>)
      %dma_wait3A = arith.constant 0 : i32
      %dma_wait3A_11 = arith.constant 0 : i32
      %dma_wait3A_12 = tpu.memref_slice %arg2[%add3A, %dma_wait3A, %dma_wait3A_11] : memref<24x1024x128xf32, #tpu.memory_space<hbm>> -> memref<1x1024x128xf32, #tpu.memory_space<hbm>>
      %dma_wait3A_13 = tpu.memref_squeeze %dma_wait3A_12 : memref<1x1024x128xf32, #tpu.memory_space<hbm>> -> memref<1024x128xf32, #tpu.memory_space<hbm>>
      %dma_wait3A_14 = arith.constant 0 : i32
      %dma_wait3A_15 = arith.constant 0 : i32
      %dma_wait3A_16 = tpu.memref_slice %dma_wait3A_13[%dma_wait3A_14, %dma_wait3A_15] : memref<1024x128xf32, #tpu.memory_space<hbm>> -> memref<1024x128xf32, #tpu.memory_space<hbm>>
      tpu.wait_indirect_dma semaphore(%arg7 : memref<!tpu.dma_semaphore, #tpu.memory_space<semaphore_mem>>) src(%dma_wait3A_16 : memref<1024x128xf32, #tpu.memory_space<hbm>>) dst(%arg6 : memref<32x128xf32, #tpu.memory_space<vmem>>)
      "tpu.region"() ({
        %run_scoped3A = tpu.sem_alloc : memref<!tpu.dma_semaphore, #tpu.memory_space<semaphore_mem>>
        %dma_start3A_17 = arith.constant 0 : i32
        %dma_start3A_18 = arith.constant 0 : i32
        %dma_start3A_19 = tpu.memref_slice %arg4[%add3A, %dma_start3A_17, %dma_start3A_18] : memref<24x32x128xf32, #tpu.memory_space<hbm>> -> memref<1x32x128xf32, #tpu.memory_space<hbm>>
        %dma_start3A_20 = tpu.memref_squeeze %dma_start3A_19 : memref<1x32x128xf32, #tpu.memory_space<hbm>> -> memref<32x128xf32, #tpu.memory_space<hbm>>
        %dma_start3A_21 = arith.constant 0 : i32
        %dma_start3A_22 = arith.constant 0 : i32
        %dma_start3A_23 = tpu.memref_slice %arg4[%add3A, %dma_start3A_21, %dma_start3A_22] : memref<24x32x128xf32, #tpu.memory_space<hbm>> -> memref<1x32x128xf32, #tpu.memory_space<hbm>>
        %dma_start3A_24 = tpu.memref_squeeze %dma_start3A_23 : memref<1x32x128xf32, #tpu.memory_space<hbm>> -> memref<32x128xf32, #tpu.memory_space<hbm>>
        tpu.enqueue_dma source(%arg6 : memref<32x128xf32, #tpu.memory_space<vmem>>) target(%dma_start3A_24 : memref<32x128xf32, #tpu.memory_space<hbm>>) target_semaphore(%run_scoped3A : memref<!tpu.dma_semaphore, #tpu.memory_space<semaphore_mem>>)
        %dma_wait3A_25 = arith.constant 0 : i32
        %dma_wait3A_26 = arith.constant 0 : i32
        %dma_wait3A_27 = tpu.memref_slice %arg4[%add3A, %dma_wait3A_25, %dma_wait3A_26] : memref<24x32x128xf32, #tpu.memory_space<hbm>> -> memref<1x32x128xf32, #tpu.memory_space<hbm>>
        %dma_wait3A_28 = tpu.memref_squeeze %dma_wait3A_27 : memref<1x32x128xf32, #tpu.memory_space<hbm>> -> memref<32x128xf32, #tpu.memory_space<hbm>>
        %dma_wait3A_29 = arith.constant 0 : i32
        %dma_wait3A_30 = arith.constant 0 : i32
        %dma_wait3A_31 = tpu.memref_slice %arg4[%add3A, %dma_wait3A_29, %dma_wait3A_30] : memref<24x32x128xf32, #tpu.memory_space<hbm>> -> memref<1x32x128xf32, #tpu.memory_space<hbm>>
        %dma_wait3A_32 = tpu.memref_squeeze %dma_wait3A_31 : memref<1x32x128xf32, #tpu.memory_space<hbm>> -> memref<32x128xf32, #tpu.memory_space<hbm>>
        tpu.wait_dma2 semaphore(%run_scoped3A : memref<!tpu.dma_semaphore, #tpu.memory_space<semaphore_mem>>) src(%arg6 : memref<32x128xf32, #tpu.memory_space<vmem>>) dst(%dma_wait3A_32 : memref<32x128xf32, #tpu.memory_space<hbm>>)
        tpu.yield
      }) : () -> ()
    } else {
    }
    return
  }
}

module attributes {stable_mosaic.version = 14 : i64} {
  func.func @body(%arg0: i32, %arg1: i32, %arg2: memref<1x512x128xf32, #tpu.memory_space<vmem>>, %arg3: memref<1x2048x128xf32, #tpu.memory_space<vmem>>, %arg4: memref<512x2048xf32, #tpu.memory_space<vmem>>, %arg5: memref<512x2048xf32, #tpu.memory_space<vmem>>, %arg6: memref<1x1x1x512xf32, #tpu.memory_space<vmem>>) attributes {dimension_semantics = [#tpu.dimension_semantics<arbitrary>, #tpu.dimension_semantics<arbitrary>], iteration_bounds = array<i64: 4, 24>, scalar_prefetch = 0 : i64, scratch_operands = 0 : i64, tpu.core_type = #tpu.core_type<tc>, window_params = [{transform_indices = @transform_0, window_bounds = array<i64: 1, 512, 128>}, {transform_indices = @transform_1, window_bounds = array<i64: 1, 2048, 128>}, {transform_indices = @transform_2, window_bounds = array<i64: 512, 2048>}, {transform_indices = @transform_3, window_bounds = array<i64: 512, 2048>}, {transform_indices = @transform_4, window_bounds = array<i64: 1, 1, 1, 512>}]} {
    %get3A = arith.constant 0 : index
    %get3A_0 = arith.constant 0 : index
    %get3A_1 = arith.constant 0 : index
    %get3A_2 = vector.load %arg2[%get3A, %get3A_0, %get3A_1] : memref<1x512x128xf32, #tpu.memory_space<vmem>>, vector<1x512x128xf32>
    %get3A_3 = vector.shape_cast %get3A_2 : vector<1x512x128xf32> to vector<512x128xf32>
    %slice3A = vector.extract_strided_slice %get3A_3 {offsets = [0, 0], sizes = [512, 64], strides = [1, 1]} : vector<512x128xf32> to vector<512x64xf32>
    %get3A_4 = arith.constant 0 : index
    %get3A_5 = arith.constant 0 : index
    %get3A_6 = arith.constant 0 : index
    %get3A_7 = vector.load %arg3[%get3A_4, %get3A_5, %get3A_6] : memref<1x2048x128xf32, #tpu.memory_space<vmem>>, vector<1x2048x128xf32>
    %get3A_8 = vector.shape_cast %get3A_7 : vector<1x2048x128xf32> to vector<2048x128xf32>
    %slice3A_9 = vector.extract_strided_slice %get3A_8 {offsets = [0, 0], sizes = [2048, 64], strides = [1, 1]} : vector<2048x128xf32> to vector<2048x64xf32>
    %dot_general3A = arith.constant dense<0.000000e+00> : vector<512x2048xf32>
    %dot_general3A_10 = tpu.matmul %slice3A, %slice3A_9, %dot_general3A {dimension_numbers = #tpu.dot_dimension_numbers<[1], [1], [0], [0], [0, 0, 1, 0], [], []>, transpose_lhs_hint = false} : vector<512x64xf32>, vector<2048x64xf32>, vector<512x2048xf32> -> vector<512x2048xf32>
    %get3A_11 = arith.constant 0 : index
    %get3A_12 = arith.constant 0 : index
    %get3A_13 = vector.load %arg5[%get3A_11, %get3A_12] : memref<512x2048xf32, #tpu.memory_space<vmem>>, vector<512x2048xf32>
    %add3A = arith.addf %dot_general3A_10, %get3A_13 : vector<512x2048xf32>
    %reduce_max3A = arith.constant dense<0xFF800000> : vector<512xf32>
    %reduce_max3A_14 = vector.multi_reduction <maximumf>, %add3A, %reduce_max3A [1] : vector<512x2048xf32> to vector<512xf32>
    %broadcast_in_dim3A = vector.shape_cast %reduce_max3A_14 : vector<512xf32> to vector<512x1xf32>
    %get3A_15 = arith.constant 0 : index
    %get3A_16 = arith.constant 0 : index
    %get3A_17 = vector.load %arg4[%get3A_15, %get3A_16] : memref<512x2048xf32, #tpu.memory_space<vmem>>, vector<512x2048xf32>
    %mul3A = arith.mulf %dot_general3A_10, %get3A_17 : vector<512x2048xf32>
    %reduce_sum3A = arith.constant dense<0.000000e+00> : vector<512xf32>
    %reduce_sum3A_18 = vector.multi_reduction <add>, %mul3A, %reduce_sum3A [1] : vector<512x2048xf32> to vector<512xf32>
    %broadcast_in_dim3A_19 = vector.shape_cast %reduce_sum3A_18 : vector<512xf32> to vector<512x1xf32>
    %mul3A_20 = arith.constant 4.8828125E-4 : f32
    %mul3A_21 = vector.broadcast %mul3A_20 : f32 to vector<512x1xf32>
    %mul3A_22 = arith.mulf %broadcast_in_dim3A_19, %mul3A_21 : vector<512x1xf32>
    %sub3A = arith.subf %broadcast_in_dim3A, %mul3A_22 : vector<512x1xf32>
    %reshape3A = vector.shape_cast %sub3A : vector<512x1xf32> to vector<1x512xf32>
    %swap3A = arith.constant 0 : index
    %swap3A_23 = arith.constant 0 : index
    %swap3A_24 = arith.constant 0 : index
    %swap3A_25 = arith.constant 0 : index
    %swap3A_26 = vector.load %arg6[%swap3A, %swap3A_23, %swap3A_24, %swap3A_25] : memref<1x1x1x512xf32, #tpu.memory_space<vmem>>, vector<1x1x1x512xf32>
    %swap3A_27 = vector.shape_cast %swap3A_26 : vector<1x1x1x512xf32> to vector<1x512xf32>
    %swap3A_28 = vector.shape_cast %reshape3A : vector<1x512xf32> to vector<1x1x1x512xf32>
    tpu.vector_store %arg6[%swap3A, %swap3A_23, %swap3A_24, %swap3A_25], %swap3A_28 {strides = array<i32>} : memref<1x1x1x512xf32, #tpu.memory_space<vmem>>, vector<1x1x1x512xf32>,
    return
  }
  func.func @transform_0(%arg0: i32, %arg1: i32) -> (i32, i32, i32) {
    %c0_i32 = arith.constant 0 : i32
    %c0_i32_0 = arith.constant 0 : i32
    return %arg1, %arg0, %c0_i32 : i32, i32, i32
  }
  func.func @transform_1(%arg0: i32, %arg1: i32) -> (i32, i32, i32) {
    %c0_i32 = arith.constant 0 : i32
    %c0_i32_0 = arith.constant 0 : i32
    %c0_i32_1 = arith.constant 0 : i32
    return %arg1, %c0_i32, %c0_i32_0 : i32, i32, i32
  }
  func.func @transform_2(%arg0: i32, %arg1: i32) -> (i32, i32) {
    %c0_i32 = arith.constant 0 : i32
    %c0_i32_0 = arith.constant 0 : i32
    return %arg0, %c0_i32 : i32, i32
  }
  func.func @transform_3(%arg0: i32, %arg1: i32) -> (i32, i32) {
    %c0_i32 = arith.constant 0 : i32
    %c0_i32_0 = arith.constant 0 : i32
    return %arg0, %c0_i32 : i32, i32
  }
  func.func @transform_4(%arg0: i32, %arg1: i32) -> (i32, i32, i32, i32) {
    %c0_i32 = arith.constant 0 : i32
    %c0_i32_0 = arith.constant 0 : i32
    %c0_i32_1 = arith.constant 0 : i32
    return %arg1, %arg0, %c0_i32, %c0_i32_0 : i32, i32, i32, i32
  }
}

module attributes {stable_mosaic.version = 14 : i64} {
  func.func @_embed_body(%arg0: i32, %arg1: memref<512x256xf32, #tpu.memory_space<vmem>>, %arg2: memref<256x768xf32, #tpu.memory_space<vmem>>, %arg3: memref<1x768xf32, #tpu.memory_space<vmem>>, %arg4: memref<512x768xf32, #tpu.memory_space<vmem>>, %arg5: memref<512x768xf32, #tpu.memory_space<vmem>>) attributes {dimension_semantics = [#tpu.dimension_semantics<arbitrary>], iteration_bounds = array<i64: 8>, scalar_prefetch = 0 : i64, scratch_operands = 0 : i64, tpu.core_type = #tpu.core_type<tc>, window_params = [{transform_indices = @transform_0, window_bounds = array<i64: 512, 256>}, {pipeline_mode = #tpu.pipeline_mode<synchronous>, transform_indices = @transform_1, window_bounds = array<i64: 256, 768>}, {pipeline_mode = #tpu.pipeline_mode<synchronous>, transform_indices = @transform_2, window_bounds = array<i64: 1, 768>}, {transform_indices = @transform_3, window_bounds = array<i64: 512, 768>}, {transform_indices = @transform_4, window_bounds = array<i64: 512, 768>}]} {
    %get3A = arith.constant 0 : index
    %get3A_0 = arith.constant 0 : index
    %get3A_1 = vector.load %arg1[%get3A, %get3A_0] : memref<512x256xf32, #tpu.memory_space<vmem>>, vector<512x256xf32>
    %get3A_2 = arith.constant 0 : index
    %get3A_3 = arith.constant 0 : index
    %get3A_4 = vector.load %arg2[%get3A_2, %get3A_3] : memref<256x768xf32, #tpu.memory_space<vmem>>, vector<256x768xf32>
    %dot_general3A = arith.constant dense<0.000000e+00> : vector<512x768xf32>
    %dot_general3A_5 = tpu.matmul %get3A_1, %get3A_4, %dot_general3A {dimension_numbers = #tpu.dot_dimension_numbers<[1], [0], [0], [1], [0, 0, 1, 1], [], []>, transpose_lhs_hint = false} : vector<512x256xf32>, vector<256x768xf32>, vector<512x768xf32> -> vector<512x768xf32>
    %get3A_6 = arith.constant 0 : index
    %get3A_7 = arith.constant 0 : index
    %get3A_8 = vector.load %arg3[%get3A_6, %get3A_7] : memref<1x768xf32, #tpu.memory_space<vmem>>, vector<1x768xf32>
    %add3A = vector.broadcast %get3A_8 : vector<1x768xf32> to vector<512x768xf32>
    %add3A_9 = arith.addf %dot_general3A_5, %add3A : vector<512x768xf32>
    %get3A_10 = arith.constant 0 : index
    %get3A_11 = arith.constant 0 : index
    %get3A_12 = vector.load %arg4[%get3A_10, %get3A_11] : memref<512x768xf32, #tpu.memory_space<vmem>>, vector<512x768xf32>
    %add3A_13 = arith.addf %add3A_9, %get3A_12 : vector<512x768xf32>
    %swap3A = arith.constant 0 : index
    %swap3A_14 = arith.constant 0 : index
    %swap3A_15 = vector.load %arg5[%swap3A, %swap3A_14] : memref<512x768xf32, #tpu.memory_space<vmem>>, vector<512x768xf32>
    tpu.vector_store %arg5[%swap3A, %swap3A_14], %add3A_13 {strides = array<i32>} : memref<512x768xf32, #tpu.memory_space<vmem>>, vector<512x768xf32>,
    return
  }
  func.func @transform_0(%arg0: i32) -> (i32, i32) {
    %c0_i32 = arith.constant 0 : i32
    %c0_i32_0 = arith.constant 0 : i32
    return %arg0, %c0_i32 : i32, i32
  }
  func.func @transform_1(%arg0: i32) -> (i32, i32) {
    %c0_i32 = arith.constant 0 : i32
    %c0_i32_0 = arith.constant 0 : i32
    %c0_i32_1 = arith.constant 0 : i32
    return %c0_i32, %c0_i32_0 : i32, i32
  }
  func.func @transform_2(%arg0: i32) -> (i32, i32) {
    %c0_i32 = arith.constant 0 : i32
    %c0_i32_0 = arith.constant 0 : i32
    %c0_i32_1 = arith.constant 0 : i32
    return %c0_i32, %c0_i32_0 : i32, i32
  }
  func.func @transform_3(%arg0: i32) -> (i32, i32) {
    %jit3A = arith.constant 4 : i32
    %eq3A = arith.constant 0 : i32
    %eq3A_0 = arith.cmpi eq, %jit3A, %eq3A : i32
    %jit3A_1 = arith.constant 1 : i32
    %select_n3A = arith.select %eq3A_0, %jit3A_1, %jit3A : i32
    %rem3A = arith.remsi %arg0, %select_n3A : i32
    %ne3A = arith.constant 0 : i32
    %ne3A_2 = arith.cmpi ne, %rem3A, %ne3A : i32
    %lt3A = arith.constant 0 : i32
    %lt3A_3 = arith.cmpi slt, %rem3A, %lt3A : i32
    %lt3A_4 = arith.constant 0 : i32
    %lt3A_5 = arith.cmpi slt, %select_n3A, %lt3A_4 : i32
    %ne3A_6 = arith.xori %lt3A_3, %lt3A_5 : i1
    %and3A = arith.andi %ne3A_6, %ne3A_2 : i1
    %add3A = arith.addi %rem3A, %select_n3A : i32
    %select_n3A_7 = arith.select %and3A, %add3A, %rem3A : i32
    %c0_i32 = arith.constant 0 : i32
    %c0_i32_8 = arith.constant 0 : i32
    return %select_n3A_7, %c0_i32 : i32, i32
  }
  func.func @transform_4(%arg0: i32) -> (i32, i32) {
    %c0_i32 = arith.constant 0 : i32
    %c0_i32_0 = arith.constant 0 : i32
    return %arg0, %c0_i32 : i32, i32
  }
}

module attributes {stable_mosaic.version = 14 : i64} {
  func.func @_qkv_body(%arg0: i32, %arg1: memref<512x768xf32, #tpu.memory_space<vmem>>, %arg2: memref<768x768xf32, #tpu.memory_space<vmem>>, %arg3: memref<768x768xf32, #tpu.memory_space<vmem>>, %arg4: memref<768x768xf32, #tpu.memory_space<vmem>>, %arg5: memref<1x768xf32, #tpu.memory_space<vmem>>, %arg6: memref<1x768xf32, #tpu.memory_space<vmem>>, %arg7: memref<1x768xf32, #tpu.memory_space<vmem>>, %arg8: memref<12x512x128xf32, #tpu.memory_space<vmem>>, %arg9: memref<12x512x128xf32, #tpu.memory_space<vmem>>, %arg10: memref<12x512x128xf32, #tpu.memory_space<vmem>>) attributes {dimension_semantics = [#tpu.dimension_semantics<arbitrary>], iteration_bounds = array<i64: 8>, scalar_prefetch = 0 : i64, scratch_operands = 0 : i64, tpu.core_type = #tpu.core_type<tc>, window_params = [{transform_indices = @transform_0, window_bounds = array<i64: 512, 768>}, {pipeline_mode = #tpu.pipeline_mode<synchronous>, transform_indices = @transform_1, window_bounds = array<i64: 768, 768>}, {pipeline_mode = #tpu.pipeline_mode<synchronous>, transform_indices = @transform_2, window_bounds = array<i64: 768, 768>}, {pipeline_mode = #tpu.pipeline_mode<synchronous>, transform_indices = @transform_3, window_bounds = array<i64: 768, 768>}, {pipeline_mode = #tpu.pipeline_mode<synchronous>, transform_indices = @transform_4, window_bounds = array<i64: 1, 768>}, {pipeline_mode = #tpu.pipeline_mode<synchronous>, transform_indices = @transform_5, window_bounds = array<i64: 1, 768>}, {pipeline_mode = #tpu.pipeline_mode<synchronous>, transform_indices = @transform_6, window_bounds = array<i64: 1, 768>}, {transform_indices = @transform_7, window_bounds = array<i64: 12, 512, 128>}, {transform_indices = @transform_8, window_bounds = array<i64: 12, 512, 128>}, {transform_indices = @transform_9, window_bounds = array<i64: 12, 512, 128>}]} {
    %get3A = arith.constant 0 : index
    %get3A_0 = arith.constant 0 : index
    %get3A_1 = vector.load %arg1[%get3A, %get3A_0] : memref<512x768xf32, #tpu.memory_space<vmem>>, vector<512x768xf32>
    %get3A_2 = arith.constant 0 : index
    %get3A_3 = arith.constant 0 : index
    %get3A_4 = vector.load %arg2[%get3A_2, %get3A_3] : memref<768x768xf32, #tpu.memory_space<vmem>>, vector<768x768xf32>
    %dot_general3A = arith.constant dense<0.000000e+00> : vector<512x768xf32>
    %dot_general3A_5 = tpu.matmul %get3A_1, %get3A_4, %dot_general3A {dimension_numbers = #tpu.dot_dimension_numbers<[1], [0], [0], [1], [0, 0, 1, 1], [], []>, transpose_lhs_hint = false} : vector<512x768xf32>, vector<768x768xf32>, vector<512x768xf32> -> vector<512x768xf32>
    %get3A_6 = arith.constant 0 : index
    %get3A_7 = arith.constant 0 : index
    %get3A_8 = vector.load %arg5[%get3A_6, %get3A_7] : memref<1x768xf32, #tpu.memory_space<vmem>>, vector<1x768xf32>
    %add3A = vector.broadcast %get3A_8 : vector<1x768xf32> to vector<512x768xf32>
    %add3A_9 = arith.addf %dot_general3A_5, %add3A : vector<512x768xf32>
    %get3A_10 = arith.constant 0 : index
    %get3A_11 = arith.constant 0 : index
    %get3A_12 = vector.load %arg3[%get3A_10, %get3A_11] : memref<768x768xf32, #tpu.memory_space<vmem>>, vector<768x768xf32>
    %dot_general3A_13 = arith.constant dense<0.000000e+00> : vector<512x768xf32>
    %dot_general3A_14 = tpu.matmul %get3A_1, %get3A_12, %dot_general3A_13 {dimension_numbers = #tpu.dot_dimension_numbers<[1], [0], [0], [1], [0, 0, 1, 1], [], []>, transpose_lhs_hint = false} : vector<512x768xf32>, vector<768x768xf32>, vector<512x768xf32> -> vector<512x768xf32>
    %get3A_15 = arith.constant 0 : index
    %get3A_16 = arith.constant 0 : index
    %get3A_17 = vector.load %arg6[%get3A_15, %get3A_16] : memref<1x768xf32, #tpu.memory_space<vmem>>, vector<1x768xf32>
    %add3A_18 = vector.broadcast %get3A_17 : vector<1x768xf32> to vector<512x768xf32>
    %add3A_19 = arith.addf %dot_general3A_14, %add3A_18 : vector<512x768xf32>
    %get3A_20 = arith.constant 0 : index
    %get3A_21 = arith.constant 0 : index
    %get3A_22 = vector.load %arg4[%get3A_20, %get3A_21] : memref<768x768xf32, #tpu.memory_space<vmem>>, vector<768x768xf32>
    %dot_general3A_23 = arith.constant dense<0.000000e+00> : vector<512x768xf32>
    %dot_general3A_24 = tpu.matmul %get3A_1, %get3A_22, %dot_general3A_23 {dimension_numbers = #tpu.dot_dimension_numbers<[1], [0], [0], [1], [0, 0, 1, 1], [], []>, transpose_lhs_hint = false} : vector<512x768xf32>, vector<768x768xf32>, vector<512x768xf32> -> vector<512x768xf32>
    %get3A_25 = arith.constant 0 : index
    %get3A_26 = arith.constant 0 : index
    %get3A_27 = vector.load %arg7[%get3A_25, %get3A_26] : memref<1x768xf32, #tpu.memory_space<vmem>>, vector<1x768xf32>
    %add3A_28 = vector.broadcast %get3A_27 : vector<1x768xf32> to vector<512x768xf32>
    %add3A_29 = arith.addf %dot_general3A_24, %add3A_28 : vector<512x768xf32>
    %slice3A = vector.extract_strided_slice %add3A_9 {offsets = [0, 0], sizes = [512, 64], strides = [1, 1]} : vector<512x768xf32> to vector<512x64xf32>
    %swap3A = arith.constant 0 : index
    %swap3A_30 = arith.constant 0 : index
    %swap3A_31 = arith.constant 0 : index
    %swap3A_32 = vector.load %arg8[%swap3A, %swap3A_30, %swap3A_31] : memref<12x512x128xf32, #tpu.memory_space<vmem>>, vector<1x512x64xf32>
    %swap3A_33 = vector.shape_cast %swap3A_32 : vector<1x512x64xf32> to vector<512x64xf32>
    %swap3A_34 = vector.shape_cast %slice3A : vector<512x64xf32> to vector<1x512x64xf32>
    tpu.vector_store %arg8[%swap3A, %swap3A_30, %swap3A_31], %swap3A_34 {strides = array<i32>} : memref<12x512x128xf32, #tpu.memory_space<vmem>>, vector<1x512x64xf32>,
    %slice3A_35 = vector.extract_strided_slice %add3A_19 {offsets = [0, 0], sizes = [512, 64], strides = [1, 1]} : vector<512x768xf32> to vector<512x64xf32>
    %swap3A_36 = arith.constant 0 : index
    %swap3A_37 = arith.constant 0 : index
    %swap3A_38 = arith.constant 0 : index
    %swap3A_39 = vector.load %arg9[%swap3A_36, %swap3A_37, %swap3A_38] : memref<12x512x128xf32, #tpu.memory_space<vmem>>, vector<1x512x64xf32>
    %swap3A_40 = vector.shape_cast %swap3A_39 : vector<1x512x64xf32> to vector<512x64xf32>
    %swap3A_41 = vector.shape_cast %slice3A_35 : vector<512x64xf32> to vector<1x512x64xf32>
    tpu.vector_store %arg9[%swap3A_36, %swap3A_37, %swap3A_38], %swap3A_41 {strides = array<i32>} : memref<12x512x128xf32, #tpu.memory_space<vmem>>, vector<1x512x64xf32>,
    %slice3A_42 = vector.extract_strided_slice %add3A_29 {offsets = [0, 0], sizes = [512, 64], strides = [1, 1]} : vector<512x768xf32> to vector<512x64xf32>
    %swap3A_43 = arith.constant 0 : index
    %swap3A_44 = arith.constant 0 : index
    %swap3A_45 = arith.constant 0 : index
    %swap3A_46 = vector.load %arg10[%swap3A_43, %swap3A_44, %swap3A_45] : memref<12x512x128xf32, #tpu.memory_space<vmem>>, vector<1x512x64xf32>
    %swap3A_47 = vector.shape_cast %swap3A_46 : vector<1x512x64xf32> to vector<512x64xf32>
    %swap3A_48 = vector.shape_cast %slice3A_42 : vector<512x64xf32> to vector<1x512x64xf32>
    tpu.vector_store %arg10[%swap3A_43, %swap3A_44, %swap3A_45], %swap3A_48 {strides = array<i32>} : memref<12x512x128xf32, #tpu.memory_space<vmem>>, vector<1x512x64xf32>,
    %slice3A_49 = vector.extract_strided_slice %add3A_9 {offsets = [0, 64], sizes = [512, 64], strides = [1, 1]} : vector<512x768xf32> to vector<512x64xf32>
    %swap3A_50 = arith.constant 1 : index
    %swap3A_51 = arith.constant 0 : index
    %swap3A_52 = arith.constant 0 : index
    %swap3A_53 = vector.load %arg8[%swap3A_50, %swap3A_51, %swap3A_52] : memref<12x512x128xf32, #tpu.memory_space<vmem>>, vector<1x512x64xf32>
    %swap3A_54 = vector.shape_cast %swap3A_53 : vector<1x512x64xf32> to vector<512x64xf32>
    %swap3A_55 = vector.shape_cast %slice3A_49 : vector<512x64xf32> to vector<1x512x64xf32>
    tpu.vector_store %arg8[%swap3A_50, %swap3A_51, %swap3A_52], %swap3A_55 {strides = array<i32>} : memref<12x512x128xf32, #tpu.memory_space<vmem>>, vector<1x512x64xf32>,
    %slice3A_56 = vector.extract_strided_slice %add3A_19 {offsets = [0, 64], sizes = [512, 64], strides = [1, 1]} : vector<512x768xf32> to vector<512x64xf32>
    %swap3A_57 = arith.constant 1 : index
    %swap3A_58 = arith.constant 0 : index
    %swap3A_59 = arith.constant 0 : index
    %swap3A_60 = vector.load %arg9[%swap3A_57, %swap3A_58, %swap3A_59] : memref<12x512x128xf32, #tpu.memory_space<vmem>>, vector<1x512x64xf32>
    %swap3A_61 = vector.shape_cast %swap3A_60 : vector<1x512x64xf32> to vector<512x64xf32>
    %swap3A_62 = vector.shape_cast %slice3A_56 : vector<512x64xf32> to vector<1x512x64xf32>
    tpu.vector_store %arg9[%swap3A_57, %swap3A_58, %swap3A_59], %swap3A_62 {strides = array<i32>} : memref<12x512x128xf32, #tpu.memory_space<vmem>>, vector<1x512x64xf32>,
    %slice3A_63 = vector.extract_strided_slice %add3A_29 {offsets = [0, 64], sizes = [512, 64], strides = [1, 1]} : vector<512x768xf32> to vector<512x64xf32>
    %swap3A_64 = arith.constant 1 : index
    %swap3A_65 = arith.constant 0 : index
    %swap3A_66 = arith.constant 0 : index
    %swap3A_67 = vector.load %arg10[%swap3A_64, %swap3A_65, %swap3A_66] : memref<12x512x128xf32, #tpu.memory_space<vmem>>, vector<1x512x64xf32>
    %swap3A_68 = vector.shape_cast %swap3A_67 : vector<1x512x64xf32> to vector<512x64xf32>
    %swap3A_69 = vector.shape_cast %slice3A_63 : vector<512x64xf32> to vector<1x512x64xf32>
    tpu.vector_store %arg10[%swap3A_64, %swap3A_65, %swap3A_66], %swap3A_69 {strides = array<i32>} : memref<12x512x128xf32, #tpu.memory_space<vmem>>, vector<1x512x64xf32>,
    %slice3A_70 = vector.extract_strided_slice %add3A_9 {offsets = [0, 128], sizes = [512, 64], strides = [1, 1]} : vector<512x768xf32> to vector<512x64xf32>
    %swap3A_71 = arith.constant 2 : index
    %swap3A_72 = arith.constant 0 : index
    %swap3A_73 = arith.constant 0 : index
    %swap3A_74 = vector.load %arg8[%swap3A_71, %swap3A_72, %swap3A_73] : memref<12x512x128xf32, #tpu.memory_space<vmem>>, vector<1x512x64xf32>
    %swap3A_75 = vector.shape_cast %swap3A_74 : vector<1x512x64xf32> to vector<512x64xf32>
    %swap3A_76 = vector.shape_cast %slice3A_70 : vector<512x64xf32> to vector<1x512x64xf32>
    tpu.vector_store %arg8[%swap3A_71, %swap3A_72, %swap3A_73], %swap3A_76 {strides = array<i32>} : memref<12x512x128xf32, #tpu.memory_space<vmem>>, vector<1x512x64xf32>,
    %slice3A_77 = vector.extract_strided_slice %add3A_19 {offsets = [0, 128], sizes = [512, 64], strides = [1, 1]} : vector<512x768xf32> to vector<512x64xf32>
    %swap3A_78 = arith.constant 2 : index
    %swap3A_79 = arith.constant 0 : index
    %swap3A_80 = arith.constant 0 : index
    %swap3A_81 = vector.load %arg9[%swap3A_78, %swap3A_79, %swap3A_80] : memref<12x512x128xf32, #tpu.memory_space<vmem>>, vector<1x512x64xf32>
    %swap3A_82 = vector.shape_cast %swap3A_81 : vector<1x512x64xf32> to vector<512x64xf32>
    %swap3A_83 = vector.shape_cast %slice3A_77 : vector<512x64xf32> to vector<1x512x64xf32>
    tpu.vector_store %arg9[%swap3A_78, %swap3A_79, %swap3A_80], %swap3A_83 {strides = array<i32>} : memref<12x512x128xf32, #tpu.memory_space<vmem>>, vector<1x512x64xf32>,
    %slice3A_84 = vector.extract_strided_slice %add3A_29 {offsets = [0, 128], sizes = [512, 64], strides = [1, 1]} : vector<512x768xf32> to vector<512x64xf32>
    %swap3A_85 = arith.constant 2 : index
    %swap3A_86 = arith.constant 0 : index
    %swap3A_87 = arith.constant 0 : index
    %swap3A_88 = vector.load %arg10[%swap3A_85, %swap3A_86, %swap3A_87] : memref<12x512x128xf32, #tpu.memory_space<vmem>>, vector<1x512x64xf32>
    %swap3A_89 = vector.shape_cast %swap3A_88 : vector<1x512x64xf32> to vector<512x64xf32>
    %swap3A_90 = vector.shape_cast %slice3A_84 : vector<512x64xf32> to vector<1x512x64xf32>
    tpu.vector_store %arg10[%swap3A_85, %swap3A_86, %swap3A_87], %swap3A_90 {strides = array<i32>} : memref<12x512x128xf32, #tpu.memory_space<vmem>>, vector<1x512x64xf32>,
    %slice3A_91 = vector.extract_strided_slice %add3A_9 {offsets = [0, 192], sizes = [512, 64], strides = [1, 1]} : vector<512x768xf32> to vector<512x64xf32>
    %swap3A_92 = arith.constant 3 : index
    %swap3A_93 = arith.constant 0 : index
    %swap3A_94 = arith.constant 0 : index
    %swap3A_95 = vector.load %arg8[%swap3A_92, %swap3A_93, %swap3A_94] : memref<12x512x128xf32, #tpu.memory_space<vmem>>, vector<1x512x64xf32>
    %swap3A_96 = vector.shape_cast %swap3A_95 : vector<1x512x64xf32> to vector<512x64xf32>
    %swap3A_97 = vector.shape_cast %slice3A_91 : vector<512x64xf32> to vector<1x512x64xf32>
    tpu.vector_store %arg8[%swap3A_92, %swap3A_93, %swap3A_94], %swap3A_97 {strides = array<i32>} : memref<12x512x128xf32, #tpu.memory_space<vmem>>, vector<1x512x64xf32>,
    %slice3A_98 = vector.extract_strided_slice %add3A_19 {offsets = [0, 192], sizes = [512, 64], strides = [1, 1]} : vector<512x768xf32> to vector<512x64xf32>
    %swap3A_99 = arith.constant 3 : index
    %swap3A_100 = arith.constant 0 : index
    %swap3A_101 = arith.constant 0 : index
    %swap3A_102 = vector.load %arg9[%swap3A_99, %swap3A_100, %swap3A_101] : memref<12x512x128xf32, #tpu.memory_space<vmem>>, vector<1x512x64xf32>
    %swap3A_103 = vector.shape_cast %swap3A_102 : vector<1x512x64xf32> to vector<512x64xf32>
    %swap3A_104 = vector.shape_cast %slice3A_98 : vector<512x64xf32> to vector<1x512x64xf32>
    tpu.vector_store %arg9[%swap3A_99, %swap3A_100, %swap3A_101], %swap3A_104 {strides = array<i32>} : memref<12x512x128xf32, #tpu.memory_space<vmem>>, vector<1x512x64xf32>,
    %slice3A_105 = vector.extract_strided_slice %add3A_29 {offsets = [0, 192], sizes = [512, 64], strides = [1, 1]} : vector<512x768xf32> to vector<512x64xf32>
    %swap3A_106 = arith.constant 3 : index
    %swap3A_107 = arith.constant 0 : index
    %swap3A_108 = arith.constant 0 : index
    %swap3A_109 = vector.load %arg10[%swap3A_106, %swap3A_107, %swap3A_108] : memref<12x512x128xf32, #tpu.memory_space<vmem>>, vector<1x512x64xf32>
    %swap3A_110 = vector.shape_cast %swap3A_109 : vector<1x512x64xf32> to vector<512x64xf32>
    %swap3A_111 = vector.shape_cast %slice3A_105 : vector<512x64xf32> to vector<1x512x64xf32>
    tpu.vector_store %arg10[%swap3A_106, %swap3A_107, %swap3A_108], %swap3A_111 {strides = array<i32>} : memref<12x512x128xf32, #tpu.memory_space<vmem>>, vector<1x512x64xf32>,
    %slice3A_112 = vector.extract_strided_slice %add3A_9 {offsets = [0, 256], sizes = [512, 64], strides = [1, 1]} : vector<512x768xf32> to vector<512x64xf32>
    %swap3A_113 = arith.constant 4 : index
    %swap3A_114 = arith.constant 0 : index
    %swap3A_115 = arith.constant 0 : index
    %swap3A_116 = vector.load %arg8[%swap3A_113, %swap3A_114, %swap3A_115] : memref<12x512x128xf32, #tpu.memory_space<vmem>>, vector<1x512x64xf32>
    %swap3A_117 = vector.shape_cast %swap3A_116 : vector<1x512x64xf32> to vector<512x64xf32>
    %swap3A_118 = vector.shape_cast %slice3A_112 : vector<512x64xf32> to vector<1x512x64xf32>
    tpu.vector_store %arg8[%swap3A_113, %swap3A_114, %swap3A_115], %swap3A_118 {strides = array<i32>} : memref<12x512x128xf32, #tpu.memory_space<vmem>>, vector<1x512x64xf32>,
    %slice3A_119 = vector.extract_strided_slice %add3A_19 {offsets = [0, 256], sizes = [512, 64], strides = [1, 1]} : vector<512x768xf32> to vector<512x64xf32>
    %swap3A_120 = arith.constant 4 : index
    %swap3A_121 = arith.constant 0 : index
    %swap3A_122 = arith.constant 0 : index
    %swap3A_123 = vector.load %arg9[%swap3A_120, %swap3A_121, %swap3A_122] : memref<12x512x128xf32, #tpu.memory_space<vmem>>, vector<1x512x64xf32>
    %swap3A_124 = vector.shape_cast %swap3A_123 : vector<1x512x64xf32> to vector<512x64xf32>
    %swap3A_125 = vector.shape_cast %slice3A_119 : vector<512x64xf32> to vector<1x512x64xf32>
    tpu.vector_store %arg9[%swap3A_120, %swap3A_121, %swap3A_122], %swap3A_125 {strides = array<i32>} : memref<12x512x128xf32, #tpu.memory_space<vmem>>, vector<1x512x64xf32>,
    %slice3A_126 = vector.extract_strided_slice %add3A_29 {offsets = [0, 256], sizes = [512, 64], strides = [1, 1]} : vector<512x768xf32> to vector<512x64xf32>
    %swap3A_127 = arith.constant 4 : index
    %swap3A_128 = arith.constant 0 : index
    %swap3A_129 = arith.constant 0 : index
    %swap3A_130 = vector.load %arg10[%swap3A_127, %swap3A_128, %swap3A_129] : memref<12x512x128xf32, #tpu.memory_space<vmem>>, vector<1x512x64xf32>
    %swap3A_131 = vector.shape_cast %swap3A_130 : vector<1x512x64xf32> to vector<512x64xf32>
    %swap3A_132 = vector.shape_cast %slice3A_126 : vector<512x64xf32> to vector<1x512x64xf32>
    tpu.vector_store %arg10[%swap3A_127, %swap3A_128, %swap3A_129], %swap3A_132 {strides = array<i32>} : memref<12x512x128xf32, #tpu.memory_space<vmem>>, vector<1x512x64xf32>,
    %slice3A_133 = vector.extract_strided_slice %add3A_9 {offsets = [0, 320], sizes = [512, 64], strides = [1, 1]} : vector<512x768xf32> to vector<512x64xf32>
    %swap3A_134 = arith.constant 5 : index
    %swap3A_135 = arith.constant 0 : index
    %swap3A_136 = arith.constant 0 : index
    %swap3A_137 = vector.load %arg8[%swap3A_134, %swap3A_135, %swap3A_136] : memref<12x512x128xf32, #tpu.memory_space<vmem>>, vector<1x512x64xf32>
    %swap3A_138 = vector.shape_cast %swap3A_137 : vector<1x512x64xf32> to vector<512x64xf32>
    %swap3A_139 = vector.shape_cast %slice3A_133 : vector<512x64xf32> to vector<1x512x64xf32>
    tpu.vector_store %arg8[%swap3A_134, %swap3A_135, %swap3A_136], %swap3A_139 {strides = array<i32>} : memref<12x512x128xf32, #tpu.memory_space<vmem>>, vector<1x512x64xf32>,
    %slice3A_140 = vector.extract_strided_slice %add3A_19 {offsets = [0, 320], sizes = [512, 64], strides = [1, 1]} : vector<512x768xf32> to vector<512x64xf32>
    %swap3A_141 = arith.constant 5 : index
    %swap3A_142 = arith.constant 0 : index
    %swap3A_143 = arith.constant 0 : index
    %swap3A_144 = vector.load %arg9[%swap3A_141, %swap3A_142, %swap3A_143] : memref<12x512x128xf32, #tpu.memory_space<vmem>>, vector<1x512x64xf32>
    %swap3A_145 = vector.shape_cast %swap3A_144 : vector<1x512x64xf32> to vector<512x64xf32>
    %swap3A_146 = vector.shape_cast %slice3A_140 : vector<512x64xf32> to vector<1x512x64xf32>
    tpu.vector_store %arg9[%swap3A_141, %swap3A_142, %swap3A_143], %swap3A_146 {strides = array<i32>} : memref<12x512x128xf32, #tpu.memory_space<vmem>>, vector<1x512x64xf32>,
    %slice3A_147 = vector.extract_strided_slice %add3A_29 {offsets = [0, 320], sizes = [512, 64], strides = [1, 1]} : vector<512x768xf32> to vector<512x64xf32>
    %swap3A_148 = arith.constant 5 : index
    %swap3A_149 = arith.constant 0 : index
    %swap3A_150 = arith.constant 0 : index
    %swap3A_151 = vector.load %arg10[%swap3A_148, %swap3A_149, %swap3A_150] : memref<12x512x128xf32, #tpu.memory_space<vmem>>, vector<1x512x64xf32>
    %swap3A_152 = vector.shape_cast %swap3A_151 : vector<1x512x64xf32> to vector<512x64xf32>
    %swap3A_153 = vector.shape_cast %slice3A_147 : vector<512x64xf32> to vector<1x512x64xf32>
    tpu.vector_store %arg10[%swap3A_148, %swap3A_149, %swap3A_150], %swap3A_153 {strides = array<i32>} : memref<12x512x128xf32, #tpu.memory_space<vmem>>, vector<1x512x64xf32>,
    %slice3A_154 = vector.extract_strided_slice %add3A_9 {offsets = [0, 384], sizes = [512, 64], strides = [1, 1]} : vector<512x768xf32> to vector<512x64xf32>
    %swap3A_155 = arith.constant 6 : index
    %swap3A_156 = arith.constant 0 : index
    %swap3A_157 = arith.constant 0 : index
    %swap3A_158 = vector.load %arg8[%swap3A_155, %swap3A_156, %swap3A_157] : memref<12x512x128xf32, #tpu.memory_space<vmem>>, vector<1x512x64xf32>
    %swap3A_159 = vector.shape_cast %swap3A_158 : vector<1x512x64xf32> to vector<512x64xf32>
    %swap3A_160 = vector.shape_cast %slice3A_154 : vector<512x64xf32> to vector<1x512x64xf32>
    tpu.vector_store %arg8[%swap3A_155, %swap3A_156, %swap3A_157], %swap3A_160 {strides = array<i32>} : memref<12x512x128xf32, #tpu.memory_space<vmem>>, vector<1x512x64xf32>,
    %slice3A_161 = vector.extract_strided_slice %add3A_19 {offsets = [0, 384], sizes = [512, 64], strides = [1, 1]} : vector<512x768xf32> to vector<512x64xf32>
    %swap3A_162 = arith.constant 6 : index
    %swap3A_163 = arith.constant 0 : index
    %swap3A_164 = arith.constant 0 : index
    %swap3A_165 = vector.load %arg9[%swap3A_162, %swap3A_163, %swap3A_164] : memref<12x512x128xf32, #tpu.memory_space<vmem>>, vector<1x512x64xf32>
    %swap3A_166 = vector.shape_cast %swap3A_165 : vector<1x512x64xf32> to vector<512x64xf32>
    %swap3A_167 = vector.shape_cast %slice3A_161 : vector<512x64xf32> to vector<1x512x64xf32>
    tpu.vector_store %arg9[%swap3A_162, %swap3A_163, %swap3A_164], %swap3A_167 {strides = array<i32>} : memref<12x512x128xf32, #tpu.memory_space<vmem>>, vector<1x512x64xf32>,
    %slice3A_168 = vector.extract_strided_slice %add3A_29 {offsets = [0, 384], sizes = [512, 64], strides = [1, 1]} : vector<512x768xf32> to vector<512x64xf32>
    %swap3A_169 = arith.constant 6 : index
    %swap3A_170 = arith.constant 0 : index
    %swap3A_171 = arith.constant 0 : index
    %swap3A_172 = vector.load %arg10[%swap3A_169, %swap3A_170, %swap3A_171] : memref<12x512x128xf32, #tpu.memory_space<vmem>>, vector<1x512x64xf32>
    %swap3A_173 = vector.shape_cast %swap3A_172 : vector<1x512x64xf32> to vector<512x64xf32>
    %swap3A_174 = vector.shape_cast %slice3A_168 : vector<512x64xf32> to vector<1x512x64xf32>
    tpu.vector_store %arg10[%swap3A_169, %swap3A_170, %swap3A_171], %swap3A_174 {strides = array<i32>} : memref<12x512x128xf32, #tpu.memory_space<vmem>>, vector<1x512x64xf32>,
    %slice3A_175 = vector.extract_strided_slice %add3A_9 {offsets = [0, 448], sizes = [512, 64], strides = [1, 1]} : vector<512x768xf32> to vector<512x64xf32>
    %swap3A_176 = arith.constant 7 : index
    %swap3A_177 = arith.constant 0 : index
    %swap3A_178 = arith.constant 0 : index
    %swap3A_179 = vector.load %arg8[%swap3A_176, %swap3A_177, %swap3A_178] : memref<12x512x128xf32, #tpu.memory_space<vmem>>, vector<1x512x64xf32>
    %swap3A_180 = vector.shape_cast %swap3A_179 : vector<1x512x64xf32> to vector<512x64xf32>
    %swap3A_181 = vector.shape_cast %slice3A_175 : vector<512x64xf32> to vector<1x512x64xf32>
    tpu.vector_store %arg8[%swap3A_176, %swap3A_177, %swap3A_178], %swap3A_181 {strides = array<i32>} : memref<12x512x128xf32, #tpu.memory_space<vmem>>, vector<1x512x64xf32>,
    %slice3A_182 = vector.extract_strided_slice %add3A_19 {offsets = [0, 448], sizes = [512, 64], strides = [1, 1]} : vector<512x768xf32> to vector<512x64xf32>
    %swap3A_183 = arith.constant 7 : index
    %swap3A_184 = arith.constant 0 : index
    %swap3A_185 = arith.constant 0 : index
    %swap3A_186 = vector.load %arg9[%swap3A_183, %swap3A_184, %swap3A_185] : memref<12x512x128xf32, #tpu.memory_space<vmem>>, vector<1x512x64xf32>
    %swap3A_187 = vector.shape_cast %swap3A_186 : vector<1x512x64xf32> to vector<512x64xf32>
    %swap3A_188 = vector.shape_cast %slice3A_182 : vector<512x64xf32> to vector<1x512x64xf32>
    tpu.vector_store %arg9[%swap3A_183, %swap3A_184, %swap3A_185], %swap3A_188 {strides = array<i32>} : memref<12x512x128xf32, #tpu.memory_space<vmem>>, vector<1x512x64xf32>,
    %slice3A_189 = vector.extract_strided_slice %add3A_29 {offsets = [0, 448], sizes = [512, 64], strides = [1, 1]} : vector<512x768xf32> to vector<512x64xf32>
    %swap3A_190 = arith.constant 7 : index
    %swap3A_191 = arith.constant 0 : index
    %swap3A_192 = arith.constant 0 : index
    %swap3A_193 = vector.load %arg10[%swap3A_190, %swap3A_191, %swap3A_192] : memref<12x512x128xf32, #tpu.memory_space<vmem>>, vector<1x512x64xf32>
    %swap3A_194 = vector.shape_cast %swap3A_193 : vector<1x512x64xf32> to vector<512x64xf32>
    %swap3A_195 = vector.shape_cast %slice3A_189 : vector<512x64xf32> to vector<1x512x64xf32>
    tpu.vector_store %arg10[%swap3A_190, %swap3A_191, %swap3A_192], %swap3A_195 {strides = array<i32>} : memref<12x512x128xf32, #tpu.memory_space<vmem>>, vector<1x512x64xf32>,
    %slice3A_196 = vector.extract_strided_slice %add3A_9 {offsets = [0, 512], sizes = [512, 64], strides = [1, 1]} : vector<512x768xf32> to vector<512x64xf32>
    %swap3A_197 = arith.constant 8 : index
    %swap3A_198 = arith.constant 0 : index
    %swap3A_199 = arith.constant 0 : index
    %swap3A_200 = vector.load %arg8[%swap3A_197, %swap3A_198, %swap3A_199] : memref<12x512x128xf32, #tpu.memory_space<vmem>>, vector<1x512x64xf32>
    %swap3A_201 = vector.shape_cast %swap3A_200 : vector<1x512x64xf32> to vector<512x64xf32>
    %swap3A_202 = vector.shape_cast %slice3A_196 : vector<512x64xf32> to vector<1x512x64xf32>
    tpu.vector_store %arg8[%swap3A_197, %swap3A_198, %swap3A_199], %swap3A_202 {strides = array<i32>} : memref<12x512x128xf32, #tpu.memory_space<vmem>>, vector<1x512x64xf32>,
    %slice3A_203 = vector.extract_strided_slice %add3A_19 {offsets = [0, 512], sizes = [512, 64], strides = [1, 1]} : vector<512x768xf32> to vector<512x64xf32>
    %swap3A_204 = arith.constant 8 : index
    %swap3A_205 = arith.constant 0 : index
    %swap3A_206 = arith.constant 0 : index
    %swap3A_207 = vector.load %arg9[%swap3A_204, %swap3A_205, %swap3A_206] : memref<12x512x128xf32, #tpu.memory_space<vmem>>, vector<1x512x64xf32>
    %swap3A_208 = vector.shape_cast %swap3A_207 : vector<1x512x64xf32> to vector<512x64xf32>
    %swap3A_209 = vector.shape_cast %slice3A_203 : vector<512x64xf32> to vector<1x512x64xf32>
    tpu.vector_store %arg9[%swap3A_204, %swap3A_205, %swap3A_206], %swap3A_209 {strides = array<i32>} : memref<12x512x128xf32, #tpu.memory_space<vmem>>, vector<1x512x64xf32>,
    %slice3A_210 = vector.extract_strided_slice %add3A_29 {offsets = [0, 512], sizes = [512, 64], strides = [1, 1]} : vector<512x768xf32> to vector<512x64xf32>
    %swap3A_211 = arith.constant 8 : index
    %swap3A_212 = arith.constant 0 : index
    %swap3A_213 = arith.constant 0 : index
    %swap3A_214 = vector.load %arg10[%swap3A_211, %swap3A_212, %swap3A_213] : memref<12x512x128xf32, #tpu.memory_space<vmem>>, vector<1x512x64xf32>
    %swap3A_215 = vector.shape_cast %swap3A_214 : vector<1x512x64xf32> to vector<512x64xf32>
    %swap3A_216 = vector.shape_cast %slice3A_210 : vector<512x64xf32> to vector<1x512x64xf32>
    tpu.vector_store %arg10[%swap3A_211, %swap3A_212, %swap3A_213], %swap3A_216 {strides = array<i32>} : memref<12x512x128xf32, #tpu.memory_space<vmem>>, vector<1x512x64xf32>,
    %slice3A_217 = vector.extract_strided_slice %add3A_9 {offsets = [0, 576], sizes = [512, 64], strides = [1, 1]} : vector<512x768xf32> to vector<512x64xf32>
    %swap3A_218 = arith.constant 9 : index
    %swap3A_219 = arith.constant 0 : index
    %swap3A_220 = arith.constant 0 : index
    %swap3A_221 = vector.load %arg8[%swap3A_218, %swap3A_219, %swap3A_220] : memref<12x512x128xf32, #tpu.memory_space<vmem>>, vector<1x512x64xf32>
    %swap3A_222 = vector.shape_cast %swap3A_221 : vector<1x512x64xf32> to vector<512x64xf32>
    %swap3A_223 = vector.shape_cast %slice3A_217 : vector<512x64xf32> to vector<1x512x64xf32>
    tpu.vector_store %arg8[%swap3A_218, %swap3A_219, %swap3A_220], %swap3A_223 {strides = array<i32>} : memref<12x512x128xf32, #tpu.memory_space<vmem>>, vector<1x512x64xf32>,
    %slice3A_224 = vector.extract_strided_slice %add3A_19 {offsets = [0, 576], sizes = [512, 64], strides = [1, 1]} : vector<512x768xf32> to vector<512x64xf32>
    %swap3A_225 = arith.constant 9 : index
    %swap3A_226 = arith.constant 0 : index
    %swap3A_227 = arith.constant 0 : index
    %swap3A_228 = vector.load %arg9[%swap3A_225, %swap3A_226, %swap3A_227] : memref<12x512x128xf32, #tpu.memory_space<vmem>>, vector<1x512x64xf32>
    %swap3A_229 = vector.shape_cast %swap3A_228 : vector<1x512x64xf32> to vector<512x64xf32>
    %swap3A_230 = vector.shape_cast %slice3A_224 : vector<512x64xf32> to vector<1x512x64xf32>
    tpu.vector_store %arg9[%swap3A_225, %swap3A_226, %swap3A_227], %swap3A_230 {strides = array<i32>} : memref<12x512x128xf32, #tpu.memory_space<vmem>>, vector<1x512x64xf32>,
    %slice3A_231 = vector.extract_strided_slice %add3A_29 {offsets = [0, 576], sizes = [512, 64], strides = [1, 1]} : vector<512x768xf32> to vector<512x64xf32>
    %swap3A_232 = arith.constant 9 : index
    %swap3A_233 = arith.constant 0 : index
    %swap3A_234 = arith.constant 0 : index
    %swap3A_235 = vector.load %arg10[%swap3A_232, %swap3A_233, %swap3A_234] : memref<12x512x128xf32, #tpu.memory_space<vmem>>, vector<1x512x64xf32>
    %swap3A_236 = vector.shape_cast %swap3A_235 : vector<1x512x64xf32> to vector<512x64xf32>
    %swap3A_237 = vector.shape_cast %slice3A_231 : vector<512x64xf32> to vector<1x512x64xf32>
    tpu.vector_store %arg10[%swap3A_232, %swap3A_233, %swap3A_234], %swap3A_237 {strides = array<i32>} : memref<12x512x128xf32, #tpu.memory_space<vmem>>, vector<1x512x64xf32>,
    %slice3A_238 = vector.extract_strided_slice %add3A_9 {offsets = [0, 640], sizes = [512, 64], strides = [1, 1]} : vector<512x768xf32> to vector<512x64xf32>
    %swap3A_239 = arith.constant 10 : index
    %swap3A_240 = arith.constant 0 : index
    %swap3A_241 = arith.constant 0 : index
    %swap3A_242 = vector.load %arg8[%swap3A_239, %swap3A_240, %swap3A_241] : memref<12x512x128xf32, #tpu.memory_space<vmem>>, vector<1x512x64xf32>
    %swap3A_243 = vector.shape_cast %swap3A_242 : vector<1x512x64xf32> to vector<512x64xf32>
    %swap3A_244 = vector.shape_cast %slice3A_238 : vector<512x64xf32> to vector<1x512x64xf32>
    tpu.vector_store %arg8[%swap3A_239, %swap3A_240, %swap3A_241], %swap3A_244 {strides = array<i32>} : memref<12x512x128xf32, #tpu.memory_space<vmem>>, vector<1x512x64xf32>,
    %slice3A_245 = vector.extract_strided_slice %add3A_19 {offsets = [0, 640], sizes = [512, 64], strides = [1, 1]} : vector<512x768xf32> to vector<512x64xf32>
    %swap3A_246 = arith.constant 10 : index
    %swap3A_247 = arith.constant 0 : index
    %swap3A_248 = arith.constant 0 : index
    %swap3A_249 = vector.load %arg9[%swap3A_246, %swap3A_247, %swap3A_248] : memref<12x512x128xf32, #tpu.memory_space<vmem>>, vector<1x512x64xf32>
    %swap3A_250 = vector.shape_cast %swap3A_249 : vector<1x512x64xf32> to vector<512x64xf32>
    %swap3A_251 = vector.shape_cast %slice3A_245 : vector<512x64xf32> to vector<1x512x64xf32>
    tpu.vector_store %arg9[%swap3A_246, %swap3A_247, %swap3A_248], %swap3A_251 {strides = array<i32>} : memref<12x512x128xf32, #tpu.memory_space<vmem>>, vector<1x512x64xf32>,
    %slice3A_252 = vector.extract_strided_slice %add3A_29 {offsets = [0, 640], sizes = [512, 64], strides = [1, 1]} : vector<512x768xf32> to vector<512x64xf32>
    %swap3A_253 = arith.constant 10 : index
    %swap3A_254 = arith.constant 0 : index
    %swap3A_255 = arith.constant 0 : index
    %swap3A_256 = vector.load %arg10[%swap3A_253, %swap3A_254, %swap3A_255] : memref<12x512x128xf32, #tpu.memory_space<vmem>>, vector<1x512x64xf32>
    %swap3A_257 = vector.shape_cast %swap3A_256 : vector<1x512x64xf32> to vector<512x64xf32>
    %swap3A_258 = vector.shape_cast %slice3A_252 : vector<512x64xf32> to vector<1x512x64xf32>
    tpu.vector_store %arg10[%swap3A_253, %swap3A_254, %swap3A_255], %swap3A_258 {strides = array<i32>} : memref<12x512x128xf32, #tpu.memory_space<vmem>>, vector<1x512x64xf32>,
    %slice3A_259 = vector.extract_strided_slice %add3A_9 {offsets = [0, 704], sizes = [512, 64], strides = [1, 1]} : vector<512x768xf32> to vector<512x64xf32>
    %swap3A_260 = arith.constant 11 : index
    %swap3A_261 = arith.constant 0 : index
    %swap3A_262 = arith.constant 0 : index
    %swap3A_263 = vector.load %arg8[%swap3A_260, %swap3A_261, %swap3A_262] : memref<12x512x128xf32, #tpu.memory_space<vmem>>, vector<1x512x64xf32>
    %swap3A_264 = vector.shape_cast %swap3A_263 : vector<1x512x64xf32> to vector<512x64xf32>
    %swap3A_265 = vector.shape_cast %slice3A_259 : vector<512x64xf32> to vector<1x512x64xf32>
    tpu.vector_store %arg8[%swap3A_260, %swap3A_261, %swap3A_262], %swap3A_265 {strides = array<i32>} : memref<12x512x128xf32, #tpu.memory_space<vmem>>, vector<1x512x64xf32>,
    %slice3A_266 = vector.extract_strided_slice %add3A_19 {offsets = [0, 704], sizes = [512, 64], strides = [1, 1]} : vector<512x768xf32> to vector<512x64xf32>
    %swap3A_267 = arith.constant 11 : index
    %swap3A_268 = arith.constant 0 : index
    %swap3A_269 = arith.constant 0 : index
    %swap3A_270 = vector.load %arg9[%swap3A_267, %swap3A_268, %swap3A_269] : memref<12x512x128xf32, #tpu.memory_space<vmem>>, vector<1x512x64xf32>
    %swap3A_271 = vector.shape_cast %swap3A_270 : vector<1x512x64xf32> to vector<512x64xf32>
    %swap3A_272 = vector.shape_cast %slice3A_266 : vector<512x64xf32> to vector<1x512x64xf32>
    tpu.vector_store %arg9[%swap3A_267, %swap3A_268, %swap3A_269], %swap3A_272 {strides = array<i32>} : memref<12x512x128xf32, #tpu.memory_space<vmem>>, vector<1x512x64xf32>,
    %slice3A_273 = vector.extract_strided_slice %add3A_29 {offsets = [0, 704], sizes = [512, 64], strides = [1, 1]} : vector<512x768xf32> to vector<512x64xf32>
    %swap3A_274 = arith.constant 11 : index
    %swap3A_275 = arith.constant 0 : index
    %swap3A_276 = arith.constant 0 : index
    %swap3A_277 = vector.load %arg10[%swap3A_274, %swap3A_275, %swap3A_276] : memref<12x512x128xf32, #tpu.memory_space<vmem>>, vector<1x512x64xf32>
    %swap3A_278 = vector.shape_cast %swap3A_277 : vector<1x512x64xf32> to vector<512x64xf32>
    %swap3A_279 = vector.shape_cast %slice3A_273 : vector<512x64xf32> to vector<1x512x64xf32>
    tpu.vector_store %arg10[%swap3A_274, %swap3A_275, %swap3A_276], %swap3A_279 {strides = array<i32>} : memref<12x512x128xf32, #tpu.memory_space<vmem>>, vector<1x512x64xf32>,
    return
  }
  func.func @transform_0(%arg0: i32) -> (i32, i32) {
    %c0_i32 = arith.constant 0 : i32
    %c0_i32_0 = arith.constant 0 : i32
    return %arg0, %c0_i32 : i32, i32
  }
  func.func @transform_1(%arg0: i32) -> (i32, i32) {
    %c0_i32 = arith.constant 0 : i32
    %c0_i32_0 = arith.constant 0 : i32
    %c0_i32_1 = arith.constant 0 : i32
    return %c0_i32, %c0_i32_0 : i32, i32
  }
  func.func @transform_2(%arg0: i32) -> (i32, i32) {
    %c0_i32 = arith.constant 0 : i32
    %c0_i32_0 = arith.constant 0 : i32
    %c0_i32_1 = arith.constant 0 : i32
    return %c0_i32, %c0_i32_0 : i32, i32
  }
  func.func @transform_3(%arg0: i32) -> (i32, i32) {
    %c0_i32 = arith.constant 0 : i32
    %c0_i32_0 = arith.constant 0 : i32
    %c0_i32_1 = arith.constant 0 : i32
    return %c0_i32, %c0_i32_0 : i32, i32
  }
  func.func @transform_4(%arg0: i32) -> (i32, i32) {
    %c0_i32 = arith.constant 0 : i32
    %c0_i32_0 = arith.constant 0 : i32
    %c0_i32_1 = arith.constant 0 : i32
    return %c0_i32, %c0_i32_0 : i32, i32
  }
  func.func @transform_5(%arg0: i32) -> (i32, i32) {
    %c0_i32 = arith.constant 0 : i32
    %c0_i32_0 = arith.constant 0 : i32
    %c0_i32_1 = arith.constant 0 : i32
    return %c0_i32, %c0_i32_0 : i32, i32
  }
  func.func @transform_6(%arg0: i32) -> (i32, i32) {
    %c0_i32 = arith.constant 0 : i32
    %c0_i32_0 = arith.constant 0 : i32
    %c0_i32_1 = arith.constant 0 : i32
    return %c0_i32, %c0_i32_0 : i32, i32
  }
  func.func @transform_7(%arg0: i32) -> (i32, i32, i32) {
    %jit3A = arith.constant 4 : i32
    %div3A = arith.divsi %arg0, %jit3A : i32
    %sign3A = arith.constant 0 : i32
    %sign3A_0 = arith.cmpi sgt, %arg0, %sign3A : i32
    %sign3A_1 = arith.extui %sign3A_0 : i1 to i32
    %sign3A_2 = arith.constant 0 : i32
    %sign3A_3 = arith.cmpi slt, %arg0, %sign3A_2 : i32
    %sign3A_4 = arith.extui %sign3A_3 : i1 to i32
    %sign3A_5 = arith.subi %sign3A_1, %sign3A_4 : i32
    %sign3A_6 = arith.constant 0 : i32
    %sign3A_7 = arith.cmpi sgt, %jit3A, %sign3A_6 : i32
    %sign3A_8 = arith.extui %sign3A_7 : i1 to i32
    %sign3A_9 = arith.constant 0 : i32
    %sign3A_10 = arith.cmpi slt, %jit3A, %sign3A_9 : i32
    %sign3A_11 = arith.extui %sign3A_10 : i1 to i32
    %sign3A_12 = arith.subi %sign3A_8, %sign3A_11 : i32
    %ne3A = arith.cmpi ne, %sign3A_5, %sign3A_12 : i32
    %rem3A = arith.remsi %arg0, %jit3A : i32
    %ne3A_13 = arith.constant 0 : i32
    %ne3A_14 = arith.cmpi ne, %rem3A, %ne3A_13 : i32
    %and3A = arith.andi %ne3A, %ne3A_14 : i1
    %sub3A = arith.constant 1 : i32
    %sub3A_15 = arith.subi %div3A, %sub3A : i32
    %select_n3A = arith.select %and3A, %sub3A_15, %div3A : i32
    %jit3A_16 = arith.constant 4 : i32
    %eq3A = arith.constant 0 : i32
    %eq3A_17 = arith.cmpi eq, %jit3A_16, %eq3A : i32
    %jit3A_18 = arith.constant 1 : i32
    %select_n3A_19 = arith.select %eq3A_17, %jit3A_18, %jit3A_16 : i32
    %rem3A_20 = arith.remsi %arg0, %select_n3A_19 : i32
    %ne3A_21 = arith.constant 0 : i32
    %ne3A_22 = arith.cmpi ne, %rem3A_20, %ne3A_21 : i32
    %lt3A = arith.constant 0 : i32
    %lt3A_23 = arith.cmpi slt, %rem3A_20, %lt3A : i32
    %lt3A_24 = arith.constant 0 : i32
    %lt3A_25 = arith.cmpi slt, %select_n3A_19, %lt3A_24 : i32
    %ne3A_26 = arith.xori %lt3A_23, %lt3A_25 : i1
    %and3A_27 = arith.andi %ne3A_26, %ne3A_22 : i1
    %add3A = arith.addi %rem3A_20, %select_n3A_19 : i32
    %select_n3A_28 = arith.select %and3A_27, %add3A, %rem3A_20 : i32
    %c0_i32 = arith.constant 0 : i32
    %c0_i32_29 = arith.constant 0 : i32
    return %select_n3A, %select_n3A_28, %c0_i32 : i32, i32, i32
  }
  func.func @transform_8(%arg0: i32) -> (i32, i32, i32) {
    %jit3A = arith.constant 4 : i32
    %div3A = arith.divsi %arg0, %jit3A : i32
    %sign3A = arith.constant 0 : i32
    %sign3A_0 = arith.cmpi sgt, %arg0, %sign3A : i32
    %sign3A_1 = arith.extui %sign3A_0 : i1 to i32
    %sign3A_2 = arith.constant 0 : i32
    %sign3A_3 = arith.cmpi slt, %arg0, %sign3A_2 : i32
    %sign3A_4 = arith.extui %sign3A_3 : i1 to i32
    %sign3A_5 = arith.subi %sign3A_1, %sign3A_4 : i32
    %sign3A_6 = arith.constant 0 : i32
    %sign3A_7 = arith.cmpi sgt, %jit3A, %sign3A_6 : i32
    %sign3A_8 = arith.extui %sign3A_7 : i1 to i32
    %sign3A_9 = arith.constant 0 : i32
    %sign3A_10 = arith.cmpi slt, %jit3A, %sign3A_9 : i32
    %sign3A_11 = arith.extui %sign3A_10 : i1 to i32
    %sign3A_12 = arith.subi %sign3A_8, %sign3A_11 : i32
    %ne3A = arith.cmpi ne, %sign3A_5, %sign3A_12 : i32
    %rem3A = arith.remsi %arg0, %jit3A : i32
    %ne3A_13 = arith.constant 0 : i32
    %ne3A_14 = arith.cmpi ne, %rem3A, %ne3A_13 : i32
    %and3A = arith.andi %ne3A, %ne3A_14 : i1
    %sub3A = arith.constant 1 : i32
    %sub3A_15 = arith.subi %div3A, %sub3A : i32
    %select_n3A = arith.select %and3A, %sub3A_15, %div3A : i32
    %jit3A_16 = arith.constant 4 : i32
    %eq3A = arith.constant 0 : i32
    %eq3A_17 = arith.cmpi eq, %jit3A_16, %eq3A : i32
    %jit3A_18 = arith.constant 1 : i32
    %select_n3A_19 = arith.select %eq3A_17, %jit3A_18, %jit3A_16 : i32
    %rem3A_20 = arith.remsi %arg0, %select_n3A_19 : i32
    %ne3A_21 = arith.constant 0 : i32
    %ne3A_22 = arith.cmpi ne, %rem3A_20, %ne3A_21 : i32
    %lt3A = arith.constant 0 : i32
    %lt3A_23 = arith.cmpi slt, %rem3A_20, %lt3A : i32
    %lt3A_24 = arith.constant 0 : i32
    %lt3A_25 = arith.cmpi slt, %select_n3A_19, %lt3A_24 : i32
    %ne3A_26 = arith.xori %lt3A_23, %lt3A_25 : i1
    %and3A_27 = arith.andi %ne3A_26, %ne3A_22 : i1
    %add3A = arith.addi %rem3A_20, %select_n3A_19 : i32
    %select_n3A_28 = arith.select %and3A_27, %add3A, %rem3A_20 : i32
    %c0_i32 = arith.constant 0 : i32
    %c0_i32_29 = arith.constant 0 : i32
    return %select_n3A, %select_n3A_28, %c0_i32 : i32, i32, i32
  }
  func.func @transform_9(%arg0: i32) -> (i32, i32, i32) {
    %jit3A = arith.constant 4 : i32
    %div3A = arith.divsi %arg0, %jit3A : i32
    %sign3A = arith.constant 0 : i32
    %sign3A_0 = arith.cmpi sgt, %arg0, %sign3A : i32
    %sign3A_1 = arith.extui %sign3A_0 : i1 to i32
    %sign3A_2 = arith.constant 0 : i32
    %sign3A_3 = arith.cmpi slt, %arg0, %sign3A_2 : i32
    %sign3A_4 = arith.extui %sign3A_3 : i1 to i32
    %sign3A_5 = arith.subi %sign3A_1, %sign3A_4 : i32
    %sign3A_6 = arith.constant 0 : i32
    %sign3A_7 = arith.cmpi sgt, %jit3A, %sign3A_6 : i32
    %sign3A_8 = arith.extui %sign3A_7 : i1 to i32
    %sign3A_9 = arith.constant 0 : i32
    %sign3A_10 = arith.cmpi slt, %jit3A, %sign3A_9 : i32
    %sign3A_11 = arith.extui %sign3A_10 : i1 to i32
    %sign3A_12 = arith.subi %sign3A_8, %sign3A_11 : i32
    %ne3A = arith.cmpi ne, %sign3A_5, %sign3A_12 : i32
    %rem3A = arith.remsi %arg0, %jit3A : i32
    %ne3A_13 = arith.constant 0 : i32
    %ne3A_14 = arith.cmpi ne, %rem3A, %ne3A_13 : i32
    %and3A = arith.andi %ne3A, %ne3A_14 : i1
    %sub3A = arith.constant 1 : i32
    %sub3A_15 = arith.subi %div3A, %sub3A : i32
    %select_n3A = arith.select %and3A, %sub3A_15, %div3A : i32
    %jit3A_16 = arith.constant 4 : i32
    %eq3A = arith.constant 0 : i32
    %eq3A_17 = arith.cmpi eq, %jit3A_16, %eq3A : i32
    %jit3A_18 = arith.constant 1 : i32
    %select_n3A_19 = arith.select %eq3A_17, %jit3A_18, %jit3A_16 : i32
    %rem3A_20 = arith.remsi %arg0, %select_n3A_19 : i32
    %ne3A_21 = arith.constant 0 : i32
    %ne3A_22 = arith.cmpi ne, %rem3A_20, %ne3A_21 : i32
    %lt3A = arith.constant 0 : i32
    %lt3A_23 = arith.cmpi slt, %rem3A_20, %lt3A : i32
    %lt3A_24 = arith.constant 0 : i32
    %lt3A_25 = arith.cmpi slt, %select_n3A_19, %lt3A_24 : i32
    %ne3A_26 = arith.xori %lt3A_23, %lt3A_25 : i1
    %and3A_27 = arith.andi %ne3A_26, %ne3A_22 : i1
    %add3A = arith.addi %rem3A_20, %select_n3A_19 : i32
    %select_n3A_28 = arith.select %and3A_27, %add3A, %rem3A_20 : i32
    %c0_i32 = arith.constant 0 : i32
    %c0_i32_29 = arith.constant 0 : i32
    return %select_n3A, %select_n3A_28, %c0_i32 : i32, i32, i32
  }
}

module attributes {stable_mosaic.version = 14 : i64} {
  func.func @body(%arg0: memref<24x2048xf32, #tpu.memory_space<vmem>>, %arg1: memref<24x32xi32, #tpu.memory_space<vmem>>) attributes {dimension_semantics = [], scalar_prefetch = 0 : i64, scratch_operands = 0 : i64, tpu.core_type = #tpu.core_type<tc>} {
    %get3A = arith.constant 0 : index
    %get3A_0 = arith.constant 0 : index
    %get3A_1 = vector.load %arg0[%get3A, %get3A_0] : memref<24x2048xf32, #tpu.memory_space<vmem>>, vector<24x2048xf32>
    %iota3A = tpu.iota {dimensions = array<i32: 1>} : vector<24x2048xi32>
    %reduce_max3A = arith.constant dense<0xFF800000> : vector<24xf32>
    %reduce_max3A_2 = vector.multi_reduction <maximumf>, %get3A_1, %reduce_max3A [1] : vector<24x2048xf32> to vector<24xf32>
    %broadcast_in_dim3A = vector.shape_cast %reduce_max3A_2 : vector<24xf32> to vector<24x1xf32>
    %eq3A = vector.broadcast %broadcast_in_dim3A : vector<24x1xf32> to vector<24x2048xf32>
    %eq3A_3 = arith.cmpf oeq, %get3A_1, %eq3A : vector<24x2048xf32>
    %jit3A = arith.constant 2048 : i32
    %broadcast_in_dim3A_4 = vector.broadcast %jit3A : i32 to vector<24x2048xi32>
    %select_n3A = arith.select %eq3A_3, %iota3A, %broadcast_in_dim3A_4 : vector<24x2048xi1>, vector<24x2048xi32>
    %reduce_min3A = arith.constant dense<2147483647> : vector<24xi32>
    %reduce_min3A_5 = vector.multi_reduction <minsi>, %select_n3A, %reduce_min3A [1] : vector<24x2048xi32> to vector<24xi32>
    %broadcast_in_dim3A_6 = vector.shape_cast %reduce_min3A_5 : vector<24xi32> to vector<24x1xi32>
    %eq3A_7 = vector.broadcast %broadcast_in_dim3A_6 : vector<24x1xi32> to vector<24x2048xi32>
    %eq3A_8 = arith.cmpi eq, %iota3A, %eq3A_7 : vector<24x2048xi32>
    %jit3A_9 = arith.constant 0xFF800000 : f32
    %broadcast_in_dim3A_10 = vector.broadcast %jit3A_9 : f32 to vector<24x2048xf32>
    %select_n3A_11 = arith.select %eq3A_8, %broadcast_in_dim3A_10, %get3A_1 : vector<24x2048xi1>, vector<24x2048xf32>
    %reduce_max3A_12 = arith.constant dense<0xFF800000> : vector<24xf32>
    %reduce_max3A_13 = vector.multi_reduction <maximumf>, %select_n3A_11, %reduce_max3A_12 [1] : vector<24x2048xf32> to vector<24xf32>
    %broadcast_in_dim3A_14 = vector.shape_cast %reduce_max3A_13 : vector<24xf32> to vector<24x1xf32>
    %eq3A_15 = vector.broadcast %broadcast_in_dim3A_14 : vector<24x1xf32> to vector<24x2048xf32>
    %eq3A_16 = arith.cmpf oeq, %select_n3A_11, %eq3A_15 : vector<24x2048xf32>
    %jit3A_17 = arith.constant 2048 : i32
    %broadcast_in_dim3A_18 = vector.broadcast %jit3A_17 : i32 to vector<24x2048xi32>
    %select_n3A_19 = arith.select %eq3A_16, %iota3A, %broadcast_in_dim3A_18 : vector<24x2048xi1>, vector<24x2048xi32>
    %reduce_min3A_20 = arith.constant dense<2147483647> : vector<24xi32>
    %reduce_min3A_21 = vector.multi_reduction <minsi>, %select_n3A_19, %reduce_min3A_20 [1] : vector<24x2048xi32> to vector<24xi32>
    %broadcast_in_dim3A_22 = vector.shape_cast %reduce_min3A_21 : vector<24xi32> to vector<24x1xi32>
    %eq3A_23 = vector.broadcast %broadcast_in_dim3A_22 : vector<24x1xi32> to vector<24x2048xi32>
    %eq3A_24 = arith.cmpi eq, %iota3A, %eq3A_23 : vector<24x2048xi32>
    %jit3A_25 = arith.constant 0xFF800000 : f32
    %broadcast_in_dim3A_26 = vector.broadcast %jit3A_25 : f32 to vector<24x2048xf32>
    %select_n3A_27 = arith.select %eq3A_24, %broadcast_in_dim3A_26, %select_n3A_11 : vector<24x2048xi1>, vector<24x2048xf32>
    %reduce_max3A_28 = arith.constant dense<0xFF800000> : vector<24xf32>
    %reduce_max3A_29 = vector.multi_reduction <maximumf>, %select_n3A_27, %reduce_max3A_28 [1] : vector<24x2048xf32> to vector<24xf32>
    %broadcast_in_dim3A_30 = vector.shape_cast %reduce_max3A_29 : vector<24xf32> to vector<24x1xf32>
    %eq3A_31 = vector.broadcast %broadcast_in_dim3A_30 : vector<24x1xf32> to vector<24x2048xf32>
    %eq3A_32 = arith.cmpf oeq, %select_n3A_27, %eq3A_31 : vector<24x2048xf32>
    %jit3A_33 = arith.constant 2048 : i32
    %broadcast_in_dim3A_34 = vector.broadcast %jit3A_33 : i32 to vector<24x2048xi32>
    %select_n3A_35 = arith.select %eq3A_32, %iota3A, %broadcast_in_dim3A_34 : vector<24x2048xi1>, vector<24x2048xi32>
    %reduce_min3A_36 = arith.constant dense<2147483647> : vector<24xi32>
    %reduce_min3A_37 = vector.multi_reduction <minsi>, %select_n3A_35, %reduce_min3A_36 [1] : vector<24x2048xi32> to vector<24xi32>
    %broadcast_in_dim3A_38 = vector.shape_cast %reduce_min3A_37 : vector<24xi32> to vector<24x1xi32>
    %eq3A_39 = vector.broadcast %broadcast_in_dim3A_38 : vector<24x1xi32> to vector<24x2048xi32>
    %eq3A_40 = arith.cmpi eq, %iota3A, %eq3A_39 : vector<24x2048xi32>
    %jit3A_41 = arith.constant 0xFF800000 : f32
    %broadcast_in_dim3A_42 = vector.broadcast %jit3A_41 : f32 to vector<24x2048xf32>
    %select_n3A_43 = arith.select %eq3A_40, %broadcast_in_dim3A_42, %select_n3A_27 : vector<24x2048xi1>, vector<24x2048xf32>
    %reduce_max3A_44 = arith.constant dense<0xFF800000> : vector<24xf32>
    %reduce_max3A_45 = vector.multi_reduction <maximumf>, %select_n3A_43, %reduce_max3A_44 [1] : vector<24x2048xf32> to vector<24xf32>
    %broadcast_in_dim3A_46 = vector.shape_cast %reduce_max3A_45 : vector<24xf32> to vector<24x1xf32>
    %eq3A_47 = vector.broadcast %broadcast_in_dim3A_46 : vector<24x1xf32> to vector<24x2048xf32>
    %eq3A_48 = arith.cmpf oeq, %select_n3A_43, %eq3A_47 : vector<24x2048xf32>
    %jit3A_49 = arith.constant 2048 : i32
    %broadcast_in_dim3A_50 = vector.broadcast %jit3A_49 : i32 to vector<24x2048xi32>
    %select_n3A_51 = arith.select %eq3A_48, %iota3A, %broadcast_in_dim3A_50 : vector<24x2048xi1>, vector<24x2048xi32>
    %reduce_min3A_52 = arith.constant dense<2147483647> : vector<24xi32>
    %reduce_min3A_53 = vector.multi_reduction <minsi>, %select_n3A_51, %reduce_min3A_52 [1] : vector<24x2048xi32> to vector<24xi32>
    %broadcast_in_dim3A_54 = vector.shape_cast %reduce_min3A_53 : vector<24xi32> to vector<24x1xi32>
    %eq3A_55 = vector.broadcast %broadcast_in_dim3A_54 : vector<24x1xi32> to vector<24x2048xi32>
    %eq3A_56 = arith.cmpi eq, %iota3A, %eq3A_55 : vector<24x2048xi32>
    %jit3A_57 = arith.constant 0xFF800000 : f32
    %broadcast_in_dim3A_58 = vector.broadcast %jit3A_57 : f32 to vector<24x2048xf32>
    %select_n3A_59 = arith.select %eq3A_56, %broadcast_in_dim3A_58, %select_n3A_43 : vector<24x2048xi1>, vector<24x2048xf32>
    %reduce_max3A_60 = arith.constant dense<0xFF800000> : vector<24xf32>
    %reduce_max3A_61 = vector.multi_reduction <maximumf>, %select_n3A_59, %reduce_max3A_60 [1] : vector<24x2048xf32> to vector<24xf32>
    %broadcast_in_dim3A_62 = vector.shape_cast %reduce_max3A_61 : vector<24xf32> to vector<24x1xf32>
    %eq3A_63 = vector.broadcast %broadcast_in_dim3A_62 : vector<24x1xf32> to vector<24x2048xf32>
    %eq3A_64 = arith.cmpf oeq, %select_n3A_59, %eq3A_63 : vector<24x2048xf32>
    %jit3A_65 = arith.constant 2048 : i32
    %broadcast_in_dim3A_66 = vector.broadcast %jit3A_65 : i32 to vector<24x2048xi32>
    %select_n3A_67 = arith.select %eq3A_64, %iota3A, %broadcast_in_dim3A_66 : vector<24x2048xi1>, vector<24x2048xi32>
    %reduce_min3A_68 = arith.constant dense<2147483647> : vector<24xi32>
    %reduce_min3A_69 = vector.multi_reduction <minsi>, %select_n3A_67, %reduce_min3A_68 [1] : vector<24x2048xi32> to vector<24xi32>
    %broadcast_in_dim3A_70 = vector.shape_cast %reduce_min3A_69 : vector<24xi32> to vector<24x1xi32>
    %eq3A_71 = vector.broadcast %broadcast_in_dim3A_70 : vector<24x1xi32> to vector<24x2048xi32>
    %eq3A_72 = arith.cmpi eq, %iota3A, %eq3A_71 : vector<24x2048xi32>
    %jit3A_73 = arith.constant 0xFF800000 : f32
    %broadcast_in_dim3A_74 = vector.broadcast %jit3A_73 : f32 to vector<24x2048xf32>
    %select_n3A_75 = arith.select %eq3A_72, %broadcast_in_dim3A_74, %select_n3A_59 : vector<24x2048xi1>, vector<24x2048xf32>
    %reduce_max3A_76 = arith.constant dense<0xFF800000> : vector<24xf32>
    %reduce_max3A_77 = vector.multi_reduction <maximumf>, %select_n3A_75, %reduce_max3A_76 [1] : vector<24x2048xf32> to vector<24xf32>
    %broadcast_in_dim3A_78 = vector.shape_cast %reduce_max3A_77 : vector<24xf32> to vector<24x1xf32>
    %eq3A_79 = vector.broadcast %broadcast_in_dim3A_78 : vector<24x1xf32> to vector<24x2048xf32>
    %eq3A_80 = arith.cmpf oeq, %select_n3A_75, %eq3A_79 : vector<24x2048xf32>
    %jit3A_81 = arith.constant 2048 : i32
    %broadcast_in_dim3A_82 = vector.broadcast %jit3A_81 : i32 to vector<24x2048xi32>
    %select_n3A_83 = arith.select %eq3A_80, %iota3A, %broadcast_in_dim3A_82 : vector<24x2048xi1>, vector<24x2048xi32>
    %reduce_min3A_84 = arith.constant dense<2147483647> : vector<24xi32>
    %reduce_min3A_85 = vector.multi_reduction <minsi>, %select_n3A_83, %reduce_min3A_84 [1] : vector<24x2048xi32> to vector<24xi32>
    %broadcast_in_dim3A_86 = vector.shape_cast %reduce_min3A_85 : vector<24xi32> to vector<24x1xi32>
    %eq3A_87 = vector.broadcast %broadcast_in_dim3A_86 : vector<24x1xi32> to vector<24x2048xi32>
    %eq3A_88 = arith.cmpi eq, %iota3A, %eq3A_87 : vector<24x2048xi32>
    %jit3A_89 = arith.constant 0xFF800000 : f32
    %broadcast_in_dim3A_90 = vector.broadcast %jit3A_89 : f32 to vector<24x2048xf32>
    %select_n3A_91 = arith.select %eq3A_88, %broadcast_in_dim3A_90, %select_n3A_75 : vector<24x2048xi1>, vector<24x2048xf32>
    %reduce_max3A_92 = arith.constant dense<0xFF800000> : vector<24xf32>
    %reduce_max3A_93 = vector.multi_reduction <maximumf>, %select_n3A_91, %reduce_max3A_92 [1] : vector<24x2048xf32> to vector<24xf32>
    %broadcast_in_dim3A_94 = vector.shape_cast %reduce_max3A_93 : vector<24xf32> to vector<24x1xf32>
    %eq3A_95 = vector.broadcast %broadcast_in_dim3A_94 : vector<24x1xf32> to vector<24x2048xf32>
    %eq3A_96 = arith.cmpf oeq, %select_n3A_91, %eq3A_95 : vector<24x2048xf32>
    %jit3A_97 = arith.constant 2048 : i32
    %broadcast_in_dim3A_98 = vector.broadcast %jit3A_97 : i32 to vector<24x2048xi32>
    %select_n3A_99 = arith.select %eq3A_96, %iota3A, %broadcast_in_dim3A_98 : vector<24x2048xi1>, vector<24x2048xi32>
    %reduce_min3A_100 = arith.constant dense<2147483647> : vector<24xi32>
    %reduce_min3A_101 = vector.multi_reduction <minsi>, %select_n3A_99, %reduce_min3A_100 [1] : vector<24x2048xi32> to vector<24xi32>
    %broadcast_in_dim3A_102 = vector.shape_cast %reduce_min3A_101 : vector<24xi32> to vector<24x1xi32>
    %eq3A_103 = vector.broadcast %broadcast_in_dim3A_102 : vector<24x1xi32> to vector<24x2048xi32>
    %eq3A_104 = arith.cmpi eq, %iota3A, %eq3A_103 : vector<24x2048xi32>
    %jit3A_105 = arith.constant 0xFF800000 : f32
    %broadcast_in_dim3A_106 = vector.broadcast %jit3A_105 : f32 to vector<24x2048xf32>
    %select_n3A_107 = arith.select %eq3A_104, %broadcast_in_dim3A_106, %select_n3A_91 : vector<24x2048xi1>, vector<24x2048xf32>
    %reduce_max3A_108 = arith.constant dense<0xFF800000> : vector<24xf32>
    %reduce_max3A_109 = vector.multi_reduction <maximumf>, %select_n3A_107, %reduce_max3A_108 [1] : vector<24x2048xf32> to vector<24xf32>
    %broadcast_in_dim3A_110 = vector.shape_cast %reduce_max3A_109 : vector<24xf32> to vector<24x1xf32>
    %eq3A_111 = vector.broadcast %broadcast_in_dim3A_110 : vector<24x1xf32> to vector<24x2048xf32>
    %eq3A_112 = arith.cmpf oeq, %select_n3A_107, %eq3A_111 : vector<24x2048xf32>
    %jit3A_113 = arith.constant 2048 : i32
    %broadcast_in_dim3A_114 = vector.broadcast %jit3A_113 : i32 to vector<24x2048xi32>
    %select_n3A_115 = arith.select %eq3A_112, %iota3A, %broadcast_in_dim3A_114 : vector<24x2048xi1>, vector<24x2048xi32>
    %reduce_min3A_116 = arith.constant dense<2147483647> : vector<24xi32>
    %reduce_min3A_117 = vector.multi_reduction <minsi>, %select_n3A_115, %reduce_min3A_116 [1] : vector<24x2048xi32> to vector<24xi32>
    %broadcast_in_dim3A_118 = vector.shape_cast %reduce_min3A_117 : vector<24xi32> to vector<24x1xi32>
    %eq3A_119 = vector.broadcast %broadcast_in_dim3A_118 : vector<24x1xi32> to vector<24x2048xi32>
    %eq3A_120 = arith.cmpi eq, %iota3A, %eq3A_119 : vector<24x2048xi32>
    %jit3A_121 = arith.constant 0xFF800000 : f32
    %broadcast_in_dim3A_122 = vector.broadcast %jit3A_121 : f32 to vector<24x2048xf32>
    %select_n3A_123 = arith.select %eq3A_120, %broadcast_in_dim3A_122, %select_n3A_107 : vector<24x2048xi1>, vector<24x2048xf32>
    %reduce_max3A_124 = arith.constant dense<0xFF800000> : vector<24xf32>
    %reduce_max3A_125 = vector.multi_reduction <maximumf>, %select_n3A_123, %reduce_max3A_124 [1] : vector<24x2048xf32> to vector<24xf32>
    %broadcast_in_dim3A_126 = vector.shape_cast %reduce_max3A_125 : vector<24xf32> to vector<24x1xf32>
    %eq3A_127 = vector.broadcast %broadcast_in_dim3A_126 : vector<24x1xf32> to vector<24x2048xf32>
    %eq3A_128 = arith.cmpf oeq, %select_n3A_123, %eq3A_127 : vector<24x2048xf32>
    %jit3A_129 = arith.constant 2048 : i32
    %broadcast_in_dim3A_130 = vector.broadcast %jit3A_129 : i32 to vector<24x2048xi32>
    %select_n3A_131 = arith.select %eq3A_128, %iota3A, %broadcast_in_dim3A_130 : vector<24x2048xi1>, vector<24x2048xi32>
    %reduce_min3A_132 = arith.constant dense<2147483647> : vector<24xi32>
    %reduce_min3A_133 = vector.multi_reduction <minsi>, %select_n3A_131, %reduce_min3A_132 [1] : vector<24x2048xi32> to vector<24xi32>
    %broadcast_in_dim3A_134 = vector.shape_cast %reduce_min3A_133 : vector<24xi32> to vector<24x1xi32>
    %eq3A_135 = vector.broadcast %broadcast_in_dim3A_134 : vector<24x1xi32> to vector<24x2048xi32>
    %eq3A_136 = arith.cmpi eq, %iota3A, %eq3A_135 : vector<24x2048xi32>
    %jit3A_137 = arith.constant 0xFF800000 : f32
    %broadcast_in_dim3A_138 = vector.broadcast %jit3A_137 : f32 to vector<24x2048xf32>
    %select_n3A_139 = arith.select %eq3A_136, %broadcast_in_dim3A_138, %select_n3A_123 : vector<24x2048xi1>, vector<24x2048xf32>
    %reduce_max3A_140 = arith.constant dense<0xFF800000> : vector<24xf32>
    %reduce_max3A_141 = vector.multi_reduction <maximumf>, %select_n3A_139, %reduce_max3A_140 [1] : vector<24x2048xf32> to vector<24xf32>
    %broadcast_in_dim3A_142 = vector.shape_cast %reduce_max3A_141 : vector<24xf32> to vector<24x1xf32>
    %eq3A_143 = vector.broadcast %broadcast_in_dim3A_142 : vector<24x1xf32> to vector<24x2048xf32>
    %eq3A_144 = arith.cmpf oeq, %select_n3A_139, %eq3A_143 : vector<24x2048xf32>
    %jit3A_145 = arith.constant 2048 : i32
    %broadcast_in_dim3A_146 = vector.broadcast %jit3A_145 : i32 to vector<24x2048xi32>
    %select_n3A_147 = arith.select %eq3A_144, %iota3A, %broadcast_in_dim3A_146 : vector<24x2048xi1>, vector<24x2048xi32>
    %reduce_min3A_148 = arith.constant dense<2147483647> : vector<24xi32>
    %reduce_min3A_149 = vector.multi_reduction <minsi>, %select_n3A_147, %reduce_min3A_148 [1] : vector<24x2048xi32> to vector<24xi32>
    %broadcast_in_dim3A_150 = vector.shape_cast %reduce_min3A_149 : vector<24xi32> to vector<24x1xi32>
    %eq3A_151 = vector.broadcast %broadcast_in_dim3A_150 : vector<24x1xi32> to vector<24x2048xi32>
    %eq3A_152 = arith.cmpi eq, %iota3A, %eq3A_151 : vector<24x2048xi32>
    %jit3A_153 = arith.constant 0xFF800000 : f32
    %broadcast_in_dim3A_154 = vector.broadcast %jit3A_153 : f32 to vector<24x2048xf32>
    %select_n3A_155 = arith.select %eq3A_152, %broadcast_in_dim3A_154, %select_n3A_139 : vector<24x2048xi1>, vector<24x2048xf32>
    %reduce_max3A_156 = arith.constant dense<0xFF800000> : vector<24xf32>
    %reduce_max3A_157 = vector.multi_reduction <maximumf>, %select_n3A_155, %reduce_max3A_156 [1] : vector<24x2048xf32> to vector<24xf32>
    %broadcast_in_dim3A_158 = vector.shape_cast %reduce_max3A_157 : vector<24xf32> to vector<24x1xf32>
    %eq3A_159 = vector.broadcast %broadcast_in_dim3A_158 : vector<24x1xf32> to vector<24x2048xf32>
    %eq3A_160 = arith.cmpf oeq, %select_n3A_155, %eq3A_159 : vector<24x2048xf32>
    %jit3A_161 = arith.constant 2048 : i32
    %broadcast_in_dim3A_162 = vector.broadcast %jit3A_161 : i32 to vector<24x2048xi32>
    %select_n3A_163 = arith.select %eq3A_160, %iota3A, %broadcast_in_dim3A_162 : vector<24x2048xi1>, vector<24x2048xi32>
    %reduce_min3A_164 = arith.constant dense<2147483647> : vector<24xi32>
    %reduce_min3A_165 = vector.multi_reduction <minsi>, %select_n3A_163, %reduce_min3A_164 [1] : vector<24x2048xi32> to vector<24xi32>
    %broadcast_in_dim3A_166 = vector.shape_cast %reduce_min3A_165 : vector<24xi32> to vector<24x1xi32>
    %eq3A_167 = vector.broadcast %broadcast_in_dim3A_166 : vector<24x1xi32> to vector<24x2048xi32>
    %eq3A_168 = arith.cmpi eq, %iota3A, %eq3A_167 : vector<24x2048xi32>
    %jit3A_169 = arith.constant 0xFF800000 : f32
    %broadcast_in_dim3A_170 = vector.broadcast %jit3A_169 : f32 to vector<24x2048xf32>
    %select_n3A_171 = arith.select %eq3A_168, %broadcast_in_dim3A_170, %select_n3A_155 : vector<24x2048xi1>, vector<24x2048xf32>
    %reduce_max3A_172 = arith.constant dense<0xFF800000> : vector<24xf32>
    %reduce_max3A_173 = vector.multi_reduction <maximumf>, %select_n3A_171, %reduce_max3A_172 [1] : vector<24x2048xf32> to vector<24xf32>
    %broadcast_in_dim3A_174 = vector.shape_cast %reduce_max3A_173 : vector<24xf32> to vector<24x1xf32>
    %eq3A_175 = vector.broadcast %broadcast_in_dim3A_174 : vector<24x1xf32> to vector<24x2048xf32>
    %eq3A_176 = arith.cmpf oeq, %select_n3A_171, %eq3A_175 : vector<24x2048xf32>
    %jit3A_177 = arith.constant 2048 : i32
    %broadcast_in_dim3A_178 = vector.broadcast %jit3A_177 : i32 to vector<24x2048xi32>
    %select_n3A_179 = arith.select %eq3A_176, %iota3A, %broadcast_in_dim3A_178 : vector<24x2048xi1>, vector<24x2048xi32>
    %reduce_min3A_180 = arith.constant dense<2147483647> : vector<24xi32>
    %reduce_min3A_181 = vector.multi_reduction <minsi>, %select_n3A_179, %reduce_min3A_180 [1] : vector<24x2048xi32> to vector<24xi32>
    %broadcast_in_dim3A_182 = vector.shape_cast %reduce_min3A_181 : vector<24xi32> to vector<24x1xi32>
    %eq3A_183 = vector.broadcast %broadcast_in_dim3A_182 : vector<24x1xi32> to vector<24x2048xi32>
    %eq3A_184 = arith.cmpi eq, %iota3A, %eq3A_183 : vector<24x2048xi32>
    %jit3A_185 = arith.constant 0xFF800000 : f32
    %broadcast_in_dim3A_186 = vector.broadcast %jit3A_185 : f32 to vector<24x2048xf32>
    %select_n3A_187 = arith.select %eq3A_184, %broadcast_in_dim3A_186, %select_n3A_171 : vector<24x2048xi1>, vector<24x2048xf32>
    %reduce_max3A_188 = arith.constant dense<0xFF800000> : vector<24xf32>
    %reduce_max3A_189 = vector.multi_reduction <maximumf>, %select_n3A_187, %reduce_max3A_188 [1] : vector<24x2048xf32> to vector<24xf32>
    %broadcast_in_dim3A_190 = vector.shape_cast %reduce_max3A_189 : vector<24xf32> to vector<24x1xf32>
    %eq3A_191 = vector.broadcast %broadcast_in_dim3A_190 : vector<24x1xf32> to vector<24x2048xf32>
    %eq3A_192 = arith.cmpf oeq, %select_n3A_187, %eq3A_191 : vector<24x2048xf32>
    %jit3A_193 = arith.constant 2048 : i32
    %broadcast_in_dim3A_194 = vector.broadcast %jit3A_193 : i32 to vector<24x2048xi32>
    %select_n3A_195 = arith.select %eq3A_192, %iota3A, %broadcast_in_dim3A_194 : vector<24x2048xi1>, vector<24x2048xi32>
    %reduce_min3A_196 = arith.constant dense<2147483647> : vector<24xi32>
    %reduce_min3A_197 = vector.multi_reduction <minsi>, %select_n3A_195, %reduce_min3A_196 [1] : vector<24x2048xi32> to vector<24xi32>
    %broadcast_in_dim3A_198 = vector.shape_cast %reduce_min3A_197 : vector<24xi32> to vector<24x1xi32>
    %eq3A_199 = vector.broadcast %broadcast_in_dim3A_198 : vector<24x1xi32> to vector<24x2048xi32>
    %eq3A_200 = arith.cmpi eq, %iota3A, %eq3A_199 : vector<24x2048xi32>
    %jit3A_201 = arith.constant 0xFF800000 : f32
    %broadcast_in_dim3A_202 = vector.broadcast %jit3A_201 : f32 to vector<24x2048xf32>
    %select_n3A_203 = arith.select %eq3A_200, %broadcast_in_dim3A_202, %select_n3A_187 : vector<24x2048xi1>, vector<24x2048xf32>
    %reduce_max3A_204 = arith.constant dense<0xFF800000> : vector<24xf32>
    %reduce_max3A_205 = vector.multi_reduction <maximumf>, %select_n3A_203, %reduce_max3A_204 [1] : vector<24x2048xf32> to vector<24xf32>
    %broadcast_in_dim3A_206 = vector.shape_cast %reduce_max3A_205 : vector<24xf32> to vector<24x1xf32>
    %eq3A_207 = vector.broadcast %broadcast_in_dim3A_206 : vector<24x1xf32> to vector<24x2048xf32>
    %eq3A_208 = arith.cmpf oeq, %select_n3A_203, %eq3A_207 : vector<24x2048xf32>
    %jit3A_209 = arith.constant 2048 : i32
    %broadcast_in_dim3A_210 = vector.broadcast %jit3A_209 : i32 to vector<24x2048xi32>
    %select_n3A_211 = arith.select %eq3A_208, %iota3A, %broadcast_in_dim3A_210 : vector<24x2048xi1>, vector<24x2048xi32>
    %reduce_min3A_212 = arith.constant dense<2147483647> : vector<24xi32>
    %reduce_min3A_213 = vector.multi_reduction <minsi>, %select_n3A_211, %reduce_min3A_212 [1] : vector<24x2048xi32> to vector<24xi32>
    %broadcast_in_dim3A_214 = vector.shape_cast %reduce_min3A_213 : vector<24xi32> to vector<24x1xi32>
    %eq3A_215 = vector.broadcast %broadcast_in_dim3A_214 : vector<24x1xi32> to vector<24x2048xi32>
    %eq3A_216 = arith.cmpi eq, %iota3A, %eq3A_215 : vector<24x2048xi32>
    %jit3A_217 = arith.constant 0xFF800000 : f32
    %broadcast_in_dim3A_218 = vector.broadcast %jit3A_217 : f32 to vector<24x2048xf32>
    %select_n3A_219 = arith.select %eq3A_216, %broadcast_in_dim3A_218, %select_n3A_203 : vector<24x2048xi1>, vector<24x2048xf32>
    %reduce_max3A_220 = arith.constant dense<0xFF800000> : vector<24xf32>
    %reduce_max3A_221 = vector.multi_reduction <maximumf>, %select_n3A_219, %reduce_max3A_220 [1] : vector<24x2048xf32> to vector<24xf32>
    %broadcast_in_dim3A_222 = vector.shape_cast %reduce_max3A_221 : vector<24xf32> to vector<24x1xf32>
    %eq3A_223 = vector.broadcast %broadcast_in_dim3A_222 : vector<24x1xf32> to vector<24x2048xf32>
    %eq3A_224 = arith.cmpf oeq, %select_n3A_219, %eq3A_223 : vector<24x2048xf32>
    %jit3A_225 = arith.constant 2048 : i32
    %broadcast_in_dim3A_226 = vector.broadcast %jit3A_225 : i32 to vector<24x2048xi32>
    %select_n3A_227 = arith.select %eq3A_224, %iota3A, %broadcast_in_dim3A_226 : vector<24x2048xi1>, vector<24x2048xi32>
    %reduce_min3A_228 = arith.constant dense<2147483647> : vector<24xi32>
    %reduce_min3A_229 = vector.multi_reduction <minsi>, %select_n3A_227, %reduce_min3A_228 [1] : vector<24x2048xi32> to vector<24xi32>
    %broadcast_in_dim3A_230 = vector.shape_cast %reduce_min3A_229 : vector<24xi32> to vector<24x1xi32>
    %eq3A_231 = vector.broadcast %broadcast_in_dim3A_230 : vector<24x1xi32> to vector<24x2048xi32>
    %eq3A_232 = arith.cmpi eq, %iota3A, %eq3A_231 : vector<24x2048xi32>
    %jit3A_233 = arith.constant 0xFF800000 : f32
    %broadcast_in_dim3A_234 = vector.broadcast %jit3A_233 : f32 to vector<24x2048xf32>
    %select_n3A_235 = arith.select %eq3A_232, %broadcast_in_dim3A_234, %select_n3A_219 : vector<24x2048xi1>, vector<24x2048xf32>
    %reduce_max3A_236 = arith.constant dense<0xFF800000> : vector<24xf32>
    %reduce_max3A_237 = vector.multi_reduction <maximumf>, %select_n3A_235, %reduce_max3A_236 [1] : vector<24x2048xf32> to vector<24xf32>
    %broadcast_in_dim3A_238 = vector.shape_cast %reduce_max3A_237 : vector<24xf32> to vector<24x1xf32>
    %eq3A_239 = vector.broadcast %broadcast_in_dim3A_238 : vector<24x1xf32> to vector<24x2048xf32>
    %eq3A_240 = arith.cmpf oeq, %select_n3A_235, %eq3A_239 : vector<24x2048xf32>
    %jit3A_241 = arith.constant 2048 : i32
    %broadcast_in_dim3A_242 = vector.broadcast %jit3A_241 : i32 to vector<24x2048xi32>
    %select_n3A_243 = arith.select %eq3A_240, %iota3A, %broadcast_in_dim3A_242 : vector<24x2048xi1>, vector<24x2048xi32>
    %reduce_min3A_244 = arith.constant dense<2147483647> : vector<24xi32>
    %reduce_min3A_245 = vector.multi_reduction <minsi>, %select_n3A_243, %reduce_min3A_244 [1] : vector<24x2048xi32> to vector<24xi32>
    %broadcast_in_dim3A_246 = vector.shape_cast %reduce_min3A_245 : vector<24xi32> to vector<24x1xi32>
    %eq3A_247 = vector.broadcast %broadcast_in_dim3A_246 : vector<24x1xi32> to vector<24x2048xi32>
    %eq3A_248 = arith.cmpi eq, %iota3A, %eq3A_247 : vector<24x2048xi32>
    %jit3A_249 = arith.constant 0xFF800000 : f32
    %broadcast_in_dim3A_250 = vector.broadcast %jit3A_249 : f32 to vector<24x2048xf32>
    %select_n3A_251 = arith.select %eq3A_248, %broadcast_in_dim3A_250, %select_n3A_235 : vector<24x2048xi1>, vector<24x2048xf32>
    %reduce_max3A_252 = arith.constant dense<0xFF800000> : vector<24xf32>
    %reduce_max3A_253 = vector.multi_reduction <maximumf>, %select_n3A_251, %reduce_max3A_252 [1] : vector<24x2048xf32> to vector<24xf32>
    %broadcast_in_dim3A_254 = vector.shape_cast %reduce_max3A_253 : vector<24xf32> to vector<24x1xf32>
    %eq3A_255 = vector.broadcast %broadcast_in_dim3A_254 : vector<24x1xf32> to vector<24x2048xf32>
    %eq3A_256 = arith.cmpf oeq, %select_n3A_251, %eq3A_255 : vector<24x2048xf32>
    %jit3A_257 = arith.constant 2048 : i32
    %broadcast_in_dim3A_258 = vector.broadcast %jit3A_257 : i32 to vector<24x2048xi32>
    %select_n3A_259 = arith.select %eq3A_256, %iota3A, %broadcast_in_dim3A_258 : vector<24x2048xi1>, vector<24x2048xi32>
    %reduce_min3A_260 = arith.constant dense<2147483647> : vector<24xi32>
    %reduce_min3A_261 = vector.multi_reduction <minsi>, %select_n3A_259, %reduce_min3A_260 [1] : vector<24x2048xi32> to vector<24xi32>
    %broadcast_in_dim3A_262 = vector.shape_cast %reduce_min3A_261 : vector<24xi32> to vector<24x1xi32>
    %eq3A_263 = vector.broadcast %broadcast_in_dim3A_262 : vector<24x1xi32> to vector<24x2048xi32>
    %eq3A_264 = arith.cmpi eq, %iota3A, %eq3A_263 : vector<24x2048xi32>
    %jit3A_265 = arith.constant 0xFF800000 : f32
    %broadcast_in_dim3A_266 = vector.broadcast %jit3A_265 : f32 to vector<24x2048xf32>
    %select_n3A_267 = arith.select %eq3A_264, %broadcast_in_dim3A_266, %select_n3A_251 : vector<24x2048xi1>, vector<24x2048xf32>
    %reduce_max3A_268 = arith.constant dense<0xFF800000> : vector<24xf32>
    %reduce_max3A_269 = vector.multi_reduction <maximumf>, %select_n3A_267, %reduce_max3A_268 [1] : vector<24x2048xf32> to vector<24xf32>
    %broadcast_in_dim3A_270 = vector.shape_cast %reduce_max3A_269 : vector<24xf32> to vector<24x1xf32>
    %eq3A_271 = vector.broadcast %broadcast_in_dim3A_270 : vector<24x1xf32> to vector<24x2048xf32>
    %eq3A_272 = arith.cmpf oeq, %select_n3A_267, %eq3A_271 : vector<24x2048xf32>
    %jit3A_273 = arith.constant 2048 : i32
    %broadcast_in_dim3A_274 = vector.broadcast %jit3A_273 : i32 to vector<24x2048xi32>
    %select_n3A_275 = arith.select %eq3A_272, %iota3A, %broadcast_in_dim3A_274 : vector<24x2048xi1>, vector<24x2048xi32>
    %reduce_min3A_276 = arith.constant dense<2147483647> : vector<24xi32>
    %reduce_min3A_277 = vector.multi_reduction <minsi>, %select_n3A_275, %reduce_min3A_276 [1] : vector<24x2048xi32> to vector<24xi32>
    %broadcast_in_dim3A_278 = vector.shape_cast %reduce_min3A_277 : vector<24xi32> to vector<24x1xi32>
    %eq3A_279 = vector.broadcast %broadcast_in_dim3A_278 : vector<24x1xi32> to vector<24x2048xi32>
    %eq3A_280 = arith.cmpi eq, %iota3A, %eq3A_279 : vector<24x2048xi32>
    %jit3A_281 = arith.constant 0xFF800000 : f32
    %broadcast_in_dim3A_282 = vector.broadcast %jit3A_281 : f32 to vector<24x2048xf32>
    %select_n3A_283 = arith.select %eq3A_280, %broadcast_in_dim3A_282, %select_n3A_267 : vector<24x2048xi1>, vector<24x2048xf32>
    %reduce_max3A_284 = arith.constant dense<0xFF800000> : vector<24xf32>
    %reduce_max3A_285 = vector.multi_reduction <maximumf>, %select_n3A_283, %reduce_max3A_284 [1] : vector<24x2048xf32> to vector<24xf32>
    %broadcast_in_dim3A_286 = vector.shape_cast %reduce_max3A_285 : vector<24xf32> to vector<24x1xf32>
    %eq3A_287 = vector.broadcast %broadcast_in_dim3A_286 : vector<24x1xf32> to vector<24x2048xf32>
    %eq3A_288 = arith.cmpf oeq, %select_n3A_283, %eq3A_287 : vector<24x2048xf32>
    %jit3A_289 = arith.constant 2048 : i32
    %broadcast_in_dim3A_290 = vector.broadcast %jit3A_289 : i32 to vector<24x2048xi32>
    %select_n3A_291 = arith.select %eq3A_288, %iota3A, %broadcast_in_dim3A_290 : vector<24x2048xi1>, vector<24x2048xi32>
    %reduce_min3A_292 = arith.constant dense<2147483647> : vector<24xi32>
    %reduce_min3A_293 = vector.multi_reduction <minsi>, %select_n3A_291, %reduce_min3A_292 [1] : vector<24x2048xi32> to vector<24xi32>
    %broadcast_in_dim3A_294 = vector.shape_cast %reduce_min3A_293 : vector<24xi32> to vector<24x1xi32>
    %eq3A_295 = vector.broadcast %broadcast_in_dim3A_294 : vector<24x1xi32> to vector<24x2048xi32>
    %eq3A_296 = arith.cmpi eq, %iota3A, %eq3A_295 : vector<24x2048xi32>
    %jit3A_297 = arith.constant 0xFF800000 : f32
    %broadcast_in_dim3A_298 = vector.broadcast %jit3A_297 : f32 to vector<24x2048xf32>
    %select_n3A_299 = arith.select %eq3A_296, %broadcast_in_dim3A_298, %select_n3A_283 : vector<24x2048xi1>, vector<24x2048xf32>
    %reduce_max3A_300 = arith.constant dense<0xFF800000> : vector<24xf32>
    %reduce_max3A_301 = vector.multi_reduction <maximumf>, %select_n3A_299, %reduce_max3A_300 [1] : vector<24x2048xf32> to vector<24xf32>
    %broadcast_in_dim3A_302 = vector.shape_cast %reduce_max3A_301 : vector<24xf32> to vector<24x1xf32>
    %eq3A_303 = vector.broadcast %broadcast_in_dim3A_302 : vector<24x1xf32> to vector<24x2048xf32>
    %eq3A_304 = arith.cmpf oeq, %select_n3A_299, %eq3A_303 : vector<24x2048xf32>
    %jit3A_305 = arith.constant 2048 : i32
    %broadcast_in_dim3A_306 = vector.broadcast %jit3A_305 : i32 to vector<24x2048xi32>
    %select_n3A_307 = arith.select %eq3A_304, %iota3A, %broadcast_in_dim3A_306 : vector<24x2048xi1>, vector<24x2048xi32>
    %reduce_min3A_308 = arith.constant dense<2147483647> : vector<24xi32>
    %reduce_min3A_309 = vector.multi_reduction <minsi>, %select_n3A_307, %reduce_min3A_308 [1] : vector<24x2048xi32> to vector<24xi32>
    %broadcast_in_dim3A_310 = vector.shape_cast %reduce_min3A_309 : vector<24xi32> to vector<24x1xi32>
    %eq3A_311 = vector.broadcast %broadcast_in_dim3A_310 : vector<24x1xi32> to vector<24x2048xi32>
    %eq3A_312 = arith.cmpi eq, %iota3A, %eq3A_311 : vector<24x2048xi32>
    %jit3A_313 = arith.constant 0xFF800000 : f32
    %broadcast_in_dim3A_314 = vector.broadcast %jit3A_313 : f32 to vector<24x2048xf32>
    %select_n3A_315 = arith.select %eq3A_312, %broadcast_in_dim3A_314, %select_n3A_299 : vector<24x2048xi1>, vector<24x2048xf32>
    %reduce_max3A_316 = arith.constant dense<0xFF800000> : vector<24xf32>
    %reduce_max3A_317 = vector.multi_reduction <maximumf>, %select_n3A_315, %reduce_max3A_316 [1] : vector<24x2048xf32> to vector<24xf32>
    %broadcast_in_dim3A_318 = vector.shape_cast %reduce_max3A_317 : vector<24xf32> to vector<24x1xf32>
    %eq3A_319 = vector.broadcast %broadcast_in_dim3A_318 : vector<24x1xf32> to vector<24x2048xf32>
    %eq3A_320 = arith.cmpf oeq, %select_n3A_315, %eq3A_319 : vector<24x2048xf32>
    %jit3A_321 = arith.constant 2048 : i32
    %broadcast_in_dim3A_322 = vector.broadcast %jit3A_321 : i32 to vector<24x2048xi32>
    %select_n3A_323 = arith.select %eq3A_320, %iota3A, %broadcast_in_dim3A_322 : vector<24x2048xi1>, vector<24x2048xi32>
    %reduce_min3A_324 = arith.constant dense<2147483647> : vector<24xi32>
    %reduce_min3A_325 = vector.multi_reduction <minsi>, %select_n3A_323, %reduce_min3A_324 [1] : vector<24x2048xi32> to vector<24xi32>
    %broadcast_in_dim3A_326 = vector.shape_cast %reduce_min3A_325 : vector<24xi32> to vector<24x1xi32>
    %eq3A_327 = vector.broadcast %broadcast_in_dim3A_326 : vector<24x1xi32> to vector<24x2048xi32>
    %eq3A_328 = arith.cmpi eq, %iota3A, %eq3A_327 : vector<24x2048xi32>
    %jit3A_329 = arith.constant 0xFF800000 : f32
    %broadcast_in_dim3A_330 = vector.broadcast %jit3A_329 : f32 to vector<24x2048xf32>
    %select_n3A_331 = arith.select %eq3A_328, %broadcast_in_dim3A_330, %select_n3A_315 : vector<24x2048xi1>, vector<24x2048xf32>
    %reduce_max3A_332 = arith.constant dense<0xFF800000> : vector<24xf32>
    %reduce_max3A_333 = vector.multi_reduction <maximumf>, %select_n3A_331, %reduce_max3A_332 [1] : vector<24x2048xf32> to vector<24xf32>
    %broadcast_in_dim3A_334 = vector.shape_cast %reduce_max3A_333 : vector<24xf32> to vector<24x1xf32>
    %eq3A_335 = vector.broadcast %broadcast_in_dim3A_334 : vector<24x1xf32> to vector<24x2048xf32>
    %eq3A_336 = arith.cmpf oeq, %select_n3A_331, %eq3A_335 : vector<24x2048xf32>
    %jit3A_337 = arith.constant 2048 : i32
    %broadcast_in_dim3A_338 = vector.broadcast %jit3A_337 : i32 to vector<24x2048xi32>
    %select_n3A_339 = arith.select %eq3A_336, %iota3A, %broadcast_in_dim3A_338 : vector<24x2048xi1>, vector<24x2048xi32>
    %reduce_min3A_340 = arith.constant dense<2147483647> : vector<24xi32>
    %reduce_min3A_341 = vector.multi_reduction <minsi>, %select_n3A_339, %reduce_min3A_340 [1] : vector<24x2048xi32> to vector<24xi32>
    %broadcast_in_dim3A_342 = vector.shape_cast %reduce_min3A_341 : vector<24xi32> to vector<24x1xi32>
    %eq3A_343 = vector.broadcast %broadcast_in_dim3A_342 : vector<24x1xi32> to vector<24x2048xi32>
    %eq3A_344 = arith.cmpi eq, %iota3A, %eq3A_343 : vector<24x2048xi32>
    %jit3A_345 = arith.constant 0xFF800000 : f32
    %broadcast_in_dim3A_346 = vector.broadcast %jit3A_345 : f32 to vector<24x2048xf32>
    %select_n3A_347 = arith.select %eq3A_344, %broadcast_in_dim3A_346, %select_n3A_331 : vector<24x2048xi1>, vector<24x2048xf32>
    %reduce_max3A_348 = arith.constant dense<0xFF800000> : vector<24xf32>
    %reduce_max3A_349 = vector.multi_reduction <maximumf>, %select_n3A_347, %reduce_max3A_348 [1] : vector<24x2048xf32> to vector<24xf32>
    %broadcast_in_dim3A_350 = vector.shape_cast %reduce_max3A_349 : vector<24xf32> to vector<24x1xf32>
    %eq3A_351 = vector.broadcast %broadcast_in_dim3A_350 : vector<24x1xf32> to vector<24x2048xf32>
    %eq3A_352 = arith.cmpf oeq, %select_n3A_347, %eq3A_351 : vector<24x2048xf32>
    %jit3A_353 = arith.constant 2048 : i32
    %broadcast_in_dim3A_354 = vector.broadcast %jit3A_353 : i32 to vector<24x2048xi32>
    %select_n3A_355 = arith.select %eq3A_352, %iota3A, %broadcast_in_dim3A_354 : vector<24x2048xi1>, vector<24x2048xi32>
    %reduce_min3A_356 = arith.constant dense<2147483647> : vector<24xi32>
    %reduce_min3A_357 = vector.multi_reduction <minsi>, %select_n3A_355, %reduce_min3A_356 [1] : vector<24x2048xi32> to vector<24xi32>
    %broadcast_in_dim3A_358 = vector.shape_cast %reduce_min3A_357 : vector<24xi32> to vector<24x1xi32>
    %eq3A_359 = vector.broadcast %broadcast_in_dim3A_358 : vector<24x1xi32> to vector<24x2048xi32>
    %eq3A_360 = arith.cmpi eq, %iota3A, %eq3A_359 : vector<24x2048xi32>
    %jit3A_361 = arith.constant 0xFF800000 : f32
    %broadcast_in_dim3A_362 = vector.broadcast %jit3A_361 : f32 to vector<24x2048xf32>
    %select_n3A_363 = arith.select %eq3A_360, %broadcast_in_dim3A_362, %select_n3A_347 : vector<24x2048xi1>, vector<24x2048xf32>
    %reduce_max3A_364 = arith.constant dense<0xFF800000> : vector<24xf32>
    %reduce_max3A_365 = vector.multi_reduction <maximumf>, %select_n3A_363, %reduce_max3A_364 [1] : vector<24x2048xf32> to vector<24xf32>
    %broadcast_in_dim3A_366 = vector.shape_cast %reduce_max3A_365 : vector<24xf32> to vector<24x1xf32>
    %eq3A_367 = vector.broadcast %broadcast_in_dim3A_366 : vector<24x1xf32> to vector<24x2048xf32>
    %eq3A_368 = arith.cmpf oeq, %select_n3A_363, %eq3A_367 : vector<24x2048xf32>
    %jit3A_369 = arith.constant 2048 : i32
    %broadcast_in_dim3A_370 = vector.broadcast %jit3A_369 : i32 to vector<24x2048xi32>
    %select_n3A_371 = arith.select %eq3A_368, %iota3A, %broadcast_in_dim3A_370 : vector<24x2048xi1>, vector<24x2048xi32>
    %reduce_min3A_372 = arith.constant dense<2147483647> : vector<24xi32>
    %reduce_min3A_373 = vector.multi_reduction <minsi>, %select_n3A_371, %reduce_min3A_372 [1] : vector<24x2048xi32> to vector<24xi32>
    %broadcast_in_dim3A_374 = vector.shape_cast %reduce_min3A_373 : vector<24xi32> to vector<24x1xi32>
    %concatenate3A = tpu.concatenate %broadcast_in_dim3A_6, %broadcast_in_dim3A_22, %broadcast_in_dim3A_38, %broadcast_in_dim3A_54, %broadcast_in_dim3A_70, %broadcast_in_dim3A_86, %broadcast_in_dim3A_102, %broadcast_in_dim3A_118, %broadcast_in_dim3A_134, %broadcast_in_dim3A_150, %broadcast_in_dim3A_166, %broadcast_in_dim3A_182, %broadcast_in_dim3A_198, %broadcast_in_dim3A_214, %broadcast_in_dim3A_230, %broadcast_in_dim3A_246, %broadcast_in_dim3A_262, %broadcast_in_dim3A_278, %broadcast_in_dim3A_294, %broadcast_in_dim3A_310, %broadcast_in_dim3A_326, %broadcast_in_dim3A_342, %broadcast_in_dim3A_358, %broadcast_in_dim3A_374, %broadcast_in_dim3A_6, %broadcast_in_dim3A_6, %broadcast_in_dim3A_6, %broadcast_in_dim3A_6, %broadcast_in_dim3A_6, %broadcast_in_dim3A_6, %broadcast_in_dim3A_6, %broadcast_in_dim3A_6 in 1 : vector<24x1xi32>, vector<24x1xi32>, vector<24x1xi32>, vector<24x1xi32>, vector<24x1xi32>, vector<24x1xi32>, vector<24x1xi32>, vector<24x1xi32>, vector<24x1xi32>, vector<24x1xi32>, vector<24x1xi32>, vector<24x1xi32>, vector<24x1xi32>, vector<24x1xi32>, vector<24x1xi32>, vector<24x1xi32>, vector<24x1xi32>, vector<24x1xi32>, vector<24x1xi32>, vector<24x1xi32>, vector<24x1xi32>, vector<24x1xi32>, vector<24x1xi32>, vector<24x1xi32>, vector<24x1xi32>, vector<24x1xi32>, vector<24x1xi32>, vector<24x1xi32>, vector<24x1xi32>, vector<24x1xi32>, vector<24x1xi32>, vector<24x1xi32> -> vector<24x32xi32>
    %swap3A = arith.constant 0 : index
    %swap3A_375 = arith.constant 0 : index
    %swap3A_376 = vector.load %arg1[%swap3A, %swap3A_375] : memref<24x32xi32, #tpu.memory_space<vmem>>, vector<24x32xi32>
    tpu.vector_store %arg1[%swap3A, %swap3A_375], %concatenate3A {strides = array<i32>} : memref<24x32xi32, #tpu.memory_space<vmem>>, vector<24x32xi32>,
    return
  }
}

module attributes {stable_mosaic.version = 14 : i64} {
  func.func @body(%arg0: i32, %arg1: memref<1x32x128xf32, #tpu.memory_space<vmem>>, %arg2: memref<1x2048x128xf32, #tpu.memory_space<vmem>>, %arg3: memref<1x2048x128xf32, #tpu.memory_space<vmem>>, %arg4: memref<1x32x128xf32, #tpu.memory_space<vmem>>, %arg5: memref<1x128x128xf32, #tpu.memory_space<vmem>>) attributes {dimension_semantics = [#tpu.dimension_semantics<arbitrary>], iteration_bounds = array<i64: 24>, scalar_prefetch = 0 : i64, scratch_operands = 0 : i64, tpu.core_type = #tpu.core_type<tc>, window_params = [{transform_indices = @transform_0, window_bounds = array<i64: 1, 32, 128>}, {transform_indices = @transform_1, window_bounds = array<i64: 1, 2048, 128>}, {transform_indices = @transform_2, window_bounds = array<i64: 1, 2048, 128>}, {transform_indices = @transform_3, window_bounds = array<i64: 1, 32, 128>}, {transform_indices = @transform_4, window_bounds = array<i64: 1, 128, 128>}]} {
    %get3A = arith.constant 0 : index
    %get3A_0 = arith.constant 0 : index
    %get3A_1 = arith.constant 0 : index
    %get3A_2 = vector.load %arg1[%get3A, %get3A_0, %get3A_1] : memref<1x32x128xf32, #tpu.memory_space<vmem>>, vector<1x32x128xf32>
    %get3A_3 = vector.shape_cast %get3A_2 : vector<1x32x128xf32> to vector<32x128xf32>
    %slice3A = vector.extract_strided_slice %get3A_3 {offsets = [0, 0], sizes = [32, 64], strides = [1, 1]} : vector<32x128xf32> to vector<32x64xf32>
    %get3A_4 = arith.constant 0 : index
    %get3A_5 = arith.constant 0 : index
    %get3A_6 = arith.constant 0 : index
    %get3A_7 = vector.load %arg2[%get3A_4, %get3A_5, %get3A_6] : memref<1x2048x128xf32, #tpu.memory_space<vmem>>, vector<1x2048x128xf32>
    %get3A_8 = vector.shape_cast %get3A_7 : vector<1x2048x128xf32> to vector<2048x128xf32>
    %slice3A_9 = vector.extract_strided_slice %get3A_8 {offsets = [0, 0], sizes = [2048, 64], strides = [1, 1]} : vector<2048x128xf32> to vector<2048x64xf32>
    %dot_general3A = arith.constant dense<0.000000e+00> : vector<32x2048xf32>
    %dot_general3A_10 = tpu.matmul %slice3A, %slice3A_9, %dot_general3A {dimension_numbers = #tpu.dot_dimension_numbers<[1], [1], [0], [0], [0, 0, 1, 0], [], []>, transpose_lhs_hint = false} : vector<32x64xf32>, vector<2048x64xf32>, vector<32x2048xf32> -> vector<32x2048xf32>
    %mul3A = arith.constant 1.250000e-01 : f32
    %mul3A_11 = vector.broadcast %mul3A : f32 to vector<32x2048xf32>
    %mul3A_12 = arith.mulf %dot_general3A_10, %mul3A_11 : vector<32x2048xf32>
    %reduce_max3A = arith.constant dense<0xFF800000> : vector<32xf32>
    %reduce_max3A_13 = vector.multi_reduction <maximumf>, %mul3A_12, %reduce_max3A [1] : vector<32x2048xf32> to vector<32xf32>
    %broadcast_in_dim3A = vector.shape_cast %reduce_max3A_13 : vector<32xf32> to vector<32x1xf32>
    %sub3A = vector.broadcast %broadcast_in_dim3A : vector<32x1xf32> to vector<32x2048xf32>
    %sub3A_14 = arith.subf %mul3A_12, %sub3A : vector<32x2048xf32>
    %exp3A = math.exp %sub3A_14 : vector<32x2048xf32>
    %reduce_sum3A = arith.constant dense<0.000000e+00> : vector<32xf32>
    %reduce_sum3A_15 = vector.multi_reduction <add>, %exp3A, %reduce_sum3A [1] : vector<32x2048xf32> to vector<32xf32>
    %broadcast_in_dim3A_16 = vector.shape_cast %reduce_sum3A_15 : vector<32xf32> to vector<32x1xf32>
    %div3A = vector.broadcast %broadcast_in_dim3A_16 : vector<32x1xf32> to vector<32x2048xf32>
    %div3A_17 = arith.divf %exp3A, %div3A : vector<32x2048xf32>
    %get3A_18 = arith.constant 0 : index
    %get3A_19 = arith.constant 0 : index
    %get3A_20 = arith.constant 0 : index
    %get3A_21 = vector.load %arg3[%get3A_18, %get3A_19, %get3A_20] : memref<1x2048x128xf32, #tpu.memory_space<vmem>>, vector<1x2048x128xf32>
    %get3A_22 = vector.shape_cast %get3A_21 : vector<1x2048x128xf32> to vector<2048x128xf32>
    %dot_general3A_23 = arith.constant dense<0.000000e+00> : vector<32x128xf32>
    %dot_general3A_24 = tpu.matmul %div3A_17, %get3A_22, %dot_general3A_23 {dimension_numbers = #tpu.dot_dimension_numbers<[1], [0], [0], [1], [0, 0, 1, 1], [], []>, transpose_lhs_hint = false} : vector<32x2048xf32>, vector<2048x128xf32>, vector<32x128xf32> -> vector<32x128xf32>
    %swap3A = arith.constant 0 : index
    %swap3A_25 = arith.constant 0 : index
    %swap3A_26 = arith.constant 0 : index
    %swap3A_27 = vector.load %arg4[%swap3A, %swap3A_25, %swap3A_26] : memref<1x32x128xf32, #tpu.memory_space<vmem>>, vector<1x32x128xf32>
    %swap3A_28 = vector.shape_cast %swap3A_27 : vector<1x32x128xf32> to vector<32x128xf32>
    %swap3A_29 = vector.shape_cast %dot_general3A_24 : vector<32x128xf32> to vector<1x32x128xf32>
    tpu.vector_store %arg4[%swap3A, %swap3A_25, %swap3A_26], %swap3A_29 {strides = array<i32>} : memref<1x32x128xf32, #tpu.memory_space<vmem>>, vector<1x32x128xf32>,
    %get3A_30 = arith.constant 0 : index
    %get3A_31 = arith.constant 0 : index
    %get3A_32 = arith.constant 0 : index
    %get3A_33 = vector.load %arg3[%get3A_30, %get3A_31, %get3A_32] : memref<1x2048x128xf32, #tpu.memory_space<vmem>>, vector<1x2048x128xf32>
    %get3A_34 = vector.shape_cast %get3A_33 : vector<1x2048x128xf32> to vector<2048x128xf32>
    %reduce_sum3A_35 = arith.constant dense<0.000000e+00> : vector<128xf32>
    %reduce_sum3A_36 = vector.multi_reduction <add>, %get3A_34, %reduce_sum3A_35 [0] : vector<2048x128xf32> to vector<128xf32>
    %broadcast_in_dim3A_37 = vector.shape_cast %reduce_sum3A_36 : vector<128xf32> to vector<1x128xf32>
    %div3A_38 = arith.constant 2.048000e+03 : f32
    %div3A_39 = vector.broadcast %div3A_38 : f32 to vector<1x128xf32>
    %div3A_40 = arith.divf %broadcast_in_dim3A_37, %div3A_39 : vector<1x128xf32>
    %broadcast_in_dim3A_41 = vector.shape_cast %div3A_40 : vector<1x128xf32> to vector<1x128xf32>
    %broadcast_in_dim3A_42 = vector.broadcast %broadcast_in_dim3A_41 : vector<1x128xf32> to vector<128x128xf32>
    %swap3A_43 = arith.constant 0 : index
    %swap3A_44 = arith.constant 0 : index
    %swap3A_45 = arith.constant 0 : index
    %swap3A_46 = vector.load %arg5[%swap3A_43, %swap3A_44, %swap3A_45] : memref<1x128x128xf32, #tpu.memory_space<vmem>>, vector<1x128x128xf32>
    %swap3A_47 = vector.shape_cast %swap3A_46 : vector<1x128x128xf32> to vector<128x128xf32>
    %swap3A_48 = vector.shape_cast %broadcast_in_dim3A_42 : vector<128x128xf32> to vector<1x128x128xf32>
    tpu.vector_store %arg5[%swap3A_43, %swap3A_44, %swap3A_45], %swap3A_48 {strides = array<i32>} : memref<1x128x128xf32, #tpu.memory_space<vmem>>, vector<1x128x128xf32>,
    return
  }
  func.func @transform_0(%arg0: i32) -> (i32, i32, i32) {
    %c0_i32 = arith.constant 0 : i32
    %c0_i32_0 = arith.constant 0 : i32
    %c0_i32_1 = arith.constant 0 : i32
    return %arg0, %c0_i32, %c0_i32_0 : i32, i32, i32
  }
  func.func @transform_1(%arg0: i32) -> (i32, i32, i32) {
    %c0_i32 = arith.constant 0 : i32
    %c0_i32_0 = arith.constant 0 : i32
    %c0_i32_1 = arith.constant 0 : i32
    return %arg0, %c0_i32, %c0_i32_0 : i32, i32, i32
  }
  func.func @transform_2(%arg0: i32) -> (i32, i32, i32) {
    %c0_i32 = arith.constant 0 : i32
    %c0_i32_0 = arith.constant 0 : i32
    %c0_i32_1 = arith.constant 0 : i32
    return %arg0, %c0_i32, %c0_i32_0 : i32, i32, i32
  }
  func.func @transform_3(%arg0: i32) -> (i32, i32, i32) {
    %c0_i32 = arith.constant 0 : i32
    %c0_i32_0 = arith.constant 0 : i32
    %c0_i32_1 = arith.constant 0 : i32
    return %arg0, %c0_i32, %c0_i32_0 : i32, i32, i32
  }
  func.func @transform_4(%arg0: i32) -> (i32, i32, i32) {
    %c0_i32 = arith.constant 0 : i32
    %c0_i32_0 = arith.constant 0 : i32
    %c0_i32_1 = arith.constant 0 : i32
    return %arg0, %c0_i32, %c0_i32_0 : i32, i32, i32
  }
}

module attributes {stable_mosaic.version = 14 : i64} {
  func.func @body(%arg0: i32, %arg1: i32, %arg2: memref<12x512x128xf32, #tpu.memory_space<vmem>>, %arg3: memref<512x768xf32, #tpu.memory_space<vmem>>, %arg4: memref<3x256x768xf32, #tpu.memory_space<vmem>>, %arg5: memref<1x768xf32, #tpu.memory_space<vmem>>, %arg6: memref<1x768xf32, #tpu.memory_space<vmem>>, %arg7: memref<1x768xf32, #tpu.memory_space<vmem>>, %arg8: memref<512x768xf32, #tpu.memory_space<vmem>>) attributes {dimension_semantics = [#tpu.dimension_semantics<arbitrary>, #tpu.dimension_semantics<arbitrary>], iteration_bounds = array<i64: 2, 4>, scalar_prefetch = 0 : i64, scratch_operands = 0 : i64, tpu.core_type = #tpu.core_type<tc>, window_params = [{transform_indices = @transform_0, window_bounds = array<i64: 12, 512, 128>}, {transform_indices = @transform_1, window_bounds = array<i64: 512, 768>}, {pipeline_mode = #tpu.pipeline_mode<synchronous>, transform_indices = @transform_2, window_bounds = array<i64: 3, 256, 768>}, {pipeline_mode = #tpu.pipeline_mode<synchronous>, transform_indices = @transform_3, window_bounds = array<i64: 1, 768>}, {pipeline_mode = #tpu.pipeline_mode<synchronous>, transform_indices = @transform_4, window_bounds = array<i64: 1, 768>}, {pipeline_mode = #tpu.pipeline_mode<synchronous>, transform_indices = @transform_5, window_bounds = array<i64: 1, 768>}, {transform_indices = @transform_6, window_bounds = array<i64: 512, 768>}]} {
    %broadcast_in_dim3A = arith.constant 0.000000e+00 : f32
    %broadcast_in_dim3A_0 = vector.broadcast %broadcast_in_dim3A : f32 to vector<512x768xf32>
    %get3A = arith.constant 0 : index
    %get3A_1 = arith.constant 0 : index
    %get3A_2 = arith.constant 0 : index
    %get3A_3 = vector.load %arg2[%get3A, %get3A_1, %get3A_2] : memref<12x512x128xf32, #tpu.memory_space<vmem>>, vector<1x512x128xf32>
    %get3A_4 = vector.shape_cast %get3A_3 : vector<1x512x128xf32> to vector<512x128xf32>
    %slice3A = vector.extract_strided_slice %get3A_4 {offsets = [0, 0], sizes = [512, 64], strides = [1, 1]} : vector<512x128xf32> to vector<512x64xf32>
    %get3A_5 = arith.constant 1 : index
    %get3A_6 = arith.constant 0 : index
    %get3A_7 = arith.constant 0 : index
    %get3A_8 = vector.load %arg2[%get3A_5, %get3A_6, %get3A_7] : memref<12x512x128xf32, #tpu.memory_space<vmem>>, vector<1x512x128xf32>
    %get3A_9 = vector.shape_cast %get3A_8 : vector<1x512x128xf32> to vector<512x128xf32>
    %slice3A_10 = vector.extract_strided_slice %get3A_9 {offsets = [0, 0], sizes = [512, 64], strides = [1, 1]} : vector<512x128xf32> to vector<512x64xf32>
    %get3A_11 = arith.constant 2 : index
    %get3A_12 = arith.constant 0 : index
    %get3A_13 = arith.constant 0 : index
    %get3A_14 = vector.load %arg2[%get3A_11, %get3A_12, %get3A_13] : memref<12x512x128xf32, #tpu.memory_space<vmem>>, vector<1x512x128xf32>
    %get3A_15 = vector.shape_cast %get3A_14 : vector<1x512x128xf32> to vector<512x128xf32>
    %slice3A_16 = vector.extract_strided_slice %get3A_15 {offsets = [0, 0], sizes = [512, 64], strides = [1, 1]} : vector<512x128xf32> to vector<512x64xf32>
    %get3A_17 = arith.constant 3 : index
    %get3A_18 = arith.constant 0 : index
    %get3A_19 = arith.constant 0 : index
    %get3A_20 = vector.load %arg2[%get3A_17, %get3A_18, %get3A_19] : memref<12x512x128xf32, #tpu.memory_space<vmem>>, vector<1x512x128xf32>
    %get3A_21 = vector.shape_cast %get3A_20 : vector<1x512x128xf32> to vector<512x128xf32>
    %slice3A_22 = vector.extract_strided_slice %get3A_21 {offsets = [0, 0], sizes = [512, 64], strides = [1, 1]} : vector<512x128xf32> to vector<512x64xf32>
    %concatenate3A = tpu.concatenate %slice3A, %slice3A_10, %slice3A_16, %slice3A_22 in 1 : vector<512x64xf32>, vector<512x64xf32>, vector<512x64xf32>, vector<512x64xf32> -> vector<512x256xf32>
    %get3A_23 = arith.constant 0 : index
    %get3A_24 = arith.constant 0 : index
    %get3A_25 = arith.constant 0 : index
    %get3A_26 = vector.load %arg4[%get3A_23, %get3A_24, %get3A_25] : memref<3x256x768xf32, #tpu.memory_space<vmem>>, vector<1x256x768xf32>
    %get3A_27 = vector.shape_cast %get3A_26 : vector<1x256x768xf32> to vector<256x768xf32>
    %dot_general3A = arith.constant dense<0.000000e+00> : vector<512x768xf32>
    %dot_general3A_28 = tpu.matmul %concatenate3A, %get3A_27, %dot_general3A {dimension_numbers = #tpu.dot_dimension_numbers<[1], [0], [0], [1], [0, 0, 1, 1], [], []>, transpose_lhs_hint = false} : vector<512x256xf32>, vector<256x768xf32>, vector<512x768xf32> -> vector<512x768xf32>
    %add3A = arith.addf %broadcast_in_dim3A_0, %dot_general3A_28 : vector<512x768xf32>
    %get3A_29 = arith.constant 4 : index
    %get3A_30 = arith.constant 0 : index
    %get3A_31 = arith.constant 0 : index
    %get3A_32 = vector.load %arg2[%get3A_29, %get3A_30, %get3A_31] : memref<12x512x128xf32, #tpu.memory_space<vmem>>, vector<1x512x128xf32>
    %get3A_33 = vector.shape_cast %get3A_32 : vector<1x512x128xf32> to vector<512x128xf32>
    %slice3A_34 = vector.extract_strided_slice %get3A_33 {offsets = [0, 0], sizes = [512, 64], strides = [1, 1]} : vector<512x128xf32> to vector<512x64xf32>
    %get3A_35 = arith.constant 5 : index
    %get3A_36 = arith.constant 0 : index
    %get3A_37 = arith.constant 0 : index
    %get3A_38 = vector.load %arg2[%get3A_35, %get3A_36, %get3A_37] : memref<12x512x128xf32, #tpu.memory_space<vmem>>, vector<1x512x128xf32>
    %get3A_39 = vector.shape_cast %get3A_38 : vector<1x512x128xf32> to vector<512x128xf32>
    %slice3A_40 = vector.extract_strided_slice %get3A_39 {offsets = [0, 0], sizes = [512, 64], strides = [1, 1]} : vector<512x128xf32> to vector<512x64xf32>
    %get3A_41 = arith.constant 6 : index
    %get3A_42 = arith.constant 0 : index
    %get3A_43 = arith.constant 0 : index
    %get3A_44 = vector.load %arg2[%get3A_41, %get3A_42, %get3A_43] : memref<12x512x128xf32, #tpu.memory_space<vmem>>, vector<1x512x128xf32>
    %get3A_45 = vector.shape_cast %get3A_44 : vector<1x512x128xf32> to vector<512x128xf32>
    %slice3A_46 = vector.extract_strided_slice %get3A_45 {offsets = [0, 0], sizes = [512, 64], strides = [1, 1]} : vector<512x128xf32> to vector<512x64xf32>
    %get3A_47 = arith.constant 7 : index
    %get3A_48 = arith.constant 0 : index
    %get3A_49 = arith.constant 0 : index
    %get3A_50 = vector.load %arg2[%get3A_47, %get3A_48, %get3A_49] : memref<12x512x128xf32, #tpu.memory_space<vmem>>, vector<1x512x128xf32>
    %get3A_51 = vector.shape_cast %get3A_50 : vector<1x512x128xf32> to vector<512x128xf32>
    %slice3A_52 = vector.extract_strided_slice %get3A_51 {offsets = [0, 0], sizes = [512, 64], strides = [1, 1]} : vector<512x128xf32> to vector<512x64xf32>
    %concatenate3A_53 = tpu.concatenate %slice3A_34, %slice3A_40, %slice3A_46, %slice3A_52 in 1 : vector<512x64xf32>, vector<512x64xf32>, vector<512x64xf32>, vector<512x64xf32> -> vector<512x256xf32>
    %get3A_54 = arith.constant 1 : index
    %get3A_55 = arith.constant 0 : index
    %get3A_56 = arith.constant 0 : index
    %get3A_57 = vector.load %arg4[%get3A_54, %get3A_55, %get3A_56] : memref<3x256x768xf32, #tpu.memory_space<vmem>>, vector<1x256x768xf32>
    %get3A_58 = vector.shape_cast %get3A_57 : vector<1x256x768xf32> to vector<256x768xf32>
    %dot_general3A_59 = arith.constant dense<0.000000e+00> : vector<512x768xf32>
    %dot_general3A_60 = tpu.matmul %concatenate3A_53, %get3A_58, %dot_general3A_59 {dimension_numbers = #tpu.dot_dimension_numbers<[1], [0], [0], [1], [0, 0, 1, 1], [], []>, transpose_lhs_hint = false} : vector<512x256xf32>, vector<256x768xf32>, vector<512x768xf32> -> vector<512x768xf32>
    %add3A_61 = arith.addf %add3A, %dot_general3A_60 : vector<512x768xf32>
    %get3A_62 = arith.constant 8 : index
    %get3A_63 = arith.constant 0 : index
    %get3A_64 = arith.constant 0 : index
    %get3A_65 = vector.load %arg2[%get3A_62, %get3A_63, %get3A_64] : memref<12x512x128xf32, #tpu.memory_space<vmem>>, vector<1x512x128xf32>
    %get3A_66 = vector.shape_cast %get3A_65 : vector<1x512x128xf32> to vector<512x128xf32>
    %slice3A_67 = vector.extract_strided_slice %get3A_66 {offsets = [0, 0], sizes = [512, 64], strides = [1, 1]} : vector<512x128xf32> to vector<512x64xf32>
    %get3A_68 = arith.constant 9 : index
    %get3A_69 = arith.constant 0 : index
    %get3A_70 = arith.constant 0 : index
    %get3A_71 = vector.load %arg2[%get3A_68, %get3A_69, %get3A_70] : memref<12x512x128xf32, #tpu.memory_space<vmem>>, vector<1x512x128xf32>
    %get3A_72 = vector.shape_cast %get3A_71 : vector<1x512x128xf32> to vector<512x128xf32>
    %slice3A_73 = vector.extract_strided_slice %get3A_72 {offsets = [0, 0], sizes = [512, 64], strides = [1, 1]} : vector<512x128xf32> to vector<512x64xf32>
    %get3A_74 = arith.constant 10 : index
    %get3A_75 = arith.constant 0 : index
    %get3A_76 = arith.constant 0 : index
    %get3A_77 = vector.load %arg2[%get3A_74, %get3A_75, %get3A_76] : memref<12x512x128xf32, #tpu.memory_space<vmem>>, vector<1x512x128xf32>
    %get3A_78 = vector.shape_cast %get3A_77 : vector<1x512x128xf32> to vector<512x128xf32>
    %slice3A_79 = vector.extract_strided_slice %get3A_78 {offsets = [0, 0], sizes = [512, 64], strides = [1, 1]} : vector<512x128xf32> to vector<512x64xf32>
    %get3A_80 = arith.constant 11 : index
    %get3A_81 = arith.constant 0 : index
    %get3A_82 = arith.constant 0 : index
    %get3A_83 = vector.load %arg2[%get3A_80, %get3A_81, %get3A_82] : memref<12x512x128xf32, #tpu.memory_space<vmem>>, vector<1x512x128xf32>
    %get3A_84 = vector.shape_cast %get3A_83 : vector<1x512x128xf32> to vector<512x128xf32>
    %slice3A_85 = vector.extract_strided_slice %get3A_84 {offsets = [0, 0], sizes = [512, 64], strides = [1, 1]} : vector<512x128xf32> to vector<512x64xf32>
    %concatenate3A_86 = tpu.concatenate %slice3A_67, %slice3A_73, %slice3A_79, %slice3A_85 in 1 : vector<512x64xf32>, vector<512x64xf32>, vector<512x64xf32>, vector<512x64xf32> -> vector<512x256xf32>
    %get3A_87 = arith.constant 2 : index
    %get3A_88 = arith.constant 0 : index
    %get3A_89 = arith.constant 0 : index
    %get3A_90 = vector.load %arg4[%get3A_87, %get3A_88, %get3A_89] : memref<3x256x768xf32, #tpu.memory_space<vmem>>, vector<1x256x768xf32>
    %get3A_91 = vector.shape_cast %get3A_90 : vector<1x256x768xf32> to vector<256x768xf32>
    %dot_general3A_92 = arith.constant dense<0.000000e+00> : vector<512x768xf32>
    %dot_general3A_93 = tpu.matmul %concatenate3A_86, %get3A_91, %dot_general3A_92 {dimension_numbers = #tpu.dot_dimension_numbers<[1], [0], [0], [1], [0, 0, 1, 1], [], []>, transpose_lhs_hint = false} : vector<512x256xf32>, vector<256x768xf32>, vector<512x768xf32> -> vector<512x768xf32>
    %add3A_94 = arith.addf %add3A_61, %dot_general3A_93 : vector<512x768xf32>
    %get3A_95 = arith.constant 0 : index
    %get3A_96 = arith.constant 0 : index
    %get3A_97 = vector.load %arg5[%get3A_95, %get3A_96] : memref<1x768xf32, #tpu.memory_space<vmem>>, vector<1x768xf32>
    %add3A_98 = vector.broadcast %get3A_97 : vector<1x768xf32> to vector<512x768xf32>
    %add3A_99 = arith.addf %add3A_94, %add3A_98 : vector<512x768xf32>
    %get3A_100 = arith.constant 0 : index
    %get3A_101 = arith.constant 0 : index
    %get3A_102 = vector.load %arg3[%get3A_100, %get3A_101] : memref<512x768xf32, #tpu.memory_space<vmem>>, vector<512x768xf32>
    %add3A_103 = arith.addf %add3A_99, %get3A_102 : vector<512x768xf32>
    %get3A_104 = arith.constant 0 : index
    %get3A_105 = arith.constant 0 : index
    %get3A_106 = vector.load %arg6[%get3A_104, %get3A_105] : memref<1x768xf32, #tpu.memory_space<vmem>>, vector<1x768xf32>
    %get3A_107 = arith.constant 0 : index
    %get3A_108 = arith.constant 0 : index
    %get3A_109 = vector.load %arg7[%get3A_107, %get3A_108] : memref<1x768xf32, #tpu.memory_space<vmem>>, vector<1x768xf32>
    %reduce_sum3A = arith.constant dense<0.000000e+00> : vector<512xf32>
    %reduce_sum3A_110 = vector.multi_reduction <add>, %add3A_103, %reduce_sum3A [1] : vector<512x768xf32> to vector<512xf32>
    %broadcast_in_dim3A_111 = vector.shape_cast %reduce_sum3A_110 : vector<512xf32> to vector<512x1xf32>
    %div3A = arith.constant 7.680000e+02 : f32
    %div3A_112 = vector.broadcast %div3A : f32 to vector<512x1xf32>
    %div3A_113 = arith.divf %broadcast_in_dim3A_111, %div3A_112 : vector<512x1xf32>
    %sub3A = vector.broadcast %div3A_113 : vector<512x1xf32> to vector<512x768xf32>
    %sub3A_114 = arith.subf %add3A_103, %sub3A : vector<512x768xf32>
    %mul3A = arith.mulf %sub3A_114, %sub3A_114 : vector<512x768xf32>
    %reduce_sum3A_115 = arith.constant dense<0.000000e+00> : vector<512xf32>
    %reduce_sum3A_116 = vector.multi_reduction <add>, %mul3A, %reduce_sum3A_115 [1] : vector<512x768xf32> to vector<512xf32>
    %broadcast_in_dim3A_117 = vector.shape_cast %reduce_sum3A_116 : vector<512xf32> to vector<512x1xf32>
    %div3A_118 = arith.constant 7.680000e+02 : f32
    %div3A_119 = vector.broadcast %div3A_118 : f32 to vector<512x1xf32>
    %div3A_120 = arith.divf %broadcast_in_dim3A_117, %div3A_119 : vector<512x1xf32>
    %add3A_121 = arith.constant 9.99999974E-6 : f32
    %add3A_122 = vector.broadcast %add3A_121 : f32 to vector<512x1xf32>
    %add3A_123 = arith.addf %div3A_120, %add3A_122 : vector<512x1xf32>
    %sqrt3A = math.sqrt %add3A_123 : vector<512x1xf32>
    %div3A_124 = vector.broadcast %sqrt3A : vector<512x1xf32> to vector<512x768xf32>
    %div3A_125 = arith.divf %sub3A_114, %div3A_124 : vector<512x768xf32>
    %mul3A_126 = vector.broadcast %get3A_106 : vector<1x768xf32> to vector<512x768xf32>
    %mul3A_127 = arith.mulf %div3A_125, %mul3A_126 : vector<512x768xf32>
    %add3A_128 = vector.broadcast %get3A_109 : vector<1x768xf32> to vector<512x768xf32>
    %add3A_129 = arith.addf %mul3A_127, %add3A_128 : vector<512x768xf32>
    %swap3A = arith.constant 0 : index
    %swap3A_130 = arith.constant 0 : index
    %swap3A_131 = vector.load %arg8[%swap3A, %swap3A_130] : memref<512x768xf32, #tpu.memory_space<vmem>>, vector<512x768xf32>
    tpu.vector_store %arg8[%swap3A, %swap3A_130], %add3A_129 {strides = array<i32>} : memref<512x768xf32, #tpu.memory_space<vmem>>, vector<512x768xf32>,
    return
  }
  func.func @transform_0(%arg0: i32, %arg1: i32) -> (i32, i32, i32) {
    %c0_i32 = arith.constant 0 : i32
    %c0_i32_0 = arith.constant 0 : i32
    return %arg0, %arg1, %c0_i32 : i32, i32, i32
  }
  func.func @transform_1(%arg0: i32, %arg1: i32) -> (i32, i32) {
    %mul3A = arith.constant 4 : i32
    %mul3A_0 = arith.muli %arg0, %mul3A : i32
    %add3A = arith.addi %mul3A_0, %arg1 : i32
    %c0_i32 = arith.constant 0 : i32
    %c0_i32_1 = arith.constant 0 : i32
    return %add3A, %c0_i32 : i32, i32
  }
  func.func @transform_2(%arg0: i32, %arg1: i32) -> (i32, i32, i32) {
    %c0_i32 = arith.constant 0 : i32
    %c0_i32_0 = arith.constant 0 : i32
    %c0_i32_1 = arith.constant 0 : i32
    %c0_i32_2 = arith.constant 0 : i32
    return %c0_i32, %c0_i32_0, %c0_i32_1 : i32, i32, i32
  }
  func.func @transform_3(%arg0: i32, %arg1: i32) -> (i32, i32) {
    %c0_i32 = arith.constant 0 : i32
    %c0_i32_0 = arith.constant 0 : i32
    %c0_i32_1 = arith.constant 0 : i32
    return %c0_i32, %c0_i32_0 : i32, i32
  }
  func.func @transform_4(%arg0: i32, %arg1: i32) -> (i32, i32) {
    %c0_i32 = arith.constant 0 : i32
    %c0_i32_0 = arith.constant 0 : i32
    %c0_i32_1 = arith.constant 0 : i32
    return %c0_i32, %c0_i32_0 : i32, i32
  }
  func.func @transform_5(%arg0: i32, %arg1: i32) -> (i32, i32) {
    %c0_i32 = arith.constant 0 : i32
    %c0_i32_0 = arith.constant 0 : i32
    %c0_i32_1 = arith.constant 0 : i32
    return %c0_i32, %c0_i32_0 : i32, i32
  }
  func.func @transform_6(%arg0: i32, %arg1: i32) -> (i32, i32) {
    %mul3A = arith.constant 4 : i32
    %mul3A_0 = arith.muli %arg0, %mul3A : i32
    %add3A = arith.addi %mul3A_0, %arg1 : i32
    %c0_i32 = arith.constant 0 : i32
    %c0_i32_1 = arith.constant 0 : i32
    return %add3A, %c0_i32 : i32, i32
  }
}

module attributes {stable_mosaic.version = 14 : i64} {
  func.func @body(%arg0: i32, %arg1: memref<512x768xf32, #tpu.memory_space<vmem>>, %arg2: memref<768x3072xf32, #tpu.memory_space<vmem>>, %arg3: memref<1x3072xf32, #tpu.memory_space<vmem>>, %arg4: memref<3072x768xf32, #tpu.memory_space<vmem>>, %arg5: memref<1x768xf32, #tpu.memory_space<vmem>>, %arg6: memref<1x768xf32, #tpu.memory_space<vmem>>, %arg7: memref<1x768xf32, #tpu.memory_space<vmem>>, %arg8: memref<512x768xf32, #tpu.memory_space<vmem>>) attributes {dimension_semantics = [#tpu.dimension_semantics<arbitrary>], iteration_bounds = array<i64: 8>, scalar_prefetch = 0 : i64, scratch_operands = 0 : i64, tpu.core_type = #tpu.core_type<tc>, window_params = [{transform_indices = @transform_0, window_bounds = array<i64: 512, 768>}, {pipeline_mode = #tpu.pipeline_mode<synchronous>, transform_indices = @transform_1, window_bounds = array<i64: 768, 3072>}, {pipeline_mode = #tpu.pipeline_mode<synchronous>, transform_indices = @transform_2, window_bounds = array<i64: 1, 3072>}, {pipeline_mode = #tpu.pipeline_mode<synchronous>, transform_indices = @transform_3, window_bounds = array<i64: 3072, 768>}, {pipeline_mode = #tpu.pipeline_mode<synchronous>, transform_indices = @transform_4, window_bounds = array<i64: 1, 768>}, {pipeline_mode = #tpu.pipeline_mode<synchronous>, transform_indices = @transform_5, window_bounds = array<i64: 1, 768>}, {pipeline_mode = #tpu.pipeline_mode<synchronous>, transform_indices = @transform_6, window_bounds = array<i64: 1, 768>}, {transform_indices = @transform_7, window_bounds = array<i64: 512, 768>}]} {
    %get3A = arith.constant 0 : index
    %get3A_0 = arith.constant 0 : index
    %get3A_1 = vector.load %arg1[%get3A, %get3A_0] : memref<512x768xf32, #tpu.memory_space<vmem>>, vector<512x768xf32>
    %get3A_2 = arith.constant 0 : index
    %get3A_3 = arith.constant 0 : index
    %get3A_4 = vector.load %arg2[%get3A_2, %get3A_3] : memref<768x3072xf32, #tpu.memory_space<vmem>>, vector<768x3072xf32>
    %dot_general3A = arith.constant dense<0.000000e+00> : vector<512x3072xf32>
    %dot_general3A_5 = tpu.matmul %get3A_1, %get3A_4, %dot_general3A {dimension_numbers = #tpu.dot_dimension_numbers<[1], [0], [0], [1], [0, 0, 1, 1], [], []>, transpose_lhs_hint = false} : vector<512x768xf32>, vector<768x3072xf32>, vector<512x3072xf32> -> vector<512x3072xf32>
    %get3A_6 = arith.constant 0 : index
    %get3A_7 = arith.constant 0 : index
    %get3A_8 = vector.load %arg3[%get3A_6, %get3A_7] : memref<1x3072xf32, #tpu.memory_space<vmem>>, vector<1x3072xf32>
    %add3A = vector.broadcast %get3A_8 : vector<1x3072xf32> to vector<512x3072xf32>
    %add3A_9 = arith.addf %dot_general3A_5, %add3A : vector<512x3072xf32>
    %mul3A = arith.constant 5.000000e-01 : f32
    %mul3A_10 = vector.broadcast %mul3A : f32 to vector<512x3072xf32>
    %mul3A_11 = arith.mulf %mul3A_10, %add3A_9 : vector<512x3072xf32>
    %mul3A_12 = arith.constant 0.707106769 : f32
    %mul3A_13 = vector.broadcast %mul3A_12 : f32 to vector<512x3072xf32>
    %mul3A_14 = arith.mulf %add3A_9, %mul3A_13 : vector<512x3072xf32>
    %erf3A = math.erf %mul3A_14 : vector<512x3072xf32>
    %add3A_15 = arith.constant 1.000000e+00 : f32
    %add3A_16 = vector.broadcast %add3A_15 : f32 to vector<512x3072xf32>
    %add3A_17 = arith.addf %add3A_16, %erf3A : vector<512x3072xf32>
    %mul3A_18 = arith.mulf %mul3A_11, %add3A_17 : vector<512x3072xf32>
    %get3A_19 = arith.constant 0 : index
    %get3A_20 = arith.constant 0 : index
    %get3A_21 = vector.load %arg4[%get3A_19, %get3A_20] : memref<3072x768xf32, #tpu.memory_space<vmem>>, vector<3072x768xf32>
    %dot_general3A_22 = arith.constant dense<0.000000e+00> : vector<512x768xf32>
    %dot_general3A_23 = tpu.matmul %mul3A_18, %get3A_21, %dot_general3A_22 {dimension_numbers = #tpu.dot_dimension_numbers<[1], [0], [0], [1], [0, 0, 1, 1], [], []>, transpose_lhs_hint = false} : vector<512x3072xf32>, vector<3072x768xf32>, vector<512x768xf32> -> vector<512x768xf32>
    %get3A_24 = arith.constant 0 : index
    %get3A_25 = arith.constant 0 : index
    %get3A_26 = vector.load %arg5[%get3A_24, %get3A_25] : memref<1x768xf32, #tpu.memory_space<vmem>>, vector<1x768xf32>
    %add3A_27 = vector.broadcast %get3A_26 : vector<1x768xf32> to vector<512x768xf32>
    %add3A_28 = arith.addf %dot_general3A_23, %add3A_27 : vector<512x768xf32>
    %add3A_29 = arith.addf %add3A_28, %get3A_1 : vector<512x768xf32>
    %get3A_30 = arith.constant 0 : index
    %get3A_31 = arith.constant 0 : index
    %get3A_32 = vector.load %arg6[%get3A_30, %get3A_31] : memref<1x768xf32, #tpu.memory_space<vmem>>, vector<1x768xf32>
    %get3A_33 = arith.constant 0 : index
    %get3A_34 = arith.constant 0 : index
    %get3A_35 = vector.load %arg7[%get3A_33, %get3A_34] : memref<1x768xf32, #tpu.memory_space<vmem>>, vector<1x768xf32>
    %reduce_sum3A = arith.constant dense<0.000000e+00> : vector<512xf32>
    %reduce_sum3A_36 = vector.multi_reduction <add>, %add3A_29, %reduce_sum3A [1] : vector<512x768xf32> to vector<512xf32>
    %broadcast_in_dim3A = vector.shape_cast %reduce_sum3A_36 : vector<512xf32> to vector<512x1xf32>
    %div3A = arith.constant 7.680000e+02 : f32
    %div3A_37 = vector.broadcast %div3A : f32 to vector<512x1xf32>
    %div3A_38 = arith.divf %broadcast_in_dim3A, %div3A_37 : vector<512x1xf32>
    %sub3A = vector.broadcast %div3A_38 : vector<512x1xf32> to vector<512x768xf32>
    %sub3A_39 = arith.subf %add3A_29, %sub3A : vector<512x768xf32>
    %mul3A_40 = arith.mulf %sub3A_39, %sub3A_39 : vector<512x768xf32>
    %reduce_sum3A_41 = arith.constant dense<0.000000e+00> : vector<512xf32>
    %reduce_sum3A_42 = vector.multi_reduction <add>, %mul3A_40, %reduce_sum3A_41 [1] : vector<512x768xf32> to vector<512xf32>
    %broadcast_in_dim3A_43 = vector.shape_cast %reduce_sum3A_42 : vector<512xf32> to vector<512x1xf32>
    %div3A_44 = arith.constant 7.680000e+02 : f32
    %div3A_45 = vector.broadcast %div3A_44 : f32 to vector<512x1xf32>
    %div3A_46 = arith.divf %broadcast_in_dim3A_43, %div3A_45 : vector<512x1xf32>
    %add3A_47 = arith.constant 9.99999974E-6 : f32
    %add3A_48 = vector.broadcast %add3A_47 : f32 to vector<512x1xf32>
    %add3A_49 = arith.addf %div3A_46, %add3A_48 : vector<512x1xf32>
    %sqrt3A = math.sqrt %add3A_49 : vector<512x1xf32>
    %div3A_50 = vector.broadcast %sqrt3A : vector<512x1xf32> to vector<512x768xf32>
    %div3A_51 = arith.divf %sub3A_39, %div3A_50 : vector<512x768xf32>
    %mul3A_52 = vector.broadcast %get3A_32 : vector<1x768xf32> to vector<512x768xf32>
    %mul3A_53 = arith.mulf %div3A_51, %mul3A_52 : vector<512x768xf32>
    %add3A_54 = vector.broadcast %get3A_35 : vector<1x768xf32> to vector<512x768xf32>
    %add3A_55 = arith.addf %mul3A_53, %add3A_54 : vector<512x768xf32>
    %swap3A = arith.constant 0 : index
    %swap3A_56 = arith.constant 0 : index
    %swap3A_57 = vector.load %arg8[%swap3A, %swap3A_56] : memref<512x768xf32, #tpu.memory_space<vmem>>, vector<512x768xf32>
    tpu.vector_store %arg8[%swap3A, %swap3A_56], %add3A_55 {strides = array<i32>} : memref<512x768xf32, #tpu.memory_space<vmem>>, vector<512x768xf32>,
    return
  }
  func.func @transform_0(%arg0: i32) -> (i32, i32) {
    %c0_i32 = arith.constant 0 : i32
    %c0_i32_0 = arith.constant 0 : i32
    return %arg0, %c0_i32 : i32, i32
  }
  func.func @transform_1(%arg0: i32) -> (i32, i32) {
    %c0_i32 = arith.constant 0 : i32
    %c0_i32_0 = arith.constant 0 : i32
    %c0_i32_1 = arith.constant 0 : i32
    return %c0_i32, %c0_i32_0 : i32, i32
  }
  func.func @transform_2(%arg0: i32) -> (i32, i32) {
    %c0_i32 = arith.constant 0 : i32
    %c0_i32_0 = arith.constant 0 : i32
    %c0_i32_1 = arith.constant 0 : i32
    return %c0_i32, %c0_i32_0 : i32, i32
  }
  func.func @transform_3(%arg0: i32) -> (i32, i32) {
    %c0_i32 = arith.constant 0 : i32
    %c0_i32_0 = arith.constant 0 : i32
    %c0_i32_1 = arith.constant 0 : i32
    return %c0_i32, %c0_i32_0 : i32, i32
  }
  func.func @transform_4(%arg0: i32) -> (i32, i32) {
    %c0_i32 = arith.constant 0 : i32
    %c0_i32_0 = arith.constant 0 : i32
    %c0_i32_1 = arith.constant 0 : i32
    return %c0_i32, %c0_i32_0 : i32, i32
  }
  func.func @transform_5(%arg0: i32) -> (i32, i32) {
    %c0_i32 = arith.constant 0 : i32
    %c0_i32_0 = arith.constant 0 : i32
    %c0_i32_1 = arith.constant 0 : i32
    return %c0_i32, %c0_i32_0 : i32, i32
  }
  func.func @transform_6(%arg0: i32) -> (i32, i32) {
    %c0_i32 = arith.constant 0 : i32
    %c0_i32_0 = arith.constant 0 : i32
    %c0_i32_1 = arith.constant 0 : i32
    return %c0_i32, %c0_i32_0 : i32, i32
  }
  func.func @transform_7(%arg0: i32) -> (i32, i32) {
    %c0_i32 = arith.constant 0 : i32
    %c0_i32_0 = arith.constant 0 : i32
    return %arg0, %c0_i32 : i32, i32
  }
}

module attributes {stable_mosaic.version = 14 : i64} {
  func.func @body(%arg0: i32, %arg1: memref<2048x768xf32, #tpu.memory_space<vmem>>, %arg2: memref<768x768xf32, #tpu.memory_space<vmem>>, %arg3: memref<768x768xf32, #tpu.memory_space<vmem>>, %arg4: memref<768x768xf32, #tpu.memory_space<vmem>>, %arg5: memref<1x768xf32, #tpu.memory_space<vmem>>, %arg6: memref<1x768xf32, #tpu.memory_space<vmem>>, %arg7: memref<1x768xf32, #tpu.memory_space<vmem>>, %arg8: memref<1024x768xf32, #tpu.memory_space<vmem>>) attributes {dimension_semantics = [#tpu.dimension_semantics<arbitrary>], iteration_bounds = array<i64: 2>, scalar_prefetch = 0 : i64, scratch_operands = 0 : i64, tpu.core_type = #tpu.core_type<tc>, window_params = [{transform_indices = @transform_0, window_bounds = array<i64: 2048, 768>}, {pipeline_mode = #tpu.pipeline_mode<synchronous>, transform_indices = @transform_1, window_bounds = array<i64: 768, 768>}, {pipeline_mode = #tpu.pipeline_mode<synchronous>, transform_indices = @transform_2, window_bounds = array<i64: 768, 768>}, {pipeline_mode = #tpu.pipeline_mode<synchronous>, transform_indices = @transform_3, window_bounds = array<i64: 768, 768>}, {pipeline_mode = #tpu.pipeline_mode<synchronous>, transform_indices = @transform_4, window_bounds = array<i64: 1, 768>}, {pipeline_mode = #tpu.pipeline_mode<synchronous>, transform_indices = @transform_5, window_bounds = array<i64: 1, 768>}, {pipeline_mode = #tpu.pipeline_mode<synchronous>, transform_indices = @transform_6, window_bounds = array<i64: 1, 768>}, {transform_indices = @transform_7, window_bounds = array<i64: 1024, 768>}]} {
    %get3A = arith.constant 0 : index
    %get3A_0 = arith.constant 0 : index
    %get3A_1 = vector.load %arg1[%get3A, %get3A_0] : memref<2048x768xf32, #tpu.memory_space<vmem>>, vector<2048x768xf32>
    %slice3A = vector.extract_strided_slice %get3A_1 {offsets = [2047, 0], sizes = [1, 768], strides = [1, 1]} : vector<2048x768xf32> to vector<1x768xf32>
    %slice3A_2 = vector.extract_strided_slice %get3A_1 {offsets = [0, 0], sizes = [2047, 768], strides = [1, 1]} : vector<2048x768xf32> to vector<2047x768xf32>
    %concatenate3A = tpu.concatenate %slice3A, %slice3A_2 in 0 : vector<1x768xf32>, vector<2047x768xf32> -> vector<2048x768xf32>
    %slice3A_3 = vector.extract_strided_slice %get3A_1 {offsets = [1, 0], sizes = [2047, 768], strides = [1, 1]} : vector<2048x768xf32> to vector<2047x768xf32>
    %slice3A_4 = vector.extract_strided_slice %get3A_1 {offsets = [0, 0], sizes = [1, 768], strides = [1, 1]} : vector<2048x768xf32> to vector<1x768xf32>
    %concatenate3A_5 = tpu.concatenate %slice3A_3, %slice3A_4 in 0 : vector<2047x768xf32>, vector<1x768xf32> -> vector<2048x768xf32>
    %get3A_6 = arith.constant 0 : index
    %get3A_7 = arith.constant 0 : index
    %get3A_8 = vector.load %arg2[%get3A_6, %get3A_7] : memref<768x768xf32, #tpu.memory_space<vmem>>, vector<768x768xf32>
    %dot_general3A = arith.constant dense<0.000000e+00> : vector<2048x768xf32>
    %dot_general3A_9 = tpu.matmul %concatenate3A, %get3A_8, %dot_general3A {dimension_numbers = #tpu.dot_dimension_numbers<[1], [0], [0], [1], [0, 0, 1, 1], [], []>, transpose_lhs_hint = false} : vector<2048x768xf32>, vector<768x768xf32>, vector<2048x768xf32> -> vector<2048x768xf32>
    %get3A_10 = arith.constant 0 : index
    %get3A_11 = arith.constant 0 : index
    %get3A_12 = vector.load %arg3[%get3A_10, %get3A_11] : memref<768x768xf32, #tpu.memory_space<vmem>>, vector<768x768xf32>
    %dot_general3A_13 = arith.constant dense<0.000000e+00> : vector<2048x768xf32>
    %dot_general3A_14 = tpu.matmul %get3A_1, %get3A_12, %dot_general3A_13 {dimension_numbers = #tpu.dot_dimension_numbers<[1], [0], [0], [1], [0, 0, 1, 1], [], []>, transpose_lhs_hint = false} : vector<2048x768xf32>, vector<768x768xf32>, vector<2048x768xf32> -> vector<2048x768xf32>
    %add3A = arith.addf %dot_general3A_9, %dot_general3A_14 : vector<2048x768xf32>
    %get3A_15 = arith.constant 0 : index
    %get3A_16 = arith.constant 0 : index
    %get3A_17 = vector.load %arg4[%get3A_15, %get3A_16] : memref<768x768xf32, #tpu.memory_space<vmem>>, vector<768x768xf32>
    %dot_general3A_18 = arith.constant dense<0.000000e+00> : vector<2048x768xf32>
    %dot_general3A_19 = tpu.matmul %concatenate3A_5, %get3A_17, %dot_general3A_18 {dimension_numbers = #tpu.dot_dimension_numbers<[1], [0], [0], [1], [0, 0, 1, 1], [], []>, transpose_lhs_hint = false} : vector<2048x768xf32>, vector<768x768xf32>, vector<2048x768xf32> -> vector<2048x768xf32>
    %add3A_20 = arith.addf %add3A, %dot_general3A_19 : vector<2048x768xf32>
    %get3A_21 = arith.constant 0 : index
    %get3A_22 = arith.constant 0 : index
    %get3A_23 = vector.load %arg5[%get3A_21, %get3A_22] : memref<1x768xf32, #tpu.memory_space<vmem>>, vector<1x768xf32>
    %add3A_24 = vector.broadcast %get3A_23 : vector<1x768xf32> to vector<2048x768xf32>
    %add3A_25 = arith.addf %add3A_20, %add3A_24 : vector<2048x768xf32>
    %get3A_26 = arith.constant 0 : index
    %get3A_27 = arith.constant 0 : index
    %get3A_28 = vector.load %arg6[%get3A_26, %get3A_27] : memref<1x768xf32, #tpu.memory_space<vmem>>, vector<1x768xf32>
    %mul3A = vector.broadcast %get3A_28 : vector<1x768xf32> to vector<2048x768xf32>
    %mul3A_29 = arith.mulf %add3A_25, %mul3A : vector<2048x768xf32>
    %get3A_30 = arith.constant 0 : index
    %get3A_31 = arith.constant 0 : index
    %get3A_32 = vector.load %arg7[%get3A_30, %get3A_31] : memref<1x768xf32, #tpu.memory_space<vmem>>, vector<1x768xf32>
    %add3A_33 = vector.broadcast %get3A_32 : vector<1x768xf32> to vector<2048x768xf32>
    %add3A_34 = arith.addf %mul3A_29, %add3A_33 : vector<2048x768xf32>
    %gt3A = arith.constant 0.000000e+00 : f32
    %gt3A_35 = vector.broadcast %gt3A : f32 to vector<2048x768xf32>
    %gt3A_36 = arith.cmpf ogt, %add3A_34, %gt3A_35 : vector<2048x768xf32>
    %exp3A = math.exp %add3A_34 : vector<2048x768xf32>
    %sub3A = arith.constant 1.000000e+00 : f32
    %sub3A_37 = vector.broadcast %sub3A : f32 to vector<2048x768xf32>
    %sub3A_38 = arith.subf %exp3A, %sub3A_37 : vector<2048x768xf32>
    %select_n3A = arith.select %gt3A_36, %add3A_34, %sub3A_38 : vector<2048x768xi1>, vector<2048x768xf32>
    %reshape3A = vector.shape_cast %select_n3A : vector<2048x768xf32> to vector<1024x2x768xf32>
    %slice3A_39 = vector.extract_strided_slice %reshape3A {offsets = [0, 0, 0], sizes = [1024, 1, 768], strides = [1, 1, 1]} : vector<1024x2x768xf32> to vector<1024x1x768xf32>
    %squeeze3A = vector.shape_cast %slice3A_39 : vector<1024x1x768xf32> to vector<1024x768xf32>
    %slice3A_40 = vector.extract_strided_slice %reshape3A {offsets = [0, 1, 0], sizes = [1024, 1, 768], strides = [1, 1, 1]} : vector<1024x2x768xf32> to vector<1024x1x768xf32>
    %squeeze3A_41 = vector.shape_cast %slice3A_40 : vector<1024x1x768xf32> to vector<1024x768xf32>
    %broadcast_in_dim3A = arith.constant 0xFF800000 : f32
    %broadcast_in_dim3A_42 = vector.broadcast %broadcast_in_dim3A : f32 to vector<1x768xf32>
    %slice3A_43 = vector.extract_strided_slice %squeeze3A_41 {offsets = [0, 0], sizes = [1023, 768], strides = [1, 1]} : vector<1024x768xf32> to vector<1023x768xf32>
    %concatenate3A_44 = tpu.concatenate %broadcast_in_dim3A_42, %slice3A_43 in 0 : vector<1x768xf32>, vector<1023x768xf32> -> vector<1024x768xf32>
    %max3A = arith.maximumf %squeeze3A, %squeeze3A_41 : vector<1024x768xf32>
    %max3A_45 = arith.maximumf %max3A, %concatenate3A_44 : vector<1024x768xf32>
    %swap3A = arith.constant 0 : index
    %swap3A_46 = arith.constant 0 : index
    %swap3A_47 = vector.load %arg8[%swap3A, %swap3A_46] : memref<1024x768xf32, #tpu.memory_space<vmem>>, vector<1024x768xf32>
    tpu.vector_store %arg8[%swap3A, %swap3A_46], %max3A_45 {strides = array<i32>} : memref<1024x768xf32, #tpu.memory_space<vmem>>, vector<1024x768xf32>,
    return
  }
  func.func @transform_0(%arg0: i32) -> (i32, i32) {
    %c0_i32 = arith.constant 0 : i32
    %c0_i32_0 = arith.constant 0 : i32
    return %arg0, %c0_i32 : i32, i32
  }
  func.func @transform_1(%arg0: i32) -> (i32, i32) {
    %c0_i32 = arith.constant 0 : i32
    %c0_i32_0 = arith.constant 0 : i32
    %c0_i32_1 = arith.constant 0 : i32
    return %c0_i32, %c0_i32_0 : i32, i32
  }
  func.func @transform_2(%arg0: i32) -> (i32, i32) {
    %c0_i32 = arith.constant 0 : i32
    %c0_i32_0 = arith.constant 0 : i32
    %c0_i32_1 = arith.constant 0 : i32
    return %c0_i32, %c0_i32_0 : i32, i32
  }
  func.func @transform_3(%arg0: i32) -> (i32, i32) {
    %c0_i32 = arith.constant 0 : i32
    %c0_i32_0 = arith.constant 0 : i32
    %c0_i32_1 = arith.constant 0 : i32
    return %c0_i32, %c0_i32_0 : i32, i32
  }
  func.func @transform_4(%arg0: i32) -> (i32, i32) {
    %c0_i32 = arith.constant 0 : i32
    %c0_i32_0 = arith.constant 0 : i32
    %c0_i32_1 = arith.constant 0 : i32
    return %c0_i32, %c0_i32_0 : i32, i32
  }
  func.func @transform_5(%arg0: i32) -> (i32, i32) {
    %c0_i32 = arith.constant 0 : i32
    %c0_i32_0 = arith.constant 0 : i32
    %c0_i32_1 = arith.constant 0 : i32
    return %c0_i32, %c0_i32_0 : i32, i32
  }
  func.func @transform_6(%arg0: i32) -> (i32, i32) {
    %c0_i32 = arith.constant 0 : i32
    %c0_i32_0 = arith.constant 0 : i32
    %c0_i32_1 = arith.constant 0 : i32
    return %c0_i32, %c0_i32_0 : i32, i32
  }
  func.func @transform_7(%arg0: i32) -> (i32, i32) {
    %c0_i32 = arith.constant 0 : i32
    %c0_i32_0 = arith.constant 0 : i32
    return %arg0, %c0_i32 : i32, i32
  }
}

module attributes {stable_mosaic.version = 14 : i64} {
  func.func @_qkv_body(%arg0: i32, %arg1: memref<512x768xf32, #tpu.memory_space<vmem>>, %arg2: memref<768x768xf32, #tpu.memory_space<vmem>>, %arg3: memref<768x768xf32, #tpu.memory_space<vmem>>, %arg4: memref<768x768xf32, #tpu.memory_space<vmem>>, %arg5: memref<1x768xf32, #tpu.memory_space<vmem>>, %arg6: memref<1x768xf32, #tpu.memory_space<vmem>>, %arg7: memref<1x768xf32, #tpu.memory_space<vmem>>, %arg8: memref<12x512x128xf32, #tpu.memory_space<vmem>>, %arg9: memref<12x512x128xf32, #tpu.memory_space<vmem>>, %arg10: memref<12x512x128xf32, #tpu.memory_space<vmem>>) attributes {dimension_semantics = [#tpu.dimension_semantics<arbitrary>], iteration_bounds = array<i64: 4>, scalar_prefetch = 0 : i64, scratch_operands = 0 : i64, tpu.core_type = #tpu.core_type<tc>, window_params = [{transform_indices = @transform_0, window_bounds = array<i64: 512, 768>}, {pipeline_mode = #tpu.pipeline_mode<synchronous>, transform_indices = @transform_1, window_bounds = array<i64: 768, 768>}, {pipeline_mode = #tpu.pipeline_mode<synchronous>, transform_indices = @transform_2, window_bounds = array<i64: 768, 768>}, {pipeline_mode = #tpu.pipeline_mode<synchronous>, transform_indices = @transform_3, window_bounds = array<i64: 768, 768>}, {pipeline_mode = #tpu.pipeline_mode<synchronous>, transform_indices = @transform_4, window_bounds = array<i64: 1, 768>}, {pipeline_mode = #tpu.pipeline_mode<synchronous>, transform_indices = @transform_5, window_bounds = array<i64: 1, 768>}, {pipeline_mode = #tpu.pipeline_mode<synchronous>, transform_indices = @transform_6, window_bounds = array<i64: 1, 768>}, {transform_indices = @transform_7, window_bounds = array<i64: 12, 512, 128>}, {transform_indices = @transform_8, window_bounds = array<i64: 12, 512, 128>}, {transform_indices = @transform_9, window_bounds = array<i64: 12, 512, 128>}]} {
    %get3A = arith.constant 0 : index
    %get3A_0 = arith.constant 0 : index
    %get3A_1 = vector.load %arg1[%get3A, %get3A_0] : memref<512x768xf32, #tpu.memory_space<vmem>>, vector<512x768xf32>
    %get3A_2 = arith.constant 0 : index
    %get3A_3 = arith.constant 0 : index
    %get3A_4 = vector.load %arg2[%get3A_2, %get3A_3] : memref<768x768xf32, #tpu.memory_space<vmem>>, vector<768x768xf32>
    %dot_general3A = arith.constant dense<0.000000e+00> : vector<512x768xf32>
    %dot_general3A_5 = tpu.matmul %get3A_1, %get3A_4, %dot_general3A {dimension_numbers = #tpu.dot_dimension_numbers<[1], [0], [0], [1], [0, 0, 1, 1], [], []>, transpose_lhs_hint = false} : vector<512x768xf32>, vector<768x768xf32>, vector<512x768xf32> -> vector<512x768xf32>
    %get3A_6 = arith.constant 0 : index
    %get3A_7 = arith.constant 0 : index
    %get3A_8 = vector.load %arg5[%get3A_6, %get3A_7] : memref<1x768xf32, #tpu.memory_space<vmem>>, vector<1x768xf32>
    %add3A = vector.broadcast %get3A_8 : vector<1x768xf32> to vector<512x768xf32>
    %add3A_9 = arith.addf %dot_general3A_5, %add3A : vector<512x768xf32>
    %get3A_10 = arith.constant 0 : index
    %get3A_11 = arith.constant 0 : index
    %get3A_12 = vector.load %arg3[%get3A_10, %get3A_11] : memref<768x768xf32, #tpu.memory_space<vmem>>, vector<768x768xf32>
    %dot_general3A_13 = arith.constant dense<0.000000e+00> : vector<512x768xf32>
    %dot_general3A_14 = tpu.matmul %get3A_1, %get3A_12, %dot_general3A_13 {dimension_numbers = #tpu.dot_dimension_numbers<[1], [0], [0], [1], [0, 0, 1, 1], [], []>, transpose_lhs_hint = false} : vector<512x768xf32>, vector<768x768xf32>, vector<512x768xf32> -> vector<512x768xf32>
    %get3A_15 = arith.constant 0 : index
    %get3A_16 = arith.constant 0 : index
    %get3A_17 = vector.load %arg6[%get3A_15, %get3A_16] : memref<1x768xf32, #tpu.memory_space<vmem>>, vector<1x768xf32>
    %add3A_18 = vector.broadcast %get3A_17 : vector<1x768xf32> to vector<512x768xf32>
    %add3A_19 = arith.addf %dot_general3A_14, %add3A_18 : vector<512x768xf32>
    %get3A_20 = arith.constant 0 : index
    %get3A_21 = arith.constant 0 : index
    %get3A_22 = vector.load %arg4[%get3A_20, %get3A_21] : memref<768x768xf32, #tpu.memory_space<vmem>>, vector<768x768xf32>
    %dot_general3A_23 = arith.constant dense<0.000000e+00> : vector<512x768xf32>
    %dot_general3A_24 = tpu.matmul %get3A_1, %get3A_22, %dot_general3A_23 {dimension_numbers = #tpu.dot_dimension_numbers<[1], [0], [0], [1], [0, 0, 1, 1], [], []>, transpose_lhs_hint = false} : vector<512x768xf32>, vector<768x768xf32>, vector<512x768xf32> -> vector<512x768xf32>
    %get3A_25 = arith.constant 0 : index
    %get3A_26 = arith.constant 0 : index
    %get3A_27 = vector.load %arg7[%get3A_25, %get3A_26] : memref<1x768xf32, #tpu.memory_space<vmem>>, vector<1x768xf32>
    %add3A_28 = vector.broadcast %get3A_27 : vector<1x768xf32> to vector<512x768xf32>
    %add3A_29 = arith.addf %dot_general3A_24, %add3A_28 : vector<512x768xf32>
    %slice3A = vector.extract_strided_slice %add3A_9 {offsets = [0, 0], sizes = [512, 64], strides = [1, 1]} : vector<512x768xf32> to vector<512x64xf32>
    %swap3A = arith.constant 0 : index
    %swap3A_30 = arith.constant 0 : index
    %swap3A_31 = arith.constant 0 : index
    %swap3A_32 = vector.load %arg8[%swap3A, %swap3A_30, %swap3A_31] : memref<12x512x128xf32, #tpu.memory_space<vmem>>, vector<1x512x64xf32>
    %swap3A_33 = vector.shape_cast %swap3A_32 : vector<1x512x64xf32> to vector<512x64xf32>
    %swap3A_34 = vector.shape_cast %slice3A : vector<512x64xf32> to vector<1x512x64xf32>
    tpu.vector_store %arg8[%swap3A, %swap3A_30, %swap3A_31], %swap3A_34 {strides = array<i32>} : memref<12x512x128xf32, #tpu.memory_space<vmem>>, vector<1x512x64xf32>,
    %slice3A_35 = vector.extract_strided_slice %add3A_19 {offsets = [0, 0], sizes = [512, 64], strides = [1, 1]} : vector<512x768xf32> to vector<512x64xf32>
    %swap3A_36 = arith.constant 0 : index
    %swap3A_37 = arith.constant 0 : index
    %swap3A_38 = arith.constant 0 : index
    %swap3A_39 = vector.load %arg9[%swap3A_36, %swap3A_37, %swap3A_38] : memref<12x512x128xf32, #tpu.memory_space<vmem>>, vector<1x512x64xf32>
    %swap3A_40 = vector.shape_cast %swap3A_39 : vector<1x512x64xf32> to vector<512x64xf32>
    %swap3A_41 = vector.shape_cast %slice3A_35 : vector<512x64xf32> to vector<1x512x64xf32>
    tpu.vector_store %arg9[%swap3A_36, %swap3A_37, %swap3A_38], %swap3A_41 {strides = array<i32>} : memref<12x512x128xf32, #tpu.memory_space<vmem>>, vector<1x512x64xf32>,
    %slice3A_42 = vector.extract_strided_slice %add3A_29 {offsets = [0, 0], sizes = [512, 64], strides = [1, 1]} : vector<512x768xf32> to vector<512x64xf32>
    %swap3A_43 = arith.constant 0 : index
    %swap3A_44 = arith.constant 0 : index
    %swap3A_45 = arith.constant 0 : index
    %swap3A_46 = vector.load %arg10[%swap3A_43, %swap3A_44, %swap3A_45] : memref<12x512x128xf32, #tpu.memory_space<vmem>>, vector<1x512x64xf32>
    %swap3A_47 = vector.shape_cast %swap3A_46 : vector<1x512x64xf32> to vector<512x64xf32>
    %swap3A_48 = vector.shape_cast %slice3A_42 : vector<512x64xf32> to vector<1x512x64xf32>
    tpu.vector_store %arg10[%swap3A_43, %swap3A_44, %swap3A_45], %swap3A_48 {strides = array<i32>} : memref<12x512x128xf32, #tpu.memory_space<vmem>>, vector<1x512x64xf32>,
    %slice3A_49 = vector.extract_strided_slice %add3A_9 {offsets = [0, 64], sizes = [512, 64], strides = [1, 1]} : vector<512x768xf32> to vector<512x64xf32>
    %swap3A_50 = arith.constant 1 : index
    %swap3A_51 = arith.constant 0 : index
    %swap3A_52 = arith.constant 0 : index
    %swap3A_53 = vector.load %arg8[%swap3A_50, %swap3A_51, %swap3A_52] : memref<12x512x128xf32, #tpu.memory_space<vmem>>, vector<1x512x64xf32>
    %swap3A_54 = vector.shape_cast %swap3A_53 : vector<1x512x64xf32> to vector<512x64xf32>
    %swap3A_55 = vector.shape_cast %slice3A_49 : vector<512x64xf32> to vector<1x512x64xf32>
    tpu.vector_store %arg8[%swap3A_50, %swap3A_51, %swap3A_52], %swap3A_55 {strides = array<i32>} : memref<12x512x128xf32, #tpu.memory_space<vmem>>, vector<1x512x64xf32>,
    %slice3A_56 = vector.extract_strided_slice %add3A_19 {offsets = [0, 64], sizes = [512, 64], strides = [1, 1]} : vector<512x768xf32> to vector<512x64xf32>
    %swap3A_57 = arith.constant 1 : index
    %swap3A_58 = arith.constant 0 : index
    %swap3A_59 = arith.constant 0 : index
    %swap3A_60 = vector.load %arg9[%swap3A_57, %swap3A_58, %swap3A_59] : memref<12x512x128xf32, #tpu.memory_space<vmem>>, vector<1x512x64xf32>
    %swap3A_61 = vector.shape_cast %swap3A_60 : vector<1x512x64xf32> to vector<512x64xf32>
    %swap3A_62 = vector.shape_cast %slice3A_56 : vector<512x64xf32> to vector<1x512x64xf32>
    tpu.vector_store %arg9[%swap3A_57, %swap3A_58, %swap3A_59], %swap3A_62 {strides = array<i32>} : memref<12x512x128xf32, #tpu.memory_space<vmem>>, vector<1x512x64xf32>,
    %slice3A_63 = vector.extract_strided_slice %add3A_29 {offsets = [0, 64], sizes = [512, 64], strides = [1, 1]} : vector<512x768xf32> to vector<512x64xf32>
    %swap3A_64 = arith.constant 1 : index
    %swap3A_65 = arith.constant 0 : index
    %swap3A_66 = arith.constant 0 : index
    %swap3A_67 = vector.load %arg10[%swap3A_64, %swap3A_65, %swap3A_66] : memref<12x512x128xf32, #tpu.memory_space<vmem>>, vector<1x512x64xf32>
    %swap3A_68 = vector.shape_cast %swap3A_67 : vector<1x512x64xf32> to vector<512x64xf32>
    %swap3A_69 = vector.shape_cast %slice3A_63 : vector<512x64xf32> to vector<1x512x64xf32>
    tpu.vector_store %arg10[%swap3A_64, %swap3A_65, %swap3A_66], %swap3A_69 {strides = array<i32>} : memref<12x512x128xf32, #tpu.memory_space<vmem>>, vector<1x512x64xf32>,
    %slice3A_70 = vector.extract_strided_slice %add3A_9 {offsets = [0, 128], sizes = [512, 64], strides = [1, 1]} : vector<512x768xf32> to vector<512x64xf32>
    %swap3A_71 = arith.constant 2 : index
    %swap3A_72 = arith.constant 0 : index
    %swap3A_73 = arith.constant 0 : index
    %swap3A_74 = vector.load %arg8[%swap3A_71, %swap3A_72, %swap3A_73] : memref<12x512x128xf32, #tpu.memory_space<vmem>>, vector<1x512x64xf32>
    %swap3A_75 = vector.shape_cast %swap3A_74 : vector<1x512x64xf32> to vector<512x64xf32>
    %swap3A_76 = vector.shape_cast %slice3A_70 : vector<512x64xf32> to vector<1x512x64xf32>
    tpu.vector_store %arg8[%swap3A_71, %swap3A_72, %swap3A_73], %swap3A_76 {strides = array<i32>} : memref<12x512x128xf32, #tpu.memory_space<vmem>>, vector<1x512x64xf32>,
    %slice3A_77 = vector.extract_strided_slice %add3A_19 {offsets = [0, 128], sizes = [512, 64], strides = [1, 1]} : vector<512x768xf32> to vector<512x64xf32>
    %swap3A_78 = arith.constant 2 : index
    %swap3A_79 = arith.constant 0 : index
    %swap3A_80 = arith.constant 0 : index
    %swap3A_81 = vector.load %arg9[%swap3A_78, %swap3A_79, %swap3A_80] : memref<12x512x128xf32, #tpu.memory_space<vmem>>, vector<1x512x64xf32>
    %swap3A_82 = vector.shape_cast %swap3A_81 : vector<1x512x64xf32> to vector<512x64xf32>
    %swap3A_83 = vector.shape_cast %slice3A_77 : vector<512x64xf32> to vector<1x512x64xf32>
    tpu.vector_store %arg9[%swap3A_78, %swap3A_79, %swap3A_80], %swap3A_83 {strides = array<i32>} : memref<12x512x128xf32, #tpu.memory_space<vmem>>, vector<1x512x64xf32>,
    %slice3A_84 = vector.extract_strided_slice %add3A_29 {offsets = [0, 128], sizes = [512, 64], strides = [1, 1]} : vector<512x768xf32> to vector<512x64xf32>
    %swap3A_85 = arith.constant 2 : index
    %swap3A_86 = arith.constant 0 : index
    %swap3A_87 = arith.constant 0 : index
    %swap3A_88 = vector.load %arg10[%swap3A_85, %swap3A_86, %swap3A_87] : memref<12x512x128xf32, #tpu.memory_space<vmem>>, vector<1x512x64xf32>
    %swap3A_89 = vector.shape_cast %swap3A_88 : vector<1x512x64xf32> to vector<512x64xf32>
    %swap3A_90 = vector.shape_cast %slice3A_84 : vector<512x64xf32> to vector<1x512x64xf32>
    tpu.vector_store %arg10[%swap3A_85, %swap3A_86, %swap3A_87], %swap3A_90 {strides = array<i32>} : memref<12x512x128xf32, #tpu.memory_space<vmem>>, vector<1x512x64xf32>,
    %slice3A_91 = vector.extract_strided_slice %add3A_9 {offsets = [0, 192], sizes = [512, 64], strides = [1, 1]} : vector<512x768xf32> to vector<512x64xf32>
    %swap3A_92 = arith.constant 3 : index
    %swap3A_93 = arith.constant 0 : index
    %swap3A_94 = arith.constant 0 : index
    %swap3A_95 = vector.load %arg8[%swap3A_92, %swap3A_93, %swap3A_94] : memref<12x512x128xf32, #tpu.memory_space<vmem>>, vector<1x512x64xf32>
    %swap3A_96 = vector.shape_cast %swap3A_95 : vector<1x512x64xf32> to vector<512x64xf32>
    %swap3A_97 = vector.shape_cast %slice3A_91 : vector<512x64xf32> to vector<1x512x64xf32>
    tpu.vector_store %arg8[%swap3A_92, %swap3A_93, %swap3A_94], %swap3A_97 {strides = array<i32>} : memref<12x512x128xf32, #tpu.memory_space<vmem>>, vector<1x512x64xf32>,
    %slice3A_98 = vector.extract_strided_slice %add3A_19 {offsets = [0, 192], sizes = [512, 64], strides = [1, 1]} : vector<512x768xf32> to vector<512x64xf32>
    %swap3A_99 = arith.constant 3 : index
    %swap3A_100 = arith.constant 0 : index
    %swap3A_101 = arith.constant 0 : index
    %swap3A_102 = vector.load %arg9[%swap3A_99, %swap3A_100, %swap3A_101] : memref<12x512x128xf32, #tpu.memory_space<vmem>>, vector<1x512x64xf32>
    %swap3A_103 = vector.shape_cast %swap3A_102 : vector<1x512x64xf32> to vector<512x64xf32>
    %swap3A_104 = vector.shape_cast %slice3A_98 : vector<512x64xf32> to vector<1x512x64xf32>
    tpu.vector_store %arg9[%swap3A_99, %swap3A_100, %swap3A_101], %swap3A_104 {strides = array<i32>} : memref<12x512x128xf32, #tpu.memory_space<vmem>>, vector<1x512x64xf32>,
    %slice3A_105 = vector.extract_strided_slice %add3A_29 {offsets = [0, 192], sizes = [512, 64], strides = [1, 1]} : vector<512x768xf32> to vector<512x64xf32>
    %swap3A_106 = arith.constant 3 : index
    %swap3A_107 = arith.constant 0 : index
    %swap3A_108 = arith.constant 0 : index
    %swap3A_109 = vector.load %arg10[%swap3A_106, %swap3A_107, %swap3A_108] : memref<12x512x128xf32, #tpu.memory_space<vmem>>, vector<1x512x64xf32>
    %swap3A_110 = vector.shape_cast %swap3A_109 : vector<1x512x64xf32> to vector<512x64xf32>
    %swap3A_111 = vector.shape_cast %slice3A_105 : vector<512x64xf32> to vector<1x512x64xf32>
    tpu.vector_store %arg10[%swap3A_106, %swap3A_107, %swap3A_108], %swap3A_111 {strides = array<i32>} : memref<12x512x128xf32, #tpu.memory_space<vmem>>, vector<1x512x64xf32>,
    %slice3A_112 = vector.extract_strided_slice %add3A_9 {offsets = [0, 256], sizes = [512, 64], strides = [1, 1]} : vector<512x768xf32> to vector<512x64xf32>
    %swap3A_113 = arith.constant 4 : index
    %swap3A_114 = arith.constant 0 : index
    %swap3A_115 = arith.constant 0 : index
    %swap3A_116 = vector.load %arg8[%swap3A_113, %swap3A_114, %swap3A_115] : memref<12x512x128xf32, #tpu.memory_space<vmem>>, vector<1x512x64xf32>
    %swap3A_117 = vector.shape_cast %swap3A_116 : vector<1x512x64xf32> to vector<512x64xf32>
    %swap3A_118 = vector.shape_cast %slice3A_112 : vector<512x64xf32> to vector<1x512x64xf32>
    tpu.vector_store %arg8[%swap3A_113, %swap3A_114, %swap3A_115], %swap3A_118 {strides = array<i32>} : memref<12x512x128xf32, #tpu.memory_space<vmem>>, vector<1x512x64xf32>,
    %slice3A_119 = vector.extract_strided_slice %add3A_19 {offsets = [0, 256], sizes = [512, 64], strides = [1, 1]} : vector<512x768xf32> to vector<512x64xf32>
    %swap3A_120 = arith.constant 4 : index
    %swap3A_121 = arith.constant 0 : index
    %swap3A_122 = arith.constant 0 : index
    %swap3A_123 = vector.load %arg9[%swap3A_120, %swap3A_121, %swap3A_122] : memref<12x512x128xf32, #tpu.memory_space<vmem>>, vector<1x512x64xf32>
    %swap3A_124 = vector.shape_cast %swap3A_123 : vector<1x512x64xf32> to vector<512x64xf32>
    %swap3A_125 = vector.shape_cast %slice3A_119 : vector<512x64xf32> to vector<1x512x64xf32>
    tpu.vector_store %arg9[%swap3A_120, %swap3A_121, %swap3A_122], %swap3A_125 {strides = array<i32>} : memref<12x512x128xf32, #tpu.memory_space<vmem>>, vector<1x512x64xf32>,
    %slice3A_126 = vector.extract_strided_slice %add3A_29 {offsets = [0, 256], sizes = [512, 64], strides = [1, 1]} : vector<512x768xf32> to vector<512x64xf32>
    %swap3A_127 = arith.constant 4 : index
    %swap3A_128 = arith.constant 0 : index
    %swap3A_129 = arith.constant 0 : index
    %swap3A_130 = vector.load %arg10[%swap3A_127, %swap3A_128, %swap3A_129] : memref<12x512x128xf32, #tpu.memory_space<vmem>>, vector<1x512x64xf32>
    %swap3A_131 = vector.shape_cast %swap3A_130 : vector<1x512x64xf32> to vector<512x64xf32>
    %swap3A_132 = vector.shape_cast %slice3A_126 : vector<512x64xf32> to vector<1x512x64xf32>
    tpu.vector_store %arg10[%swap3A_127, %swap3A_128, %swap3A_129], %swap3A_132 {strides = array<i32>} : memref<12x512x128xf32, #tpu.memory_space<vmem>>, vector<1x512x64xf32>,
    %slice3A_133 = vector.extract_strided_slice %add3A_9 {offsets = [0, 320], sizes = [512, 64], strides = [1, 1]} : vector<512x768xf32> to vector<512x64xf32>
    %swap3A_134 = arith.constant 5 : index
    %swap3A_135 = arith.constant 0 : index
    %swap3A_136 = arith.constant 0 : index
    %swap3A_137 = vector.load %arg8[%swap3A_134, %swap3A_135, %swap3A_136] : memref<12x512x128xf32, #tpu.memory_space<vmem>>, vector<1x512x64xf32>
    %swap3A_138 = vector.shape_cast %swap3A_137 : vector<1x512x64xf32> to vector<512x64xf32>
    %swap3A_139 = vector.shape_cast %slice3A_133 : vector<512x64xf32> to vector<1x512x64xf32>
    tpu.vector_store %arg8[%swap3A_134, %swap3A_135, %swap3A_136], %swap3A_139 {strides = array<i32>} : memref<12x512x128xf32, #tpu.memory_space<vmem>>, vector<1x512x64xf32>,
    %slice3A_140 = vector.extract_strided_slice %add3A_19 {offsets = [0, 320], sizes = [512, 64], strides = [1, 1]} : vector<512x768xf32> to vector<512x64xf32>
    %swap3A_141 = arith.constant 5 : index
    %swap3A_142 = arith.constant 0 : index
    %swap3A_143 = arith.constant 0 : index
    %swap3A_144 = vector.load %arg9[%swap3A_141, %swap3A_142, %swap3A_143] : memref<12x512x128xf32, #tpu.memory_space<vmem>>, vector<1x512x64xf32>
    %swap3A_145 = vector.shape_cast %swap3A_144 : vector<1x512x64xf32> to vector<512x64xf32>
    %swap3A_146 = vector.shape_cast %slice3A_140 : vector<512x64xf32> to vector<1x512x64xf32>
    tpu.vector_store %arg9[%swap3A_141, %swap3A_142, %swap3A_143], %swap3A_146 {strides = array<i32>} : memref<12x512x128xf32, #tpu.memory_space<vmem>>, vector<1x512x64xf32>,
    %slice3A_147 = vector.extract_strided_slice %add3A_29 {offsets = [0, 320], sizes = [512, 64], strides = [1, 1]} : vector<512x768xf32> to vector<512x64xf32>
    %swap3A_148 = arith.constant 5 : index
    %swap3A_149 = arith.constant 0 : index
    %swap3A_150 = arith.constant 0 : index
    %swap3A_151 = vector.load %arg10[%swap3A_148, %swap3A_149, %swap3A_150] : memref<12x512x128xf32, #tpu.memory_space<vmem>>, vector<1x512x64xf32>
    %swap3A_152 = vector.shape_cast %swap3A_151 : vector<1x512x64xf32> to vector<512x64xf32>
    %swap3A_153 = vector.shape_cast %slice3A_147 : vector<512x64xf32> to vector<1x512x64xf32>
    tpu.vector_store %arg10[%swap3A_148, %swap3A_149, %swap3A_150], %swap3A_153 {strides = array<i32>} : memref<12x512x128xf32, #tpu.memory_space<vmem>>, vector<1x512x64xf32>,
    %slice3A_154 = vector.extract_strided_slice %add3A_9 {offsets = [0, 384], sizes = [512, 64], strides = [1, 1]} : vector<512x768xf32> to vector<512x64xf32>
    %swap3A_155 = arith.constant 6 : index
    %swap3A_156 = arith.constant 0 : index
    %swap3A_157 = arith.constant 0 : index
    %swap3A_158 = vector.load %arg8[%swap3A_155, %swap3A_156, %swap3A_157] : memref<12x512x128xf32, #tpu.memory_space<vmem>>, vector<1x512x64xf32>
    %swap3A_159 = vector.shape_cast %swap3A_158 : vector<1x512x64xf32> to vector<512x64xf32>
    %swap3A_160 = vector.shape_cast %slice3A_154 : vector<512x64xf32> to vector<1x512x64xf32>
    tpu.vector_store %arg8[%swap3A_155, %swap3A_156, %swap3A_157], %swap3A_160 {strides = array<i32>} : memref<12x512x128xf32, #tpu.memory_space<vmem>>, vector<1x512x64xf32>,
    %slice3A_161 = vector.extract_strided_slice %add3A_19 {offsets = [0, 384], sizes = [512, 64], strides = [1, 1]} : vector<512x768xf32> to vector<512x64xf32>
    %swap3A_162 = arith.constant 6 : index
    %swap3A_163 = arith.constant 0 : index
    %swap3A_164 = arith.constant 0 : index
    %swap3A_165 = vector.load %arg9[%swap3A_162, %swap3A_163, %swap3A_164] : memref<12x512x128xf32, #tpu.memory_space<vmem>>, vector<1x512x64xf32>
    %swap3A_166 = vector.shape_cast %swap3A_165 : vector<1x512x64xf32> to vector<512x64xf32>
    %swap3A_167 = vector.shape_cast %slice3A_161 : vector<512x64xf32> to vector<1x512x64xf32>
    tpu.vector_store %arg9[%swap3A_162, %swap3A_163, %swap3A_164], %swap3A_167 {strides = array<i32>} : memref<12x512x128xf32, #tpu.memory_space<vmem>>, vector<1x512x64xf32>,
    %slice3A_168 = vector.extract_strided_slice %add3A_29 {offsets = [0, 384], sizes = [512, 64], strides = [1, 1]} : vector<512x768xf32> to vector<512x64xf32>
    %swap3A_169 = arith.constant 6 : index
    %swap3A_170 = arith.constant 0 : index
    %swap3A_171 = arith.constant 0 : index
    %swap3A_172 = vector.load %arg10[%swap3A_169, %swap3A_170, %swap3A_171] : memref<12x512x128xf32, #tpu.memory_space<vmem>>, vector<1x512x64xf32>
    %swap3A_173 = vector.shape_cast %swap3A_172 : vector<1x512x64xf32> to vector<512x64xf32>
    %swap3A_174 = vector.shape_cast %slice3A_168 : vector<512x64xf32> to vector<1x512x64xf32>
    tpu.vector_store %arg10[%swap3A_169, %swap3A_170, %swap3A_171], %swap3A_174 {strides = array<i32>} : memref<12x512x128xf32, #tpu.memory_space<vmem>>, vector<1x512x64xf32>,
    %slice3A_175 = vector.extract_strided_slice %add3A_9 {offsets = [0, 448], sizes = [512, 64], strides = [1, 1]} : vector<512x768xf32> to vector<512x64xf32>
    %swap3A_176 = arith.constant 7 : index
    %swap3A_177 = arith.constant 0 : index
    %swap3A_178 = arith.constant 0 : index
    %swap3A_179 = vector.load %arg8[%swap3A_176, %swap3A_177, %swap3A_178] : memref<12x512x128xf32, #tpu.memory_space<vmem>>, vector<1x512x64xf32>
    %swap3A_180 = vector.shape_cast %swap3A_179 : vector<1x512x64xf32> to vector<512x64xf32>
    %swap3A_181 = vector.shape_cast %slice3A_175 : vector<512x64xf32> to vector<1x512x64xf32>
    tpu.vector_store %arg8[%swap3A_176, %swap3A_177, %swap3A_178], %swap3A_181 {strides = array<i32>} : memref<12x512x128xf32, #tpu.memory_space<vmem>>, vector<1x512x64xf32>,
    %slice3A_182 = vector.extract_strided_slice %add3A_19 {offsets = [0, 448], sizes = [512, 64], strides = [1, 1]} : vector<512x768xf32> to vector<512x64xf32>
    %swap3A_183 = arith.constant 7 : index
    %swap3A_184 = arith.constant 0 : index
    %swap3A_185 = arith.constant 0 : index
    %swap3A_186 = vector.load %arg9[%swap3A_183, %swap3A_184, %swap3A_185] : memref<12x512x128xf32, #tpu.memory_space<vmem>>, vector<1x512x64xf32>
    %swap3A_187 = vector.shape_cast %swap3A_186 : vector<1x512x64xf32> to vector<512x64xf32>
    %swap3A_188 = vector.shape_cast %slice3A_182 : vector<512x64xf32> to vector<1x512x64xf32>
    tpu.vector_store %arg9[%swap3A_183, %swap3A_184, %swap3A_185], %swap3A_188 {strides = array<i32>} : memref<12x512x128xf32, #tpu.memory_space<vmem>>, vector<1x512x64xf32>,
    %slice3A_189 = vector.extract_strided_slice %add3A_29 {offsets = [0, 448], sizes = [512, 64], strides = [1, 1]} : vector<512x768xf32> to vector<512x64xf32>
    %swap3A_190 = arith.constant 7 : index
    %swap3A_191 = arith.constant 0 : index
    %swap3A_192 = arith.constant 0 : index
    %swap3A_193 = vector.load %arg10[%swap3A_190, %swap3A_191, %swap3A_192] : memref<12x512x128xf32, #tpu.memory_space<vmem>>, vector<1x512x64xf32>
    %swap3A_194 = vector.shape_cast %swap3A_193 : vector<1x512x64xf32> to vector<512x64xf32>
    %swap3A_195 = vector.shape_cast %slice3A_189 : vector<512x64xf32> to vector<1x512x64xf32>
    tpu.vector_store %arg10[%swap3A_190, %swap3A_191, %swap3A_192], %swap3A_195 {strides = array<i32>} : memref<12x512x128xf32, #tpu.memory_space<vmem>>, vector<1x512x64xf32>,
    %slice3A_196 = vector.extract_strided_slice %add3A_9 {offsets = [0, 512], sizes = [512, 64], strides = [1, 1]} : vector<512x768xf32> to vector<512x64xf32>
    %swap3A_197 = arith.constant 8 : index
    %swap3A_198 = arith.constant 0 : index
    %swap3A_199 = arith.constant 0 : index
    %swap3A_200 = vector.load %arg8[%swap3A_197, %swap3A_198, %swap3A_199] : memref<12x512x128xf32, #tpu.memory_space<vmem>>, vector<1x512x64xf32>
    %swap3A_201 = vector.shape_cast %swap3A_200 : vector<1x512x64xf32> to vector<512x64xf32>
    %swap3A_202 = vector.shape_cast %slice3A_196 : vector<512x64xf32> to vector<1x512x64xf32>
    tpu.vector_store %arg8[%swap3A_197, %swap3A_198, %swap3A_199], %swap3A_202 {strides = array<i32>} : memref<12x512x128xf32, #tpu.memory_space<vmem>>, vector<1x512x64xf32>,
    %slice3A_203 = vector.extract_strided_slice %add3A_19 {offsets = [0, 512], sizes = [512, 64], strides = [1, 1]} : vector<512x768xf32> to vector<512x64xf32>
    %swap3A_204 = arith.constant 8 : index
    %swap3A_205 = arith.constant 0 : index
    %swap3A_206 = arith.constant 0 : index
    %swap3A_207 = vector.load %arg9[%swap3A_204, %swap3A_205, %swap3A_206] : memref<12x512x128xf32, #tpu.memory_space<vmem>>, vector<1x512x64xf32>
    %swap3A_208 = vector.shape_cast %swap3A_207 : vector<1x512x64xf32> to vector<512x64xf32>
    %swap3A_209 = vector.shape_cast %slice3A_203 : vector<512x64xf32> to vector<1x512x64xf32>
    tpu.vector_store %arg9[%swap3A_204, %swap3A_205, %swap3A_206], %swap3A_209 {strides = array<i32>} : memref<12x512x128xf32, #tpu.memory_space<vmem>>, vector<1x512x64xf32>,
    %slice3A_210 = vector.extract_strided_slice %add3A_29 {offsets = [0, 512], sizes = [512, 64], strides = [1, 1]} : vector<512x768xf32> to vector<512x64xf32>
    %swap3A_211 = arith.constant 8 : index
    %swap3A_212 = arith.constant 0 : index
    %swap3A_213 = arith.constant 0 : index
    %swap3A_214 = vector.load %arg10[%swap3A_211, %swap3A_212, %swap3A_213] : memref<12x512x128xf32, #tpu.memory_space<vmem>>, vector<1x512x64xf32>
    %swap3A_215 = vector.shape_cast %swap3A_214 : vector<1x512x64xf32> to vector<512x64xf32>
    %swap3A_216 = vector.shape_cast %slice3A_210 : vector<512x64xf32> to vector<1x512x64xf32>
    tpu.vector_store %arg10[%swap3A_211, %swap3A_212, %swap3A_213], %swap3A_216 {strides = array<i32>} : memref<12x512x128xf32, #tpu.memory_space<vmem>>, vector<1x512x64xf32>,
    %slice3A_217 = vector.extract_strided_slice %add3A_9 {offsets = [0, 576], sizes = [512, 64], strides = [1, 1]} : vector<512x768xf32> to vector<512x64xf32>
    %swap3A_218 = arith.constant 9 : index
    %swap3A_219 = arith.constant 0 : index
    %swap3A_220 = arith.constant 0 : index
    %swap3A_221 = vector.load %arg8[%swap3A_218, %swap3A_219, %swap3A_220] : memref<12x512x128xf32, #tpu.memory_space<vmem>>, vector<1x512x64xf32>
    %swap3A_222 = vector.shape_cast %swap3A_221 : vector<1x512x64xf32> to vector<512x64xf32>
    %swap3A_223 = vector.shape_cast %slice3A_217 : vector<512x64xf32> to vector<1x512x64xf32>
    tpu.vector_store %arg8[%swap3A_218, %swap3A_219, %swap3A_220], %swap3A_223 {strides = array<i32>} : memref<12x512x128xf32, #tpu.memory_space<vmem>>, vector<1x512x64xf32>,
    %slice3A_224 = vector.extract_strided_slice %add3A_19 {offsets = [0, 576], sizes = [512, 64], strides = [1, 1]} : vector<512x768xf32> to vector<512x64xf32>
    %swap3A_225 = arith.constant 9 : index
    %swap3A_226 = arith.constant 0 : index
    %swap3A_227 = arith.constant 0 : index
    %swap3A_228 = vector.load %arg9[%swap3A_225, %swap3A_226, %swap3A_227] : memref<12x512x128xf32, #tpu.memory_space<vmem>>, vector<1x512x64xf32>
    %swap3A_229 = vector.shape_cast %swap3A_228 : vector<1x512x64xf32> to vector<512x64xf32>
    %swap3A_230 = vector.shape_cast %slice3A_224 : vector<512x64xf32> to vector<1x512x64xf32>
    tpu.vector_store %arg9[%swap3A_225, %swap3A_226, %swap3A_227], %swap3A_230 {strides = array<i32>} : memref<12x512x128xf32, #tpu.memory_space<vmem>>, vector<1x512x64xf32>,
    %slice3A_231 = vector.extract_strided_slice %add3A_29 {offsets = [0, 576], sizes = [512, 64], strides = [1, 1]} : vector<512x768xf32> to vector<512x64xf32>
    %swap3A_232 = arith.constant 9 : index
    %swap3A_233 = arith.constant 0 : index
    %swap3A_234 = arith.constant 0 : index
    %swap3A_235 = vector.load %arg10[%swap3A_232, %swap3A_233, %swap3A_234] : memref<12x512x128xf32, #tpu.memory_space<vmem>>, vector<1x512x64xf32>
    %swap3A_236 = vector.shape_cast %swap3A_235 : vector<1x512x64xf32> to vector<512x64xf32>
    %swap3A_237 = vector.shape_cast %slice3A_231 : vector<512x64xf32> to vector<1x512x64xf32>
    tpu.vector_store %arg10[%swap3A_232, %swap3A_233, %swap3A_234], %swap3A_237 {strides = array<i32>} : memref<12x512x128xf32, #tpu.memory_space<vmem>>, vector<1x512x64xf32>,
    %slice3A_238 = vector.extract_strided_slice %add3A_9 {offsets = [0, 640], sizes = [512, 64], strides = [1, 1]} : vector<512x768xf32> to vector<512x64xf32>
    %swap3A_239 = arith.constant 10 : index
    %swap3A_240 = arith.constant 0 : index
    %swap3A_241 = arith.constant 0 : index
    %swap3A_242 = vector.load %arg8[%swap3A_239, %swap3A_240, %swap3A_241] : memref<12x512x128xf32, #tpu.memory_space<vmem>>, vector<1x512x64xf32>
    %swap3A_243 = vector.shape_cast %swap3A_242 : vector<1x512x64xf32> to vector<512x64xf32>
    %swap3A_244 = vector.shape_cast %slice3A_238 : vector<512x64xf32> to vector<1x512x64xf32>
    tpu.vector_store %arg8[%swap3A_239, %swap3A_240, %swap3A_241], %swap3A_244 {strides = array<i32>} : memref<12x512x128xf32, #tpu.memory_space<vmem>>, vector<1x512x64xf32>,
    %slice3A_245 = vector.extract_strided_slice %add3A_19 {offsets = [0, 640], sizes = [512, 64], strides = [1, 1]} : vector<512x768xf32> to vector<512x64xf32>
    %swap3A_246 = arith.constant 10 : index
    %swap3A_247 = arith.constant 0 : index
    %swap3A_248 = arith.constant 0 : index
    %swap3A_249 = vector.load %arg9[%swap3A_246, %swap3A_247, %swap3A_248] : memref<12x512x128xf32, #tpu.memory_space<vmem>>, vector<1x512x64xf32>
    %swap3A_250 = vector.shape_cast %swap3A_249 : vector<1x512x64xf32> to vector<512x64xf32>
    %swap3A_251 = vector.shape_cast %slice3A_245 : vector<512x64xf32> to vector<1x512x64xf32>
    tpu.vector_store %arg9[%swap3A_246, %swap3A_247, %swap3A_248], %swap3A_251 {strides = array<i32>} : memref<12x512x128xf32, #tpu.memory_space<vmem>>, vector<1x512x64xf32>,
    %slice3A_252 = vector.extract_strided_slice %add3A_29 {offsets = [0, 640], sizes = [512, 64], strides = [1, 1]} : vector<512x768xf32> to vector<512x64xf32>
    %swap3A_253 = arith.constant 10 : index
    %swap3A_254 = arith.constant 0 : index
    %swap3A_255 = arith.constant 0 : index
    %swap3A_256 = vector.load %arg10[%swap3A_253, %swap3A_254, %swap3A_255] : memref<12x512x128xf32, #tpu.memory_space<vmem>>, vector<1x512x64xf32>
    %swap3A_257 = vector.shape_cast %swap3A_256 : vector<1x512x64xf32> to vector<512x64xf32>
    %swap3A_258 = vector.shape_cast %slice3A_252 : vector<512x64xf32> to vector<1x512x64xf32>
    tpu.vector_store %arg10[%swap3A_253, %swap3A_254, %swap3A_255], %swap3A_258 {strides = array<i32>} : memref<12x512x128xf32, #tpu.memory_space<vmem>>, vector<1x512x64xf32>,
    %slice3A_259 = vector.extract_strided_slice %add3A_9 {offsets = [0, 704], sizes = [512, 64], strides = [1, 1]} : vector<512x768xf32> to vector<512x64xf32>
    %swap3A_260 = arith.constant 11 : index
    %swap3A_261 = arith.constant 0 : index
    %swap3A_262 = arith.constant 0 : index
    %swap3A_263 = vector.load %arg8[%swap3A_260, %swap3A_261, %swap3A_262] : memref<12x512x128xf32, #tpu.memory_space<vmem>>, vector<1x512x64xf32>
    %swap3A_264 = vector.shape_cast %swap3A_263 : vector<1x512x64xf32> to vector<512x64xf32>
    %swap3A_265 = vector.shape_cast %slice3A_259 : vector<512x64xf32> to vector<1x512x64xf32>
    tpu.vector_store %arg8[%swap3A_260, %swap3A_261, %swap3A_262], %swap3A_265 {strides = array<i32>} : memref<12x512x128xf32, #tpu.memory_space<vmem>>, vector<1x512x64xf32>,
    %slice3A_266 = vector.extract_strided_slice %add3A_19 {offsets = [0, 704], sizes = [512, 64], strides = [1, 1]} : vector<512x768xf32> to vector<512x64xf32>
    %swap3A_267 = arith.constant 11 : index
    %swap3A_268 = arith.constant 0 : index
    %swap3A_269 = arith.constant 0 : index
    %swap3A_270 = vector.load %arg9[%swap3A_267, %swap3A_268, %swap3A_269] : memref<12x512x128xf32, #tpu.memory_space<vmem>>, vector<1x512x64xf32>
    %swap3A_271 = vector.shape_cast %swap3A_270 : vector<1x512x64xf32> to vector<512x64xf32>
    %swap3A_272 = vector.shape_cast %slice3A_266 : vector<512x64xf32> to vector<1x512x64xf32>
    tpu.vector_store %arg9[%swap3A_267, %swap3A_268, %swap3A_269], %swap3A_272 {strides = array<i32>} : memref<12x512x128xf32, #tpu.memory_space<vmem>>, vector<1x512x64xf32>,
    %slice3A_273 = vector.extract_strided_slice %add3A_29 {offsets = [0, 704], sizes = [512, 64], strides = [1, 1]} : vector<512x768xf32> to vector<512x64xf32>
    %swap3A_274 = arith.constant 11 : index
    %swap3A_275 = arith.constant 0 : index
    %swap3A_276 = arith.constant 0 : index
    %swap3A_277 = vector.load %arg10[%swap3A_274, %swap3A_275, %swap3A_276] : memref<12x512x128xf32, #tpu.memory_space<vmem>>, vector<1x512x64xf32>
    %swap3A_278 = vector.shape_cast %swap3A_277 : vector<1x512x64xf32> to vector<512x64xf32>
    %swap3A_279 = vector.shape_cast %slice3A_273 : vector<512x64xf32> to vector<1x512x64xf32>
    tpu.vector_store %arg10[%swap3A_274, %swap3A_275, %swap3A_276], %swap3A_279 {strides = array<i32>} : memref<12x512x128xf32, #tpu.memory_space<vmem>>, vector<1x512x64xf32>,
    return
  }
  func.func @transform_0(%arg0: i32) -> (i32, i32) {
    %c0_i32 = arith.constant 0 : i32
    %c0_i32_0 = arith.constant 0 : i32
    return %arg0, %c0_i32 : i32, i32
  }
  func.func @transform_1(%arg0: i32) -> (i32, i32) {
    %c0_i32 = arith.constant 0 : i32
    %c0_i32_0 = arith.constant 0 : i32
    %c0_i32_1 = arith.constant 0 : i32
    return %c0_i32, %c0_i32_0 : i32, i32
  }
  func.func @transform_2(%arg0: i32) -> (i32, i32) {
    %c0_i32 = arith.constant 0 : i32
    %c0_i32_0 = arith.constant 0 : i32
    %c0_i32_1 = arith.constant 0 : i32
    return %c0_i32, %c0_i32_0 : i32, i32
  }
  func.func @transform_3(%arg0: i32) -> (i32, i32) {
    %c0_i32 = arith.constant 0 : i32
    %c0_i32_0 = arith.constant 0 : i32
    %c0_i32_1 = arith.constant 0 : i32
    return %c0_i32, %c0_i32_0 : i32, i32
  }
  func.func @transform_4(%arg0: i32) -> (i32, i32) {
    %c0_i32 = arith.constant 0 : i32
    %c0_i32_0 = arith.constant 0 : i32
    %c0_i32_1 = arith.constant 0 : i32
    return %c0_i32, %c0_i32_0 : i32, i32
  }
  func.func @transform_5(%arg0: i32) -> (i32, i32) {
    %c0_i32 = arith.constant 0 : i32
    %c0_i32_0 = arith.constant 0 : i32
    %c0_i32_1 = arith.constant 0 : i32
    return %c0_i32, %c0_i32_0 : i32, i32
  }
  func.func @transform_6(%arg0: i32) -> (i32, i32) {
    %c0_i32 = arith.constant 0 : i32
    %c0_i32_0 = arith.constant 0 : i32
    %c0_i32_1 = arith.constant 0 : i32
    return %c0_i32, %c0_i32_0 : i32, i32
  }
  func.func @transform_7(%arg0: i32) -> (i32, i32, i32) {
    %jit3A = arith.constant 2 : i32
    %div3A = arith.divsi %arg0, %jit3A : i32
    %sign3A = arith.constant 0 : i32
    %sign3A_0 = arith.cmpi sgt, %arg0, %sign3A : i32
    %sign3A_1 = arith.extui %sign3A_0 : i1 to i32
    %sign3A_2 = arith.constant 0 : i32
    %sign3A_3 = arith.cmpi slt, %arg0, %sign3A_2 : i32
    %sign3A_4 = arith.extui %sign3A_3 : i1 to i32
    %sign3A_5 = arith.subi %sign3A_1, %sign3A_4 : i32
    %sign3A_6 = arith.constant 0 : i32
    %sign3A_7 = arith.cmpi sgt, %jit3A, %sign3A_6 : i32
    %sign3A_8 = arith.extui %sign3A_7 : i1 to i32
    %sign3A_9 = arith.constant 0 : i32
    %sign3A_10 = arith.cmpi slt, %jit3A, %sign3A_9 : i32
    %sign3A_11 = arith.extui %sign3A_10 : i1 to i32
    %sign3A_12 = arith.subi %sign3A_8, %sign3A_11 : i32
    %ne3A = arith.cmpi ne, %sign3A_5, %sign3A_12 : i32
    %rem3A = arith.remsi %arg0, %jit3A : i32
    %ne3A_13 = arith.constant 0 : i32
    %ne3A_14 = arith.cmpi ne, %rem3A, %ne3A_13 : i32
    %and3A = arith.andi %ne3A, %ne3A_14 : i1
    %sub3A = arith.constant 1 : i32
    %sub3A_15 = arith.subi %div3A, %sub3A : i32
    %select_n3A = arith.select %and3A, %sub3A_15, %div3A : i32
    %jit3A_16 = arith.constant 2 : i32
    %eq3A = arith.constant 0 : i32
    %eq3A_17 = arith.cmpi eq, %jit3A_16, %eq3A : i32
    %jit3A_18 = arith.constant 1 : i32
    %select_n3A_19 = arith.select %eq3A_17, %jit3A_18, %jit3A_16 : i32
    %rem3A_20 = arith.remsi %arg0, %select_n3A_19 : i32
    %ne3A_21 = arith.constant 0 : i32
    %ne3A_22 = arith.cmpi ne, %rem3A_20, %ne3A_21 : i32
    %lt3A = arith.constant 0 : i32
    %lt3A_23 = arith.cmpi slt, %rem3A_20, %lt3A : i32
    %lt3A_24 = arith.constant 0 : i32
    %lt3A_25 = arith.cmpi slt, %select_n3A_19, %lt3A_24 : i32
    %ne3A_26 = arith.xori %lt3A_23, %lt3A_25 : i1
    %and3A_27 = arith.andi %ne3A_26, %ne3A_22 : i1
    %add3A = arith.addi %rem3A_20, %select_n3A_19 : i32
    %select_n3A_28 = arith.select %and3A_27, %add3A, %rem3A_20 : i32
    %c0_i32 = arith.constant 0 : i32
    %c0_i32_29 = arith.constant 0 : i32
    return %select_n3A, %select_n3A_28, %c0_i32 : i32, i32, i32
  }
  func.func @transform_8(%arg0: i32) -> (i32, i32, i32) {
    %jit3A = arith.constant 2 : i32
    %div3A = arith.divsi %arg0, %jit3A : i32
    %sign3A = arith.constant 0 : i32
    %sign3A_0 = arith.cmpi sgt, %arg0, %sign3A : i32
    %sign3A_1 = arith.extui %sign3A_0 : i1 to i32
    %sign3A_2 = arith.constant 0 : i32
    %sign3A_3 = arith.cmpi slt, %arg0, %sign3A_2 : i32
    %sign3A_4 = arith.extui %sign3A_3 : i1 to i32
    %sign3A_5 = arith.subi %sign3A_1, %sign3A_4 : i32
    %sign3A_6 = arith.constant 0 : i32
    %sign3A_7 = arith.cmpi sgt, %jit3A, %sign3A_6 : i32
    %sign3A_8 = arith.extui %sign3A_7 : i1 to i32
    %sign3A_9 = arith.constant 0 : i32
    %sign3A_10 = arith.cmpi slt, %jit3A, %sign3A_9 : i32
    %sign3A_11 = arith.extui %sign3A_10 : i1 to i32
    %sign3A_12 = arith.subi %sign3A_8, %sign3A_11 : i32
    %ne3A = arith.cmpi ne, %sign3A_5, %sign3A_12 : i32
    %rem3A = arith.remsi %arg0, %jit3A : i32
    %ne3A_13 = arith.constant 0 : i32
    %ne3A_14 = arith.cmpi ne, %rem3A, %ne3A_13 : i32
    %and3A = arith.andi %ne3A, %ne3A_14 : i1
    %sub3A = arith.constant 1 : i32
    %sub3A_15 = arith.subi %div3A, %sub3A : i32
    %select_n3A = arith.select %and3A, %sub3A_15, %div3A : i32
    %jit3A_16 = arith.constant 2 : i32
    %eq3A = arith.constant 0 : i32
    %eq3A_17 = arith.cmpi eq, %jit3A_16, %eq3A : i32
    %jit3A_18 = arith.constant 1 : i32
    %select_n3A_19 = arith.select %eq3A_17, %jit3A_18, %jit3A_16 : i32
    %rem3A_20 = arith.remsi %arg0, %select_n3A_19 : i32
    %ne3A_21 = arith.constant 0 : i32
    %ne3A_22 = arith.cmpi ne, %rem3A_20, %ne3A_21 : i32
    %lt3A = arith.constant 0 : i32
    %lt3A_23 = arith.cmpi slt, %rem3A_20, %lt3A : i32
    %lt3A_24 = arith.constant 0 : i32
    %lt3A_25 = arith.cmpi slt, %select_n3A_19, %lt3A_24 : i32
    %ne3A_26 = arith.xori %lt3A_23, %lt3A_25 : i1
    %and3A_27 = arith.andi %ne3A_26, %ne3A_22 : i1
    %add3A = arith.addi %rem3A_20, %select_n3A_19 : i32
    %select_n3A_28 = arith.select %and3A_27, %add3A, %rem3A_20 : i32
    %c0_i32 = arith.constant 0 : i32
    %c0_i32_29 = arith.constant 0 : i32
    return %select_n3A, %select_n3A_28, %c0_i32 : i32, i32, i32
  }
  func.func @transform_9(%arg0: i32) -> (i32, i32, i32) {
    %jit3A = arith.constant 2 : i32
    %div3A = arith.divsi %arg0, %jit3A : i32
    %sign3A = arith.constant 0 : i32
    %sign3A_0 = arith.cmpi sgt, %arg0, %sign3A : i32
    %sign3A_1 = arith.extui %sign3A_0 : i1 to i32
    %sign3A_2 = arith.constant 0 : i32
    %sign3A_3 = arith.cmpi slt, %arg0, %sign3A_2 : i32
    %sign3A_4 = arith.extui %sign3A_3 : i1 to i32
    %sign3A_5 = arith.subi %sign3A_1, %sign3A_4 : i32
    %sign3A_6 = arith.constant 0 : i32
    %sign3A_7 = arith.cmpi sgt, %jit3A, %sign3A_6 : i32
    %sign3A_8 = arith.extui %sign3A_7 : i1 to i32
    %sign3A_9 = arith.constant 0 : i32
    %sign3A_10 = arith.cmpi slt, %jit3A, %sign3A_9 : i32
    %sign3A_11 = arith.extui %sign3A_10 : i1 to i32
    %sign3A_12 = arith.subi %sign3A_8, %sign3A_11 : i32
    %ne3A = arith.cmpi ne, %sign3A_5, %sign3A_12 : i32
    %rem3A = arith.remsi %arg0, %jit3A : i32
    %ne3A_13 = arith.constant 0 : i32
    %ne3A_14 = arith.cmpi ne, %rem3A, %ne3A_13 : i32
    %and3A = arith.andi %ne3A, %ne3A_14 : i1
    %sub3A = arith.constant 1 : i32
    %sub3A_15 = arith.subi %div3A, %sub3A : i32
    %select_n3A = arith.select %and3A, %sub3A_15, %div3A : i32
    %jit3A_16 = arith.constant 2 : i32
    %eq3A = arith.constant 0 : i32
    %eq3A_17 = arith.cmpi eq, %jit3A_16, %eq3A : i32
    %jit3A_18 = arith.constant 1 : i32
    %select_n3A_19 = arith.select %eq3A_17, %jit3A_18, %jit3A_16 : i32
    %rem3A_20 = arith.remsi %arg0, %select_n3A_19 : i32
    %ne3A_21 = arith.constant 0 : i32
    %ne3A_22 = arith.cmpi ne, %rem3A_20, %ne3A_21 : i32
    %lt3A = arith.constant 0 : i32
    %lt3A_23 = arith.cmpi slt, %rem3A_20, %lt3A : i32
    %lt3A_24 = arith.constant 0 : i32
    %lt3A_25 = arith.cmpi slt, %select_n3A_19, %lt3A_24 : i32
    %ne3A_26 = arith.xori %lt3A_23, %lt3A_25 : i1
    %and3A_27 = arith.andi %ne3A_26, %ne3A_22 : i1
    %add3A = arith.addi %rem3A_20, %select_n3A_19 : i32
    %select_n3A_28 = arith.select %and3A_27, %add3A, %rem3A_20 : i32
    %c0_i32 = arith.constant 0 : i32
    %c0_i32_29 = arith.constant 0 : i32
    return %select_n3A, %select_n3A_28, %c0_i32 : i32, i32, i32
  }
}

module attributes {stable_mosaic.version = 14 : i64} {
  func.func @body(%arg0: i32, %arg1: i32, %arg2: memref<1x512x128xf32, #tpu.memory_space<vmem>>, %arg3: memref<1x1024x128xf32, #tpu.memory_space<vmem>>, %arg4: memref<512x1024xf32, #tpu.memory_space<vmem>>, %arg5: memref<512x1024xf32, #tpu.memory_space<vmem>>, %arg6: memref<1x1x1x512xf32, #tpu.memory_space<vmem>>) attributes {dimension_semantics = [#tpu.dimension_semantics<arbitrary>, #tpu.dimension_semantics<arbitrary>], iteration_bounds = array<i64: 2, 24>, scalar_prefetch = 0 : i64, scratch_operands = 0 : i64, tpu.core_type = #tpu.core_type<tc>, window_params = [{transform_indices = @transform_0, window_bounds = array<i64: 1, 512, 128>}, {transform_indices = @transform_1, window_bounds = array<i64: 1, 1024, 128>}, {transform_indices = @transform_2, window_bounds = array<i64: 512, 1024>}, {transform_indices = @transform_3, window_bounds = array<i64: 512, 1024>}, {transform_indices = @transform_4, window_bounds = array<i64: 1, 1, 1, 512>}]} {
    %get3A = arith.constant 0 : index
    %get3A_0 = arith.constant 0 : index
    %get3A_1 = arith.constant 0 : index
    %get3A_2 = vector.load %arg2[%get3A, %get3A_0, %get3A_1] : memref<1x512x128xf32, #tpu.memory_space<vmem>>, vector<1x512x128xf32>
    %get3A_3 = vector.shape_cast %get3A_2 : vector<1x512x128xf32> to vector<512x128xf32>
    %slice3A = vector.extract_strided_slice %get3A_3 {offsets = [0, 0], sizes = [512, 64], strides = [1, 1]} : vector<512x128xf32> to vector<512x64xf32>
    %get3A_4 = arith.constant 0 : index
    %get3A_5 = arith.constant 0 : index
    %get3A_6 = arith.constant 0 : index
    %get3A_7 = vector.load %arg3[%get3A_4, %get3A_5, %get3A_6] : memref<1x1024x128xf32, #tpu.memory_space<vmem>>, vector<1x1024x128xf32>
    %get3A_8 = vector.shape_cast %get3A_7 : vector<1x1024x128xf32> to vector<1024x128xf32>
    %slice3A_9 = vector.extract_strided_slice %get3A_8 {offsets = [0, 0], sizes = [1024, 64], strides = [1, 1]} : vector<1024x128xf32> to vector<1024x64xf32>
    %dot_general3A = arith.constant dense<0.000000e+00> : vector<512x1024xf32>
    %dot_general3A_10 = tpu.matmul %slice3A, %slice3A_9, %dot_general3A {dimension_numbers = #tpu.dot_dimension_numbers<[1], [1], [0], [0], [0, 0, 1, 0], [], []>, transpose_lhs_hint = false} : vector<512x64xf32>, vector<1024x64xf32>, vector<512x1024xf32> -> vector<512x1024xf32>
    %get3A_11 = arith.constant 0 : index
    %get3A_12 = arith.constant 0 : index
    %get3A_13 = vector.load %arg5[%get3A_11, %get3A_12] : memref<512x1024xf32, #tpu.memory_space<vmem>>, vector<512x1024xf32>
    %add3A = arith.addf %dot_general3A_10, %get3A_13 : vector<512x1024xf32>
    %reduce_max3A = arith.constant dense<0xFF800000> : vector<512xf32>
    %reduce_max3A_14 = vector.multi_reduction <maximumf>, %add3A, %reduce_max3A [1] : vector<512x1024xf32> to vector<512xf32>
    %broadcast_in_dim3A = vector.shape_cast %reduce_max3A_14 : vector<512xf32> to vector<512x1xf32>
    %get3A_15 = arith.constant 0 : index
    %get3A_16 = arith.constant 0 : index
    %get3A_17 = vector.load %arg4[%get3A_15, %get3A_16] : memref<512x1024xf32, #tpu.memory_space<vmem>>, vector<512x1024xf32>
    %mul3A = arith.mulf %dot_general3A_10, %get3A_17 : vector<512x1024xf32>
    %reduce_sum3A = arith.constant dense<0.000000e+00> : vector<512xf32>
    %reduce_sum3A_18 = vector.multi_reduction <add>, %mul3A, %reduce_sum3A [1] : vector<512x1024xf32> to vector<512xf32>
    %broadcast_in_dim3A_19 = vector.shape_cast %reduce_sum3A_18 : vector<512xf32> to vector<512x1xf32>
    %mul3A_20 = arith.constant 9.765625E-4 : f32
    %mul3A_21 = vector.broadcast %mul3A_20 : f32 to vector<512x1xf32>
    %mul3A_22 = arith.mulf %broadcast_in_dim3A_19, %mul3A_21 : vector<512x1xf32>
    %sub3A = arith.subf %broadcast_in_dim3A, %mul3A_22 : vector<512x1xf32>
    %reshape3A = vector.shape_cast %sub3A : vector<512x1xf32> to vector<1x512xf32>
    %swap3A = arith.constant 0 : index
    %swap3A_23 = arith.constant 0 : index
    %swap3A_24 = arith.constant 0 : index
    %swap3A_25 = arith.constant 0 : index
    %swap3A_26 = vector.load %arg6[%swap3A, %swap3A_23, %swap3A_24, %swap3A_25] : memref<1x1x1x512xf32, #tpu.memory_space<vmem>>, vector<1x1x1x512xf32>
    %swap3A_27 = vector.shape_cast %swap3A_26 : vector<1x1x1x512xf32> to vector<1x512xf32>
    %swap3A_28 = vector.shape_cast %reshape3A : vector<1x512xf32> to vector<1x1x1x512xf32>
    tpu.vector_store %arg6[%swap3A, %swap3A_23, %swap3A_24, %swap3A_25], %swap3A_28 {strides = array<i32>} : memref<1x1x1x512xf32, #tpu.memory_space<vmem>>, vector<1x1x1x512xf32>,
    return
  }
  func.func @transform_0(%arg0: i32, %arg1: i32) -> (i32, i32, i32) {
    %c0_i32 = arith.constant 0 : i32
    %c0_i32_0 = arith.constant 0 : i32
    return %arg1, %arg0, %c0_i32 : i32, i32, i32
  }
  func.func @transform_1(%arg0: i32, %arg1: i32) -> (i32, i32, i32) {
    %c0_i32 = arith.constant 0 : i32
    %c0_i32_0 = arith.constant 0 : i32
    %c0_i32_1 = arith.constant 0 : i32
    return %arg1, %c0_i32, %c0_i32_0 : i32, i32, i32
  }
  func.func @transform_2(%arg0: i32, %arg1: i32) -> (i32, i32) {
    %c0_i32 = arith.constant 0 : i32
    %c0_i32_0 = arith.constant 0 : i32
    return %arg0, %c0_i32 : i32, i32
  }
  func.func @transform_3(%arg0: i32, %arg1: i32) -> (i32, i32) {
    %c0_i32 = arith.constant 0 : i32
    %c0_i32_0 = arith.constant 0 : i32
    return %arg0, %c0_i32 : i32, i32
  }
  func.func @transform_4(%arg0: i32, %arg1: i32) -> (i32, i32, i32, i32) {
    %c0_i32 = arith.constant 0 : i32
    %c0_i32_0 = arith.constant 0 : i32
    %c0_i32_1 = arith.constant 0 : i32
    return %arg1, %arg0, %c0_i32, %c0_i32_0 : i32, i32, i32, i32
  }
}

module attributes {stable_mosaic.version = 14 : i64} {
  func.func @body(%arg0: memref<24x1024xf32, #tpu.memory_space<vmem>>, %arg1: memref<24x32xi32, #tpu.memory_space<vmem>>) attributes {dimension_semantics = [], scalar_prefetch = 0 : i64, scratch_operands = 0 : i64, tpu.core_type = #tpu.core_type<tc>} {
    %get3A = arith.constant 0 : index
    %get3A_0 = arith.constant 0 : index
    %get3A_1 = vector.load %arg0[%get3A, %get3A_0] : memref<24x1024xf32, #tpu.memory_space<vmem>>, vector<24x1024xf32>
    %iota3A = tpu.iota {dimensions = array<i32: 1>} : vector<24x1024xi32>
    %reduce_max3A = arith.constant dense<0xFF800000> : vector<24xf32>
    %reduce_max3A_2 = vector.multi_reduction <maximumf>, %get3A_1, %reduce_max3A [1] : vector<24x1024xf32> to vector<24xf32>
    %broadcast_in_dim3A = vector.shape_cast %reduce_max3A_2 : vector<24xf32> to vector<24x1xf32>
    %eq3A = vector.broadcast %broadcast_in_dim3A : vector<24x1xf32> to vector<24x1024xf32>
    %eq3A_3 = arith.cmpf oeq, %get3A_1, %eq3A : vector<24x1024xf32>
    %jit3A = arith.constant 1024 : i32
    %broadcast_in_dim3A_4 = vector.broadcast %jit3A : i32 to vector<24x1024xi32>
    %select_n3A = arith.select %eq3A_3, %iota3A, %broadcast_in_dim3A_4 : vector<24x1024xi1>, vector<24x1024xi32>
    %reduce_min3A = arith.constant dense<2147483647> : vector<24xi32>
    %reduce_min3A_5 = vector.multi_reduction <minsi>, %select_n3A, %reduce_min3A [1] : vector<24x1024xi32> to vector<24xi32>
    %broadcast_in_dim3A_6 = vector.shape_cast %reduce_min3A_5 : vector<24xi32> to vector<24x1xi32>
    %eq3A_7 = vector.broadcast %broadcast_in_dim3A_6 : vector<24x1xi32> to vector<24x1024xi32>
    %eq3A_8 = arith.cmpi eq, %iota3A, %eq3A_7 : vector<24x1024xi32>
    %jit3A_9 = arith.constant 0xFF800000 : f32
    %broadcast_in_dim3A_10 = vector.broadcast %jit3A_9 : f32 to vector<24x1024xf32>
    %select_n3A_11 = arith.select %eq3A_8, %broadcast_in_dim3A_10, %get3A_1 : vector<24x1024xi1>, vector<24x1024xf32>
    %reduce_max3A_12 = arith.constant dense<0xFF800000> : vector<24xf32>
    %reduce_max3A_13 = vector.multi_reduction <maximumf>, %select_n3A_11, %reduce_max3A_12 [1] : vector<24x1024xf32> to vector<24xf32>
    %broadcast_in_dim3A_14 = vector.shape_cast %reduce_max3A_13 : vector<24xf32> to vector<24x1xf32>
    %eq3A_15 = vector.broadcast %broadcast_in_dim3A_14 : vector<24x1xf32> to vector<24x1024xf32>
    %eq3A_16 = arith.cmpf oeq, %select_n3A_11, %eq3A_15 : vector<24x1024xf32>
    %jit3A_17 = arith.constant 1024 : i32
    %broadcast_in_dim3A_18 = vector.broadcast %jit3A_17 : i32 to vector<24x1024xi32>
    %select_n3A_19 = arith.select %eq3A_16, %iota3A, %broadcast_in_dim3A_18 : vector<24x1024xi1>, vector<24x1024xi32>
    %reduce_min3A_20 = arith.constant dense<2147483647> : vector<24xi32>
    %reduce_min3A_21 = vector.multi_reduction <minsi>, %select_n3A_19, %reduce_min3A_20 [1] : vector<24x1024xi32> to vector<24xi32>
    %broadcast_in_dim3A_22 = vector.shape_cast %reduce_min3A_21 : vector<24xi32> to vector<24x1xi32>
    %eq3A_23 = vector.broadcast %broadcast_in_dim3A_22 : vector<24x1xi32> to vector<24x1024xi32>
    %eq3A_24 = arith.cmpi eq, %iota3A, %eq3A_23 : vector<24x1024xi32>
    %jit3A_25 = arith.constant 0xFF800000 : f32
    %broadcast_in_dim3A_26 = vector.broadcast %jit3A_25 : f32 to vector<24x1024xf32>
    %select_n3A_27 = arith.select %eq3A_24, %broadcast_in_dim3A_26, %select_n3A_11 : vector<24x1024xi1>, vector<24x1024xf32>
    %reduce_max3A_28 = arith.constant dense<0xFF800000> : vector<24xf32>
    %reduce_max3A_29 = vector.multi_reduction <maximumf>, %select_n3A_27, %reduce_max3A_28 [1] : vector<24x1024xf32> to vector<24xf32>
    %broadcast_in_dim3A_30 = vector.shape_cast %reduce_max3A_29 : vector<24xf32> to vector<24x1xf32>
    %eq3A_31 = vector.broadcast %broadcast_in_dim3A_30 : vector<24x1xf32> to vector<24x1024xf32>
    %eq3A_32 = arith.cmpf oeq, %select_n3A_27, %eq3A_31 : vector<24x1024xf32>
    %jit3A_33 = arith.constant 1024 : i32
    %broadcast_in_dim3A_34 = vector.broadcast %jit3A_33 : i32 to vector<24x1024xi32>
    %select_n3A_35 = arith.select %eq3A_32, %iota3A, %broadcast_in_dim3A_34 : vector<24x1024xi1>, vector<24x1024xi32>
    %reduce_min3A_36 = arith.constant dense<2147483647> : vector<24xi32>
    %reduce_min3A_37 = vector.multi_reduction <minsi>, %select_n3A_35, %reduce_min3A_36 [1] : vector<24x1024xi32> to vector<24xi32>
    %broadcast_in_dim3A_38 = vector.shape_cast %reduce_min3A_37 : vector<24xi32> to vector<24x1xi32>
    %eq3A_39 = vector.broadcast %broadcast_in_dim3A_38 : vector<24x1xi32> to vector<24x1024xi32>
    %eq3A_40 = arith.cmpi eq, %iota3A, %eq3A_39 : vector<24x1024xi32>
    %jit3A_41 = arith.constant 0xFF800000 : f32
    %broadcast_in_dim3A_42 = vector.broadcast %jit3A_41 : f32 to vector<24x1024xf32>
    %select_n3A_43 = arith.select %eq3A_40, %broadcast_in_dim3A_42, %select_n3A_27 : vector<24x1024xi1>, vector<24x1024xf32>
    %reduce_max3A_44 = arith.constant dense<0xFF800000> : vector<24xf32>
    %reduce_max3A_45 = vector.multi_reduction <maximumf>, %select_n3A_43, %reduce_max3A_44 [1] : vector<24x1024xf32> to vector<24xf32>
    %broadcast_in_dim3A_46 = vector.shape_cast %reduce_max3A_45 : vector<24xf32> to vector<24x1xf32>
    %eq3A_47 = vector.broadcast %broadcast_in_dim3A_46 : vector<24x1xf32> to vector<24x1024xf32>
    %eq3A_48 = arith.cmpf oeq, %select_n3A_43, %eq3A_47 : vector<24x1024xf32>
    %jit3A_49 = arith.constant 1024 : i32
    %broadcast_in_dim3A_50 = vector.broadcast %jit3A_49 : i32 to vector<24x1024xi32>
    %select_n3A_51 = arith.select %eq3A_48, %iota3A, %broadcast_in_dim3A_50 : vector<24x1024xi1>, vector<24x1024xi32>
    %reduce_min3A_52 = arith.constant dense<2147483647> : vector<24xi32>
    %reduce_min3A_53 = vector.multi_reduction <minsi>, %select_n3A_51, %reduce_min3A_52 [1] : vector<24x1024xi32> to vector<24xi32>
    %broadcast_in_dim3A_54 = vector.shape_cast %reduce_min3A_53 : vector<24xi32> to vector<24x1xi32>
    %eq3A_55 = vector.broadcast %broadcast_in_dim3A_54 : vector<24x1xi32> to vector<24x1024xi32>
    %eq3A_56 = arith.cmpi eq, %iota3A, %eq3A_55 : vector<24x1024xi32>
    %jit3A_57 = arith.constant 0xFF800000 : f32
    %broadcast_in_dim3A_58 = vector.broadcast %jit3A_57 : f32 to vector<24x1024xf32>
    %select_n3A_59 = arith.select %eq3A_56, %broadcast_in_dim3A_58, %select_n3A_43 : vector<24x1024xi1>, vector<24x1024xf32>
    %reduce_max3A_60 = arith.constant dense<0xFF800000> : vector<24xf32>
    %reduce_max3A_61 = vector.multi_reduction <maximumf>, %select_n3A_59, %reduce_max3A_60 [1] : vector<24x1024xf32> to vector<24xf32>
    %broadcast_in_dim3A_62 = vector.shape_cast %reduce_max3A_61 : vector<24xf32> to vector<24x1xf32>
    %eq3A_63 = vector.broadcast %broadcast_in_dim3A_62 : vector<24x1xf32> to vector<24x1024xf32>
    %eq3A_64 = arith.cmpf oeq, %select_n3A_59, %eq3A_63 : vector<24x1024xf32>
    %jit3A_65 = arith.constant 1024 : i32
    %broadcast_in_dim3A_66 = vector.broadcast %jit3A_65 : i32 to vector<24x1024xi32>
    %select_n3A_67 = arith.select %eq3A_64, %iota3A, %broadcast_in_dim3A_66 : vector<24x1024xi1>, vector<24x1024xi32>
    %reduce_min3A_68 = arith.constant dense<2147483647> : vector<24xi32>
    %reduce_min3A_69 = vector.multi_reduction <minsi>, %select_n3A_67, %reduce_min3A_68 [1] : vector<24x1024xi32> to vector<24xi32>
    %broadcast_in_dim3A_70 = vector.shape_cast %reduce_min3A_69 : vector<24xi32> to vector<24x1xi32>
    %eq3A_71 = vector.broadcast %broadcast_in_dim3A_70 : vector<24x1xi32> to vector<24x1024xi32>
    %eq3A_72 = arith.cmpi eq, %iota3A, %eq3A_71 : vector<24x1024xi32>
    %jit3A_73 = arith.constant 0xFF800000 : f32
    %broadcast_in_dim3A_74 = vector.broadcast %jit3A_73 : f32 to vector<24x1024xf32>
    %select_n3A_75 = arith.select %eq3A_72, %broadcast_in_dim3A_74, %select_n3A_59 : vector<24x1024xi1>, vector<24x1024xf32>
    %reduce_max3A_76 = arith.constant dense<0xFF800000> : vector<24xf32>
    %reduce_max3A_77 = vector.multi_reduction <maximumf>, %select_n3A_75, %reduce_max3A_76 [1] : vector<24x1024xf32> to vector<24xf32>
    %broadcast_in_dim3A_78 = vector.shape_cast %reduce_max3A_77 : vector<24xf32> to vector<24x1xf32>
    %eq3A_79 = vector.broadcast %broadcast_in_dim3A_78 : vector<24x1xf32> to vector<24x1024xf32>
    %eq3A_80 = arith.cmpf oeq, %select_n3A_75, %eq3A_79 : vector<24x1024xf32>
    %jit3A_81 = arith.constant 1024 : i32
    %broadcast_in_dim3A_82 = vector.broadcast %jit3A_81 : i32 to vector<24x1024xi32>
    %select_n3A_83 = arith.select %eq3A_80, %iota3A, %broadcast_in_dim3A_82 : vector<24x1024xi1>, vector<24x1024xi32>
    %reduce_min3A_84 = arith.constant dense<2147483647> : vector<24xi32>
    %reduce_min3A_85 = vector.multi_reduction <minsi>, %select_n3A_83, %reduce_min3A_84 [1] : vector<24x1024xi32> to vector<24xi32>
    %broadcast_in_dim3A_86 = vector.shape_cast %reduce_min3A_85 : vector<24xi32> to vector<24x1xi32>
    %eq3A_87 = vector.broadcast %broadcast_in_dim3A_86 : vector<24x1xi32> to vector<24x1024xi32>
    %eq3A_88 = arith.cmpi eq, %iota3A, %eq3A_87 : vector<24x1024xi32>
    %jit3A_89 = arith.constant 0xFF800000 : f32
    %broadcast_in_dim3A_90 = vector.broadcast %jit3A_89 : f32 to vector<24x1024xf32>
    %select_n3A_91 = arith.select %eq3A_88, %broadcast_in_dim3A_90, %select_n3A_75 : vector<24x1024xi1>, vector<24x1024xf32>
    %reduce_max3A_92 = arith.constant dense<0xFF800000> : vector<24xf32>
    %reduce_max3A_93 = vector.multi_reduction <maximumf>, %select_n3A_91, %reduce_max3A_92 [1] : vector<24x1024xf32> to vector<24xf32>
    %broadcast_in_dim3A_94 = vector.shape_cast %reduce_max3A_93 : vector<24xf32> to vector<24x1xf32>
    %eq3A_95 = vector.broadcast %broadcast_in_dim3A_94 : vector<24x1xf32> to vector<24x1024xf32>
    %eq3A_96 = arith.cmpf oeq, %select_n3A_91, %eq3A_95 : vector<24x1024xf32>
    %jit3A_97 = arith.constant 1024 : i32
    %broadcast_in_dim3A_98 = vector.broadcast %jit3A_97 : i32 to vector<24x1024xi32>
    %select_n3A_99 = arith.select %eq3A_96, %iota3A, %broadcast_in_dim3A_98 : vector<24x1024xi1>, vector<24x1024xi32>
    %reduce_min3A_100 = arith.constant dense<2147483647> : vector<24xi32>
    %reduce_min3A_101 = vector.multi_reduction <minsi>, %select_n3A_99, %reduce_min3A_100 [1] : vector<24x1024xi32> to vector<24xi32>
    %broadcast_in_dim3A_102 = vector.shape_cast %reduce_min3A_101 : vector<24xi32> to vector<24x1xi32>
    %eq3A_103 = vector.broadcast %broadcast_in_dim3A_102 : vector<24x1xi32> to vector<24x1024xi32>
    %eq3A_104 = arith.cmpi eq, %iota3A, %eq3A_103 : vector<24x1024xi32>
    %jit3A_105 = arith.constant 0xFF800000 : f32
    %broadcast_in_dim3A_106 = vector.broadcast %jit3A_105 : f32 to vector<24x1024xf32>
    %select_n3A_107 = arith.select %eq3A_104, %broadcast_in_dim3A_106, %select_n3A_91 : vector<24x1024xi1>, vector<24x1024xf32>
    %reduce_max3A_108 = arith.constant dense<0xFF800000> : vector<24xf32>
    %reduce_max3A_109 = vector.multi_reduction <maximumf>, %select_n3A_107, %reduce_max3A_108 [1] : vector<24x1024xf32> to vector<24xf32>
    %broadcast_in_dim3A_110 = vector.shape_cast %reduce_max3A_109 : vector<24xf32> to vector<24x1xf32>
    %eq3A_111 = vector.broadcast %broadcast_in_dim3A_110 : vector<24x1xf32> to vector<24x1024xf32>
    %eq3A_112 = arith.cmpf oeq, %select_n3A_107, %eq3A_111 : vector<24x1024xf32>
    %jit3A_113 = arith.constant 1024 : i32
    %broadcast_in_dim3A_114 = vector.broadcast %jit3A_113 : i32 to vector<24x1024xi32>
    %select_n3A_115 = arith.select %eq3A_112, %iota3A, %broadcast_in_dim3A_114 : vector<24x1024xi1>, vector<24x1024xi32>
    %reduce_min3A_116 = arith.constant dense<2147483647> : vector<24xi32>
    %reduce_min3A_117 = vector.multi_reduction <minsi>, %select_n3A_115, %reduce_min3A_116 [1] : vector<24x1024xi32> to vector<24xi32>
    %broadcast_in_dim3A_118 = vector.shape_cast %reduce_min3A_117 : vector<24xi32> to vector<24x1xi32>
    %eq3A_119 = vector.broadcast %broadcast_in_dim3A_118 : vector<24x1xi32> to vector<24x1024xi32>
    %eq3A_120 = arith.cmpi eq, %iota3A, %eq3A_119 : vector<24x1024xi32>
    %jit3A_121 = arith.constant 0xFF800000 : f32
    %broadcast_in_dim3A_122 = vector.broadcast %jit3A_121 : f32 to vector<24x1024xf32>
    %select_n3A_123 = arith.select %eq3A_120, %broadcast_in_dim3A_122, %select_n3A_107 : vector<24x1024xi1>, vector<24x1024xf32>
    %reduce_max3A_124 = arith.constant dense<0xFF800000> : vector<24xf32>
    %reduce_max3A_125 = vector.multi_reduction <maximumf>, %select_n3A_123, %reduce_max3A_124 [1] : vector<24x1024xf32> to vector<24xf32>
    %broadcast_in_dim3A_126 = vector.shape_cast %reduce_max3A_125 : vector<24xf32> to vector<24x1xf32>
    %eq3A_127 = vector.broadcast %broadcast_in_dim3A_126 : vector<24x1xf32> to vector<24x1024xf32>
    %eq3A_128 = arith.cmpf oeq, %select_n3A_123, %eq3A_127 : vector<24x1024xf32>
    %jit3A_129 = arith.constant 1024 : i32
    %broadcast_in_dim3A_130 = vector.broadcast %jit3A_129 : i32 to vector<24x1024xi32>
    %select_n3A_131 = arith.select %eq3A_128, %iota3A, %broadcast_in_dim3A_130 : vector<24x1024xi1>, vector<24x1024xi32>
    %reduce_min3A_132 = arith.constant dense<2147483647> : vector<24xi32>
    %reduce_min3A_133 = vector.multi_reduction <minsi>, %select_n3A_131, %reduce_min3A_132 [1] : vector<24x1024xi32> to vector<24xi32>
    %broadcast_in_dim3A_134 = vector.shape_cast %reduce_min3A_133 : vector<24xi32> to vector<24x1xi32>
    %eq3A_135 = vector.broadcast %broadcast_in_dim3A_134 : vector<24x1xi32> to vector<24x1024xi32>
    %eq3A_136 = arith.cmpi eq, %iota3A, %eq3A_135 : vector<24x1024xi32>
    %jit3A_137 = arith.constant 0xFF800000 : f32
    %broadcast_in_dim3A_138 = vector.broadcast %jit3A_137 : f32 to vector<24x1024xf32>
    %select_n3A_139 = arith.select %eq3A_136, %broadcast_in_dim3A_138, %select_n3A_123 : vector<24x1024xi1>, vector<24x1024xf32>
    %reduce_max3A_140 = arith.constant dense<0xFF800000> : vector<24xf32>
    %reduce_max3A_141 = vector.multi_reduction <maximumf>, %select_n3A_139, %reduce_max3A_140 [1] : vector<24x1024xf32> to vector<24xf32>
    %broadcast_in_dim3A_142 = vector.shape_cast %reduce_max3A_141 : vector<24xf32> to vector<24x1xf32>
    %eq3A_143 = vector.broadcast %broadcast_in_dim3A_142 : vector<24x1xf32> to vector<24x1024xf32>
    %eq3A_144 = arith.cmpf oeq, %select_n3A_139, %eq3A_143 : vector<24x1024xf32>
    %jit3A_145 = arith.constant 1024 : i32
    %broadcast_in_dim3A_146 = vector.broadcast %jit3A_145 : i32 to vector<24x1024xi32>
    %select_n3A_147 = arith.select %eq3A_144, %iota3A, %broadcast_in_dim3A_146 : vector<24x1024xi1>, vector<24x1024xi32>
    %reduce_min3A_148 = arith.constant dense<2147483647> : vector<24xi32>
    %reduce_min3A_149 = vector.multi_reduction <minsi>, %select_n3A_147, %reduce_min3A_148 [1] : vector<24x1024xi32> to vector<24xi32>
    %broadcast_in_dim3A_150 = vector.shape_cast %reduce_min3A_149 : vector<24xi32> to vector<24x1xi32>
    %eq3A_151 = vector.broadcast %broadcast_in_dim3A_150 : vector<24x1xi32> to vector<24x1024xi32>
    %eq3A_152 = arith.cmpi eq, %iota3A, %eq3A_151 : vector<24x1024xi32>
    %jit3A_153 = arith.constant 0xFF800000 : f32
    %broadcast_in_dim3A_154 = vector.broadcast %jit3A_153 : f32 to vector<24x1024xf32>
    %select_n3A_155 = arith.select %eq3A_152, %broadcast_in_dim3A_154, %select_n3A_139 : vector<24x1024xi1>, vector<24x1024xf32>
    %reduce_max3A_156 = arith.constant dense<0xFF800000> : vector<24xf32>
    %reduce_max3A_157 = vector.multi_reduction <maximumf>, %select_n3A_155, %reduce_max3A_156 [1] : vector<24x1024xf32> to vector<24xf32>
    %broadcast_in_dim3A_158 = vector.shape_cast %reduce_max3A_157 : vector<24xf32> to vector<24x1xf32>
    %eq3A_159 = vector.broadcast %broadcast_in_dim3A_158 : vector<24x1xf32> to vector<24x1024xf32>
    %eq3A_160 = arith.cmpf oeq, %select_n3A_155, %eq3A_159 : vector<24x1024xf32>
    %jit3A_161 = arith.constant 1024 : i32
    %broadcast_in_dim3A_162 = vector.broadcast %jit3A_161 : i32 to vector<24x1024xi32>
    %select_n3A_163 = arith.select %eq3A_160, %iota3A, %broadcast_in_dim3A_162 : vector<24x1024xi1>, vector<24x1024xi32>
    %reduce_min3A_164 = arith.constant dense<2147483647> : vector<24xi32>
    %reduce_min3A_165 = vector.multi_reduction <minsi>, %select_n3A_163, %reduce_min3A_164 [1] : vector<24x1024xi32> to vector<24xi32>
    %broadcast_in_dim3A_166 = vector.shape_cast %reduce_min3A_165 : vector<24xi32> to vector<24x1xi32>
    %eq3A_167 = vector.broadcast %broadcast_in_dim3A_166 : vector<24x1xi32> to vector<24x1024xi32>
    %eq3A_168 = arith.cmpi eq, %iota3A, %eq3A_167 : vector<24x1024xi32>
    %jit3A_169 = arith.constant 0xFF800000 : f32
    %broadcast_in_dim3A_170 = vector.broadcast %jit3A_169 : f32 to vector<24x1024xf32>
    %select_n3A_171 = arith.select %eq3A_168, %broadcast_in_dim3A_170, %select_n3A_155 : vector<24x1024xi1>, vector<24x1024xf32>
    %reduce_max3A_172 = arith.constant dense<0xFF800000> : vector<24xf32>
    %reduce_max3A_173 = vector.multi_reduction <maximumf>, %select_n3A_171, %reduce_max3A_172 [1] : vector<24x1024xf32> to vector<24xf32>
    %broadcast_in_dim3A_174 = vector.shape_cast %reduce_max3A_173 : vector<24xf32> to vector<24x1xf32>
    %eq3A_175 = vector.broadcast %broadcast_in_dim3A_174 : vector<24x1xf32> to vector<24x1024xf32>
    %eq3A_176 = arith.cmpf oeq, %select_n3A_171, %eq3A_175 : vector<24x1024xf32>
    %jit3A_177 = arith.constant 1024 : i32
    %broadcast_in_dim3A_178 = vector.broadcast %jit3A_177 : i32 to vector<24x1024xi32>
    %select_n3A_179 = arith.select %eq3A_176, %iota3A, %broadcast_in_dim3A_178 : vector<24x1024xi1>, vector<24x1024xi32>
    %reduce_min3A_180 = arith.constant dense<2147483647> : vector<24xi32>
    %reduce_min3A_181 = vector.multi_reduction <minsi>, %select_n3A_179, %reduce_min3A_180 [1] : vector<24x1024xi32> to vector<24xi32>
    %broadcast_in_dim3A_182 = vector.shape_cast %reduce_min3A_181 : vector<24xi32> to vector<24x1xi32>
    %eq3A_183 = vector.broadcast %broadcast_in_dim3A_182 : vector<24x1xi32> to vector<24x1024xi32>
    %eq3A_184 = arith.cmpi eq, %iota3A, %eq3A_183 : vector<24x1024xi32>
    %jit3A_185 = arith.constant 0xFF800000 : f32
    %broadcast_in_dim3A_186 = vector.broadcast %jit3A_185 : f32 to vector<24x1024xf32>
    %select_n3A_187 = arith.select %eq3A_184, %broadcast_in_dim3A_186, %select_n3A_171 : vector<24x1024xi1>, vector<24x1024xf32>
    %reduce_max3A_188 = arith.constant dense<0xFF800000> : vector<24xf32>
    %reduce_max3A_189 = vector.multi_reduction <maximumf>, %select_n3A_187, %reduce_max3A_188 [1] : vector<24x1024xf32> to vector<24xf32>
    %broadcast_in_dim3A_190 = vector.shape_cast %reduce_max3A_189 : vector<24xf32> to vector<24x1xf32>
    %eq3A_191 = vector.broadcast %broadcast_in_dim3A_190 : vector<24x1xf32> to vector<24x1024xf32>
    %eq3A_192 = arith.cmpf oeq, %select_n3A_187, %eq3A_191 : vector<24x1024xf32>
    %jit3A_193 = arith.constant 1024 : i32
    %broadcast_in_dim3A_194 = vector.broadcast %jit3A_193 : i32 to vector<24x1024xi32>
    %select_n3A_195 = arith.select %eq3A_192, %iota3A, %broadcast_in_dim3A_194 : vector<24x1024xi1>, vector<24x1024xi32>
    %reduce_min3A_196 = arith.constant dense<2147483647> : vector<24xi32>
    %reduce_min3A_197 = vector.multi_reduction <minsi>, %select_n3A_195, %reduce_min3A_196 [1] : vector<24x1024xi32> to vector<24xi32>
    %broadcast_in_dim3A_198 = vector.shape_cast %reduce_min3A_197 : vector<24xi32> to vector<24x1xi32>
    %eq3A_199 = vector.broadcast %broadcast_in_dim3A_198 : vector<24x1xi32> to vector<24x1024xi32>
    %eq3A_200 = arith.cmpi eq, %iota3A, %eq3A_199 : vector<24x1024xi32>
    %jit3A_201 = arith.constant 0xFF800000 : f32
    %broadcast_in_dim3A_202 = vector.broadcast %jit3A_201 : f32 to vector<24x1024xf32>
    %select_n3A_203 = arith.select %eq3A_200, %broadcast_in_dim3A_202, %select_n3A_187 : vector<24x1024xi1>, vector<24x1024xf32>
    %reduce_max3A_204 = arith.constant dense<0xFF800000> : vector<24xf32>
    %reduce_max3A_205 = vector.multi_reduction <maximumf>, %select_n3A_203, %reduce_max3A_204 [1] : vector<24x1024xf32> to vector<24xf32>
    %broadcast_in_dim3A_206 = vector.shape_cast %reduce_max3A_205 : vector<24xf32> to vector<24x1xf32>
    %eq3A_207 = vector.broadcast %broadcast_in_dim3A_206 : vector<24x1xf32> to vector<24x1024xf32>
    %eq3A_208 = arith.cmpf oeq, %select_n3A_203, %eq3A_207 : vector<24x1024xf32>
    %jit3A_209 = arith.constant 1024 : i32
    %broadcast_in_dim3A_210 = vector.broadcast %jit3A_209 : i32 to vector<24x1024xi32>
    %select_n3A_211 = arith.select %eq3A_208, %iota3A, %broadcast_in_dim3A_210 : vector<24x1024xi1>, vector<24x1024xi32>
    %reduce_min3A_212 = arith.constant dense<2147483647> : vector<24xi32>
    %reduce_min3A_213 = vector.multi_reduction <minsi>, %select_n3A_211, %reduce_min3A_212 [1] : vector<24x1024xi32> to vector<24xi32>
    %broadcast_in_dim3A_214 = vector.shape_cast %reduce_min3A_213 : vector<24xi32> to vector<24x1xi32>
    %eq3A_215 = vector.broadcast %broadcast_in_dim3A_214 : vector<24x1xi32> to vector<24x1024xi32>
    %eq3A_216 = arith.cmpi eq, %iota3A, %eq3A_215 : vector<24x1024xi32>
    %jit3A_217 = arith.constant 0xFF800000 : f32
    %broadcast_in_dim3A_218 = vector.broadcast %jit3A_217 : f32 to vector<24x1024xf32>
    %select_n3A_219 = arith.select %eq3A_216, %broadcast_in_dim3A_218, %select_n3A_203 : vector<24x1024xi1>, vector<24x1024xf32>
    %reduce_max3A_220 = arith.constant dense<0xFF800000> : vector<24xf32>
    %reduce_max3A_221 = vector.multi_reduction <maximumf>, %select_n3A_219, %reduce_max3A_220 [1] : vector<24x1024xf32> to vector<24xf32>
    %broadcast_in_dim3A_222 = vector.shape_cast %reduce_max3A_221 : vector<24xf32> to vector<24x1xf32>
    %eq3A_223 = vector.broadcast %broadcast_in_dim3A_222 : vector<24x1xf32> to vector<24x1024xf32>
    %eq3A_224 = arith.cmpf oeq, %select_n3A_219, %eq3A_223 : vector<24x1024xf32>
    %jit3A_225 = arith.constant 1024 : i32
    %broadcast_in_dim3A_226 = vector.broadcast %jit3A_225 : i32 to vector<24x1024xi32>
    %select_n3A_227 = arith.select %eq3A_224, %iota3A, %broadcast_in_dim3A_226 : vector<24x1024xi1>, vector<24x1024xi32>
    %reduce_min3A_228 = arith.constant dense<2147483647> : vector<24xi32>
    %reduce_min3A_229 = vector.multi_reduction <minsi>, %select_n3A_227, %reduce_min3A_228 [1] : vector<24x1024xi32> to vector<24xi32>
    %broadcast_in_dim3A_230 = vector.shape_cast %reduce_min3A_229 : vector<24xi32> to vector<24x1xi32>
    %eq3A_231 = vector.broadcast %broadcast_in_dim3A_230 : vector<24x1xi32> to vector<24x1024xi32>
    %eq3A_232 = arith.cmpi eq, %iota3A, %eq3A_231 : vector<24x1024xi32>
    %jit3A_233 = arith.constant 0xFF800000 : f32
    %broadcast_in_dim3A_234 = vector.broadcast %jit3A_233 : f32 to vector<24x1024xf32>
    %select_n3A_235 = arith.select %eq3A_232, %broadcast_in_dim3A_234, %select_n3A_219 : vector<24x1024xi1>, vector<24x1024xf32>
    %reduce_max3A_236 = arith.constant dense<0xFF800000> : vector<24xf32>
    %reduce_max3A_237 = vector.multi_reduction <maximumf>, %select_n3A_235, %reduce_max3A_236 [1] : vector<24x1024xf32> to vector<24xf32>
    %broadcast_in_dim3A_238 = vector.shape_cast %reduce_max3A_237 : vector<24xf32> to vector<24x1xf32>
    %eq3A_239 = vector.broadcast %broadcast_in_dim3A_238 : vector<24x1xf32> to vector<24x1024xf32>
    %eq3A_240 = arith.cmpf oeq, %select_n3A_235, %eq3A_239 : vector<24x1024xf32>
    %jit3A_241 = arith.constant 1024 : i32
    %broadcast_in_dim3A_242 = vector.broadcast %jit3A_241 : i32 to vector<24x1024xi32>
    %select_n3A_243 = arith.select %eq3A_240, %iota3A, %broadcast_in_dim3A_242 : vector<24x1024xi1>, vector<24x1024xi32>
    %reduce_min3A_244 = arith.constant dense<2147483647> : vector<24xi32>
    %reduce_min3A_245 = vector.multi_reduction <minsi>, %select_n3A_243, %reduce_min3A_244 [1] : vector<24x1024xi32> to vector<24xi32>
    %broadcast_in_dim3A_246 = vector.shape_cast %reduce_min3A_245 : vector<24xi32> to vector<24x1xi32>
    %eq3A_247 = vector.broadcast %broadcast_in_dim3A_246 : vector<24x1xi32> to vector<24x1024xi32>
    %eq3A_248 = arith.cmpi eq, %iota3A, %eq3A_247 : vector<24x1024xi32>
    %jit3A_249 = arith.constant 0xFF800000 : f32
    %broadcast_in_dim3A_250 = vector.broadcast %jit3A_249 : f32 to vector<24x1024xf32>
    %select_n3A_251 = arith.select %eq3A_248, %broadcast_in_dim3A_250, %select_n3A_235 : vector<24x1024xi1>, vector<24x1024xf32>
    %reduce_max3A_252 = arith.constant dense<0xFF800000> : vector<24xf32>
    %reduce_max3A_253 = vector.multi_reduction <maximumf>, %select_n3A_251, %reduce_max3A_252 [1] : vector<24x1024xf32> to vector<24xf32>
    %broadcast_in_dim3A_254 = vector.shape_cast %reduce_max3A_253 : vector<24xf32> to vector<24x1xf32>
    %eq3A_255 = vector.broadcast %broadcast_in_dim3A_254 : vector<24x1xf32> to vector<24x1024xf32>
    %eq3A_256 = arith.cmpf oeq, %select_n3A_251, %eq3A_255 : vector<24x1024xf32>
    %jit3A_257 = arith.constant 1024 : i32
    %broadcast_in_dim3A_258 = vector.broadcast %jit3A_257 : i32 to vector<24x1024xi32>
    %select_n3A_259 = arith.select %eq3A_256, %iota3A, %broadcast_in_dim3A_258 : vector<24x1024xi1>, vector<24x1024xi32>
    %reduce_min3A_260 = arith.constant dense<2147483647> : vector<24xi32>
    %reduce_min3A_261 = vector.multi_reduction <minsi>, %select_n3A_259, %reduce_min3A_260 [1] : vector<24x1024xi32> to vector<24xi32>
    %broadcast_in_dim3A_262 = vector.shape_cast %reduce_min3A_261 : vector<24xi32> to vector<24x1xi32>
    %eq3A_263 = vector.broadcast %broadcast_in_dim3A_262 : vector<24x1xi32> to vector<24x1024xi32>
    %eq3A_264 = arith.cmpi eq, %iota3A, %eq3A_263 : vector<24x1024xi32>
    %jit3A_265 = arith.constant 0xFF800000 : f32
    %broadcast_in_dim3A_266 = vector.broadcast %jit3A_265 : f32 to vector<24x1024xf32>
    %select_n3A_267 = arith.select %eq3A_264, %broadcast_in_dim3A_266, %select_n3A_251 : vector<24x1024xi1>, vector<24x1024xf32>
    %reduce_max3A_268 = arith.constant dense<0xFF800000> : vector<24xf32>
    %reduce_max3A_269 = vector.multi_reduction <maximumf>, %select_n3A_267, %reduce_max3A_268 [1] : vector<24x1024xf32> to vector<24xf32>
    %broadcast_in_dim3A_270 = vector.shape_cast %reduce_max3A_269 : vector<24xf32> to vector<24x1xf32>
    %eq3A_271 = vector.broadcast %broadcast_in_dim3A_270 : vector<24x1xf32> to vector<24x1024xf32>
    %eq3A_272 = arith.cmpf oeq, %select_n3A_267, %eq3A_271 : vector<24x1024xf32>
    %jit3A_273 = arith.constant 1024 : i32
    %broadcast_in_dim3A_274 = vector.broadcast %jit3A_273 : i32 to vector<24x1024xi32>
    %select_n3A_275 = arith.select %eq3A_272, %iota3A, %broadcast_in_dim3A_274 : vector<24x1024xi1>, vector<24x1024xi32>
    %reduce_min3A_276 = arith.constant dense<2147483647> : vector<24xi32>
    %reduce_min3A_277 = vector.multi_reduction <minsi>, %select_n3A_275, %reduce_min3A_276 [1] : vector<24x1024xi32> to vector<24xi32>
    %broadcast_in_dim3A_278 = vector.shape_cast %reduce_min3A_277 : vector<24xi32> to vector<24x1xi32>
    %eq3A_279 = vector.broadcast %broadcast_in_dim3A_278 : vector<24x1xi32> to vector<24x1024xi32>
    %eq3A_280 = arith.cmpi eq, %iota3A, %eq3A_279 : vector<24x1024xi32>
    %jit3A_281 = arith.constant 0xFF800000 : f32
    %broadcast_in_dim3A_282 = vector.broadcast %jit3A_281 : f32 to vector<24x1024xf32>
    %select_n3A_283 = arith.select %eq3A_280, %broadcast_in_dim3A_282, %select_n3A_267 : vector<24x1024xi1>, vector<24x1024xf32>
    %reduce_max3A_284 = arith.constant dense<0xFF800000> : vector<24xf32>
    %reduce_max3A_285 = vector.multi_reduction <maximumf>, %select_n3A_283, %reduce_max3A_284 [1] : vector<24x1024xf32> to vector<24xf32>
    %broadcast_in_dim3A_286 = vector.shape_cast %reduce_max3A_285 : vector<24xf32> to vector<24x1xf32>
    %eq3A_287 = vector.broadcast %broadcast_in_dim3A_286 : vector<24x1xf32> to vector<24x1024xf32>
    %eq3A_288 = arith.cmpf oeq, %select_n3A_283, %eq3A_287 : vector<24x1024xf32>
    %jit3A_289 = arith.constant 1024 : i32
    %broadcast_in_dim3A_290 = vector.broadcast %jit3A_289 : i32 to vector<24x1024xi32>
    %select_n3A_291 = arith.select %eq3A_288, %iota3A, %broadcast_in_dim3A_290 : vector<24x1024xi1>, vector<24x1024xi32>
    %reduce_min3A_292 = arith.constant dense<2147483647> : vector<24xi32>
    %reduce_min3A_293 = vector.multi_reduction <minsi>, %select_n3A_291, %reduce_min3A_292 [1] : vector<24x1024xi32> to vector<24xi32>
    %broadcast_in_dim3A_294 = vector.shape_cast %reduce_min3A_293 : vector<24xi32> to vector<24x1xi32>
    %eq3A_295 = vector.broadcast %broadcast_in_dim3A_294 : vector<24x1xi32> to vector<24x1024xi32>
    %eq3A_296 = arith.cmpi eq, %iota3A, %eq3A_295 : vector<24x1024xi32>
    %jit3A_297 = arith.constant 0xFF800000 : f32
    %broadcast_in_dim3A_298 = vector.broadcast %jit3A_297 : f32 to vector<24x1024xf32>
    %select_n3A_299 = arith.select %eq3A_296, %broadcast_in_dim3A_298, %select_n3A_283 : vector<24x1024xi1>, vector<24x1024xf32>
    %reduce_max3A_300 = arith.constant dense<0xFF800000> : vector<24xf32>
    %reduce_max3A_301 = vector.multi_reduction <maximumf>, %select_n3A_299, %reduce_max3A_300 [1] : vector<24x1024xf32> to vector<24xf32>
    %broadcast_in_dim3A_302 = vector.shape_cast %reduce_max3A_301 : vector<24xf32> to vector<24x1xf32>
    %eq3A_303 = vector.broadcast %broadcast_in_dim3A_302 : vector<24x1xf32> to vector<24x1024xf32>
    %eq3A_304 = arith.cmpf oeq, %select_n3A_299, %eq3A_303 : vector<24x1024xf32>
    %jit3A_305 = arith.constant 1024 : i32
    %broadcast_in_dim3A_306 = vector.broadcast %jit3A_305 : i32 to vector<24x1024xi32>
    %select_n3A_307 = arith.select %eq3A_304, %iota3A, %broadcast_in_dim3A_306 : vector<24x1024xi1>, vector<24x1024xi32>
    %reduce_min3A_308 = arith.constant dense<2147483647> : vector<24xi32>
    %reduce_min3A_309 = vector.multi_reduction <minsi>, %select_n3A_307, %reduce_min3A_308 [1] : vector<24x1024xi32> to vector<24xi32>
    %broadcast_in_dim3A_310 = vector.shape_cast %reduce_min3A_309 : vector<24xi32> to vector<24x1xi32>
    %eq3A_311 = vector.broadcast %broadcast_in_dim3A_310 : vector<24x1xi32> to vector<24x1024xi32>
    %eq3A_312 = arith.cmpi eq, %iota3A, %eq3A_311 : vector<24x1024xi32>
    %jit3A_313 = arith.constant 0xFF800000 : f32
    %broadcast_in_dim3A_314 = vector.broadcast %jit3A_313 : f32 to vector<24x1024xf32>
    %select_n3A_315 = arith.select %eq3A_312, %broadcast_in_dim3A_314, %select_n3A_299 : vector<24x1024xi1>, vector<24x1024xf32>
    %reduce_max3A_316 = arith.constant dense<0xFF800000> : vector<24xf32>
    %reduce_max3A_317 = vector.multi_reduction <maximumf>, %select_n3A_315, %reduce_max3A_316 [1] : vector<24x1024xf32> to vector<24xf32>
    %broadcast_in_dim3A_318 = vector.shape_cast %reduce_max3A_317 : vector<24xf32> to vector<24x1xf32>
    %eq3A_319 = vector.broadcast %broadcast_in_dim3A_318 : vector<24x1xf32> to vector<24x1024xf32>
    %eq3A_320 = arith.cmpf oeq, %select_n3A_315, %eq3A_319 : vector<24x1024xf32>
    %jit3A_321 = arith.constant 1024 : i32
    %broadcast_in_dim3A_322 = vector.broadcast %jit3A_321 : i32 to vector<24x1024xi32>
    %select_n3A_323 = arith.select %eq3A_320, %iota3A, %broadcast_in_dim3A_322 : vector<24x1024xi1>, vector<24x1024xi32>
    %reduce_min3A_324 = arith.constant dense<2147483647> : vector<24xi32>
    %reduce_min3A_325 = vector.multi_reduction <minsi>, %select_n3A_323, %reduce_min3A_324 [1] : vector<24x1024xi32> to vector<24xi32>
    %broadcast_in_dim3A_326 = vector.shape_cast %reduce_min3A_325 : vector<24xi32> to vector<24x1xi32>
    %concatenate3A = tpu.concatenate %broadcast_in_dim3A_6, %broadcast_in_dim3A_22, %broadcast_in_dim3A_38, %broadcast_in_dim3A_54, %broadcast_in_dim3A_70, %broadcast_in_dim3A_86, %broadcast_in_dim3A_102, %broadcast_in_dim3A_118, %broadcast_in_dim3A_134, %broadcast_in_dim3A_150, %broadcast_in_dim3A_166, %broadcast_in_dim3A_182, %broadcast_in_dim3A_198, %broadcast_in_dim3A_214, %broadcast_in_dim3A_230, %broadcast_in_dim3A_246, %broadcast_in_dim3A_262, %broadcast_in_dim3A_278, %broadcast_in_dim3A_294, %broadcast_in_dim3A_310, %broadcast_in_dim3A_326, %broadcast_in_dim3A_6, %broadcast_in_dim3A_6, %broadcast_in_dim3A_6, %broadcast_in_dim3A_6, %broadcast_in_dim3A_6, %broadcast_in_dim3A_6, %broadcast_in_dim3A_6, %broadcast_in_dim3A_6, %broadcast_in_dim3A_6, %broadcast_in_dim3A_6, %broadcast_in_dim3A_6 in 1 : vector<24x1xi32>, vector<24x1xi32>, vector<24x1xi32>, vector<24x1xi32>, vector<24x1xi32>, vector<24x1xi32>, vector<24x1xi32>, vector<24x1xi32>, vector<24x1xi32>, vector<24x1xi32>, vector<24x1xi32>, vector<24x1xi32>, vector<24x1xi32>, vector<24x1xi32>, vector<24x1xi32>, vector<24x1xi32>, vector<24x1xi32>, vector<24x1xi32>, vector<24x1xi32>, vector<24x1xi32>, vector<24x1xi32>, vector<24x1xi32>, vector<24x1xi32>, vector<24x1xi32>, vector<24x1xi32>, vector<24x1xi32>, vector<24x1xi32>, vector<24x1xi32>, vector<24x1xi32>, vector<24x1xi32>, vector<24x1xi32>, vector<24x1xi32> -> vector<24x32xi32>
    %swap3A = arith.constant 0 : index
    %swap3A_327 = arith.constant 0 : index
    %swap3A_328 = vector.load %arg1[%swap3A, %swap3A_327] : memref<24x32xi32, #tpu.memory_space<vmem>>, vector<24x32xi32>
    tpu.vector_store %arg1[%swap3A, %swap3A_327], %concatenate3A {strides = array<i32>} : memref<24x32xi32, #tpu.memory_space<vmem>>, vector<24x32xi32>,
    return
  }
}

module attributes {stable_mosaic.version = 14 : i64} {
  func.func @body(%arg0: i32, %arg1: memref<1x32x128xf32, #tpu.memory_space<vmem>>, %arg2: memref<1x1024x128xf32, #tpu.memory_space<vmem>>, %arg3: memref<1x1024x128xf32, #tpu.memory_space<vmem>>, %arg4: memref<1x32x128xf32, #tpu.memory_space<vmem>>, %arg5: memref<1x128x128xf32, #tpu.memory_space<vmem>>) attributes {dimension_semantics = [#tpu.dimension_semantics<arbitrary>], iteration_bounds = array<i64: 24>, scalar_prefetch = 0 : i64, scratch_operands = 0 : i64, tpu.core_type = #tpu.core_type<tc>, window_params = [{transform_indices = @transform_0, window_bounds = array<i64: 1, 32, 128>}, {transform_indices = @transform_1, window_bounds = array<i64: 1, 1024, 128>}, {transform_indices = @transform_2, window_bounds = array<i64: 1, 1024, 128>}, {transform_indices = @transform_3, window_bounds = array<i64: 1, 32, 128>}, {transform_indices = @transform_4, window_bounds = array<i64: 1, 128, 128>}]} {
    %get3A = arith.constant 0 : index
    %get3A_0 = arith.constant 0 : index
    %get3A_1 = arith.constant 0 : index
    %get3A_2 = vector.load %arg1[%get3A, %get3A_0, %get3A_1] : memref<1x32x128xf32, #tpu.memory_space<vmem>>, vector<1x32x128xf32>
    %get3A_3 = vector.shape_cast %get3A_2 : vector<1x32x128xf32> to vector<32x128xf32>
    %slice3A = vector.extract_strided_slice %get3A_3 {offsets = [0, 0], sizes = [32, 64], strides = [1, 1]} : vector<32x128xf32> to vector<32x64xf32>
    %get3A_4 = arith.constant 0 : index
    %get3A_5 = arith.constant 0 : index
    %get3A_6 = arith.constant 0 : index
    %get3A_7 = vector.load %arg2[%get3A_4, %get3A_5, %get3A_6] : memref<1x1024x128xf32, #tpu.memory_space<vmem>>, vector<1x1024x128xf32>
    %get3A_8 = vector.shape_cast %get3A_7 : vector<1x1024x128xf32> to vector<1024x128xf32>
    %slice3A_9 = vector.extract_strided_slice %get3A_8 {offsets = [0, 0], sizes = [1024, 64], strides = [1, 1]} : vector<1024x128xf32> to vector<1024x64xf32>
    %dot_general3A = arith.constant dense<0.000000e+00> : vector<32x1024xf32>
    %dot_general3A_10 = tpu.matmul %slice3A, %slice3A_9, %dot_general3A {dimension_numbers = #tpu.dot_dimension_numbers<[1], [1], [0], [0], [0, 0, 1, 0], [], []>, transpose_lhs_hint = false} : vector<32x64xf32>, vector<1024x64xf32>, vector<32x1024xf32> -> vector<32x1024xf32>
    %mul3A = arith.constant 1.250000e-01 : f32
    %mul3A_11 = vector.broadcast %mul3A : f32 to vector<32x1024xf32>
    %mul3A_12 = arith.mulf %dot_general3A_10, %mul3A_11 : vector<32x1024xf32>
    %reduce_max3A = arith.constant dense<0xFF800000> : vector<32xf32>
    %reduce_max3A_13 = vector.multi_reduction <maximumf>, %mul3A_12, %reduce_max3A [1] : vector<32x1024xf32> to vector<32xf32>
    %broadcast_in_dim3A = vector.shape_cast %reduce_max3A_13 : vector<32xf32> to vector<32x1xf32>
    %sub3A = vector.broadcast %broadcast_in_dim3A : vector<32x1xf32> to vector<32x1024xf32>
    %sub3A_14 = arith.subf %mul3A_12, %sub3A : vector<32x1024xf32>
    %exp3A = math.exp %sub3A_14 : vector<32x1024xf32>
    %reduce_sum3A = arith.constant dense<0.000000e+00> : vector<32xf32>
    %reduce_sum3A_15 = vector.multi_reduction <add>, %exp3A, %reduce_sum3A [1] : vector<32x1024xf32> to vector<32xf32>
    %broadcast_in_dim3A_16 = vector.shape_cast %reduce_sum3A_15 : vector<32xf32> to vector<32x1xf32>
    %div3A = vector.broadcast %broadcast_in_dim3A_16 : vector<32x1xf32> to vector<32x1024xf32>
    %div3A_17 = arith.divf %exp3A, %div3A : vector<32x1024xf32>
    %get3A_18 = arith.constant 0 : index
    %get3A_19 = arith.constant 0 : index
    %get3A_20 = arith.constant 0 : index
    %get3A_21 = vector.load %arg3[%get3A_18, %get3A_19, %get3A_20] : memref<1x1024x128xf32, #tpu.memory_space<vmem>>, vector<1x1024x128xf32>
    %get3A_22 = vector.shape_cast %get3A_21 : vector<1x1024x128xf32> to vector<1024x128xf32>
    %dot_general3A_23 = arith.constant dense<0.000000e+00> : vector<32x128xf32>
    %dot_general3A_24 = tpu.matmul %div3A_17, %get3A_22, %dot_general3A_23 {dimension_numbers = #tpu.dot_dimension_numbers<[1], [0], [0], [1], [0, 0, 1, 1], [], []>, transpose_lhs_hint = false} : vector<32x1024xf32>, vector<1024x128xf32>, vector<32x128xf32> -> vector<32x128xf32>
    %swap3A = arith.constant 0 : index
    %swap3A_25 = arith.constant 0 : index
    %swap3A_26 = arith.constant 0 : index
    %swap3A_27 = vector.load %arg4[%swap3A, %swap3A_25, %swap3A_26] : memref<1x32x128xf32, #tpu.memory_space<vmem>>, vector<1x32x128xf32>
    %swap3A_28 = vector.shape_cast %swap3A_27 : vector<1x32x128xf32> to vector<32x128xf32>
    %swap3A_29 = vector.shape_cast %dot_general3A_24 : vector<32x128xf32> to vector<1x32x128xf32>
    tpu.vector_store %arg4[%swap3A, %swap3A_25, %swap3A_26], %swap3A_29 {strides = array<i32>} : memref<1x32x128xf32, #tpu.memory_space<vmem>>, vector<1x32x128xf32>,
    %get3A_30 = arith.constant 0 : index
    %get3A_31 = arith.constant 0 : index
    %get3A_32 = arith.constant 0 : index
    %get3A_33 = vector.load %arg3[%get3A_30, %get3A_31, %get3A_32] : memref<1x1024x128xf32, #tpu.memory_space<vmem>>, vector<1x1024x128xf32>
    %get3A_34 = vector.shape_cast %get3A_33 : vector<1x1024x128xf32> to vector<1024x128xf32>
    %reduce_sum3A_35 = arith.constant dense<0.000000e+00> : vector<128xf32>
    %reduce_sum3A_36 = vector.multi_reduction <add>, %get3A_34, %reduce_sum3A_35 [0] : vector<1024x128xf32> to vector<128xf32>
    %broadcast_in_dim3A_37 = vector.shape_cast %reduce_sum3A_36 : vector<128xf32> to vector<1x128xf32>
    %div3A_38 = arith.constant 1.024000e+03 : f32
    %div3A_39 = vector.broadcast %div3A_38 : f32 to vector<1x128xf32>
    %div3A_40 = arith.divf %broadcast_in_dim3A_37, %div3A_39 : vector<1x128xf32>
    %broadcast_in_dim3A_41 = vector.shape_cast %div3A_40 : vector<1x128xf32> to vector<1x128xf32>
    %broadcast_in_dim3A_42 = vector.broadcast %broadcast_in_dim3A_41 : vector<1x128xf32> to vector<128x128xf32>
    %swap3A_43 = arith.constant 0 : index
    %swap3A_44 = arith.constant 0 : index
    %swap3A_45 = arith.constant 0 : index
    %swap3A_46 = vector.load %arg5[%swap3A_43, %swap3A_44, %swap3A_45] : memref<1x128x128xf32, #tpu.memory_space<vmem>>, vector<1x128x128xf32>
    %swap3A_47 = vector.shape_cast %swap3A_46 : vector<1x128x128xf32> to vector<128x128xf32>
    %swap3A_48 = vector.shape_cast %broadcast_in_dim3A_42 : vector<128x128xf32> to vector<1x128x128xf32>
    tpu.vector_store %arg5[%swap3A_43, %swap3A_44, %swap3A_45], %swap3A_48 {strides = array<i32>} : memref<1x128x128xf32, #tpu.memory_space<vmem>>, vector<1x128x128xf32>,
    return
  }
  func.func @transform_0(%arg0: i32) -> (i32, i32, i32) {
    %c0_i32 = arith.constant 0 : i32
    %c0_i32_0 = arith.constant 0 : i32
    %c0_i32_1 = arith.constant 0 : i32
    return %arg0, %c0_i32, %c0_i32_0 : i32, i32, i32
  }
  func.func @transform_1(%arg0: i32) -> (i32, i32, i32) {
    %c0_i32 = arith.constant 0 : i32
    %c0_i32_0 = arith.constant 0 : i32
    %c0_i32_1 = arith.constant 0 : i32
    return %arg0, %c0_i32, %c0_i32_0 : i32, i32, i32
  }
  func.func @transform_2(%arg0: i32) -> (i32, i32, i32) {
    %c0_i32 = arith.constant 0 : i32
    %c0_i32_0 = arith.constant 0 : i32
    %c0_i32_1 = arith.constant 0 : i32
    return %arg0, %c0_i32, %c0_i32_0 : i32, i32, i32
  }
  func.func @transform_3(%arg0: i32) -> (i32, i32, i32) {
    %c0_i32 = arith.constant 0 : i32
    %c0_i32_0 = arith.constant 0 : i32
    %c0_i32_1 = arith.constant 0 : i32
    return %arg0, %c0_i32, %c0_i32_0 : i32, i32, i32
  }
  func.func @transform_4(%arg0: i32) -> (i32, i32, i32) {
    %c0_i32 = arith.constant 0 : i32
    %c0_i32_0 = arith.constant 0 : i32
    %c0_i32_1 = arith.constant 0 : i32
    return %arg0, %c0_i32, %c0_i32_0 : i32, i32, i32
  }
}

module attributes {stable_mosaic.version = 14 : i64} {
  func.func @body(%arg0: i32, %arg1: i32, %arg2: memref<12x512x128xf32, #tpu.memory_space<vmem>>, %arg3: memref<512x768xf32, #tpu.memory_space<vmem>>, %arg4: memref<3x256x768xf32, #tpu.memory_space<vmem>>, %arg5: memref<1x768xf32, #tpu.memory_space<vmem>>, %arg6: memref<1x768xf32, #tpu.memory_space<vmem>>, %arg7: memref<1x768xf32, #tpu.memory_space<vmem>>, %arg8: memref<512x768xf32, #tpu.memory_space<vmem>>) attributes {dimension_semantics = [#tpu.dimension_semantics<arbitrary>, #tpu.dimension_semantics<arbitrary>], iteration_bounds = array<i64: 2, 2>, scalar_prefetch = 0 : i64, scratch_operands = 0 : i64, tpu.core_type = #tpu.core_type<tc>, window_params = [{transform_indices = @transform_0, window_bounds = array<i64: 12, 512, 128>}, {transform_indices = @transform_1, window_bounds = array<i64: 512, 768>}, {pipeline_mode = #tpu.pipeline_mode<synchronous>, transform_indices = @transform_2, window_bounds = array<i64: 3, 256, 768>}, {pipeline_mode = #tpu.pipeline_mode<synchronous>, transform_indices = @transform_3, window_bounds = array<i64: 1, 768>}, {pipeline_mode = #tpu.pipeline_mode<synchronous>, transform_indices = @transform_4, window_bounds = array<i64: 1, 768>}, {pipeline_mode = #tpu.pipeline_mode<synchronous>, transform_indices = @transform_5, window_bounds = array<i64: 1, 768>}, {transform_indices = @transform_6, window_bounds = array<i64: 512, 768>}]} {
    %broadcast_in_dim3A = arith.constant 0.000000e+00 : f32
    %broadcast_in_dim3A_0 = vector.broadcast %broadcast_in_dim3A : f32 to vector<512x768xf32>
    %get3A = arith.constant 0 : index
    %get3A_1 = arith.constant 0 : index
    %get3A_2 = arith.constant 0 : index
    %get3A_3 = vector.load %arg2[%get3A, %get3A_1, %get3A_2] : memref<12x512x128xf32, #tpu.memory_space<vmem>>, vector<1x512x128xf32>
    %get3A_4 = vector.shape_cast %get3A_3 : vector<1x512x128xf32> to vector<512x128xf32>
    %slice3A = vector.extract_strided_slice %get3A_4 {offsets = [0, 0], sizes = [512, 64], strides = [1, 1]} : vector<512x128xf32> to vector<512x64xf32>
    %get3A_5 = arith.constant 1 : index
    %get3A_6 = arith.constant 0 : index
    %get3A_7 = arith.constant 0 : index
    %get3A_8 = vector.load %arg2[%get3A_5, %get3A_6, %get3A_7] : memref<12x512x128xf32, #tpu.memory_space<vmem>>, vector<1x512x128xf32>
    %get3A_9 = vector.shape_cast %get3A_8 : vector<1x512x128xf32> to vector<512x128xf32>
    %slice3A_10 = vector.extract_strided_slice %get3A_9 {offsets = [0, 0], sizes = [512, 64], strides = [1, 1]} : vector<512x128xf32> to vector<512x64xf32>
    %get3A_11 = arith.constant 2 : index
    %get3A_12 = arith.constant 0 : index
    %get3A_13 = arith.constant 0 : index
    %get3A_14 = vector.load %arg2[%get3A_11, %get3A_12, %get3A_13] : memref<12x512x128xf32, #tpu.memory_space<vmem>>, vector<1x512x128xf32>
    %get3A_15 = vector.shape_cast %get3A_14 : vector<1x512x128xf32> to vector<512x128xf32>
    %slice3A_16 = vector.extract_strided_slice %get3A_15 {offsets = [0, 0], sizes = [512, 64], strides = [1, 1]} : vector<512x128xf32> to vector<512x64xf32>
    %get3A_17 = arith.constant 3 : index
    %get3A_18 = arith.constant 0 : index
    %get3A_19 = arith.constant 0 : index
    %get3A_20 = vector.load %arg2[%get3A_17, %get3A_18, %get3A_19] : memref<12x512x128xf32, #tpu.memory_space<vmem>>, vector<1x512x128xf32>
    %get3A_21 = vector.shape_cast %get3A_20 : vector<1x512x128xf32> to vector<512x128xf32>
    %slice3A_22 = vector.extract_strided_slice %get3A_21 {offsets = [0, 0], sizes = [512, 64], strides = [1, 1]} : vector<512x128xf32> to vector<512x64xf32>
    %concatenate3A = tpu.concatenate %slice3A, %slice3A_10, %slice3A_16, %slice3A_22 in 1 : vector<512x64xf32>, vector<512x64xf32>, vector<512x64xf32>, vector<512x64xf32> -> vector<512x256xf32>
    %get3A_23 = arith.constant 0 : index
    %get3A_24 = arith.constant 0 : index
    %get3A_25 = arith.constant 0 : index
    %get3A_26 = vector.load %arg4[%get3A_23, %get3A_24, %get3A_25] : memref<3x256x768xf32, #tpu.memory_space<vmem>>, vector<1x256x768xf32>
    %get3A_27 = vector.shape_cast %get3A_26 : vector<1x256x768xf32> to vector<256x768xf32>
    %dot_general3A = arith.constant dense<0.000000e+00> : vector<512x768xf32>
    %dot_general3A_28 = tpu.matmul %concatenate3A, %get3A_27, %dot_general3A {dimension_numbers = #tpu.dot_dimension_numbers<[1], [0], [0], [1], [0, 0, 1, 1], [], []>, transpose_lhs_hint = false} : vector<512x256xf32>, vector<256x768xf32>, vector<512x768xf32> -> vector<512x768xf32>
    %add3A = arith.addf %broadcast_in_dim3A_0, %dot_general3A_28 : vector<512x768xf32>
    %get3A_29 = arith.constant 4 : index
    %get3A_30 = arith.constant 0 : index
    %get3A_31 = arith.constant 0 : index
    %get3A_32 = vector.load %arg2[%get3A_29, %get3A_30, %get3A_31] : memref<12x512x128xf32, #tpu.memory_space<vmem>>, vector<1x512x128xf32>
    %get3A_33 = vector.shape_cast %get3A_32 : vector<1x512x128xf32> to vector<512x128xf32>
    %slice3A_34 = vector.extract_strided_slice %get3A_33 {offsets = [0, 0], sizes = [512, 64], strides = [1, 1]} : vector<512x128xf32> to vector<512x64xf32>
    %get3A_35 = arith.constant 5 : index
    %get3A_36 = arith.constant 0 : index
    %get3A_37 = arith.constant 0 : index
    %get3A_38 = vector.load %arg2[%get3A_35, %get3A_36, %get3A_37] : memref<12x512x128xf32, #tpu.memory_space<vmem>>, vector<1x512x128xf32>
    %get3A_39 = vector.shape_cast %get3A_38 : vector<1x512x128xf32> to vector<512x128xf32>
    %slice3A_40 = vector.extract_strided_slice %get3A_39 {offsets = [0, 0], sizes = [512, 64], strides = [1, 1]} : vector<512x128xf32> to vector<512x64xf32>
    %get3A_41 = arith.constant 6 : index
    %get3A_42 = arith.constant 0 : index
    %get3A_43 = arith.constant 0 : index
    %get3A_44 = vector.load %arg2[%get3A_41, %get3A_42, %get3A_43] : memref<12x512x128xf32, #tpu.memory_space<vmem>>, vector<1x512x128xf32>
    %get3A_45 = vector.shape_cast %get3A_44 : vector<1x512x128xf32> to vector<512x128xf32>
    %slice3A_46 = vector.extract_strided_slice %get3A_45 {offsets = [0, 0], sizes = [512, 64], strides = [1, 1]} : vector<512x128xf32> to vector<512x64xf32>
    %get3A_47 = arith.constant 7 : index
    %get3A_48 = arith.constant 0 : index
    %get3A_49 = arith.constant 0 : index
    %get3A_50 = vector.load %arg2[%get3A_47, %get3A_48, %get3A_49] : memref<12x512x128xf32, #tpu.memory_space<vmem>>, vector<1x512x128xf32>
    %get3A_51 = vector.shape_cast %get3A_50 : vector<1x512x128xf32> to vector<512x128xf32>
    %slice3A_52 = vector.extract_strided_slice %get3A_51 {offsets = [0, 0], sizes = [512, 64], strides = [1, 1]} : vector<512x128xf32> to vector<512x64xf32>
    %concatenate3A_53 = tpu.concatenate %slice3A_34, %slice3A_40, %slice3A_46, %slice3A_52 in 1 : vector<512x64xf32>, vector<512x64xf32>, vector<512x64xf32>, vector<512x64xf32> -> vector<512x256xf32>
    %get3A_54 = arith.constant 1 : index
    %get3A_55 = arith.constant 0 : index
    %get3A_56 = arith.constant 0 : index
    %get3A_57 = vector.load %arg4[%get3A_54, %get3A_55, %get3A_56] : memref<3x256x768xf32, #tpu.memory_space<vmem>>, vector<1x256x768xf32>
    %get3A_58 = vector.shape_cast %get3A_57 : vector<1x256x768xf32> to vector<256x768xf32>
    %dot_general3A_59 = arith.constant dense<0.000000e+00> : vector<512x768xf32>
    %dot_general3A_60 = tpu.matmul %concatenate3A_53, %get3A_58, %dot_general3A_59 {dimension_numbers = #tpu.dot_dimension_numbers<[1], [0], [0], [1], [0, 0, 1, 1], [], []>, transpose_lhs_hint = false} : vector<512x256xf32>, vector<256x768xf32>, vector<512x768xf32> -> vector<512x768xf32>
    %add3A_61 = arith.addf %add3A, %dot_general3A_60 : vector<512x768xf32>
    %get3A_62 = arith.constant 8 : index
    %get3A_63 = arith.constant 0 : index
    %get3A_64 = arith.constant 0 : index
    %get3A_65 = vector.load %arg2[%get3A_62, %get3A_63, %get3A_64] : memref<12x512x128xf32, #tpu.memory_space<vmem>>, vector<1x512x128xf32>
    %get3A_66 = vector.shape_cast %get3A_65 : vector<1x512x128xf32> to vector<512x128xf32>
    %slice3A_67 = vector.extract_strided_slice %get3A_66 {offsets = [0, 0], sizes = [512, 64], strides = [1, 1]} : vector<512x128xf32> to vector<512x64xf32>
    %get3A_68 = arith.constant 9 : index
    %get3A_69 = arith.constant 0 : index
    %get3A_70 = arith.constant 0 : index
    %get3A_71 = vector.load %arg2[%get3A_68, %get3A_69, %get3A_70] : memref<12x512x128xf32, #tpu.memory_space<vmem>>, vector<1x512x128xf32>
    %get3A_72 = vector.shape_cast %get3A_71 : vector<1x512x128xf32> to vector<512x128xf32>
    %slice3A_73 = vector.extract_strided_slice %get3A_72 {offsets = [0, 0], sizes = [512, 64], strides = [1, 1]} : vector<512x128xf32> to vector<512x64xf32>
    %get3A_74 = arith.constant 10 : index
    %get3A_75 = arith.constant 0 : index
    %get3A_76 = arith.constant 0 : index
    %get3A_77 = vector.load %arg2[%get3A_74, %get3A_75, %get3A_76] : memref<12x512x128xf32, #tpu.memory_space<vmem>>, vector<1x512x128xf32>
    %get3A_78 = vector.shape_cast %get3A_77 : vector<1x512x128xf32> to vector<512x128xf32>
    %slice3A_79 = vector.extract_strided_slice %get3A_78 {offsets = [0, 0], sizes = [512, 64], strides = [1, 1]} : vector<512x128xf32> to vector<512x64xf32>
    %get3A_80 = arith.constant 11 : index
    %get3A_81 = arith.constant 0 : index
    %get3A_82 = arith.constant 0 : index
    %get3A_83 = vector.load %arg2[%get3A_80, %get3A_81, %get3A_82] : memref<12x512x128xf32, #tpu.memory_space<vmem>>, vector<1x512x128xf32>
    %get3A_84 = vector.shape_cast %get3A_83 : vector<1x512x128xf32> to vector<512x128xf32>
    %slice3A_85 = vector.extract_strided_slice %get3A_84 {offsets = [0, 0], sizes = [512, 64], strides = [1, 1]} : vector<512x128xf32> to vector<512x64xf32>
    %concatenate3A_86 = tpu.concatenate %slice3A_67, %slice3A_73, %slice3A_79, %slice3A_85 in 1 : vector<512x64xf32>, vector<512x64xf32>, vector<512x64xf32>, vector<512x64xf32> -> vector<512x256xf32>
    %get3A_87 = arith.constant 2 : index
    %get3A_88 = arith.constant 0 : index
    %get3A_89 = arith.constant 0 : index
    %get3A_90 = vector.load %arg4[%get3A_87, %get3A_88, %get3A_89] : memref<3x256x768xf32, #tpu.memory_space<vmem>>, vector<1x256x768xf32>
    %get3A_91 = vector.shape_cast %get3A_90 : vector<1x256x768xf32> to vector<256x768xf32>
    %dot_general3A_92 = arith.constant dense<0.000000e+00> : vector<512x768xf32>
    %dot_general3A_93 = tpu.matmul %concatenate3A_86, %get3A_91, %dot_general3A_92 {dimension_numbers = #tpu.dot_dimension_numbers<[1], [0], [0], [1], [0, 0, 1, 1], [], []>, transpose_lhs_hint = false} : vector<512x256xf32>, vector<256x768xf32>, vector<512x768xf32> -> vector<512x768xf32>
    %add3A_94 = arith.addf %add3A_61, %dot_general3A_93 : vector<512x768xf32>
    %get3A_95 = arith.constant 0 : index
    %get3A_96 = arith.constant 0 : index
    %get3A_97 = vector.load %arg5[%get3A_95, %get3A_96] : memref<1x768xf32, #tpu.memory_space<vmem>>, vector<1x768xf32>
    %add3A_98 = vector.broadcast %get3A_97 : vector<1x768xf32> to vector<512x768xf32>
    %add3A_99 = arith.addf %add3A_94, %add3A_98 : vector<512x768xf32>
    %get3A_100 = arith.constant 0 : index
    %get3A_101 = arith.constant 0 : index
    %get3A_102 = vector.load %arg3[%get3A_100, %get3A_101] : memref<512x768xf32, #tpu.memory_space<vmem>>, vector<512x768xf32>
    %add3A_103 = arith.addf %add3A_99, %get3A_102 : vector<512x768xf32>
    %get3A_104 = arith.constant 0 : index
    %get3A_105 = arith.constant 0 : index
    %get3A_106 = vector.load %arg6[%get3A_104, %get3A_105] : memref<1x768xf32, #tpu.memory_space<vmem>>, vector<1x768xf32>
    %get3A_107 = arith.constant 0 : index
    %get3A_108 = arith.constant 0 : index
    %get3A_109 = vector.load %arg7[%get3A_107, %get3A_108] : memref<1x768xf32, #tpu.memory_space<vmem>>, vector<1x768xf32>
    %reduce_sum3A = arith.constant dense<0.000000e+00> : vector<512xf32>
    %reduce_sum3A_110 = vector.multi_reduction <add>, %add3A_103, %reduce_sum3A [1] : vector<512x768xf32> to vector<512xf32>
    %broadcast_in_dim3A_111 = vector.shape_cast %reduce_sum3A_110 : vector<512xf32> to vector<512x1xf32>
    %div3A = arith.constant 7.680000e+02 : f32
    %div3A_112 = vector.broadcast %div3A : f32 to vector<512x1xf32>
    %div3A_113 = arith.divf %broadcast_in_dim3A_111, %div3A_112 : vector<512x1xf32>
    %sub3A = vector.broadcast %div3A_113 : vector<512x1xf32> to vector<512x768xf32>
    %sub3A_114 = arith.subf %add3A_103, %sub3A : vector<512x768xf32>
    %mul3A = arith.mulf %sub3A_114, %sub3A_114 : vector<512x768xf32>
    %reduce_sum3A_115 = arith.constant dense<0.000000e+00> : vector<512xf32>
    %reduce_sum3A_116 = vector.multi_reduction <add>, %mul3A, %reduce_sum3A_115 [1] : vector<512x768xf32> to vector<512xf32>
    %broadcast_in_dim3A_117 = vector.shape_cast %reduce_sum3A_116 : vector<512xf32> to vector<512x1xf32>
    %div3A_118 = arith.constant 7.680000e+02 : f32
    %div3A_119 = vector.broadcast %div3A_118 : f32 to vector<512x1xf32>
    %div3A_120 = arith.divf %broadcast_in_dim3A_117, %div3A_119 : vector<512x1xf32>
    %add3A_121 = arith.constant 9.99999974E-6 : f32
    %add3A_122 = vector.broadcast %add3A_121 : f32 to vector<512x1xf32>
    %add3A_123 = arith.addf %div3A_120, %add3A_122 : vector<512x1xf32>
    %sqrt3A = math.sqrt %add3A_123 : vector<512x1xf32>
    %div3A_124 = vector.broadcast %sqrt3A : vector<512x1xf32> to vector<512x768xf32>
    %div3A_125 = arith.divf %sub3A_114, %div3A_124 : vector<512x768xf32>
    %mul3A_126 = vector.broadcast %get3A_106 : vector<1x768xf32> to vector<512x768xf32>
    %mul3A_127 = arith.mulf %div3A_125, %mul3A_126 : vector<512x768xf32>
    %add3A_128 = vector.broadcast %get3A_109 : vector<1x768xf32> to vector<512x768xf32>
    %add3A_129 = arith.addf %mul3A_127, %add3A_128 : vector<512x768xf32>
    %swap3A = arith.constant 0 : index
    %swap3A_130 = arith.constant 0 : index
    %swap3A_131 = vector.load %arg8[%swap3A, %swap3A_130] : memref<512x768xf32, #tpu.memory_space<vmem>>, vector<512x768xf32>
    tpu.vector_store %arg8[%swap3A, %swap3A_130], %add3A_129 {strides = array<i32>} : memref<512x768xf32, #tpu.memory_space<vmem>>, vector<512x768xf32>,
    return
  }
  func.func @transform_0(%arg0: i32, %arg1: i32) -> (i32, i32, i32) {
    %c0_i32 = arith.constant 0 : i32
    %c0_i32_0 = arith.constant 0 : i32
    return %arg0, %arg1, %c0_i32 : i32, i32, i32
  }
  func.func @transform_1(%arg0: i32, %arg1: i32) -> (i32, i32) {
    %mul3A = arith.constant 2 : i32
    %mul3A_0 = arith.muli %arg0, %mul3A : i32
    %add3A = arith.addi %mul3A_0, %arg1 : i32
    %c0_i32 = arith.constant 0 : i32
    %c0_i32_1 = arith.constant 0 : i32
    return %add3A, %c0_i32 : i32, i32
  }
  func.func @transform_2(%arg0: i32, %arg1: i32) -> (i32, i32, i32) {
    %c0_i32 = arith.constant 0 : i32
    %c0_i32_0 = arith.constant 0 : i32
    %c0_i32_1 = arith.constant 0 : i32
    %c0_i32_2 = arith.constant 0 : i32
    return %c0_i32, %c0_i32_0, %c0_i32_1 : i32, i32, i32
  }
  func.func @transform_3(%arg0: i32, %arg1: i32) -> (i32, i32) {
    %c0_i32 = arith.constant 0 : i32
    %c0_i32_0 = arith.constant 0 : i32
    %c0_i32_1 = arith.constant 0 : i32
    return %c0_i32, %c0_i32_0 : i32, i32
  }
  func.func @transform_4(%arg0: i32, %arg1: i32) -> (i32, i32) {
    %c0_i32 = arith.constant 0 : i32
    %c0_i32_0 = arith.constant 0 : i32
    %c0_i32_1 = arith.constant 0 : i32
    return %c0_i32, %c0_i32_0 : i32, i32
  }
  func.func @transform_5(%arg0: i32, %arg1: i32) -> (i32, i32) {
    %c0_i32 = arith.constant 0 : i32
    %c0_i32_0 = arith.constant 0 : i32
    %c0_i32_1 = arith.constant 0 : i32
    return %c0_i32, %c0_i32_0 : i32, i32
  }
  func.func @transform_6(%arg0: i32, %arg1: i32) -> (i32, i32) {
    %mul3A = arith.constant 2 : i32
    %mul3A_0 = arith.muli %arg0, %mul3A : i32
    %add3A = arith.addi %mul3A_0, %arg1 : i32
    %c0_i32 = arith.constant 0 : i32
    %c0_i32_1 = arith.constant 0 : i32
    return %add3A, %c0_i32 : i32, i32
  }
}

module attributes {stable_mosaic.version = 14 : i64} {
  func.func @body(%arg0: i32, %arg1: memref<512x768xf32, #tpu.memory_space<vmem>>, %arg2: memref<768x3072xf32, #tpu.memory_space<vmem>>, %arg3: memref<1x3072xf32, #tpu.memory_space<vmem>>, %arg4: memref<3072x768xf32, #tpu.memory_space<vmem>>, %arg5: memref<1x768xf32, #tpu.memory_space<vmem>>, %arg6: memref<1x768xf32, #tpu.memory_space<vmem>>, %arg7: memref<1x768xf32, #tpu.memory_space<vmem>>, %arg8: memref<512x768xf32, #tpu.memory_space<vmem>>) attributes {dimension_semantics = [#tpu.dimension_semantics<arbitrary>], iteration_bounds = array<i64: 4>, scalar_prefetch = 0 : i64, scratch_operands = 0 : i64, tpu.core_type = #tpu.core_type<tc>, window_params = [{transform_indices = @transform_0, window_bounds = array<i64: 512, 768>}, {pipeline_mode = #tpu.pipeline_mode<synchronous>, transform_indices = @transform_1, window_bounds = array<i64: 768, 3072>}, {pipeline_mode = #tpu.pipeline_mode<synchronous>, transform_indices = @transform_2, window_bounds = array<i64: 1, 3072>}, {pipeline_mode = #tpu.pipeline_mode<synchronous>, transform_indices = @transform_3, window_bounds = array<i64: 3072, 768>}, {pipeline_mode = #tpu.pipeline_mode<synchronous>, transform_indices = @transform_4, window_bounds = array<i64: 1, 768>}, {pipeline_mode = #tpu.pipeline_mode<synchronous>, transform_indices = @transform_5, window_bounds = array<i64: 1, 768>}, {pipeline_mode = #tpu.pipeline_mode<synchronous>, transform_indices = @transform_6, window_bounds = array<i64: 1, 768>}, {transform_indices = @transform_7, window_bounds = array<i64: 512, 768>}]} {
    %get3A = arith.constant 0 : index
    %get3A_0 = arith.constant 0 : index
    %get3A_1 = vector.load %arg1[%get3A, %get3A_0] : memref<512x768xf32, #tpu.memory_space<vmem>>, vector<512x768xf32>
    %get3A_2 = arith.constant 0 : index
    %get3A_3 = arith.constant 0 : index
    %get3A_4 = vector.load %arg2[%get3A_2, %get3A_3] : memref<768x3072xf32, #tpu.memory_space<vmem>>, vector<768x3072xf32>
    %dot_general3A = arith.constant dense<0.000000e+00> : vector<512x3072xf32>
    %dot_general3A_5 = tpu.matmul %get3A_1, %get3A_4, %dot_general3A {dimension_numbers = #tpu.dot_dimension_numbers<[1], [0], [0], [1], [0, 0, 1, 1], [], []>, transpose_lhs_hint = false} : vector<512x768xf32>, vector<768x3072xf32>, vector<512x3072xf32> -> vector<512x3072xf32>
    %get3A_6 = arith.constant 0 : index
    %get3A_7 = arith.constant 0 : index
    %get3A_8 = vector.load %arg3[%get3A_6, %get3A_7] : memref<1x3072xf32, #tpu.memory_space<vmem>>, vector<1x3072xf32>
    %add3A = vector.broadcast %get3A_8 : vector<1x3072xf32> to vector<512x3072xf32>
    %add3A_9 = arith.addf %dot_general3A_5, %add3A : vector<512x3072xf32>
    %mul3A = arith.constant 5.000000e-01 : f32
    %mul3A_10 = vector.broadcast %mul3A : f32 to vector<512x3072xf32>
    %mul3A_11 = arith.mulf %mul3A_10, %add3A_9 : vector<512x3072xf32>
    %mul3A_12 = arith.constant 0.707106769 : f32
    %mul3A_13 = vector.broadcast %mul3A_12 : f32 to vector<512x3072xf32>
    %mul3A_14 = arith.mulf %add3A_9, %mul3A_13 : vector<512x3072xf32>
    %erf3A = math.erf %mul3A_14 : vector<512x3072xf32>
    %add3A_15 = arith.constant 1.000000e+00 : f32
    %add3A_16 = vector.broadcast %add3A_15 : f32 to vector<512x3072xf32>
    %add3A_17 = arith.addf %add3A_16, %erf3A : vector<512x3072xf32>
    %mul3A_18 = arith.mulf %mul3A_11, %add3A_17 : vector<512x3072xf32>
    %get3A_19 = arith.constant 0 : index
    %get3A_20 = arith.constant 0 : index
    %get3A_21 = vector.load %arg4[%get3A_19, %get3A_20] : memref<3072x768xf32, #tpu.memory_space<vmem>>, vector<3072x768xf32>
    %dot_general3A_22 = arith.constant dense<0.000000e+00> : vector<512x768xf32>
    %dot_general3A_23 = tpu.matmul %mul3A_18, %get3A_21, %dot_general3A_22 {dimension_numbers = #tpu.dot_dimension_numbers<[1], [0], [0], [1], [0, 0, 1, 1], [], []>, transpose_lhs_hint = false} : vector<512x3072xf32>, vector<3072x768xf32>, vector<512x768xf32> -> vector<512x768xf32>
    %get3A_24 = arith.constant 0 : index
    %get3A_25 = arith.constant 0 : index
    %get3A_26 = vector.load %arg5[%get3A_24, %get3A_25] : memref<1x768xf32, #tpu.memory_space<vmem>>, vector<1x768xf32>
    %add3A_27 = vector.broadcast %get3A_26 : vector<1x768xf32> to vector<512x768xf32>
    %add3A_28 = arith.addf %dot_general3A_23, %add3A_27 : vector<512x768xf32>
    %add3A_29 = arith.addf %add3A_28, %get3A_1 : vector<512x768xf32>
    %get3A_30 = arith.constant 0 : index
    %get3A_31 = arith.constant 0 : index
    %get3A_32 = vector.load %arg6[%get3A_30, %get3A_31] : memref<1x768xf32, #tpu.memory_space<vmem>>, vector<1x768xf32>
    %get3A_33 = arith.constant 0 : index
    %get3A_34 = arith.constant 0 : index
    %get3A_35 = vector.load %arg7[%get3A_33, %get3A_34] : memref<1x768xf32, #tpu.memory_space<vmem>>, vector<1x768xf32>
    %reduce_sum3A = arith.constant dense<0.000000e+00> : vector<512xf32>
    %reduce_sum3A_36 = vector.multi_reduction <add>, %add3A_29, %reduce_sum3A [1] : vector<512x768xf32> to vector<512xf32>
    %broadcast_in_dim3A = vector.shape_cast %reduce_sum3A_36 : vector<512xf32> to vector<512x1xf32>
    %div3A = arith.constant 7.680000e+02 : f32
    %div3A_37 = vector.broadcast %div3A : f32 to vector<512x1xf32>
    %div3A_38 = arith.divf %broadcast_in_dim3A, %div3A_37 : vector<512x1xf32>
    %sub3A = vector.broadcast %div3A_38 : vector<512x1xf32> to vector<512x768xf32>
    %sub3A_39 = arith.subf %add3A_29, %sub3A : vector<512x768xf32>
    %mul3A_40 = arith.mulf %sub3A_39, %sub3A_39 : vector<512x768xf32>
    %reduce_sum3A_41 = arith.constant dense<0.000000e+00> : vector<512xf32>
    %reduce_sum3A_42 = vector.multi_reduction <add>, %mul3A_40, %reduce_sum3A_41 [1] : vector<512x768xf32> to vector<512xf32>
    %broadcast_in_dim3A_43 = vector.shape_cast %reduce_sum3A_42 : vector<512xf32> to vector<512x1xf32>
    %div3A_44 = arith.constant 7.680000e+02 : f32
    %div3A_45 = vector.broadcast %div3A_44 : f32 to vector<512x1xf32>
    %div3A_46 = arith.divf %broadcast_in_dim3A_43, %div3A_45 : vector<512x1xf32>
    %add3A_47 = arith.constant 9.99999974E-6 : f32
    %add3A_48 = vector.broadcast %add3A_47 : f32 to vector<512x1xf32>
    %add3A_49 = arith.addf %div3A_46, %add3A_48 : vector<512x1xf32>
    %sqrt3A = math.sqrt %add3A_49 : vector<512x1xf32>
    %div3A_50 = vector.broadcast %sqrt3A : vector<512x1xf32> to vector<512x768xf32>
    %div3A_51 = arith.divf %sub3A_39, %div3A_50 : vector<512x768xf32>
    %mul3A_52 = vector.broadcast %get3A_32 : vector<1x768xf32> to vector<512x768xf32>
    %mul3A_53 = arith.mulf %div3A_51, %mul3A_52 : vector<512x768xf32>
    %add3A_54 = vector.broadcast %get3A_35 : vector<1x768xf32> to vector<512x768xf32>
    %add3A_55 = arith.addf %mul3A_53, %add3A_54 : vector<512x768xf32>
    %swap3A = arith.constant 0 : index
    %swap3A_56 = arith.constant 0 : index
    %swap3A_57 = vector.load %arg8[%swap3A, %swap3A_56] : memref<512x768xf32, #tpu.memory_space<vmem>>, vector<512x768xf32>
    tpu.vector_store %arg8[%swap3A, %swap3A_56], %add3A_55 {strides = array<i32>} : memref<512x768xf32, #tpu.memory_space<vmem>>, vector<512x768xf32>,
    return
  }
  func.func @transform_0(%arg0: i32) -> (i32, i32) {
    %c0_i32 = arith.constant 0 : i32
    %c0_i32_0 = arith.constant 0 : i32
    return %arg0, %c0_i32 : i32, i32
  }
  func.func @transform_1(%arg0: i32) -> (i32, i32) {
    %c0_i32 = arith.constant 0 : i32
    %c0_i32_0 = arith.constant 0 : i32
    %c0_i32_1 = arith.constant 0 : i32
    return %c0_i32, %c0_i32_0 : i32, i32
  }
  func.func @transform_2(%arg0: i32) -> (i32, i32) {
    %c0_i32 = arith.constant 0 : i32
    %c0_i32_0 = arith.constant 0 : i32
    %c0_i32_1 = arith.constant 0 : i32
    return %c0_i32, %c0_i32_0 : i32, i32
  }
  func.func @transform_3(%arg0: i32) -> (i32, i32) {
    %c0_i32 = arith.constant 0 : i32
    %c0_i32_0 = arith.constant 0 : i32
    %c0_i32_1 = arith.constant 0 : i32
    return %c0_i32, %c0_i32_0 : i32, i32
  }
  func.func @transform_4(%arg0: i32) -> (i32, i32) {
    %c0_i32 = arith.constant 0 : i32
    %c0_i32_0 = arith.constant 0 : i32
    %c0_i32_1 = arith.constant 0 : i32
    return %c0_i32, %c0_i32_0 : i32, i32
  }
  func.func @transform_5(%arg0: i32) -> (i32, i32) {
    %c0_i32 = arith.constant 0 : i32
    %c0_i32_0 = arith.constant 0 : i32
    %c0_i32_1 = arith.constant 0 : i32
    return %c0_i32, %c0_i32_0 : i32, i32
  }
  func.func @transform_6(%arg0: i32) -> (i32, i32) {
    %c0_i32 = arith.constant 0 : i32
    %c0_i32_0 = arith.constant 0 : i32
    %c0_i32_1 = arith.constant 0 : i32
    return %c0_i32, %c0_i32_0 : i32, i32
  }
  func.func @transform_7(%arg0: i32) -> (i32, i32) {
    %c0_i32 = arith.constant 0 : i32
    %c0_i32_0 = arith.constant 0 : i32
    return %arg0, %c0_i32 : i32, i32
  }
}

module attributes {stable_mosaic.version = 14 : i64} {
  func.func @body(%arg0: memref<8x768xf32, #tpu.memory_space<vmem>>, %arg1: memref<768x2304xf32, #tpu.memory_space<vmem>>, %arg2: memref<768x2304xf32, #tpu.memory_space<vmem>>, %arg3: memref<1x2304xf32, #tpu.memory_space<vmem>>, %arg4: memref<1x2304xf32, #tpu.memory_space<vmem>>, %arg5: memref<100x8x768xf32, #tpu.memory_space<vmem>>) attributes {dimension_semantics = [], scalar_prefetch = 0 : i64, scratch_operands = 0 : i64, tpu.core_type = #tpu.core_type<tc>} {
    %get3A = arith.constant 0 : index
    %get3A_0 = arith.constant 0 : index
    %get3A_1 = vector.load %arg0[%get3A, %get3A_0] : memref<8x768xf32, #tpu.memory_space<vmem>>, vector<8x768xf32>
    %get3A_2 = arith.constant 0 : index
    %get3A_3 = arith.constant 0 : index
    %get3A_4 = vector.load %arg1[%get3A_2, %get3A_3] : memref<768x2304xf32, #tpu.memory_space<vmem>>, vector<768x2304xf32>
    %dot_general3A = arith.constant dense<0.000000e+00> : vector<8x2304xf32>
    %dot_general3A_5 = tpu.matmul %get3A_1, %get3A_4, %dot_general3A {dimension_numbers = #tpu.dot_dimension_numbers<[1], [0], [0], [1], [0, 0, 1, 1], [], []>, transpose_lhs_hint = false} : vector<8x768xf32>, vector<768x2304xf32>, vector<8x2304xf32> -> vector<8x2304xf32>
    %get3A_6 = arith.constant 0 : index
    %get3A_7 = arith.constant 0 : index
    %get3A_8 = vector.load %arg3[%get3A_6, %get3A_7] : memref<1x2304xf32, #tpu.memory_space<vmem>>, vector<1x2304xf32>
    %add3A = vector.broadcast %get3A_8 : vector<1x2304xf32> to vector<8x2304xf32>
    %add3A_9 = arith.addf %dot_general3A_5, %add3A : vector<8x2304xf32>
    %broadcast_in_dim3A = arith.constant 0.000000e+00 : f32
    %broadcast_in_dim3A_10 = vector.broadcast %broadcast_in_dim3A : f32 to vector<8x768xf32>
    %scan3A = arith.constant 0 : i32
    %scan3A_11 = arith.constant 100 : i32
    %scan3A_12 = arith.addi %scan3A, %scan3A_11 : i32
    %scan3A_13 = arith.constant 1 : i32
    %scan3A_14 = scf.for %scan3A_16 = %scan3A to %scan3A_12 step %scan3A_13 iter_args(%scan3A_17 = %broadcast_in_dim3A_10) -> (vector<8x768xf32>)  : i32 {
      %get3A_18 = arith.constant 0 : index
      %get3A_19 = arith.constant 0 : index
      %get3A_20 = vector.load %arg2[%get3A_18, %get3A_19] : memref<768x2304xf32, #tpu.memory_space<vmem>>, vector<768x2304xf32>
      %dot_general3A_21 = arith.constant dense<0.000000e+00> : vector<8x2304xf32>
      %dot_general3A_22 = tpu.matmul %scan3A_17, %get3A_20, %dot_general3A_21 {dimension_numbers = #tpu.dot_dimension_numbers<[1], [0], [0], [1], [0, 0, 1, 1], [], []>, transpose_lhs_hint = false} : vector<8x768xf32>, vector<768x2304xf32>, vector<8x2304xf32> -> vector<8x2304xf32>
      %get3A_23 = arith.constant 0 : index
      %get3A_24 = arith.constant 0 : index
      %get3A_25 = vector.load %arg4[%get3A_23, %get3A_24] : memref<1x2304xf32, #tpu.memory_space<vmem>>, vector<1x2304xf32>
      %add3A_26 = vector.broadcast %get3A_25 : vector<1x2304xf32> to vector<8x2304xf32>
      %add3A_27 = arith.addf %dot_general3A_22, %add3A_26 : vector<8x2304xf32>
      %slice3A = vector.extract_strided_slice %add3A_9 {offsets = [0, 0], sizes = [8, 768], strides = [1, 1]} : vector<8x2304xf32> to vector<8x768xf32>
      %slice3A_28 = vector.extract_strided_slice %add3A_27 {offsets = [0, 0], sizes = [8, 768], strides = [1, 1]} : vector<8x2304xf32> to vector<8x768xf32>
      %add3A_29 = arith.addf %slice3A, %slice3A_28 : vector<8x768xf32>
      %logistic3A = arith.negf %add3A_29 : vector<8x768xf32>
      %logistic3A_30 = math.exp %logistic3A : vector<8x768xf32>
      %logistic3A_31 = arith.constant 1.000000e+00 : f32
      %logistic3A_32 = vector.broadcast %logistic3A_31 : f32 to vector<8x768xf32>
      %logistic3A_33 = arith.addf %logistic3A_32, %logistic3A_30 : vector<8x768xf32>
      %logistic3A_34 = arith.divf %logistic3A_32, %logistic3A_33 : vector<8x768xf32>
      %slice3A_35 = vector.extract_strided_slice %add3A_9 {offsets = [0, 768], sizes = [8, 768], strides = [1, 1]} : vector<8x2304xf32> to vector<8x768xf32>
      %slice3A_36 = vector.extract_strided_slice %add3A_27 {offsets = [0, 768], sizes = [8, 768], strides = [1, 1]} : vector<8x2304xf32> to vector<8x768xf32>
      %add3A_37 = arith.addf %slice3A_35, %slice3A_36 : vector<8x768xf32>
      %logistic3A_38 = arith.negf %add3A_37 : vector<8x768xf32>
      %logistic3A_39 = math.exp %logistic3A_38 : vector<8x768xf32>
      %logistic3A_40 = arith.constant 1.000000e+00 : f32
      %logistic3A_41 = vector.broadcast %logistic3A_40 : f32 to vector<8x768xf32>
      %logistic3A_42 = arith.addf %logistic3A_41, %logistic3A_39 : vector<8x768xf32>
      %logistic3A_43 = arith.divf %logistic3A_41, %logistic3A_42 : vector<8x768xf32>
      %slice3A_44 = vector.extract_strided_slice %add3A_9 {offsets = [0, 1536], sizes = [8, 768], strides = [1, 1]} : vector<8x2304xf32> to vector<8x768xf32>
      %slice3A_45 = vector.extract_strided_slice %add3A_27 {offsets = [0, 1536], sizes = [8, 768], strides = [1, 1]} : vector<8x2304xf32> to vector<8x768xf32>
      %mul3A = arith.mulf %logistic3A_34, %slice3A_45 : vector<8x768xf32>
      %add3A_46 = arith.addf %slice3A_44, %mul3A : vector<8x768xf32>
      %tanh3A = math.tanh %add3A_46 : vector<8x768xf32>
      %sub3A = arith.constant 1.000000e+00 : f32
      %sub3A_47 = vector.broadcast %sub3A : f32 to vector<8x768xf32>
      %sub3A_48 = arith.subf %sub3A_47, %logistic3A_43 : vector<8x768xf32>
      %mul3A_49 = arith.mulf %sub3A_48, %tanh3A : vector<8x768xf32>
      %mul3A_50 = arith.mulf %logistic3A_43, %scan3A_17 : vector<8x768xf32>
      %add3A_51 = arith.addf %mul3A_49, %mul3A_50 : vector<8x768xf32>
      %broadcast_in_dim3A_52 = vector.shape_cast %add3A_51 : vector<8x768xf32> to vector<1x8x768xf32>
      %swap3A = arith.index_cast %scan3A_16 : i32 to index
      %swap3A_53 = arith.constant 0 : index
      %swap3A_54 = arith.constant 0 : index
      %swap3A_55 = vector.load %arg5[%swap3A, %swap3A_53, %swap3A_54] : memref<100x8x768xf32, #tpu.memory_space<vmem>>, vector<1x8x768xf32>
      tpu.vector_store %arg5[%swap3A, %swap3A_53, %swap3A_54], %broadcast_in_dim3A_52 {strides = array<i32>} : memref<100x8x768xf32, #tpu.memory_space<vmem>>, vector<1x8x768xf32>,
      scf.yield %add3A_51 : vector<8x768xf32>
    }
    %scan3A_15 = arith.constant 100 : i32
    return
  }
}

module attributes {stable_mosaic.version = 14 : i64} {
  func.func @body(%arg0: memref<800x768xf32, #tpu.memory_space<vmem>>, %arg1: memref<768x1xf32, #tpu.memory_space<vmem>>, %arg2: memref<1x1xf32, #tpu.memory_space<vmem>>, %arg3: memref<800x1xf32, #tpu.memory_space<vmem>>) attributes {dimension_semantics = [], scalar_prefetch = 0 : i64, scratch_operands = 0 : i64, tpu.core_type = #tpu.core_type<tc>} {
    %get3A = arith.constant 0 : index
    %get3A_0 = arith.constant 0 : index
    %get3A_1 = vector.load %arg0[%get3A, %get3A_0] : memref<800x768xf32, #tpu.memory_space<vmem>>, vector<800x768xf32>
    %get3A_2 = arith.constant 0 : index
    %get3A_3 = arith.constant 0 : index
    %get3A_4 = vector.load %arg1[%get3A_2, %get3A_3] : memref<768x1xf32, #tpu.memory_space<vmem>>, vector<768x1xf32>
    %dot_general3A = arith.constant dense<0.000000e+00> : vector<800x1xf32>
    %dot_general3A_5 = tpu.matmul %get3A_1, %get3A_4, %dot_general3A {dimension_numbers = #tpu.dot_dimension_numbers<[1], [0], [0], [1], [0, 0, 1, 1], [], []>, transpose_lhs_hint = false} : vector<800x768xf32>, vector<768x1xf32>, vector<800x1xf32> -> vector<800x1xf32>
    %get3A_6 = arith.constant 0 : index
    %get3A_7 = arith.constant 0 : index
    %get3A_8 = vector.load %arg2[%get3A_6, %get3A_7] : memref<1x1xf32, #tpu.memory_space<vmem>>, vector<1x1xf32>
    %add3A = vector.broadcast %get3A_8 : vector<1x1xf32> to vector<800x1xf32>
    %add3A_9 = arith.addf %dot_general3A_5, %add3A : vector<800x1xf32>
    %logistic3A = arith.negf %add3A_9 : vector<800x1xf32>
    %logistic3A_10 = math.exp %logistic3A : vector<800x1xf32>
    %logistic3A_11 = arith.constant 1.000000e+00 : f32
    %logistic3A_12 = vector.broadcast %logistic3A_11 : f32 to vector<800x1xf32>
    %logistic3A_13 = arith.addf %logistic3A_12, %logistic3A_10 : vector<800x1xf32>
    %logistic3A_14 = arith.divf %logistic3A_12, %logistic3A_13 : vector<800x1xf32>
    %swap3A = arith.constant 0 : index
    %swap3A_15 = arith.constant 0 : index
    %swap3A_16 = vector.load %arg3[%swap3A, %swap3A_15] : memref<800x1xf32, #tpu.memory_space<vmem>>, vector<800x1xf32>
    tpu.vector_store %arg3[%swap3A, %swap3A_15], %logistic3A_14 {strides = array<i32>} : memref<800x1xf32, #tpu.memory_space<vmem>>, vector<800x1xf32>,
    return
  }
}

</mosaic_0001>

<sc_bundles>
// kernel: kernel.22.cloned.1.call-start
scs
__scs_entry_jumppad:
0x0: {  	(pc) =	sbr.rel $0x88, $3  }
0x1: {  	(tag) =	ssettag $0x0;
	lr =	simm.s32 $0x1  }
0x2: {  	[smem:$0x3F74] =	sst lr;
	_ =	strace $0xD0000000  }
0x3: {  	_ = 	snop  }
0x4: {  	_ = 	snop  }
0x5: {  	_ = 	snop  }
0x6: {  	_ = 	snop  }
0x7: {  	_ = 	snop  }
__scs_overlays_trampoline_lowered:
0x8: {  	[smem:$0x3F83] =	sst s0  }
0x9: {  	[smem:$0x3F84] =	sst s1  }
0xa: {  	[smem:$0x3F85] =	sst s2  }
0xb: {  	[smem:$0x3F86] =	sst s3  }
0xc: {  	[smem:$0x3F87] =	sst s4  }
0xd: {  	[smem:$0x3F88] =	sst s5  }
0xe: {  	[smem:$0x3F89] =	sst s6  }
0xf: {  	[smem:$0x3F8A] =	sst s7  }
0x10: {  	[smem:$0x3F8B] =	sst s8  }
0x11: {  	[smem:$0x3F8C] =	sst s9;
	s0 =	simm.s32 @!p0 $0x0  }
0x12: {  	s1 =	sld [smem:$0x3F72];
	s0 =	simm.s32 @p0 $0x1  }
0x13: {  	[smem:$0x3F8D] =	sst s0;
	s0 =	simm.s32 @!p1 $0x0  }
0x14: {  	s2 =	sld [smem:$0x3F71];
	s0 =	simm.s32 @p1 $0x1  }
0x15: {  	[smem:$0x3F8E] =	sst s0;
	s0 =	simm.s32 @!p2 $0x0  }
0x16: {  	s3 =	sld [smem:$0x3FDB];
	s0 =	simm.s32 @p2 $0x1  }
0x17: {  	s4 =	simm.s32 $0x1BF5;
	[smem:$0x3F90] =	sst s0  }
0x18: {  	s0 =	sld [smem:$0x3F73];
	_ =	swait.ge [sflag:s4], $0x0  }
0x19: {  	s7 =	sld [smem:$0x3F74]  }
0x1a: {  	s8 =	sadd.s32 $0xFFFFE003, lr  }
0x1b: {  	s9 =	sadd.s32 $0xFFFFFEF7, lr;
	s5 =	simm.s32 $0xFFFFFFFF;
	p2 =	slt.u32 s8, $0xFFFFF086  }
0x1c: {  	p1 =	slt.u32 s9, $0xF7A;
	s5 =	simm.s32 @!p2 $0x0  }
0x1d: {  	s5 =	simm.s32 @p1 $0x1;
	p0 =	seq.s32 s7, s2  }
0x1e: {  	s7 =	smul.u32 @!p0 $0xF7A, s2;
	p2 =	seq.s32 @!p0 s5, $0x0  }
0x1f: {  	s9 =	smul.u32 $0xF7A, s1;
	s8 =	simm.s32 @!p0 $0x1BF5;
	p2 =	por !p2, p0  }
0x20: {  	[sflag:s8] =	ssyncset.s32 @!p0 $0xFFFFF086;
	s6 =	sadd.s32 @!p0 s3, s7;
	s7 =	simm.s32 @!p0 $0x108  }
0x21: {  	s3 =	sadd.s32 s3, s9;
	s6 =	sadd.s32 @!p0 $0x88, s6;
	s7 =	simm.s32 @p2 $0x1082  }
0x22: {  	[simem:s7], [sflag:s8] =	dma.local @!p0 [hbm:s6], $0xF7A  }
0x23: {  	s9 =	sor.u32 $0xD0000000, s2;
	s6 =	simm.s32 $0x108;
	_ =	swait.ge @!p0 [sflag:s8], $0x0  }
0x24: {  	s3 =	sadd.s32 $0x88, s3;
	s6 =	simm.s32 @!p1 $0x1082;
	[sflag:s4] =	ssyncset.s32 $0xFFFFF086  }
0x25: {  	[simem:s6], [sflag:s4] =	dma.local [hbm:s3], $0xF7A  }
0x26: {  	[smem:$0x3F74] =	sst s1;
	(tag) =	ssettag s2;
	_ =	strace s9  }
0x27: {  	s1 =	sld [smem:$0x3F84]  }
0x28: {  	s2 =	sld [smem:$0x3F85]  }
0x29: {  	s4 =	sld [smem:$0x3F87]  }
0x2a: {  	p0 =	seq.s32 s5, $0x0;
	s5 =	sld [smem:$0x3F88]  }
0x2b: {  	s6 =	sld [smem:$0x3F89]  }
0x2c: {  	s7 =	sld [smem:$0x3F8A]  }
0x2d: {  	s3 =	simm.s32 $0x108;
	s8 =	sld [smem:$0x3F8B]  }
0x2e: {  	s3 =	simm.s32 @!p0 $0x1082;
	s9 =	sld [smem:$0x3F8C]  }
0x2f: {  	lr =	sadd.s32 s0, s3;
	s0 =	sld [smem:$0x3F83]  }
0x30: {  	s3 =	sld [smem:$0x3F86]  }
0x31: {  	[smem:$0x3F8F] =	sst s10  }
0x32: {  	s10 =	sld [smem:$0x3F8D];
	_ =	sdelay $0x3  }
0x33: {  	p0 =	seq.s32 s10, $0x1;
	s10 =	sld [smem:$0x3F8F];
	_ =	sdelay $0x3  }
0x34: {  	[smem:$0x3F8F] =	sst s10  }
0x35: {  	s10 =	sld [smem:$0x3F8E];
	_ =	sdelay $0x3  }
0x36: {  	p1 =	seq.s32 s10, $0x1;
	s10 =	sld [smem:$0x3F8F];
	_ =	sdelay $0x3  }
0x37: {  	[smem:$0x3F8F] =	sst s10  }
0x38: {  	s10 =	sld [smem:$0x3F90]  }
0x39: {  	_ = 	snop;
	(pc) =	sbr.ind lr, $3  }
0x3a: {  	_ = 	snop  }
0x3b: {  	_ = 	snop  }
0x3c: {  	p2 =	seq.s32 s10, $0x1;
	s10 =	sld [smem:$0x3F8F]  }
0x3d: {  	_ =	shalt  }
0x3e: {  	_ =	shalt  }
0x3f: {  	_ =	shalt  }
0x40: {  	_ =	shalt  }
0x41: {  	_ =	shalt  }
0x42: {  	_ =	shalt  }
0x43: {  	_ =	shalt  }
0x44: {  	_ =	shalt  }
0x45: {  	_ =	shalt  }
0x46: {  	_ =	shalt  }
0x47: {  	_ =	shalt  }
0x48: {  	_ =	shalt  }
0x49: {  	_ =	shalt  }
0x4a: {  	_ =	shalt  }
0x4b: {  	_ =	shalt  }
0x4c: {  	_ =	shalt  }
0x4d: {  	_ =	shalt  }
0x4e: {  	_ =	shalt  }
0x4f: {  	_ =	shalt  }
0x50: {  	_ =	shalt  }
0x51: {  	_ =	shalt  }
0x52: {  	_ =	shalt  }
0x53: {  	_ =	shalt  }
0x54: {  	_ =	shalt  }
0x55: {  	_ =	shalt  }
0x56: {  	_ =	shalt  }
0x57: {  	_ =	shalt  }
0x58: {  	_ =	shalt  }
0x59: {  	_ =	shalt  }
0x5a: {  	_ =	shalt  }
0x5b: {  	_ =	shalt  }
0x5c: {  	_ =	shalt  }
0x5d: {  	_ =	shalt  }
0x5e: {  	_ =	shalt  }
0x5f: {  	_ =	shalt  }
0x60: {  	_ =	shalt  }
0x61: {  	_ =	shalt  }
0x62: {  	_ =	shalt  }
0x63: {  	_ =	shalt  }
0x64: {  	_ =	shalt  }
0x65: {  	_ =	shalt  }
0x66: {  	_ =	shalt  }
0x67: {  	_ =	shalt  }
0x68: {  	_ =	shalt  }
0x69: {  	_ =	shalt  }
0x6a: {  	_ =	shalt  }
0x6b: {  	_ =	shalt  }
0x6c: {  	_ =	shalt  }
0x6d: {  	_ =	shalt  }
0x6e: {  	_ =	shalt  }
0x6f: {  	_ =	shalt  }
0x70: {  	_ =	shalt  }
0x71: {  	_ =	shalt  }
0x72: {  	_ =	shalt  }
0x73: {  	_ =	shalt  }
0x74: {  	_ =	shalt  }
0x75: {  	_ =	shalt  }
0x76: {  	_ =	shalt  }
0x77: {  	_ =	shalt  }
0x78: {  	_ =	shalt  }
0x79: {  	_ =	shalt  }
0x7a: {  	_ =	shalt  }
0x7b: {  	_ =	shalt  }
0x7c: {  	_ =	shalt  }
0x7d: {  	_ =	shalt  }
0x7e: {  	_ =	shalt  }
0x7f: {  	_ =	shalt  }
0x80: {  	_ =	shalt  }
0x81: {  	_ =	shalt  }
0x82: {  	_ =	shalt  }
0x83: {  	_ =	shalt  }
0x84: {  	_ =	shalt  }
0x85: {  	_ =	shalt  }
0x86: {  	_ =	shalt  }
0x87: {  	_ =	shalt  }
.Lfunc_end0:
.L_simem_size_0:
called_computation_lowered:
.L_overlay_start_0:
0x88: {  	s2 =	sld [smem:$0x3FD9]  }
0x89: {  	s3 =	sld [smem:$0x3FFE];
	_ =	sdelay $0x1  }
0x8a: {  	s1 =	srdreg.scid  }
0x8b: {  	s0 =	sand.u32 $0x1, s1  }
0x8c: {  	s16 =	sshll.u32 s0, $0xA;
	s2 =	sadd.s32 s3, s2  }
0x8d: {  	s2 =	sadd.s32 s2, s16  }
0x8e: {  	[smem:$0x3F9B] =	sst s2  }
0x8f: {  	_ = 	snop  }
0x90: {  	(tm) =	ssettm $0x1  }
0x91: {  	s17 =	sld [smem:$0x3FFB];
	_ =	sdelay $0x3  }
0x92: {  	_ =	strace s17  }
0x93: {  	s2 =	sld [smem:$0x3FFC];
	_ =	sdelay $0x3  }
0x94: {  	_ =	strace s2  }
0x95: {  	s2 =	sld [smem:$0x3FFD];
	_ =	sdelay $0x3  }
0x96: {  	_ =	strace s2  }
0x97: {  	_ =	strace $0x8FFFFFFF  }
0x98: {  	s18 =	sld [smem:$0x3FDB];
	_ =	sdelay $0x1  }
0x99: {  	s19 =	simm.s32 $_scs_section_size  }
0x9a: {  	s4 =	simm.s32 $_size__tile_overlayer_lowered;
	s5 =	simm.s32 $_tile_overlayer_lowered  }
0x9b: {  	s22 =	simm.s32 $0x1BFF;
	s21 =	sshll.u32 s5, $0x1;
	s2 =	sadd.s32 s19, s18  }
0x9c: {  	s6 =	simm.s32 $0x0;
	s20 =	sshll.u32 s4, $0x1;
	s4 =	sadd.s32 s21, s2  }
0x9d: {  	[timem:s6], [sflag:s22] =	dma.local [hbm:s4], s20  }
0x9e: {  	_ =	swait.ge [sflag:s22], s20  }
0x9f: {  	s3 =	ssub.s32 $0x0, s20;
	[sflag:s22] =	ssyncset.done $0x0  }
0xa0: {  	[sflag:s22] =	ssyncadd.s32 s3;
	_ =	sdelay $0x1  }
0xa1: {  	s23 =	simm.s32 $0x1B8B  }
0xa2: {  	_ =	swait.ge [sflag:s23], $0x1  }
0xa3: {  	[sflag:s23] =	ssyncset.done $0x0  }
0xa4: {  	s25 =	simm.s32 $0x1B8E;
	s24 =	sld [smem:$0x3FFE];
	[sflag:s23] =	ssyncadd.s32 $0xFFFFFFFF  }
0xa5: {  	s26 =	simm.s32 $execute0_lowered;
	[smem:$0x3FD2] =	sst s25  }
0xa6: {  	s4 =	sshll.u32 s26, $0x1;
	_ =	strace $0x80000046;
	[dreg:$0x1] =	wrdreg $0xFFFFFFFF  }
0xa7: {  	s28 =	simm.s32 $_size_execute0_lowered;
	s2 =	sadd.s32 s2, s4;
	[dreg:$0x0] =	wrdreg $0x0  }
0xa8: {  	s4 =	sshll.u32 s28, $0x1;
	[dreg:$0x2] =	wrdreg s2  }
0xa9: {  	[dreg:$0x3] =	wrdreg s4  }
0xaa: {  	[dreg:$0x4] =	wrdreg $0xC0  }
0xab: {  	_ =	task [dreg:s6], $0x5FFFF  }
0xac: {  	[dreg:$0x1] =	wrdreg $0xFFFFFFFF  }
0xad: {  	[dreg:$0x0] =	wrdreg $0x60  }
0xae: {  	[dreg:$0x2] =	wrdreg s24  }
0xaf: {  	[dreg:$0x3] =	wrdreg $0x9  }
0xb0: {  	_ =	task.clear_ibuf [dreg:s6], $0x4FFFF;
	_ =	strace $0x90000046  }
0xb1: {  	s29 =	simm.s32 $0x9;
	_ =	strace $0x80000048  }
0xb2: {  	_ =	swait.ge [sflag:s29], $0x1  }
0xb3: {  	[sflag:s29] =	ssyncadd.s32 $0xFFFFFFFF  }
0xb4: {  	_ =	strace $0x90000048  }
0xb5: {  	_ =	sfence  }
0xb6: {  	s30 =	sld [smem:$0x0];
	_ =	sdelay $0x2  }
0xb7: {  	s31 =	sshll.u32 s1, $0xD;
	s1 =	sshrl.u32 s1, $0x2  }
0xb8: {  	s3 =	sand.u32 $0x4000, s31;
	s1 =	sadd.s32 s1, s30  }
0xb9: {  	s0 =	sor.u32 s3, s0;
	s1 =	sshll.u32 s1, $0x11  }
0xba: {  	s0 =	sor.u32 s1, s0  }
0xbb: {  	s0 =	sadd.s32 $0x8F2B, s0  }
0xbc: {  	[sflag:s0] =	ssyncadd.remote.s32 $0x1  }
0xbd: {  	_ =	sfence.sel $0xFFFF  }
0xbe: {  	[dreg:$0x0] =	wrdreg $0xFFFFFFFF;
	(pc) =	sbr.abs _section_cstart, $3  }
0xbf: {  	[dreg:$0x1] =	wrdreg $0xFFFFFFFF  }
0xc0: {  	_ =	task.clear_ibuf [dreg:s6], $0x2FFFF;
	_ =	strace $0x9FFFFFFF  }
0xc1: {  	(tm) =	ssettm $0x7FFFFFFF  }
tec
execute0_lowered:
.L_overlay_start_1:
0x0: {  	(tag) =	ssettag $0x1  }
0x1: {  	s1 =	stileid.u32  }
0x2: {  	p0 =	sgt.u32 s1, $0xB  }
.Ltmp0:
0x3: {  	_ = 	snop;
	(pc) =	sbr.rel @p0 .LBB2_4-.Ltmp0, $4  }
0x4: {  	_ = 	snop  }
0x5: {  	s9 =	rddreg [dreg:$0x0];
	s2 =	simm.s32 $0x0  }
0x6: {  	[smem:$0x7FF] =	sst s2  }
0x7: {  	s0 =	rddreg [dreg:$0x1];
	_ =	strace $0x80000047  }
0x8: {  	s3 =	srdreg.scid;
	s29 =	sshll.u32 s1, $0x1  }
0x9: {  	s4 =	sadd.s32 $0x2A8E00, s9;
	s8 =	simm.s32 $0x1;
	s6 =	sand.u32 $0x1, s3  }
0xa: {  	s10 =	sor.u32 s6, s29;
	s11 =	ssub.s32 $0x2, s6;
	s6 =	simm.s32 $0x20  }
0xb: {  	s3 =	sshll.u32 s10, $0xF;
	s5 =	sshll.u32 s10, $0x2;
	s10 =	sshll.u32 s10, $0x9  }
0xc: {  	s7 =	sadd.s32 s3, s9;
	s4 =	sadd.s32 s4, s5;
	s3 =	simm.s32 $0x2  }
0xd: {  	[tilespmem:s2], [sflag:$0x2] =	stream.linear.gather [hbm4b:s4+s2], $0x20, $0x38;
	[tilespmem:$0x1080] =	vst v63  }
0xe: {  	s12 =	sshrl.u32 s11, $0x1;
	s30 =	sadd.s32 s10, s9;
	_ =	swait.ge [sflag:s3], $0x20  }
0xf: {  	s31 =	ssub.s32 s11, s12;
	s5 =	sadd.s32 $0x68E00, s7;
	[sflag:s3] =	ssyncset.done $0x0  }
0x10: {  	s7 =	simm.s32 $0x80;
	s10 =	smax.u32 s31, $0x1;
	[sflag:s3] =	ssyncadd.s32 $0xFFFFFFE0  }
0x11: {  	[tilespmem:s7], [sflag:$0x1] =	stream.indirect.gather [hbm4b:s5+s6], $0x80, s2, s6, $0xb8;
	[tilespmem:$0x1080] =	vst v63  }
0x12: {  	p0 =	sne.s32 s10, $0x1;
	_ =	swait.ge [sflag:s8], $0x1000  }
.Ltmp1:
0x13: {  	[sflag:s8] =	ssyncset.done $0x0;
	(pc) =	sbr.rel @!p0 .LBB2_3-.Ltmp1, $4  }
0x14: {  	s9 =	sadd.s32 $0x2A9000, s30;
	[sflag:s8] =	ssyncadd.s32 $0xFFFFF000  }
0x15: {  	[hbm4b:s9+s2] =	stream.linear.scatter [tilespmem:s7], [sflag:$0x2], $0x1000, $0x38;
	[tilespmem:$0x1080] =	vst v63  }
0x16: {  	_ =	swait.ge [sflag:s3], $0x1000  }
0x17: {  	s10 =	sadd.s32 $0xFFFFFFFF, s10;
	[sflag:s3] =	ssyncset.done $0x0  }
.LBB2_2:
0x18: {  	p0 =	sne.s32 s10, $0x1;
	s10 =	sadd.s32 $0xFFFFFFFF, s10;
	[sflag:s3] =	ssyncadd.s32 $0xFFFFF000  }
0x19: {  	[tilespmem:s2], [sflag:$0x2] =	stream.linear.gather [hbm4b:s4+s2], $0x20, $0x38;
	[tilespmem:$0x1080] =	vst v63  }
0x1a: {  	_ =	swait.ge [sflag:s3], $0x20  }
0x1b: {  	[sflag:s3] =	ssyncset.done $0x0  }
0x1c: {  	[sflag:s3] =	ssyncadd.s32 $0xFFFFFFE0  }
0x1d: {  	[tilespmem:s7], [sflag:$0x1] =	stream.indirect.gather [hbm4b:s5+s6], $0x80, s2, s6, $0xb8;
	[tilespmem:$0x1080] =	vst v63  }
0x1e: {  	_ =	swait.ge [sflag:s8], $0x1000  }
.Ltmp2:
0x1f: {  	[sflag:s8] =	ssyncset.done $0x0;
	(pc) =	sbr.rel @p0 .LBB2_2-.Ltmp2, $4  }
0x20: {  	[sflag:s8] =	ssyncadd.s32 $0xFFFFF000  }
0x21: {  	[hbm4b:s9+s2] =	stream.linear.scatter [tilespmem:s7], [sflag:$0x2], $0x1000, $0x38;
	[tilespmem:$0x1080] =	vst v63  }
0x22: {  	_ =	swait.ge [sflag:s3], $0x1000  }
0x23: {  	[sflag:s3] =	ssyncset.done $0x0  }
.LBB2_3:
0x24: {  	[sflag:s3] =	ssyncadd.s32 $0xFFFFF000  }
.LBB2_4:
0x25: {  	_ =	sfence.sel $0x180000  }
0x26: {  	[bflag:$0x0] =	sbarrier.arrive $0xFFFF  }
0x27: {  	p0 =	sne.s32 s1, $0x0;
	_ =	strace $0x90000047  }
0x28: {  	s0 =	sadd.s32 @!p0 $0x100000, s0;
	[bflag:$0x2] =	sbarrier.arrive $0xFFFF  }
0x29: {  	[sflag:s0] =	ssyncadd.tile.s32 @!p0 $0x1;
	_ =	shalt  }
.Lfunc_end2:
_tile_overlayer_lowered:
.L_overlay_start_2:
0x2a: {  	(tag) =	ssettag $0x2  }
0x2b: {  	s0 =	rddreg [dreg:$0x0];
	s2 =	stileid.u32  }
0x2c: {  	s1 =	rddreg [dreg:$0x1];
	p0 =	sne.s32 s2, $0x0  }
0x2d: {  	s3 =	rddreg [dreg:$0x2];
	[bflag:$0x3] =	sbarrier.arrive $0xFFFF;
	s2 =	simm.s32 @!p0 $0x1C02  }
0x2e: {  	[timem:s3], [sflag:s2] =	dma.local @!p0 [hbm:s0], s1  }
0x2f: {  	s0 =	simm.s32 @!p0 $0x2  }
0x30: {  	_ =	swait.ge @!p0 [sflag:s0], s1  }
0x31: {  	s1 =	ssub.s32 @!p0 $0x0, s1;
	[sflag:s0] =	ssyncset.done @!p0 $0x0  }
0x32: {  	[sflag:s0] =	ssyncadd.s32 @!p0 s1  }
0x33: {  	[bflag:$0x3] =	sbarrier.arrive $0xFFFF  }
0x34: {  	_ =	shalt  }

// kernel: kernel.25.cloned.1.call-start
scs
__scs_entry_jumppad:
0x0: {  	(pc) =	sbr.rel $0x88, $3  }
0x1: {  	(tag) =	ssettag $0x0;
	lr =	simm.s32 $0x1  }
0x2: {  	[smem:$0x3F74] =	sst lr;
	_ =	strace $0xD0000000  }
0x3: {  	_ = 	snop  }
0x4: {  	_ = 	snop  }
0x5: {  	_ = 	snop  }
0x6: {  	_ = 	snop  }
0x7: {  	_ = 	snop  }
__scs_overlays_trampoline_lowered:
0x8: {  	[smem:$0x3F83] =	sst s0  }
0x9: {  	[smem:$0x3F84] =	sst s1  }
0xa: {  	[smem:$0x3F85] =	sst s2  }
0xb: {  	[smem:$0x3F86] =	sst s3  }
0xc: {  	[smem:$0x3F87] =	sst s4  }
0xd: {  	[smem:$0x3F88] =	sst s5  }
0xe: {  	[smem:$0x3F89] =	sst s6  }
0xf: {  	[smem:$0x3F8A] =	sst s7  }
0x10: {  	[smem:$0x3F8B] =	sst s8  }
0x11: {  	[smem:$0x3F8C] =	sst s9;
	s0 =	simm.s32 @!p0 $0x0  }
0x12: {  	s1 =	sld [smem:$0x3F72];
	s0 =	simm.s32 @p0 $0x1  }
0x13: {  	[smem:$0x3F8D] =	sst s0;
	s0 =	simm.s32 @!p1 $0x0  }
0x14: {  	s2 =	sld [smem:$0x3F71];
	s0 =	simm.s32 @p1 $0x1  }
0x15: {  	[smem:$0x3F8E] =	sst s0;
	s0 =	simm.s32 @!p2 $0x0  }
0x16: {  	s3 =	sld [smem:$0x3FDB];
	s0 =	simm.s32 @p2 $0x1  }
0x17: {  	s4 =	simm.s32 $0x1BF5;
	[smem:$0x3F90] =	sst s0  }
0x18: {  	s0 =	sld [smem:$0x3F73];
	_ =	swait.ge [sflag:s4], $0x0  }
0x19: {  	s7 =	sld [smem:$0x3F74]  }
0x1a: {  	s8 =	sadd.s32 $0xFFFFE003, lr  }
0x1b: {  	s9 =	sadd.s32 $0xFFFFFEF7, lr;
	s5 =	simm.s32 $0xFFFFFFFF;
	p2 =	slt.u32 s8, $0xFFFFF086  }
0x1c: {  	p1 =	slt.u32 s9, $0xF7A;
	s5 =	simm.s32 @!p2 $0x0  }
0x1d: {  	s5 =	simm.s32 @p1 $0x1;
	p0 =	seq.s32 s7, s2  }
0x1e: {  	s7 =	smul.u32 @!p0 $0xF7A, s2;
	p2 =	seq.s32 @!p0 s5, $0x0  }
0x1f: {  	s9 =	smul.u32 $0xF7A, s1;
	s8 =	simm.s32 @!p0 $0x1BF5;
	p2 =	por !p2, p0  }
0x20: {  	[sflag:s8] =	ssyncset.s32 @!p0 $0xFFFFF086;
	s6 =	sadd.s32 @!p0 s3, s7;
	s7 =	simm.s32 @!p0 $0x108  }
0x21: {  	s3 =	sadd.s32 s3, s9;
	s6 =	sadd.s32 @!p0 $0x88, s6;
	s7 =	simm.s32 @p2 $0x1082  }
0x22: {  	[simem:s7], [sflag:s8] =	dma.local @!p0 [hbm:s6], $0xF7A  }
0x23: {  	s9 =	sor.u32 $0xD0000000, s2;
	s6 =	simm.s32 $0x108;
	_ =	swait.ge @!p0 [sflag:s8], $0x0  }
0x24: {  	s3 =	sadd.s32 $0x88, s3;
	s6 =	simm.s32 @!p1 $0x1082;
	[sflag:s4] =	ssyncset.s32 $0xFFFFF086  }
0x25: {  	[simem:s6], [sflag:s4] =	dma.local [hbm:s3], $0xF7A  }
0x26: {  	[smem:$0x3F74] =	sst s1;
	(tag) =	ssettag s2;
	_ =	strace s9  }
0x27: {  	s1 =	sld [smem:$0x3F84]  }
0x28: {  	s2 =	sld [smem:$0x3F85]  }
0x29: {  	s4 =	sld [smem:$0x3F87]  }
0x2a: {  	p0 =	seq.s32 s5, $0x0;
	s5 =	sld [smem:$0x3F88]  }
0x2b: {  	s6 =	sld [smem:$0x3F89]  }
0x2c: {  	s7 =	sld [smem:$0x3F8A]  }
0x2d: {  	s3 =	simm.s32 $0x108;
	s8 =	sld [smem:$0x3F8B]  }
0x2e: {  	s3 =	simm.s32 @!p0 $0x1082;
	s9 =	sld [smem:$0x3F8C]  }
0x2f: {  	lr =	sadd.s32 s0, s3;
	s0 =	sld [smem:$0x3F83]  }
0x30: {  	s3 =	sld [smem:$0x3F86]  }
0x31: {  	[smem:$0x3F8F] =	sst s10  }
0x32: {  	s10 =	sld [smem:$0x3F8D];
	_ =	sdelay $0x3  }
0x33: {  	p0 =	seq.s32 s10, $0x1;
	s10 =	sld [smem:$0x3F8F];
	_ =	sdelay $0x3  }
0x34: {  	[smem:$0x3F8F] =	sst s10  }
0x35: {  	s10 =	sld [smem:$0x3F8E];
	_ =	sdelay $0x3  }
0x36: {  	p1 =	seq.s32 s10, $0x1;
	s10 =	sld [smem:$0x3F8F];
	_ =	sdelay $0x3  }
0x37: {  	[smem:$0x3F8F] =	sst s10  }
0x38: {  	s10 =	sld [smem:$0x3F90]  }
0x39: {  	_ = 	snop;
	(pc) =	sbr.ind lr, $3  }
0x3a: {  	_ = 	snop  }
0x3b: {  	_ = 	snop  }
0x3c: {  	p2 =	seq.s32 s10, $0x1;
	s10 =	sld [smem:$0x3F8F]  }
0x3d: {  	_ =	shalt  }
0x3e: {  	_ =	shalt  }
0x3f: {  	_ =	shalt  }
0x40: {  	_ =	shalt  }
0x41: {  	_ =	shalt  }
0x42: {  	_ =	shalt  }
0x43: {  	_ =	shalt  }
0x44: {  	_ =	shalt  }
0x45: {  	_ =	shalt  }
0x46: {  	_ =	shalt  }
0x47: {  	_ =	shalt  }
0x48: {  	_ =	shalt  }
0x49: {  	_ =	shalt  }
0x4a: {  	_ =	shalt  }
0x4b: {  	_ =	shalt  }
0x4c: {  	_ =	shalt  }
0x4d: {  	_ =	shalt  }
0x4e: {  	_ =	shalt  }
0x4f: {  	_ =	shalt  }
0x50: {  	_ =	shalt  }
0x51: {  	_ =	shalt  }
0x52: {  	_ =	shalt  }
0x53: {  	_ =	shalt  }
0x54: {  	_ =	shalt  }
0x55: {  	_ =	shalt  }
0x56: {  	_ =	shalt  }
0x57: {  	_ =	shalt  }
0x58: {  	_ =	shalt  }
0x59: {  	_ =	shalt  }
0x5a: {  	_ =	shalt  }
0x5b: {  	_ =	shalt  }
0x5c: {  	_ =	shalt  }
0x5d: {  	_ =	shalt  }
0x5e: {  	_ =	shalt  }
0x5f: {  	_ =	shalt  }
0x60: {  	_ =	shalt  }
0x61: {  	_ =	shalt  }
0x62: {  	_ =	shalt  }
0x63: {  	_ =	shalt  }
0x64: {  	_ =	shalt  }
0x65: {  	_ =	shalt  }
0x66: {  	_ =	shalt  }
0x67: {  	_ =	shalt  }
0x68: {  	_ =	shalt  }
0x69: {  	_ =	shalt  }
0x6a: {  	_ =	shalt  }
0x6b: {  	_ =	shalt  }
0x6c: {  	_ =	shalt  }
0x6d: {  	_ =	shalt  }
0x6e: {  	_ =	shalt  }
0x6f: {  	_ =	shalt  }
0x70: {  	_ =	shalt  }
0x71: {  	_ =	shalt  }
0x72: {  	_ =	shalt  }
0x73: {  	_ =	shalt  }
0x74: {  	_ =	shalt  }
0x75: {  	_ =	shalt  }
0x76: {  	_ =	shalt  }
0x77: {  	_ =	shalt  }
0x78: {  	_ =	shalt  }
0x79: {  	_ =	shalt  }
0x7a: {  	_ =	shalt  }
0x7b: {  	_ =	shalt  }
0x7c: {  	_ =	shalt  }
0x7d: {  	_ =	shalt  }
0x7e: {  	_ =	shalt  }
0x7f: {  	_ =	shalt  }
0x80: {  	_ =	shalt  }
0x81: {  	_ =	shalt  }
0x82: {  	_ =	shalt  }
0x83: {  	_ =	shalt  }
0x84: {  	_ =	shalt  }
0x85: {  	_ =	shalt  }
0x86: {  	_ =	shalt  }
0x87: {  	_ =	shalt  }
.Lfunc_end0:
.L_simem_size_0:
called_computation.1_lowered:
.L_overlay_start_0:
0x88: {  	s2 =	sld [smem:$0x3FD9]  }
0x89: {  	s3 =	sld [smem:$0x3FFE];
	_ =	sdelay $0x1  }
0x8a: {  	s1 =	srdreg.scid  }
0x8b: {  	s0 =	sand.u32 $0x1, s1  }
0x8c: {  	s16 =	sshll.u32 s0, $0xA;
	s2 =	sadd.s32 s3, s2  }
0x8d: {  	s2 =	sadd.s32 s2, s16  }
0x8e: {  	[smem:$0x3F9B] =	sst s2  }
0x8f: {  	_ = 	snop  }
0x90: {  	(tm) =	ssettm $0x1  }
0x91: {  	s17 =	sld [smem:$0x3FFB];
	_ =	sdelay $0x3  }
0x92: {  	_ =	strace s17  }
0x93: {  	s2 =	sld [smem:$0x3FFC];
	_ =	sdelay $0x3  }
0x94: {  	_ =	strace s2  }
0x95: {  	s2 =	sld [smem:$0x3FFD];
	_ =	sdelay $0x3  }
0x96: {  	_ =	strace s2  }
0x97: {  	_ =	strace $0x8FFFFFFF  }
0x98: {  	s18 =	sld [smem:$0x3FDB];
	_ =	sdelay $0x1  }
0x99: {  	s19 =	simm.s32 $_scs_section_size  }
0x9a: {  	s4 =	simm.s32 $_size__tile_overlayer_lowered;
	s5 =	simm.s32 $_tile_overlayer_lowered  }
0x9b: {  	s22 =	simm.s32 $0x1BFF;
	s21 =	sshll.u32 s5, $0x1;
	s2 =	sadd.s32 s19, s18  }
0x9c: {  	s6 =	simm.s32 $0x0;
	s20 =	sshll.u32 s4, $0x1;
	s4 =	sadd.s32 s21, s2  }
0x9d: {  	[timem:s6], [sflag:s22] =	dma.local [hbm:s4], s20  }
0x9e: {  	_ =	swait.ge [sflag:s22], s20  }
0x9f: {  	s3 =	ssub.s32 $0x0, s20;
	[sflag:s22] =	ssyncset.done $0x0  }
0xa0: {  	[sflag:s22] =	ssyncadd.s32 s3;
	_ =	sdelay $0x1  }
0xa1: {  	s23 =	simm.s32 $0x1B8B  }
0xa2: {  	_ =	swait.ge [sflag:s23], $0x1  }
0xa3: {  	[sflag:s23] =	ssyncset.done $0x0  }
0xa4: {  	s25 =	simm.s32 $0x1B8E;
	s24 =	sld [smem:$0x3FFE];
	[sflag:s23] =	ssyncadd.s32 $0xFFFFFFFF  }
0xa5: {  	s26 =	simm.s32 $execute0_lowered;
	[smem:$0x3FD2] =	sst s25  }
0xa6: {  	s4 =	sshll.u32 s26, $0x1;
	_ =	strace $0x80000049;
	[dreg:$0x1] =	wrdreg $0xFFFFFFFF  }
0xa7: {  	s28 =	simm.s32 $_size_execute0_lowered;
	s2 =	sadd.s32 s2, s4;
	[dreg:$0x0] =	wrdreg $0x0  }
0xa8: {  	s4 =	sshll.u32 s28, $0x1;
	[dreg:$0x2] =	wrdreg s2  }
0xa9: {  	[dreg:$0x3] =	wrdreg s4  }
0xaa: {  	[dreg:$0x4] =	wrdreg $0xC0  }
0xab: {  	_ =	task [dreg:s6], $0x5FFFF  }
0xac: {  	[dreg:$0x1] =	wrdreg $0xFFFFFFFF  }
0xad: {  	[dreg:$0x0] =	wrdreg $0x60  }
0xae: {  	[dreg:$0x2] =	wrdreg s24  }
0xaf: {  	[dreg:$0x3] =	wrdreg $0x9  }
0xb0: {  	_ =	task.clear_ibuf [dreg:s6], $0x4FFFF;
	_ =	strace $0x90000049  }
0xb1: {  	s29 =	simm.s32 $0x9;
	_ =	strace $0x8000004B  }
0xb2: {  	_ =	swait.ge [sflag:s29], $0x1  }
0xb3: {  	[sflag:s29] =	ssyncadd.s32 $0xFFFFFFFF  }
0xb4: {  	_ =	strace $0x9000004B  }
0xb5: {  	_ =	sfence  }
0xb6: {  	s30 =	sld [smem:$0x0];
	_ =	sdelay $0x2  }
0xb7: {  	s31 =	sshll.u32 s1, $0xD;
	s1 =	sshrl.u32 s1, $0x2  }
0xb8: {  	s3 =	sand.u32 $0x4000, s31;
	s1 =	sadd.s32 s1, s30  }
0xb9: {  	s0 =	sor.u32 s3, s0;
	s1 =	sshll.u32 s1, $0x11  }
0xba: {  	s0 =	sor.u32 s1, s0  }
0xbb: {  	s0 =	sadd.s32 $0x8F2B, s0  }
0xbc: {  	[sflag:s0] =	ssyncadd.remote.s32 $0x1  }
0xbd: {  	_ =	sfence.sel $0xFFFF  }
0xbe: {  	[dreg:$0x0] =	wrdreg $0xFFFFFFFF;
	(pc) =	sbr.abs _section_cstart, $3  }
0xbf: {  	[dreg:$0x1] =	wrdreg $0xFFFFFFFF  }
0xc0: {  	_ =	task.clear_ibuf [dreg:s6], $0x2FFFF;
	_ =	strace $0x9FFFFFFF  }
0xc1: {  	(tm) =	ssettm $0x7FFFFFFF  }
tec
execute0_lowered:
.L_overlay_start_1:
0x0: {  	(tag) =	ssettag $0x1  }
0x1: {  	s1 =	stileid.u32  }
0x2: {  	p0 =	sgt.u32 s1, $0xB  }
.Ltmp0:
0x3: {  	_ = 	snop;
	(pc) =	sbr.rel @p0 .LBB2_4-.Ltmp0, $4  }
0x4: {  	_ = 	snop  }
0x5: {  	s23 =	rddreg [dreg:$0x0];
	s2 =	simm.s32 $0x0  }
0x6: {  	[smem:$0x7FF] =	sst s2  }
0x7: {  	s0 =	rddreg [dreg:$0x1];
	_ =	strace $0x8000004A  }
0x8: {  	s3 =	srdreg.scid  }
0x9: {  	s25 =	sshll.u32 s1, $0x1;
	s24 =	sand.u32 $0x1, s3  }
0xa: {  	s22 =	sor.u32 s24, s25  }
0xb: {  	s26 =	sadd.s32 $0x68E00, s23;
	s4 =	sshll.u32 s22, $0xB  }
0xc: {  	s5 =	simm.s32 $0x2;
	s3 =	sadd.s32 s26, s4;
	s4 =	simm.s32 $0x1080  }
0xd: {  	[tilespmem:s4], [sflag:$0x2] =	stream.linear.gather [hbm4b:s3+s2], $0x4000, $0x38;
	[tilespmem:$0x5080] =	vst v63  }
0xe: {  	s6 =	sshll.u32 s22, $0xF;
	_ =	swait.ge [sflag:s5], $0x4000  }
0xf: {  	s21 =	sadd.s32 s6, s23;
	[sflag:s5] =	ssyncset.done $0x0  }
0x10: {  	s6 =	sadd.s32 $0x77E00, s21;
	[sflag:s5] =	ssyncadd.s32 $0xFFFFC000  }
0x11: {  	[hbm4b:s6+s2] =	stream.linear.scatter [tilespmem:s4], [sflag:$0x2], $0x4000, $0x38;
	[tilespmem:$0x5080] =	vst v63  }
0x12: {  	_ =	swait.ge [sflag:s5], $0x4000  }
0x13: {  	[sflag:s5] =	ssyncset.done $0x0  }
0x14: {  	s7 =	sadd.s32 $0x78600, s21;
	[sflag:s5] =	ssyncadd.s32 $0xFFFFC000  }
0x15: {  	[hbm4b:s7+s2] =	stream.linear.scatter [tilespmem:s4], [sflag:$0x2], $0x4000, $0x38;
	[tilespmem:$0x5080] =	vst v63  }
0x16: {  	_ =	swait.ge [sflag:s5], $0x4000  }
0x17: {  	[sflag:s5] =	ssyncset.done $0x0  }
0x18: {  	s8 =	sadd.s32 $0x78E00, s21;
	[sflag:s5] =	ssyncadd.s32 $0xFFFFC000  }
0x19: {  	[hbm4b:s8+s2] =	stream.linear.scatter [tilespmem:s4], [sflag:$0x2], $0x4000, $0x38;
	[tilespmem:$0x5080] =	vst v63  }
0x1a: {  	_ =	swait.ge [sflag:s5], $0x4000  }
0x1b: {  	[sflag:s5] =	ssyncset.done $0x0  }
0x1c: {  	s9 =	sadd.s32 $0x79600, s21;
	[sflag:s5] =	ssyncadd.s32 $0xFFFFC000  }
0x1d: {  	[hbm4b:s9+s2] =	stream.linear.scatter [tilespmem:s4], [sflag:$0x2], $0x4000, $0x38;
	[tilespmem:$0x5080] =	vst v63  }
0x1e: {  	_ =	swait.ge [sflag:s5], $0x4000  }
0x1f: {  	[sflag:s5] =	ssyncset.done $0x0  }
0x20: {  	s10 =	sadd.s32 $0x79E00, s21;
	[sflag:s5] =	ssyncadd.s32 $0xFFFFC000  }
0x21: {  	[hbm4b:s10+s2] =	stream.linear.scatter [tilespmem:s4], [sflag:$0x2], $0x4000, $0x38;
	[tilespmem:$0x5080] =	vst v63  }
0x22: {  	_ =	swait.ge [sflag:s5], $0x4000  }
0x23: {  	[sflag:s5] =	ssyncset.done $0x0  }
0x24: {  	s11 =	sadd.s32 $0x7A600, s21;
	[sflag:s5] =	ssyncadd.s32 $0xFFFFC000  }
0x25: {  	[hbm4b:s11+s2] =	stream.linear.scatter [tilespmem:s4], [sflag:$0x2], $0x4000, $0x38;
	[tilespmem:$0x5080] =	vst v63  }
0x26: {  	_ =	swait.ge [sflag:s5], $0x4000  }
0x27: {  	[sflag:s5] =	ssyncset.done $0x0  }
0x28: {  	s12 =	sadd.s32 $0x7AE00, s21;
	[sflag:s5] =	ssyncadd.s32 $0xFFFFC000  }
0x29: {  	[hbm4b:s12+s2] =	stream.linear.scatter [tilespmem:s4], [sflag:$0x2], $0x4000, $0x38;
	[tilespmem:$0x5080] =	vst v63  }
0x2a: {  	_ =	swait.ge [sflag:s5], $0x4000  }
0x2b: {  	[sflag:s5] =	ssyncset.done $0x0  }
0x2c: {  	s13 =	sadd.s32 $0x7B600, s21;
	[sflag:s5] =	ssyncadd.s32 $0xFFFFC000  }
0x2d: {  	[hbm4b:s13+s2] =	stream.linear.scatter [tilespmem:s4], [sflag:$0x2], $0x4000, $0x38;
	[tilespmem:$0x5080] =	vst v63  }
0x2e: {  	_ =	swait.ge [sflag:s5], $0x4000  }
0x2f: {  	[sflag:s5] =	ssyncset.done $0x0  }
0x30: {  	s14 =	sadd.s32 $0x7BE00, s21;
	[sflag:s5] =	ssyncadd.s32 $0xFFFFC000  }
0x31: {  	[hbm4b:s14+s2] =	stream.linear.scatter [tilespmem:s4], [sflag:$0x2], $0x4000, $0x38;
	[tilespmem:$0x5080] =	vst v63  }
0x32: {  	_ =	swait.ge [sflag:s5], $0x4000  }
0x33: {  	[sflag:s5] =	ssyncset.done $0x0  }
0x34: {  	s15 =	sadd.s32 $0x7C600, s21;
	[sflag:s5] =	ssyncadd.s32 $0xFFFFC000  }
0x35: {  	[hbm4b:s15+s2] =	stream.linear.scatter [tilespmem:s4], [sflag:$0x2], $0x4000, $0x38;
	[tilespmem:$0x5080] =	vst v63  }
0x36: {  	_ =	swait.ge [sflag:s5], $0x4000  }
0x37: {  	[sflag:s5] =	ssyncset.done $0x0  }
0x38: {  	s16 =	sadd.s32 $0x7CE00, s21;
	[sflag:s5] =	ssyncadd.s32 $0xFFFFC000  }
0x39: {  	[hbm4b:s16+s2] =	stream.linear.scatter [tilespmem:s4], [sflag:$0x2], $0x4000, $0x38;
	[tilespmem:$0x5080] =	vst v63  }
0x3a: {  	_ =	swait.ge [sflag:s5], $0x4000  }
0x3b: {  	[sflag:s5] =	ssyncset.done $0x0  }
0x3c: {  	s17 =	sadd.s32 $0x7D600, s21;
	[sflag:s5] =	ssyncadd.s32 $0xFFFFC000  }
0x3d: {  	[hbm4b:s17+s2] =	stream.linear.scatter [tilespmem:s4], [sflag:$0x2], $0x4000, $0x38;
	[tilespmem:$0x5080] =	vst v63  }
0x3e: {  	_ =	swait.ge [sflag:s5], $0x4000  }
0x3f: {  	[sflag:s5] =	ssyncset.done $0x0  }
0x40: {  	s18 =	sadd.s32 $0x7DE00, s21;
	[sflag:s5] =	ssyncadd.s32 $0xFFFFC000  }
0x41: {  	[hbm4b:s18+s2] =	stream.linear.scatter [tilespmem:s4], [sflag:$0x2], $0x4000, $0x38;
	[tilespmem:$0x5080] =	vst v63  }
0x42: {  	_ =	swait.ge [sflag:s5], $0x4000  }
0x43: {  	[sflag:s5] =	ssyncset.done $0x0  }
0x44: {  	s19 =	sadd.s32 $0x7E600, s21;
	[sflag:s5] =	ssyncadd.s32 $0xFFFFC000  }
0x45: {  	[hbm4b:s19+s2] =	stream.linear.scatter [tilespmem:s4], [sflag:$0x2], $0x4000, $0x38;
	[tilespmem:$0x5080] =	vst v63  }
0x46: {  	_ =	swait.ge [sflag:s5], $0x4000  }
0x47: {  	[sflag:s5] =	ssyncset.done $0x0  }
0x48: {  	s20 =	sadd.s32 $0x7EE00, s21;
	[sflag:s5] =	ssyncadd.s32 $0xFFFFC000  }
0x49: {  	[hbm4b:s20+s2] =	stream.linear.scatter [tilespmem:s4], [sflag:$0x2], $0x4000, $0x38;
	[tilespmem:$0x5080] =	vst v63  }
0x4a: {  	_ =	swait.ge [sflag:s5], $0x4000  }
0x4b: {  	[sflag:s5] =	ssyncset.done $0x0  }
0x4c: {  	s21 =	sadd.s32 $0x7F600, s21;
	[sflag:s5] =	ssyncadd.s32 $0xFFFFC000  }
0x4d: {  	[hbm4b:s21+s2] =	stream.linear.scatter [tilespmem:s4], [sflag:$0x2], $0x4000, $0x38;
	[tilespmem:$0x5080] =	vst v63  }
0x4e: {  	s25 =	sshll.u32 s22, $0x2;
	_ =	swait.ge [sflag:s5], $0x4000  }
0x4f: {  	s30 =	ssub.s32 $0x2, s24;
	s25 =	sadd.s32 s25, s23;
	[sflag:s5] =	ssyncset.done $0x0  }
0x50: {  	s26 =	sshll.u32 s22, $0x9;
	s22 =	sadd.s32 $0x2A8E00, s25;
	[sflag:s5] =	ssyncadd.s32 $0xFFFFC000  }
0x51: {  	[tilespmem:s2], [sflag:$0x2] =	stream.linear.gather [hbm4b:s22+s2], $0x20, $0x38;
	[tilespmem:$0x5080] =	vst v63  }
0x52: {  	s24 =	simm.s32 $0x80;
	s31 =	sshrl.u32 s30, $0x1;
	_ =	swait.ge [sflag:s5], $0x20  }
0x53: {  	s29 =	sadd.s32 s26, s23;
	s25 =	ssub.s32 s30, s31;
	[sflag:s5] =	ssyncset.done $0x0  }
0x54: {  	s23 =	sadd.s32 $0x74E00, s29;
	s28 =	smax.u32 s25, $0x1;
	[sflag:s5] =	ssyncadd.s32 $0xFFFFFFE0  }
0x55: {  	[tilespmem:s24], [sflag:$0x2] =	stream.linear.gather [hbm4b:s23+s2], $0x1000, $0x38;
	[tilespmem:$0x5080] =	vst v63  }
0x56: {  	p0 =	sne.s32 s28, $0x1;
	_ =	swait.ge [sflag:s5], $0x1000  }
.Ltmp1:
0x57: {  	[sflag:s5] =	ssyncset.done $0x0;
	(pc) =	sbr.rel @!p0 .LBB2_3-.Ltmp1, $4  }
0x58: {  	s26 =	simm.s32 $0x20;
	s25 =	simm.s32 $0x1;
	[sflag:s5] =	ssyncadd.s32 $0xFFFFF000  }
0x59: {  	[hbm4b:s6+s26] =	stream.indirect.scatter [tilespmem:s24], [sflag:$0x1], $0x80, s2, s26, $0xb8;
	[tilespmem:$0x5080] =	vst v63  }
0x5a: {  	_ =	swait.ge [sflag:s25], $0x1000  }
0x5b: {  	s28 =	sadd.s32 $0xFFFFFFFF, s28;
	[sflag:s25] =	ssyncset.done $0x0  }
.LBB2_2:
0x5c: {  	p0 =	sne.s32 s28, $0x1;
	s28 =	sadd.s32 $0xFFFFFFFF, s28;
	[sflag:s25] =	ssyncadd.s32 $0xFFFFF000  }
0x5d: {  	[tilespmem:s4], [sflag:$0x2] =	stream.linear.gather [hbm4b:s3+s2], $0x4000, $0x38;
	[tilespmem:$0x5080] =	vst v63  }
0x5e: {  	_ =	swait.ge [sflag:s5], $0x4000  }
0x5f: {  	[sflag:s5] =	ssyncset.done $0x0  }
0x60: {  	[sflag:s5] =	ssyncadd.s32 $0xFFFFC000  }
0x61: {  	[hbm4b:s6+s2] =	stream.linear.scatter [tilespmem:s4], [sflag:$0x2], $0x4000, $0x38;
	[tilespmem:$0x5080] =	vst v63  }
0x62: {  	_ =	swait.ge [sflag:s5], $0x4000  }
0x63: {  	[sflag:s5] =	ssyncset.done $0x0  }
0x64: {  	[sflag:s5] =	ssyncadd.s32 $0xFFFFC000  }
0x65: {  	[hbm4b:s7+s2] =	stream.linear.scatter [tilespmem:s4], [sflag:$0x2], $0x4000, $0x38;
	[tilespmem:$0x5080] =	vst v63  }
0x66: {  	_ =	swait.ge [sflag:s5], $0x4000  }
0x67: {  	[sflag:s5] =	ssyncset.done $0x0  }
0x68: {  	[sflag:s5] =	ssyncadd.s32 $0xFFFFC000  }
0x69: {  	[hbm4b:s8+s2] =	stream.linear.scatter [tilespmem:s4], [sflag:$0x2], $0x4000, $0x38;
	[tilespmem:$0x5080] =	vst v63  }
0x6a: {  	_ =	swait.ge [sflag:s5], $0x4000  }
0x6b: {  	[sflag:s5] =	ssyncset.done $0x0  }
0x6c: {  	[sflag:s5] =	ssyncadd.s32 $0xFFFFC000  }
0x6d: {  	[hbm4b:s9+s2] =	stream.linear.scatter [tilespmem:s4], [sflag:$0x2], $0x4000, $0x38;
	[tilespmem:$0x5080] =	vst v63  }
0x6e: {  	_ =	swait.ge [sflag:s5], $0x4000  }
0x6f: {  	[sflag:s5] =	ssyncset.done $0x0  }
0x70: {  	[sflag:s5] =	ssyncadd.s32 $0xFFFFC000  }
0x71: {  	[hbm4b:s10+s2] =	stream.linear.scatter [tilespmem:s4], [sflag:$0x2], $0x4000, $0x38;
	[tilespmem:$0x5080] =	vst v63  }
0x72: {  	_ =	swait.ge [sflag:s5], $0x4000  }
0x73: {  	[sflag:s5] =	ssyncset.done $0x0  }
0x74: {  	[sflag:s5] =	ssyncadd.s32 $0xFFFFC000  }
0x75: {  	[hbm4b:s11+s2] =	stream.linear.scatter [tilespmem:s4], [sflag:$0x2], $0x4000, $0x38;
	[tilespmem:$0x5080] =	vst v63  }
0x76: {  	_ =	swait.ge [sflag:s5], $0x4000  }
0x77: {  	[sflag:s5] =	ssyncset.done $0x0  }
0x78: {  	[sflag:s5] =	ssyncadd.s32 $0xFFFFC000  }
0x79: {  	[hbm4b:s12+s2] =	stream.linear.scatter [tilespmem:s4], [sflag:$0x2], $0x4000, $0x38;
	[tilespmem:$0x5080] =	vst v63  }
0x7a: {  	_ =	swait.ge [sflag:s5], $0x4000  }
0x7b: {  	[sflag:s5] =	ssyncset.done $0x0  }
0x7c: {  	[sflag:s5] =	ssyncadd.s32 $0xFFFFC000  }
0x7d: {  	[hbm4b:s13+s2] =	stream.linear.scatter [tilespmem:s4], [sflag:$0x2], $0x4000, $0x38;
	[tilespmem:$0x5080] =	vst v63  }
0x7e: {  	_ =	swait.ge [sflag:s5], $0x4000  }
0x7f: {  	[sflag:s5] =	ssyncset.done $0x0  }
0x80: {  	[sflag:s5] =	ssyncadd.s32 $0xFFFFC000  }
0x81: {  	[hbm4b:s14+s2] =	stream.linear.scatter [tilespmem:s4], [sflag:$0x2], $0x4000, $0x38;
	[tilespmem:$0x5080] =	vst v63  }
0x82: {  	_ =	swait.ge [sflag:s5], $0x4000  }
0x83: {  	[sflag:s5] =	ssyncset.done $0x0  }
0x84: {  	[sflag:s5] =	ssyncadd.s32 $0xFFFFC000  }
0x85: {  	[hbm4b:s15+s2] =	stream.linear.scatter [tilespmem:s4], [sflag:$0x2], $0x4000, $0x38;
	[tilespmem:$0x5080] =	vst v63  }
0x86: {  	_ =	swait.ge [sflag:s5], $0x4000  }
0x87: {  	[sflag:s5] =	ssyncset.done $0x0  }
0x88: {  	[sflag:s5] =	ssyncadd.s32 $0xFFFFC000  }
0x89: {  	[hbm4b:s16+s2] =	stream.linear.scatter [tilespmem:s4], [sflag:$0x2], $0x4000, $0x38;
	[tilespmem:$0x5080] =	vst v63  }
0x8a: {  	_ =	swait.ge [sflag:s5], $0x4000  }
0x8b: {  	[sflag:s5] =	ssyncset.done $0x0  }
0x8c: {  	[sflag:s5] =	ssyncadd.s32 $0xFFFFC000  }
0x8d: {  	[hbm4b:s17+s2] =	stream.linear.scatter [tilespmem:s4], [sflag:$0x2], $0x4000, $0x38;
	[tilespmem:$0x5080] =	vst v63  }
0x8e: {  	_ =	swait.ge [sflag:s5], $0x4000  }
0x8f: {  	[sflag:s5] =	ssyncset.done $0x0  }
0x90: {  	[sflag:s5] =	ssyncadd.s32 $0xFFFFC000  }
0x91: {  	[hbm4b:s18+s2] =	stream.linear.scatter [tilespmem:s4], [sflag:$0x2], $0x4000, $0x38;
	[tilespmem:$0x5080] =	vst v63  }
0x92: {  	_ =	swait.ge [sflag:s5], $0x4000  }
0x93: {  	[sflag:s5] =	ssyncset.done $0x0  }
0x94: {  	[sflag:s5] =	ssyncadd.s32 $0xFFFFC000  }
0x95: {  	[hbm4b:s19+s2] =	stream.linear.scatter [tilespmem:s4], [sflag:$0x2], $0x4000, $0x38;
	[tilespmem:$0x5080] =	vst v63  }
0x96: {  	_ =	swait.ge [sflag:s5], $0x4000  }
0x97: {  	[sflag:s5] =	ssyncset.done $0x0  }
0x98: {  	[sflag:s5] =	ssyncadd.s32 $0xFFFFC000  }
0x99: {  	[hbm4b:s20+s2] =	stream.linear.scatter [tilespmem:s4], [sflag:$0x2], $0x4000, $0x38;
	[tilespmem:$0x5080] =	vst v63  }
0x9a: {  	_ =	swait.ge [sflag:s5], $0x4000  }
0x9b: {  	[sflag:s5] =	ssyncset.done $0x0  }
0x9c: {  	[sflag:s5] =	ssyncadd.s32 $0xFFFFC000  }
0x9d: {  	[hbm4b:s21+s2] =	stream.linear.scatter [tilespmem:s4], [sflag:$0x2], $0x4000, $0x38;
	[tilespmem:$0x5080] =	vst v63  }
0x9e: {  	_ =	swait.ge [sflag:s5], $0x4000  }
0x9f: {  	[sflag:s5] =	ssyncset.done $0x0  }
0xa0: {  	[sflag:s5] =	ssyncadd.s32 $0xFFFFC000  }
0xa1: {  	[tilespmem:s2], [sflag:$0x2] =	stream.linear.gather [hbm4b:s22+s2], $0x20, $0x38;
	[tilespmem:$0x5080] =	vst v63  }
0xa2: {  	_ =	swait.ge [sflag:s5], $0x20  }
0xa3: {  	[sflag:s5] =	ssyncset.done $0x0  }
0xa4: {  	[sflag:s5] =	ssyncadd.s32 $0xFFFFFFE0  }
0xa5: {  	[tilespmem:s24], [sflag:$0x2] =	stream.linear.gather [hbm4b:s23+s2], $0x1000, $0x38;
	[tilespmem:$0x5080] =	vst v63  }
0xa6: {  	_ =	swait.ge [sflag:s5], $0x1000  }
.Ltmp2:
0xa7: {  	[sflag:s5] =	ssyncset.done $0x0;
	(pc) =	sbr.rel @p0 .LBB2_2-.Ltmp2, $4  }
0xa8: {  	[sflag:s5] =	ssyncadd.s32 $0xFFFFF000  }
0xa9: {  	[hbm4b:s6+s26] =	stream.indirect.scatter [tilespmem:s24], [sflag:$0x1], $0x80, s2, s26, $0xb8;
	[tilespmem:$0x5080] =	vst v63  }
0xaa: {  	_ =	swait.ge [sflag:s25], $0x1000  }
0xab: {  	[sflag:s25] =	ssyncset.done $0x0  }
.LBB2_3:
0xac: {  	[sflag:s25] =	ssyncadd.s32 $0xFFFFF000  }
.LBB2_4:
0xad: {  	_ =	sfence.sel $0x180000  }
0xae: {  	[bflag:$0x0] =	sbarrier.arrive $0xFFFF  }
0xaf: {  	p0 =	sne.s32 s1, $0x0;
	_ =	strace $0x9000004A  }
0xb0: {  	s0 =	sadd.s32 @!p0 $0x100000, s0;
	[bflag:$0x2] =	sbarrier.arrive $0xFFFF  }
0xb1: {  	[sflag:s0] =	ssyncadd.tile.s32 @!p0 $0x1;
	_ =	shalt  }
.Lfunc_end2:
_tile_overlayer_lowered:
.L_overlay_start_2:
0xb2: {  	(tag) =	ssettag $0x2  }
0xb3: {  	s0 =	rddreg [dreg:$0x0];
	s2 =	stileid.u32  }
0xb4: {  	s1 =	rddreg [dreg:$0x1];
	p0 =	sne.s32 s2, $0x0  }
0xb5: {  	s3 =	rddreg [dreg:$0x2];
	[bflag:$0x3] =	sbarrier.arrive $0xFFFF;
	s2 =	simm.s32 @!p0 $0x1C02  }
0xb6: {  	[timem:s3], [sflag:s2] =	dma.local @!p0 [hbm:s0], s1  }
0xb7: {  	s0 =	simm.s32 @!p0 $0x2  }
0xb8: {  	_ =	swait.ge @!p0 [sflag:s0], s1  }
0xb9: {  	s1 =	ssub.s32 @!p0 $0x0, s1;
	[sflag:s0] =	ssyncset.done @!p0 $0x0  }
0xba: {  	[sflag:s0] =	ssyncadd.s32 @!p0 s1  }
0xbb: {  	[bflag:$0x3] =	sbarrier.arrive $0xFFFF  }
0xbc: {  	_ =	shalt  }

// kernel: kernel.28.cloned.1.call-start
scs
__scs_entry_jumppad:
0x0: {  	(pc) =	sbr.rel $0x88, $3  }
0x1: {  	(tag) =	ssettag $0x0;
	lr =	simm.s32 $0x1  }
0x2: {  	[smem:$0x3F74] =	sst lr;
	_ =	strace $0xD0000000  }
0x3: {  	_ = 	snop  }
0x4: {  	_ = 	snop  }
0x5: {  	_ = 	snop  }
0x6: {  	_ = 	snop  }
0x7: {  	_ = 	snop  }
__scs_overlays_trampoline_lowered:
0x8: {  	[smem:$0x3F83] =	sst s0  }
0x9: {  	[smem:$0x3F84] =	sst s1  }
0xa: {  	[smem:$0x3F85] =	sst s2  }
0xb: {  	[smem:$0x3F86] =	sst s3  }
0xc: {  	[smem:$0x3F87] =	sst s4  }
0xd: {  	[smem:$0x3F88] =	sst s5  }
0xe: {  	[smem:$0x3F89] =	sst s6  }
0xf: {  	[smem:$0x3F8A] =	sst s7  }
0x10: {  	[smem:$0x3F8B] =	sst s8  }
0x11: {  	[smem:$0x3F8C] =	sst s9;
	s0 =	simm.s32 @!p0 $0x0  }
0x12: {  	s1 =	sld [smem:$0x3F72];
	s0 =	simm.s32 @p0 $0x1  }
0x13: {  	[smem:$0x3F8D] =	sst s0;
	s0 =	simm.s32 @!p1 $0x0  }
0x14: {  	s2 =	sld [smem:$0x3F71];
	s0 =	simm.s32 @p1 $0x1  }
0x15: {  	[smem:$0x3F8E] =	sst s0;
	s0 =	simm.s32 @!p2 $0x0  }
0x16: {  	s3 =	sld [smem:$0x3FDB];
	s0 =	simm.s32 @p2 $0x1  }
0x17: {  	s4 =	simm.s32 $0x1BF5;
	[smem:$0x3F90] =	sst s0  }
0x18: {  	s0 =	sld [smem:$0x3F73];
	_ =	swait.ge [sflag:s4], $0x0  }
0x19: {  	s7 =	sld [smem:$0x3F74]  }
0x1a: {  	s8 =	sadd.s32 $0xFFFFE003, lr  }
0x1b: {  	s9 =	sadd.s32 $0xFFFFFEF7, lr;
	s5 =	simm.s32 $0xFFFFFFFF;
	p2 =	slt.u32 s8, $0xFFFFF086  }
0x1c: {  	p1 =	slt.u32 s9, $0xF7A;
	s5 =	simm.s32 @!p2 $0x0  }
0x1d: {  	s5 =	simm.s32 @p1 $0x1;
	p0 =	seq.s32 s7, s2  }
0x1e: {  	s7 =	smul.u32 @!p0 $0xF7A, s2;
	p2 =	seq.s32 @!p0 s5, $0x0  }
0x1f: {  	s9 =	smul.u32 $0xF7A, s1;
	s8 =	simm.s32 @!p0 $0x1BF5;
	p2 =	por !p2, p0  }
0x20: {  	[sflag:s8] =	ssyncset.s32 @!p0 $0xFFFFF086;
	s6 =	sadd.s32 @!p0 s3, s7;
	s7 =	simm.s32 @!p0 $0x108  }
0x21: {  	s3 =	sadd.s32 s3, s9;
	s6 =	sadd.s32 @!p0 $0x88, s6;
	s7 =	simm.s32 @p2 $0x1082  }
0x22: {  	[simem:s7], [sflag:s8] =	dma.local @!p0 [hbm:s6], $0xF7A  }
0x23: {  	s9 =	sor.u32 $0xD0000000, s2;
	s6 =	simm.s32 $0x108;
	_ =	swait.ge @!p0 [sflag:s8], $0x0  }
0x24: {  	s3 =	sadd.s32 $0x88, s3;
	s6 =	simm.s32 @!p1 $0x1082;
	[sflag:s4] =	ssyncset.s32 $0xFFFFF086  }
0x25: {  	[simem:s6], [sflag:s4] =	dma.local [hbm:s3], $0xF7A  }
0x26: {  	[smem:$0x3F74] =	sst s1;
	(tag) =	ssettag s2;
	_ =	strace s9  }
0x27: {  	s1 =	sld [smem:$0x3F84]  }
0x28: {  	s2 =	sld [smem:$0x3F85]  }
0x29: {  	s4 =	sld [smem:$0x3F87]  }
0x2a: {  	p0 =	seq.s32 s5, $0x0;
	s5 =	sld [smem:$0x3F88]  }
0x2b: {  	s6 =	sld [smem:$0x3F89]  }
0x2c: {  	s7 =	sld [smem:$0x3F8A]  }
0x2d: {  	s3 =	simm.s32 $0x108;
	s8 =	sld [smem:$0x3F8B]  }
0x2e: {  	s3 =	simm.s32 @!p0 $0x1082;
	s9 =	sld [smem:$0x3F8C]  }
0x2f: {  	lr =	sadd.s32 s0, s3;
	s0 =	sld [smem:$0x3F83]  }
0x30: {  	s3 =	sld [smem:$0x3F86]  }
0x31: {  	[smem:$0x3F8F] =	sst s10  }
0x32: {  	s10 =	sld [smem:$0x3F8D];
	_ =	sdelay $0x3  }
0x33: {  	p0 =	seq.s32 s10, $0x1;
	s10 =	sld [smem:$0x3F8F];
	_ =	sdelay $0x3  }
0x34: {  	[smem:$0x3F8F] =	sst s10  }
0x35: {  	s10 =	sld [smem:$0x3F8E];
	_ =	sdelay $0x3  }
0x36: {  	p1 =	seq.s32 s10, $0x1;
	s10 =	sld [smem:$0x3F8F];
	_ =	sdelay $0x3  }
0x37: {  	[smem:$0x3F8F] =	sst s10  }
0x38: {  	s10 =	sld [smem:$0x3F90]  }
0x39: {  	_ = 	snop;
	(pc) =	sbr.ind lr, $3  }
0x3a: {  	_ = 	snop  }
0x3b: {  	_ = 	snop  }
0x3c: {  	p2 =	seq.s32 s10, $0x1;
	s10 =	sld [smem:$0x3F8F]  }
0x3d: {  	_ =	shalt  }
0x3e: {  	_ =	shalt  }
0x3f: {  	_ =	shalt  }
0x40: {  	_ =	shalt  }
0x41: {  	_ =	shalt  }
0x42: {  	_ =	shalt  }
0x43: {  	_ =	shalt  }
0x44: {  	_ =	shalt  }
0x45: {  	_ =	shalt  }
0x46: {  	_ =	shalt  }
0x47: {  	_ =	shalt  }
0x48: {  	_ =	shalt  }
0x49: {  	_ =	shalt  }
0x4a: {  	_ =	shalt  }
0x4b: {  	_ =	shalt  }
0x4c: {  	_ =	shalt  }
0x4d: {  	_ =	shalt  }
0x4e: {  	_ =	shalt  }
0x4f: {  	_ =	shalt  }
0x50: {  	_ =	shalt  }
0x51: {  	_ =	shalt  }
0x52: {  	_ =	shalt  }
0x53: {  	_ =	shalt  }
0x54: {  	_ =	shalt  }
0x55: {  	_ =	shalt  }
0x56: {  	_ =	shalt  }
0x57: {  	_ =	shalt  }
0x58: {  	_ =	shalt  }
0x59: {  	_ =	shalt  }
0x5a: {  	_ =	shalt  }
0x5b: {  	_ =	shalt  }
0x5c: {  	_ =	shalt  }
0x5d: {  	_ =	shalt  }
0x5e: {  	_ =	shalt  }
0x5f: {  	_ =	shalt  }
0x60: {  	_ =	shalt  }
0x61: {  	_ =	shalt  }
0x62: {  	_ =	shalt  }
0x63: {  	_ =	shalt  }
0x64: {  	_ =	shalt  }
0x65: {  	_ =	shalt  }
0x66: {  	_ =	shalt  }
0x67: {  	_ =	shalt  }
0x68: {  	_ =	shalt  }
0x69: {  	_ =	shalt  }
0x6a: {  	_ =	shalt  }
0x6b: {  	_ =	shalt  }
0x6c: {  	_ =	shalt  }
0x6d: {  	_ =	shalt  }
0x6e: {  	_ =	shalt  }
0x6f: {  	_ =	shalt  }
0x70: {  	_ =	shalt  }
0x71: {  	_ =	shalt  }
0x72: {  	_ =	shalt  }
0x73: {  	_ =	shalt  }
0x74: {  	_ =	shalt  }
0x75: {  	_ =	shalt  }
0x76: {  	_ =	shalt  }
0x77: {  	_ =	shalt  }
0x78: {  	_ =	shalt  }
0x79: {  	_ =	shalt  }
0x7a: {  	_ =	shalt  }
0x7b: {  	_ =	shalt  }
0x7c: {  	_ =	shalt  }
0x7d: {  	_ =	shalt  }
0x7e: {  	_ =	shalt  }
0x7f: {  	_ =	shalt  }
0x80: {  	_ =	shalt  }
0x81: {  	_ =	shalt  }
0x82: {  	_ =	shalt  }
0x83: {  	_ =	shalt  }
0x84: {  	_ =	shalt  }
0x85: {  	_ =	shalt  }
0x86: {  	_ =	shalt  }
0x87: {  	_ =	shalt  }
.Lfunc_end0:
.L_simem_size_0:
called_computation.2_lowered:
.L_overlay_start_0:
0x88: {  	s2 =	sld [smem:$0x3FD9]  }
0x89: {  	s3 =	sld [smem:$0x3FFE];
	_ =	sdelay $0x1  }
0x8a: {  	s1 =	srdreg.scid  }
0x8b: {  	s0 =	sand.u32 $0x1, s1  }
0x8c: {  	s16 =	sshll.u32 s0, $0xA;
	s2 =	sadd.s32 s3, s2  }
0x8d: {  	s2 =	sadd.s32 s2, s16  }
0x8e: {  	[smem:$0x3F9B] =	sst s2  }
0x8f: {  	_ = 	snop  }
0x90: {  	(tm) =	ssettm $0x1  }
0x91: {  	s17 =	sld [smem:$0x3FFB];
	_ =	sdelay $0x3  }
0x92: {  	_ =	strace s17  }
0x93: {  	s2 =	sld [smem:$0x3FFC];
	_ =	sdelay $0x3  }
0x94: {  	_ =	strace s2  }
0x95: {  	s2 =	sld [smem:$0x3FFD];
	_ =	sdelay $0x3  }
0x96: {  	_ =	strace s2  }
0x97: {  	_ =	strace $0x8FFFFFFF  }
0x98: {  	s18 =	sld [smem:$0x3FDB];
	_ =	sdelay $0x1  }
0x99: {  	s19 =	simm.s32 $_scs_section_size  }
0x9a: {  	s4 =	simm.s32 $_size__tile_overlayer_lowered;
	s5 =	simm.s32 $_tile_overlayer_lowered  }
0x9b: {  	s22 =	simm.s32 $0x1BFF;
	s21 =	sshll.u32 s5, $0x1;
	s2 =	sadd.s32 s19, s18  }
0x9c: {  	s6 =	simm.s32 $0x0;
	s20 =	sshll.u32 s4, $0x1;
	s4 =	sadd.s32 s21, s2  }
0x9d: {  	[timem:s6], [sflag:s22] =	dma.local [hbm:s4], s20  }
0x9e: {  	_ =	swait.ge [sflag:s22], s20  }
0x9f: {  	s3 =	ssub.s32 $0x0, s20;
	[sflag:s22] =	ssyncset.done $0x0  }
0xa0: {  	[sflag:s22] =	ssyncadd.s32 s3;
	_ =	sdelay $0x1  }
0xa1: {  	s23 =	simm.s32 $0x1B8B  }
0xa2: {  	_ =	swait.ge [sflag:s23], $0x1  }
0xa3: {  	[sflag:s23] =	ssyncset.done $0x0  }
0xa4: {  	s25 =	simm.s32 $0x1B8E;
	s24 =	sld [smem:$0x3FFE];
	[sflag:s23] =	ssyncadd.s32 $0xFFFFFFFF  }
0xa5: {  	s26 =	simm.s32 $execute0_lowered;
	[smem:$0x3FD2] =	sst s25  }
0xa6: {  	s4 =	sshll.u32 s26, $0x1;
	_ =	strace $0x8000004C;
	[dreg:$0x1] =	wrdreg $0xFFFFFFFF  }
0xa7: {  	s28 =	simm.s32 $_size_execute0_lowered;
	s2 =	sadd.s32 s2, s4;
	[dreg:$0x0] =	wrdreg $0x0  }
0xa8: {  	s4 =	sshll.u32 s28, $0x1;
	[dreg:$0x2] =	wrdreg s2  }
0xa9: {  	[dreg:$0x3] =	wrdreg s4  }
0xaa: {  	[dreg:$0x4] =	wrdreg $0xC0  }
0xab: {  	_ =	task [dreg:s6], $0x5FFFF  }
0xac: {  	[dreg:$0x1] =	wrdreg $0xFFFFFFFF  }
0xad: {  	[dreg:$0x0] =	wrdreg $0x60  }
0xae: {  	[dreg:$0x2] =	wrdreg s24  }
0xaf: {  	[dreg:$0x3] =	wrdreg $0x9  }
0xb0: {  	_ =	task.clear_ibuf [dreg:s6], $0x4FFFF;
	_ =	strace $0x9000004C  }
0xb1: {  	s29 =	simm.s32 $0x9;
	_ =	strace $0x8000004E  }
0xb2: {  	_ =	swait.ge [sflag:s29], $0x1  }
0xb3: {  	[sflag:s29] =	ssyncadd.s32 $0xFFFFFFFF  }
0xb4: {  	_ =	strace $0x9000004E  }
0xb5: {  	_ =	sfence  }
0xb6: {  	s30 =	sld [smem:$0x0];
	_ =	sdelay $0x2  }
0xb7: {  	s31 =	sshll.u32 s1, $0xD;
	s1 =	sshrl.u32 s1, $0x2  }
0xb8: {  	s3 =	sand.u32 $0x4000, s31;
	s1 =	sadd.s32 s1, s30  }
0xb9: {  	s0 =	sor.u32 s3, s0;
	s1 =	sshll.u32 s1, $0x11  }
0xba: {  	s0 =	sor.u32 s1, s0  }
0xbb: {  	s0 =	sadd.s32 $0x8F2B, s0  }
0xbc: {  	[sflag:s0] =	ssyncadd.remote.s32 $0x1  }
0xbd: {  	_ =	sfence.sel $0xFFFF  }
0xbe: {  	[dreg:$0x0] =	wrdreg $0xFFFFFFFF;
	(pc) =	sbr.abs _section_cstart, $3  }
0xbf: {  	[dreg:$0x1] =	wrdreg $0xFFFFFFFF  }
0xc0: {  	_ =	task.clear_ibuf [dreg:s6], $0x2FFFF;
	_ =	strace $0x9FFFFFFF  }
0xc1: {  	(tm) =	ssettm $0x7FFFFFFF  }
tec
execute0_lowered:
.L_overlay_start_1:
0x0: {  	(tag) =	ssettag $0x1  }
0x1: {  	s1 =	stileid.u32  }
0x2: {  	p0 =	sgt.u32 s1, $0xB  }
.Ltmp0:
0x3: {  	_ = 	snop;
	(pc) =	sbr.rel @p0 .LBB2_4-.Ltmp0, $4  }
0x4: {  	_ = 	snop  }
0x5: {  	s9 =	rddreg [dreg:$0x0];
	s2 =	simm.s32 $0x0  }
0x6: {  	[smem:$0x7FF] =	sst s2  }
0x7: {  	s0 =	rddreg [dreg:$0x1];
	_ =	strace $0x8000004D  }
0x8: {  	s3 =	srdreg.scid;
	s29 =	sshll.u32 s1, $0x1  }
0x9: {  	s4 =	sadd.s32 $0x128E00, s9;
	s8 =	simm.s32 $0x1;
	s6 =	sand.u32 $0x1, s3  }
0xa: {  	s10 =	sor.u32 s6, s29;
	s11 =	ssub.s32 $0x2, s6;
	s6 =	simm.s32 $0x20  }
0xb: {  	s3 =	sshll.u32 s10, $0xE;
	s5 =	sshll.u32 s10, $0x2;
	s10 =	sshll.u32 s10, $0x9  }
0xc: {  	s7 =	sadd.s32 s3, s9;
	s4 =	sadd.s32 s4, s5;
	s3 =	simm.s32 $0x2  }
0xd: {  	[tilespmem:s2], [sflag:$0x2] =	stream.linear.gather [hbm4b:s4+s2], $0x20, $0x38;
	[tilespmem:$0x1080] =	vst v63  }
0xe: {  	s12 =	sshrl.u32 s11, $0x1;
	s30 =	sadd.s32 s10, s9;
	_ =	swait.ge [sflag:s3], $0x20  }
0xf: {  	s31 =	ssub.s32 s11, s12;
	s5 =	sadd.s32 $0x8E00, s7;
	[sflag:s3] =	ssyncset.done $0x0  }
0x10: {  	s7 =	simm.s32 $0x80;
	s10 =	smax.u32 s31, $0x1;
	[sflag:s3] =	ssyncadd.s32 $0xFFFFFFE0  }
0x11: {  	[tilespmem:s7], [sflag:$0x1] =	stream.indirect.gather [hbm4b:s5+s6], $0x80, s2, s6, $0xb8;
	[tilespmem:$0x1080] =	vst v63  }
0x12: {  	p0 =	sne.s32 s10, $0x1;
	_ =	swait.ge [sflag:s8], $0x1000  }
.Ltmp1:
0x13: {  	[sflag:s8] =	ssyncset.done $0x0;
	(pc) =	sbr.rel @!p0 .LBB2_3-.Ltmp1, $4  }
0x14: {  	s9 =	sadd.s32 $0x129000, s30;
	[sflag:s8] =	ssyncadd.s32 $0xFFFFF000  }
0x15: {  	[hbm4b:s9+s2] =	stream.linear.scatter [tilespmem:s7], [sflag:$0x2], $0x1000, $0x38;
	[tilespmem:$0x1080] =	vst v63  }
0x16: {  	_ =	swait.ge [sflag:s3], $0x1000  }
0x17: {  	s10 =	sadd.s32 $0xFFFFFFFF, s10;
	[sflag:s3] =	ssyncset.done $0x0  }
.LBB2_2:
0x18: {  	p0 =	sne.s32 s10, $0x1;
	s10 =	sadd.s32 $0xFFFFFFFF, s10;
	[sflag:s3] =	ssyncadd.s32 $0xFFFFF000  }
0x19: {  	[tilespmem:s2], [sflag:$0x2] =	stream.linear.gather [hbm4b:s4+s2], $0x20, $0x38;
	[tilespmem:$0x1080] =	vst v63  }
0x1a: {  	_ =	swait.ge [sflag:s3], $0x20  }
0x1b: {  	[sflag:s3] =	ssyncset.done $0x0  }
0x1c: {  	[sflag:s3] =	ssyncadd.s32 $0xFFFFFFE0  }
0x1d: {  	[tilespmem:s7], [sflag:$0x1] =	stream.indirect.gather [hbm4b:s5+s6], $0x80, s2, s6, $0xb8;
	[tilespmem:$0x1080] =	vst v63  }
0x1e: {  	_ =	swait.ge [sflag:s8], $0x1000  }
.Ltmp2:
0x1f: {  	[sflag:s8] =	ssyncset.done $0x0;
	(pc) =	sbr.rel @p0 .LBB2_2-.Ltmp2, $4  }
0x20: {  	[sflag:s8] =	ssyncadd.s32 $0xFFFFF000  }
0x21: {  	[hbm4b:s9+s2] =	stream.linear.scatter [tilespmem:s7], [sflag:$0x2], $0x1000, $0x38;
	[tilespmem:$0x1080] =	vst v63  }
0x22: {  	_ =	swait.ge [sflag:s3], $0x1000  }
0x23: {  	[sflag:s3] =	ssyncset.done $0x0  }
.LBB2_3:
0x24: {  	[sflag:s3] =	ssyncadd.s32 $0xFFFFF000  }
.LBB2_4:
0x25: {  	_ =	sfence.sel $0x180000  }
0x26: {  	[bflag:$0x0] =	sbarrier.arrive $0xFFFF  }
0x27: {  	p0 =	sne.s32 s1, $0x0;
	_ =	strace $0x9000004D  }
0x28: {  	s0 =	sadd.s32 @!p0 $0x100000, s0;
	[bflag:$0x2] =	sbarrier.arrive $0xFFFF  }
0x29: {  	[sflag:s0] =	ssyncadd.tile.s32 @!p0 $0x1;
	_ =	shalt  }
.Lfunc_end2:
_tile_overlayer_lowered:
.L_overlay_start_2:
0x2a: {  	(tag) =	ssettag $0x2  }
0x2b: {  	s0 =	rddreg [dreg:$0x0];
	s2 =	stileid.u32  }
0x2c: {  	s1 =	rddreg [dreg:$0x1];
	p0 =	sne.s32 s2, $0x0  }
0x2d: {  	s3 =	rddreg [dreg:$0x2];
	[bflag:$0x3] =	sbarrier.arrive $0xFFFF;
	s2 =	simm.s32 @!p0 $0x1C02  }
0x2e: {  	[timem:s3], [sflag:s2] =	dma.local @!p0 [hbm:s0], s1  }
0x2f: {  	s0 =	simm.s32 @!p0 $0x2  }
0x30: {  	_ =	swait.ge @!p0 [sflag:s0], s1  }
0x31: {  	s1 =	ssub.s32 @!p0 $0x0, s1;
	[sflag:s0] =	ssyncset.done @!p0 $0x0  }
0x32: {  	[sflag:s0] =	ssyncadd.s32 @!p0 s1  }
0x33: {  	[bflag:$0x3] =	sbarrier.arrive $0xFFFF  }
0x34: {  	_ =	shalt  }

// kernel: kernel.31.cloned.1.call-start
scs
__scs_entry_jumppad:
0x0: {  	(pc) =	sbr.rel $0x88, $3  }
0x1: {  	(tag) =	ssettag $0x0;
	lr =	simm.s32 $0x1  }
0x2: {  	[smem:$0x3F74] =	sst lr;
	_ =	strace $0xD0000000  }
0x3: {  	_ = 	snop  }
0x4: {  	_ = 	snop  }
0x5: {  	_ = 	snop  }
0x6: {  	_ = 	snop  }
0x7: {  	_ = 	snop  }
__scs_overlays_trampoline_lowered:
0x8: {  	[smem:$0x3F83] =	sst s0  }
0x9: {  	[smem:$0x3F84] =	sst s1  }
0xa: {  	[smem:$0x3F85] =	sst s2  }
0xb: {  	[smem:$0x3F86] =	sst s3  }
0xc: {  	[smem:$0x3F87] =	sst s4  }
0xd: {  	[smem:$0x3F88] =	sst s5  }
0xe: {  	[smem:$0x3F89] =	sst s6  }
0xf: {  	[smem:$0x3F8A] =	sst s7  }
0x10: {  	[smem:$0x3F8B] =	sst s8  }
0x11: {  	[smem:$0x3F8C] =	sst s9;
	s0 =	simm.s32 @!p0 $0x0  }
0x12: {  	s1 =	sld [smem:$0x3F72];
	s0 =	simm.s32 @p0 $0x1  }
0x13: {  	[smem:$0x3F8D] =	sst s0;
	s0 =	simm.s32 @!p1 $0x0  }
0x14: {  	s2 =	sld [smem:$0x3F71];
	s0 =	simm.s32 @p1 $0x1  }
0x15: {  	[smem:$0x3F8E] =	sst s0;
	s0 =	simm.s32 @!p2 $0x0  }
0x16: {  	s3 =	sld [smem:$0x3FDB];
	s0 =	simm.s32 @p2 $0x1  }
0x17: {  	s4 =	simm.s32 $0x1BF5;
	[smem:$0x3F90] =	sst s0  }
0x18: {  	s0 =	sld [smem:$0x3F73];
	_ =	swait.ge [sflag:s4], $0x0  }
0x19: {  	s7 =	sld [smem:$0x3F74]  }
0x1a: {  	s8 =	sadd.s32 $0xFFFFE003, lr  }
0x1b: {  	s9 =	sadd.s32 $0xFFFFFEF7, lr;
	s5 =	simm.s32 $0xFFFFFFFF;
	p2 =	slt.u32 s8, $0xFFFFF086  }
0x1c: {  	p1 =	slt.u32 s9, $0xF7A;
	s5 =	simm.s32 @!p2 $0x0  }
0x1d: {  	s5 =	simm.s32 @p1 $0x1;
	p0 =	seq.s32 s7, s2  }
0x1e: {  	s7 =	smul.u32 @!p0 $0xF7A, s2;
	p2 =	seq.s32 @!p0 s5, $0x0  }
0x1f: {  	s9 =	smul.u32 $0xF7A, s1;
	s8 =	simm.s32 @!p0 $0x1BF5;
	p2 =	por !p2, p0  }
0x20: {  	[sflag:s8] =	ssyncset.s32 @!p0 $0xFFFFF086;
	s6 =	sadd.s32 @!p0 s3, s7;
	s7 =	simm.s32 @!p0 $0x108  }
0x21: {  	s3 =	sadd.s32 s3, s9;
	s6 =	sadd.s32 @!p0 $0x88, s6;
	s7 =	simm.s32 @p2 $0x1082  }
0x22: {  	[simem:s7], [sflag:s8] =	dma.local @!p0 [hbm:s6], $0xF7A  }
0x23: {  	s9 =	sor.u32 $0xD0000000, s2;
	s6 =	simm.s32 $0x108;
	_ =	swait.ge @!p0 [sflag:s8], $0x0  }
0x24: {  	s3 =	sadd.s32 $0x88, s3;
	s6 =	simm.s32 @!p1 $0x1082;
	[sflag:s4] =	ssyncset.s32 $0xFFFFF086  }
0x25: {  	[simem:s6], [sflag:s4] =	dma.local [hbm:s3], $0xF7A  }
0x26: {  	[smem:$0x3F74] =	sst s1;
	(tag) =	ssettag s2;
	_ =	strace s9  }
0x27: {  	s1 =	sld [smem:$0x3F84]  }
0x28: {  	s2 =	sld [smem:$0x3F85]  }
0x29: {  	s4 =	sld [smem:$0x3F87]  }
0x2a: {  	p0 =	seq.s32 s5, $0x0;
	s5 =	sld [smem:$0x3F88]  }
0x2b: {  	s6 =	sld [smem:$0x3F89]  }
0x2c: {  	s7 =	sld [smem:$0x3F8A]  }
0x2d: {  	s3 =	simm.s32 $0x108;
	s8 =	sld [smem:$0x3F8B]  }
0x2e: {  	s3 =	simm.s32 @!p0 $0x1082;
	s9 =	sld [smem:$0x3F8C]  }
0x2f: {  	lr =	sadd.s32 s0, s3;
	s0 =	sld [smem:$0x3F83]  }
0x30: {  	s3 =	sld [smem:$0x3F86]  }
0x31: {  	[smem:$0x3F8F] =	sst s10  }
0x32: {  	s10 =	sld [smem:$0x3F8D];
	_ =	sdelay $0x3  }
0x33: {  	p0 =	seq.s32 s10, $0x1;
	s10 =	sld [smem:$0x3F8F];
	_ =	sdelay $0x3  }
0x34: {  	[smem:$0x3F8F] =	sst s10  }
0x35: {  	s10 =	sld [smem:$0x3F8E];
	_ =	sdelay $0x3  }
0x36: {  	p1 =	seq.s32 s10, $0x1;
	s10 =	sld [smem:$0x3F8F];
	_ =	sdelay $0x3  }
0x37: {  	[smem:$0x3F8F] =	sst s10  }
0x38: {  	s10 =	sld [smem:$0x3F90]  }
0x39: {  	_ = 	snop;
	(pc) =	sbr.ind lr, $3  }
0x3a: {  	_ = 	snop  }
0x3b: {  	_ = 	snop  }
0x3c: {  	p2 =	seq.s32 s10, $0x1;
	s10 =	sld [smem:$0x3F8F]  }
0x3d: {  	_ =	shalt  }
0x3e: {  	_ =	shalt  }
0x3f: {  	_ =	shalt  }
0x40: {  	_ =	shalt  }
0x41: {  	_ =	shalt  }
0x42: {  	_ =	shalt  }
0x43: {  	_ =	shalt  }
0x44: {  	_ =	shalt  }
0x45: {  	_ =	shalt  }
0x46: {  	_ =	shalt  }
0x47: {  	_ =	shalt  }
0x48: {  	_ =	shalt  }
0x49: {  	_ =	shalt  }
0x4a: {  	_ =	shalt  }
0x4b: {  	_ =	shalt  }
0x4c: {  	_ =	shalt  }
0x4d: {  	_ =	shalt  }
0x4e: {  	_ =	shalt  }
0x4f: {  	_ =	shalt  }
0x50: {  	_ =	shalt  }
0x51: {  	_ =	shalt  }
0x52: {  	_ =	shalt  }
0x53: {  	_ =	shalt  }
0x54: {  	_ =	shalt  }
0x55: {  	_ =	shalt  }
0x56: {  	_ =	shalt  }
0x57: {  	_ =	shalt  }
0x58: {  	_ =	shalt  }
0x59: {  	_ =	shalt  }
0x5a: {  	_ =	shalt  }
0x5b: {  	_ =	shalt  }
0x5c: {  	_ =	shalt  }
0x5d: {  	_ =	shalt  }
0x5e: {  	_ =	shalt  }
0x5f: {  	_ =	shalt  }
0x60: {  	_ =	shalt  }
0x61: {  	_ =	shalt  }
0x62: {  	_ =	shalt  }
0x63: {  	_ =	shalt  }
0x64: {  	_ =	shalt  }
0x65: {  	_ =	shalt  }
0x66: {  	_ =	shalt  }
0x67: {  	_ =	shalt  }
0x68: {  	_ =	shalt  }
0x69: {  	_ =	shalt  }
0x6a: {  	_ =	shalt  }
0x6b: {  	_ =	shalt  }
0x6c: {  	_ =	shalt  }
0x6d: {  	_ =	shalt  }
0x6e: {  	_ =	shalt  }
0x6f: {  	_ =	shalt  }
0x70: {  	_ =	shalt  }
0x71: {  	_ =	shalt  }
0x72: {  	_ =	shalt  }
0x73: {  	_ =	shalt  }
0x74: {  	_ =	shalt  }
0x75: {  	_ =	shalt  }
0x76: {  	_ =	shalt  }
0x77: {  	_ =	shalt  }
0x78: {  	_ =	shalt  }
0x79: {  	_ =	shalt  }
0x7a: {  	_ =	shalt  }
0x7b: {  	_ =	shalt  }
0x7c: {  	_ =	shalt  }
0x7d: {  	_ =	shalt  }
0x7e: {  	_ =	shalt  }
0x7f: {  	_ =	shalt  }
0x80: {  	_ =	shalt  }
0x81: {  	_ =	shalt  }
0x82: {  	_ =	shalt  }
0x83: {  	_ =	shalt  }
0x84: {  	_ =	shalt  }
0x85: {  	_ =	shalt  }
0x86: {  	_ =	shalt  }
0x87: {  	_ =	shalt  }
.Lfunc_end0:
.L_simem_size_0:
called_computation.3_lowered:
.L_overlay_start_0:
0x88: {  	s2 =	sld [smem:$0x3FD9]  }
0x89: {  	s3 =	sld [smem:$0x3FFE];
	_ =	sdelay $0x1  }
0x8a: {  	s1 =	srdreg.scid  }
0x8b: {  	s0 =	sand.u32 $0x1, s1  }
0x8c: {  	s16 =	sshll.u32 s0, $0xA;
	s2 =	sadd.s32 s3, s2  }
0x8d: {  	s2 =	sadd.s32 s2, s16  }
0x8e: {  	[smem:$0x3F9B] =	sst s2  }
0x8f: {  	_ = 	snop  }
0x90: {  	(tm) =	ssettm $0x1  }
0x91: {  	s17 =	sld [smem:$0x3FFB];
	_ =	sdelay $0x3  }
0x92: {  	_ =	strace s17  }
0x93: {  	s2 =	sld [smem:$0x3FFC];
	_ =	sdelay $0x3  }
0x94: {  	_ =	strace s2  }
0x95: {  	s2 =	sld [smem:$0x3FFD];
	_ =	sdelay $0x3  }
0x96: {  	_ =	strace s2  }
0x97: {  	_ =	strace $0x8FFFFFFF  }
0x98: {  	s18 =	sld [smem:$0x3FDB];
	_ =	sdelay $0x1  }
0x99: {  	s19 =	simm.s32 $_scs_section_size  }
0x9a: {  	s4 =	simm.s32 $_size__tile_overlayer_lowered;
	s5 =	simm.s32 $_tile_overlayer_lowered  }
0x9b: {  	s22 =	simm.s32 $0x1BFF;
	s21 =	sshll.u32 s5, $0x1;
	s2 =	sadd.s32 s19, s18  }
0x9c: {  	s6 =	simm.s32 $0x0;
	s20 =	sshll.u32 s4, $0x1;
	s4 =	sadd.s32 s21, s2  }
0x9d: {  	[timem:s6], [sflag:s22] =	dma.local [hbm:s4], s20  }
0x9e: {  	_ =	swait.ge [sflag:s22], s20  }
0x9f: {  	s3 =	ssub.s32 $0x0, s20;
	[sflag:s22] =	ssyncset.done $0x0  }
0xa0: {  	[sflag:s22] =	ssyncadd.s32 s3;
	_ =	sdelay $0x1  }
0xa1: {  	s23 =	simm.s32 $0x1B8B  }
0xa2: {  	_ =	swait.ge [sflag:s23], $0x1  }
0xa3: {  	[sflag:s23] =	ssyncset.done $0x0  }
0xa4: {  	s25 =	simm.s32 $0x1B8E;
	s24 =	sld [smem:$0x3FFE];
	[sflag:s23] =	ssyncadd.s32 $0xFFFFFFFF  }
0xa5: {  	s26 =	simm.s32 $execute0_lowered;
	[smem:$0x3FD2] =	sst s25  }
0xa6: {  	s4 =	sshll.u32 s26, $0x1;
	_ =	strace $0x8000004F;
	[dreg:$0x1] =	wrdreg $0xFFFFFFFF  }
0xa7: {  	s28 =	simm.s32 $_size_execute0_lowered;
	s2 =	sadd.s32 s2, s4;
	[dreg:$0x0] =	wrdreg $0x0  }
0xa8: {  	s4 =	sshll.u32 s28, $0x1;
	[dreg:$0x2] =	wrdreg s2  }
0xa9: {  	[dreg:$0x3] =	wrdreg s4  }
0xaa: {  	[dreg:$0x4] =	wrdreg $0xC0  }
0xab: {  	_ =	task [dreg:s6], $0x5FFFF  }
0xac: {  	[dreg:$0x1] =	wrdreg $0xFFFFFFFF  }
0xad: {  	[dreg:$0x0] =	wrdreg $0x60  }
0xae: {  	[dreg:$0x2] =	wrdreg s24  }
0xaf: {  	[dreg:$0x3] =	wrdreg $0x9  }
0xb0: {  	_ =	task.clear_ibuf [dreg:s6], $0x4FFFF;
	_ =	strace $0x9000004F  }
0xb1: {  	s29 =	simm.s32 $0x9;
	_ =	strace $0x80000051  }
0xb2: {  	_ =	swait.ge [sflag:s29], $0x1  }
0xb3: {  	[sflag:s29] =	ssyncadd.s32 $0xFFFFFFFF  }
0xb4: {  	_ =	strace $0x90000051  }
0xb5: {  	_ =	sfence  }
0xb6: {  	s30 =	sld [smem:$0x0];
	_ =	sdelay $0x2  }
0xb7: {  	s31 =	sshll.u32 s1, $0xD;
	s1 =	sshrl.u32 s1, $0x2  }
0xb8: {  	s3 =	sand.u32 $0x4000, s31;
	s1 =	sadd.s32 s1, s30  }
0xb9: {  	s0 =	sor.u32 s3, s0;
	s1 =	sshll.u32 s1, $0x11  }
0xba: {  	s0 =	sor.u32 s1, s0  }
0xbb: {  	s0 =	sadd.s32 $0x8F2B, s0  }
0xbc: {  	[sflag:s0] =	ssyncadd.remote.s32 $0x1  }
0xbd: {  	_ =	sfence.sel $0xFFFF  }
0xbe: {  	[dreg:$0x0] =	wrdreg $0xFFFFFFFF;
	(pc) =	sbr.abs _section_cstart, $3  }
0xbf: {  	[dreg:$0x1] =	wrdreg $0xFFFFFFFF  }
0xc0: {  	_ =	task.clear_ibuf [dreg:s6], $0x2FFFF;
	_ =	strace $0x9FFFFFFF  }
0xc1: {  	(tm) =	ssettm $0x7FFFFFFF  }
tec
execute0_lowered:
.L_overlay_start_1:
0x0: {  	(tag) =	ssettag $0x1  }
0x1: {  	s1 =	stileid.u32  }
0x2: {  	p0 =	sgt.u32 s1, $0xB  }
.Ltmp0:
0x3: {  	_ = 	snop;
	(pc) =	sbr.rel @p0 .LBB2_4-.Ltmp0, $4  }
0x4: {  	_ = 	snop  }
0x5: {  	s15 =	rddreg [dreg:$0x0];
	s2 =	simm.s32 $0x0  }
0x6: {  	[smem:$0x7FF] =	sst s2  }
0x7: {  	s0 =	rddreg [dreg:$0x1];
	_ =	strace $0x80000050  }
0x8: {  	s3 =	srdreg.scid  }
0x9: {  	s26 =	sshll.u32 s1, $0x1;
	s16 =	sand.u32 $0x1, s3  }
0xa: {  	s14 =	sor.u32 s16, s26  }
0xb: {  	s28 =	sadd.s32 $0x8E00, s15;
	s4 =	sshll.u32 s14, $0xB  }
0xc: {  	s5 =	simm.s32 $0x2;
	s3 =	sadd.s32 s28, s4;
	s4 =	simm.s32 $0x1080  }
0xd: {  	[tilespmem:s4], [sflag:$0x2] =	stream.linear.gather [hbm4b:s3+s2], $0x4000, $0x38;
	[tilespmem:$0x5080] =	vst v63  }
0xe: {  	s6 =	sshll.u32 s14, $0xE;
	_ =	swait.ge [sflag:s5], $0x4000  }
0xf: {  	s13 =	sadd.s32 s6, s15;
	[sflag:s5] =	ssyncset.done $0x0  }
0x10: {  	s6 =	sadd.s32 $0x17E00, s13;
	[sflag:s5] =	ssyncadd.s32 $0xFFFFC000  }
0x11: {  	[hbm4b:s6+s2] =	stream.linear.scatter [tilespmem:s4], [sflag:$0x2], $0x4000, $0x38;
	[tilespmem:$0x5080] =	vst v63  }
0x12: {  	_ =	swait.ge [sflag:s5], $0x4000  }
0x13: {  	[sflag:s5] =	ssyncset.done $0x0  }
0x14: {  	s7 =	sadd.s32 $0x18600, s13;
	[sflag:s5] =	ssyncadd.s32 $0xFFFFC000  }
0x15: {  	[hbm4b:s7+s2] =	stream.linear.scatter [tilespmem:s4], [sflag:$0x2], $0x4000, $0x38;
	[tilespmem:$0x5080] =	vst v63  }
0x16: {  	_ =	swait.ge [sflag:s5], $0x4000  }
0x17: {  	[sflag:s5] =	ssyncset.done $0x0  }
0x18: {  	s8 =	sadd.s32 $0x18E00, s13;
	[sflag:s5] =	ssyncadd.s32 $0xFFFFC000  }
0x19: {  	[hbm4b:s8+s2] =	stream.linear.scatter [tilespmem:s4], [sflag:$0x2], $0x4000, $0x38;
	[tilespmem:$0x5080] =	vst v63  }
0x1a: {  	_ =	swait.ge [sflag:s5], $0x4000  }
0x1b: {  	[sflag:s5] =	ssyncset.done $0x0  }
0x1c: {  	s9 =	sadd.s32 $0x19600, s13;
	[sflag:s5] =	ssyncadd.s32 $0xFFFFC000  }
0x1d: {  	[hbm4b:s9+s2] =	stream.linear.scatter [tilespmem:s4], [sflag:$0x2], $0x4000, $0x38;
	[tilespmem:$0x5080] =	vst v63  }
0x1e: {  	_ =	swait.ge [sflag:s5], $0x4000  }
0x1f: {  	[sflag:s5] =	ssyncset.done $0x0  }
0x20: {  	s10 =	sadd.s32 $0x19E00, s13;
	[sflag:s5] =	ssyncadd.s32 $0xFFFFC000  }
0x21: {  	[hbm4b:s10+s2] =	stream.linear.scatter [tilespmem:s4], [sflag:$0x2], $0x4000, $0x38;
	[tilespmem:$0x5080] =	vst v63  }
0x22: {  	_ =	swait.ge [sflag:s5], $0x4000  }
0x23: {  	[sflag:s5] =	ssyncset.done $0x0  }
0x24: {  	s11 =	sadd.s32 $0x1A600, s13;
	[sflag:s5] =	ssyncadd.s32 $0xFFFFC000  }
0x25: {  	[hbm4b:s11+s2] =	stream.linear.scatter [tilespmem:s4], [sflag:$0x2], $0x4000, $0x38;
	[tilespmem:$0x5080] =	vst v63  }
0x26: {  	_ =	swait.ge [sflag:s5], $0x4000  }
0x27: {  	[sflag:s5] =	ssyncset.done $0x0  }
0x28: {  	s12 =	sadd.s32 $0x1AE00, s13;
	[sflag:s5] =	ssyncadd.s32 $0xFFFFC000  }
0x29: {  	[hbm4b:s12+s2] =	stream.linear.scatter [tilespmem:s4], [sflag:$0x2], $0x4000, $0x38;
	[tilespmem:$0x5080] =	vst v63  }
0x2a: {  	_ =	swait.ge [sflag:s5], $0x4000  }
0x2b: {  	[sflag:s5] =	ssyncset.done $0x0  }
0x2c: {  	s13 =	sadd.s32 $0x1B600, s13;
	[sflag:s5] =	ssyncadd.s32 $0xFFFFC000  }
0x2d: {  	[hbm4b:s13+s2] =	stream.linear.scatter [tilespmem:s4], [sflag:$0x2], $0x4000, $0x38;
	[tilespmem:$0x5080] =	vst v63  }
0x2e: {  	s17 =	sshll.u32 s14, $0x2;
	_ =	swait.ge [sflag:s5], $0x4000  }
0x2f: {  	s30 =	ssub.s32 $0x2, s16;
	s17 =	sadd.s32 s17, s15;
	[sflag:s5] =	ssyncset.done $0x0  }
0x30: {  	s18 =	sshll.u32 s14, $0x9;
	s14 =	sadd.s32 $0x128E00, s17;
	[sflag:s5] =	ssyncadd.s32 $0xFFFFC000  }
0x31: {  	[tilespmem:s2], [sflag:$0x2] =	stream.linear.gather [hbm4b:s14+s2], $0x20, $0x38;
	[tilespmem:$0x5080] =	vst v63  }
0x32: {  	s16 =	simm.s32 $0x80;
	s31 =	sshrl.u32 s30, $0x1;
	_ =	swait.ge [sflag:s5], $0x20  }
0x33: {  	s29 =	sadd.s32 s18, s15;
	s17 =	ssub.s32 s30, s31;
	[sflag:s5] =	ssyncset.done $0x0  }
0x34: {  	s15 =	sadd.s32 $0x14E00, s29;
	s19 =	smax.u32 s17, $0x1;
	[sflag:s5] =	ssyncadd.s32 $0xFFFFFFE0  }
0x35: {  	[tilespmem:s16], [sflag:$0x2] =	stream.linear.gather [hbm4b:s15+s2], $0x1000, $0x38;
	[tilespmem:$0x5080] =	vst v63  }
0x36: {  	p0 =	sne.s32 s19, $0x1;
	_ =	swait.ge [sflag:s5], $0x1000  }
.Ltmp1:
0x37: {  	[sflag:s5] =	ssyncset.done $0x0;
	(pc) =	sbr.rel @!p0 .LBB2_3-.Ltmp1, $4  }
0x38: {  	s18 =	simm.s32 $0x20;
	s17 =	simm.s32 $0x1;
	[sflag:s5] =	ssyncadd.s32 $0xFFFFF000  }
0x39: {  	[hbm4b:s6+s18] =	stream.indirect.scatter [tilespmem:s16], [sflag:$0x1], $0x80, s2, s18, $0xb8;
	[tilespmem:$0x5080] =	vst v63  }
0x3a: {  	_ =	swait.ge [sflag:s17], $0x1000  }
0x3b: {  	s19 =	sadd.s32 $0xFFFFFFFF, s19;
	[sflag:s17] =	ssyncset.done $0x0  }
.LBB2_2:
0x3c: {  	p0 =	sne.s32 s19, $0x1;
	s19 =	sadd.s32 $0xFFFFFFFF, s19;
	[sflag:s17] =	ssyncadd.s32 $0xFFFFF000  }
0x3d: {  	[tilespmem:s4], [sflag:$0x2] =	stream.linear.gather [hbm4b:s3+s2], $0x4000, $0x38;
	[tilespmem:$0x5080] =	vst v63  }
0x3e: {  	_ =	swait.ge [sflag:s5], $0x4000  }
0x3f: {  	[sflag:s5] =	ssyncset.done $0x0  }
0x40: {  	[sflag:s5] =	ssyncadd.s32 $0xFFFFC000  }
0x41: {  	[hbm4b:s6+s2] =	stream.linear.scatter [tilespmem:s4], [sflag:$0x2], $0x4000, $0x38;
	[tilespmem:$0x5080] =	vst v63  }
0x42: {  	_ =	swait.ge [sflag:s5], $0x4000  }
0x43: {  	[sflag:s5] =	ssyncset.done $0x0  }
0x44: {  	[sflag:s5] =	ssyncadd.s32 $0xFFFFC000  }
0x45: {  	[hbm4b:s7+s2] =	stream.linear.scatter [tilespmem:s4], [sflag:$0x2], $0x4000, $0x38;
	[tilespmem:$0x5080] =	vst v63  }
0x46: {  	_ =	swait.ge [sflag:s5], $0x4000  }
0x47: {  	[sflag:s5] =	ssyncset.done $0x0  }
0x48: {  	[sflag:s5] =	ssyncadd.s32 $0xFFFFC000  }
0x49: {  	[hbm4b:s8+s2] =	stream.linear.scatter [tilespmem:s4], [sflag:$0x2], $0x4000, $0x38;
	[tilespmem:$0x5080] =	vst v63  }
0x4a: {  	_ =	swait.ge [sflag:s5], $0x4000  }
0x4b: {  	[sflag:s5] =	ssyncset.done $0x0  }
0x4c: {  	[sflag:s5] =	ssyncadd.s32 $0xFFFFC000  }
0x4d: {  	[hbm4b:s9+s2] =	stream.linear.scatter [tilespmem:s4], [sflag:$0x2], $0x4000, $0x38;
	[tilespmem:$0x5080] =	vst v63  }
0x4e: {  	_ =	swait.ge [sflag:s5], $0x4000  }
0x4f: {  	[sflag:s5] =	ssyncset.done $0x0  }
0x50: {  	[sflag:s5] =	ssyncadd.s32 $0xFFFFC000  }
0x51: {  	[hbm4b:s10+s2] =	stream.linear.scatter [tilespmem:s4], [sflag:$0x2], $0x4000, $0x38;
	[tilespmem:$0x5080] =	vst v63  }
0x52: {  	_ =	swait.ge [sflag:s5], $0x4000  }
0x53: {  	[sflag:s5] =	ssyncset.done $0x0  }
0x54: {  	[sflag:s5] =	ssyncadd.s32 $0xFFFFC000  }
0x55: {  	[hbm4b:s11+s2] =	stream.linear.scatter [tilespmem:s4], [sflag:$0x2], $0x4000, $0x38;
	[tilespmem:$0x5080] =	vst v63  }
0x56: {  	_ =	swait.ge [sflag:s5], $0x4000  }
0x57: {  	[sflag:s5] =	ssyncset.done $0x0  }
0x58: {  	[sflag:s5] =	ssyncadd.s32 $0xFFFFC000  }
0x59: {  	[hbm4b:s12+s2] =	stream.linear.scatter [tilespmem:s4], [sflag:$0x2], $0x4000, $0x38;
	[tilespmem:$0x5080] =	vst v63  }
0x5a: {  	_ =	swait.ge [sflag:s5], $0x4000  }
0x5b: {  	[sflag:s5] =	ssyncset.done $0x0  }
0x5c: {  	[sflag:s5] =	ssyncadd.s32 $0xFFFFC000  }
0x5d: {  	[hbm4b:s13+s2] =	stream.linear.scatter [tilespmem:s4], [sflag:$0x2], $0x4000, $0x38;
	[tilespmem:$0x5080] =	vst v63  }
0x5e: {  	_ =	swait.ge [sflag:s5], $0x4000  }
0x5f: {  	[sflag:s5] =	ssyncset.done $0x0  }
0x60: {  	[sflag:s5] =	ssyncadd.s32 $0xFFFFC000  }
0x61: {  	[tilespmem:s2], [sflag:$0x2] =	stream.linear.gather [hbm4b:s14+s2], $0x20, $0x38;
	[tilespmem:$0x5080] =	vst v63  }
0x62: {  	_ =	swait.ge [sflag:s5], $0x20  }
0x63: {  	[sflag:s5] =	ssyncset.done $0x0  }
0x64: {  	[sflag:s5] =	ssyncadd.s32 $0xFFFFFFE0  }
0x65: {  	[tilespmem:s16], [sflag:$0x2] =	stream.linear.gather [hbm4b:s15+s2], $0x1000, $0x38;
	[tilespmem:$0x5080] =	vst v63  }
0x66: {  	_ =	swait.ge [sflag:s5], $0x1000  }
.Ltmp2:
0x67: {  	[sflag:s5] =	ssyncset.done $0x0;
	(pc) =	sbr.rel @p0 .LBB2_2-.Ltmp2, $4  }
0x68: {  	[sflag:s5] =	ssyncadd.s32 $0xFFFFF000  }
0x69: {  	[hbm4b:s6+s18] =	stream.indirect.scatter [tilespmem:s16], [sflag:$0x1], $0x80, s2, s18, $0xb8;
	[tilespmem:$0x5080] =	vst v63  }
0x6a: {  	_ =	swait.ge [sflag:s17], $0x1000  }
0x6b: {  	[sflag:s17] =	ssyncset.done $0x0  }
.LBB2_3:
0x6c: {  	[sflag:s17] =	ssyncadd.s32 $0xFFFFF000  }
.LBB2_4:
0x6d: {  	_ =	sfence.sel $0x180000  }
0x6e: {  	[bflag:$0x0] =	sbarrier.arrive $0xFFFF  }
0x6f: {  	p0 =	sne.s32 s1, $0x0;
	_ =	strace $0x90000050  }
0x70: {  	s0 =	sadd.s32 @!p0 $0x100000, s0;
	[bflag:$0x2] =	sbarrier.arrive $0xFFFF  }
0x71: {  	[sflag:s0] =	ssyncadd.tile.s32 @!p0 $0x1;
	_ =	shalt  }
.Lfunc_end2:
_tile_overlayer_lowered:
.L_overlay_start_2:
0x72: {  	(tag) =	ssettag $0x2  }
0x73: {  	s0 =	rddreg [dreg:$0x0];
	s2 =	stileid.u32  }
0x74: {  	s1 =	rddreg [dreg:$0x1];
	p0 =	sne.s32 s2, $0x0  }
0x75: {  	s3 =	rddreg [dreg:$0x2];
	[bflag:$0x3] =	sbarrier.arrive $0xFFFF;
	s2 =	simm.s32 @!p0 $0x1C02  }
0x76: {  	[timem:s3], [sflag:s2] =	dma.local @!p0 [hbm:s0], s1  }
0x77: {  	s0 =	simm.s32 @!p0 $0x2  }
0x78: {  	_ =	swait.ge @!p0 [sflag:s0], s1  }
0x79: {  	s1 =	ssub.s32 @!p0 $0x0, s1;
	[sflag:s0] =	ssyncset.done @!p0 $0x0  }
0x7a: {  	[sflag:s0] =	ssyncadd.s32 @!p0 s1  }
0x7b: {  	[bflag:$0x3] =	sbarrier.arrive $0xFFFF  }
0x7c: {  	_ =	shalt  }

</sc_bundles>
